<compile_context>
chip_gen: v7x
topology: tpu7x:2x2x1
jax: 0.10.2.dev20260603
libtpu: 0.0.44.dev20260713+nightly
codegen_flags: <defaults>
</compile_context>

<pallas_src>
import jax
import jax.numpy as jnp
from jax import lax
from jax.experimental import pallas as pl
from jax.experimental.pallas import tpu as pltpu
from jax.experimental.pallas import tpu_sc as plsc

_NUM_TOKENS = 8192
_MASK_ID = 3
_BS, _C, _N = 4, 384, 1024
_ROWS = _BS * _C
_NSC, _NSUB = 2, 16
_NW = _NSC * _NSUB
_RPW = _ROWS // _NW
_GRP = 8
_NGRP = _RPW // _GRP
_NPW = _N // _NSUB
_CHUNKS = _C // 16


def _lane0(x):
    if x.dtype == jnp.bool_:
        return lax.squeeze(lax.slice(x.astype(jnp.int32), (0,), (1,)),
                           (0,)) != 0
    return lax.squeeze(lax.slice(x, (0,), (1,)), (0,))


_GDN = lax.GatherDimensionNumbers(offset_dims=(), collapsed_slice_dims=(0,),
                                  start_index_map=(0,))


def _permute(x, idx):
    return lax.gather(x, idx[:, None], _GDN, slice_sizes=(1,),
                      mode=lax.GatherScatterMode.PROMISE_IN_BOUNDS)


def _splat_sum(x, lane):
    for sh in (8, 4, 2, 1):
        x = x + _permute(x, (lane + sh) & 15)
    return x


def _all16(x, lane):
    xi = x.astype(jnp.int32)
    for sh in (8, 4, 2, 1):
        xi = xi & _permute(xi, (lane + sh) & 15)
    return xi != 0


def _dfm_body(in_hbm, ds_hbm, out_hbm, in_v, ds_v, wloc, wall, ns_v, buf,
              dsrow, w_sh, ssem):
    cid = lax.axis_index("c")
    sid = lax.axis_index("s")
    wid = cid * _NSUB + sid

    lane = lax.iota(jnp.int32, 16)
    zeros16 = jnp.zeros((16,), jnp.float32)
    ones16 = jnp.ones((16,), jnp.float32)

    c_in = pltpu.async_copy(in_hbm, in_v, ssem)
    c_ds = pltpu.async_copy(ds_hbm.at[pl.ds(sid * _NPW * _C, _NPW * _C)],
                            ds_v, ssem)

    for k in range(_BS * _NPW // 16):
        wloc[pl.ds(k * 16, 16)] = zeros16

    def _zero_buf():
        def zrow(k, _):
            for j in range(16):
                buf[pl.ds(k * 256 + j * 16, 16)] = zeros16
            return 0
        lax.fori_loop(0, _GRP * _NUM_TOKENS // 256, zrow, 0)

    _zero_buf()
    c_in.wait()
    c_ds.wait()

    def match_row(nl, _):
        ds0 = ds_v[pl.ds(nl * _C, 16)]
        packed = jnp.zeros((16,), jnp.int32)
        for b in range(_BS):
            in0 = in_v[pl.ds(b * _C, 16)]
            acc0 = (ds0 == in0) | (in0 == _MASK_ID)
            packed = packed | (acc0.astype(jnp.int32) << b)
        for sh in (8, 4, 2, 1):
            packed = packed & _permute(packed, (lane + sh) & 15)
        any_survive = _lane0(packed) != 0

        @pl.when(any_survive)
        def _():
            def chunk_body(k, accs):
                dsc = ds_v[pl.ds(nl * _C + k * 16, 16)]
                new = []
                for b in range(_BS):
                    inc = in_v[pl.ds(b * _C + k * 16, 16)]
                    new.append(accs[b] & ((dsc == inc) | (inc == _MASK_ID)))
                return tuple(new)
            t16 = jnp.ones((16,), jnp.bool_)
            accs = lax.fori_loop(0, _CHUNKS, chunk_body,
                                 (t16, t16, t16, t16))
            mv = zeros16
            for b in range(_BS):
                mv = jnp.where((lane == b) & _all16(accs[b], lane), 1.0, mv)
            plsc.store_scatter(wloc,
                               [(lane & 3) * _NPW + jnp.broadcast_to(
                                   nl, (16,))],
                               mv, mask=lane < _BS)
        return 0

    lax.fori_loop(0, _NPW, match_row, 0)

    pltpu.sync_copy(wloc, w_sh.at[pl.ds(sid * _BS * _NPW, _BS * _NPW)])
    plsc.subcore_barrier()
    pltpu.sync_copy(w_sh, wall)

    ns_vec = zeros16
    total_vec = zeros16
    for b in range(_BS):
        acc = zeros16
        for s in range(_NSUB):
            for k in range(_NPW // 16):
                acc = acc + wall[pl.ds(s * _BS * _NPW + b * _NPW + k * 16,
                                       16)]
        nsb = _splat_sum(acc, lane)
        ns_vec = jnp.where(lane == b, nsb, ns_vec)
        total_vec = total_vec + nsb
    ns_v[...] = ns_vec
    total = _lane0(total_vec)

    for g in range(_NGRP):
        base = wid * _RPW + g * _GRP
        r = jnp.minimum(base + lane, _ROWS - 1)
        b_lane = r // _C
        c_lane = r % _C
        active = lane < _GRP
        rowi = lane & (_GRP - 1)

        toks = plsc.load_gather(in_v, [r])
        nsl = plsc.load_gather(ns_v, [b_lane])
        fb = active & (nsl == 0.0)
        plsc.store_scatter(buf, [rowi * _NUM_TOKENS + toks], ones16, mask=fb)

        @pl.when(total > 0.0)
        def _(b_lane=b_lane, c_lane=c_lane, nsl=nsl, active=active,
              rowi=rowi):
            inv = 1.0 / jnp.maximum(nsl, 1.0)

            def nbody(n, _):
                pltpu.sync_copy(ds_hbm.at[pl.ds(n * _C, _C)], dsrow)
                wl = plsc.load_gather(
                    wall, [(n // _NPW) * (_BS * _NPW) + b_lane * _NPW
                           + (n % _NPW)])
                dt = plsc.load_gather(dsrow, [c_lane])
                am = active & (wl > 0.0)
                plsc.addupdate_scatter(buf, [rowi * _NUM_TOKENS + dt], inv,
                                       mask=am)
                return 0

            lax.fori_loop(0, _N, nbody, 0)

        pltpu.sync_copy(buf, out_hbm.at[pl.ds(base * _NUM_TOKENS,
                                              _GRP * _NUM_TOKENS)])

        plsc.store_scatter(buf, [rowi * _NUM_TOKENS + toks], zeros16,
                           mask=fb)

        @pl.when(total > 0.0)
        def _():
            _zero_buf()


@jax.jit
def _dfm_call(input_tokens, dataset_tokens):
    mesh = plsc.VectorSubcoreMesh(core_axis_name="c", subcore_axis_name="s",
                                  num_cores=_NSC, num_subcores=_NSUB)
    fn = pl.kernel(
        _dfm_body,
        out_type=jax.ShapeDtypeStruct((_ROWS * _NUM_TOKENS,), jnp.float32),
        mesh=mesh,
        compiler_params=pltpu.CompilerParams(needs_layout_passes=False),
        scratch_types=[
            pltpu.VMEM((_BS * _C,), jnp.int32),
            pltpu.VMEM((_NPW * _C,), jnp.int32),
            pltpu.VMEM((_BS * _NPW,), jnp.float32),
            pltpu.VMEM((_NSUB * _BS * _NPW,), jnp.float32),
            pltpu.VMEM((16,), jnp.float32),
            pltpu.VMEM((_GRP * _NUM_TOKENS,), jnp.float32),
            pltpu.VMEM((_C,), jnp.int32),
            pltpu.VMEM_SHARED((_NSUB * _BS * _NPW,), jnp.float32),
            pltpu.SemaphoreType.DMA,
        ],
    )
    return fn(input_tokens.reshape(-1), dataset_tokens.reshape(-1))


def kernel(input_tokens, dataset_tokens, t):
    del t
    out = _dfm_call(input_tokens.astype(jnp.int32),
                    dataset_tokens.astype(jnp.int32))
    return out.reshape(_BS, _C, _NUM_TOKENS)

# --- scband reference (transcript-rebuilt; emitter-appended) ---
"""Pipeline reference for scband-empirical-dfm-5617817224099 (READ-ONLY COPY).

The authoritative reference and input builder live on the scoring server;
editing this copy changes nothing except your own understanding.
"""

import jax, jax.numpy as jnp
import numpy as np

NUM_TOKENS = 8192
MASK_ID = 3
BS, C, N = 4, 384, 1024

def setup_inputs(seed: int = 0) -> dict:
    key = jax.random.key(seed)
    k1, k2, k3, k4 = jax.random.split(key, 4)
    input_tokens = jax.random.randint(k1, (BS, C), 0, NUM_TOKENS)
    # emulate partially-masked diffusion state: ~30% of tokens are mask tokens
    m = jax.random.uniform(k2, (BS, C)) < 0.3
    input_tokens = jnp.where(m, MASK_ID, input_tokens)
    dataset_tokens = jax.random.randint(k3, (N, C), 0, NUM_TOKENS)
    t = jax.random.uniform(k4, (BS,))
    return {"input_tokens": input_tokens, "dataset_tokens": dataset_tokens, "t": t}

def _masked_probabilities(input_tokens, dataset_tokens):
    bs, c = input_tokens.shape
    n = dataset_tokens.shape[0]
    S = NUM_TOKENS
    is_unmasked = input_tokens != MASK_ID
    # matches[n, b, c]: dataset row n agrees with query b on all unmasked positions
    matches = (dataset_tokens[:, None, :] == input_tokens[None, :, :]) | (~is_unmasked)[None, :, :]
    match_mask = jnp.all(matches, axis=2)  # [N, bs] bool
    w = match_mask.astype(jnp.float32)
    # predicted_flow[b,c,s] = sum_n w[n,b] * onehot(dataset_tokens[n,c])[s]
    # (equivalent to einsum('n b, n c s -> b c s') with dataset one-hot, done via
    #  scatter-add to avoid materializing the [N,c,S] one-hot tensor)
    b_idx = jnp.broadcast_to(jnp.arange(bs)[None, :, None], (n, bs, c))
    c_idx = jnp.broadcast_to(jnp.arange(c)[None, None, :], (n, bs, c))
    s_idx = jnp.broadcast_to(dataset_tokens[:, None, :], (n, bs, c))
    vals = jnp.broadcast_to(w[:, :, None], (n, bs, c))
    predicted_flow = jnp.zeros((bs, c, S), dtype=jnp.float32).at[b_idx, c_idx, s_idx].add(vals)
    num_samples = w.sum(axis=0)  # [bs]
    valid = num_samples > 0
    predicted_flow = jnp.where(
        valid[:, None, None],
        predicted_flow / jnp.maximum(num_samples, 1.0)[:, None, None],
        0.0,
    )
    return predicted_flow

def reference(input_tokens, dataset_tokens, t):
    probabilities = _masked_probabilities(input_tokens, dataset_tokens)
    # calculate_probabilities fallback: rows with zero flow get the input one-hot
    one_hot_in = jax.nn.one_hot(input_tokens, NUM_TOKENS, dtype=jnp.float32)
    zero_prob = probabilities.sum(axis=2) == 0  # [bs, c]
    probabilities = jnp.where(zero_prob[..., None], one_hot_in, probabilities)
    return probabilities

if __name__ == "__main__":
    import jax
    _d = setup_inputs()
    print(jax.jit(kernel)(*tuple(_d.values())))

</pallas_src>

<mosaic_0001>
#map = affine_map<(d0, d1) -> (0)>
module attributes {stable_mosaic.version = 14 : i64} {
  func.func @_dfm_body(%arg0: i32, %arg1: i32, %arg2: memref<1536xi32, #tpu.memory_space<hbm>>, %arg3: memref<393216xi32, #tpu.memory_space<hbm>>, %arg4: memref<12582912xf32, #tpu.memory_space<hbm>>, %arg5: memref<1536xi32, #tpu.memory_space<vmem>>, %arg6: memref<24576xi32, #tpu.memory_space<vmem>>, %arg7: memref<256xf32, #tpu.memory_space<vmem>>, %arg8: memref<4096xf32, #tpu.memory_space<vmem>>, %arg9: memref<16xf32, #tpu.memory_space<vmem>>, %arg10: memref<65536xf32, #tpu.memory_space<vmem>>, %arg11: memref<384xi32, #tpu.memory_space<vmem>>, %arg12: memref<4096xf32, #tpu.memory_space<vmem_shared>>, %arg13: memref<!tpu.dma_semaphore, #tpu.memory_space<semaphore_mem>>) attributes {dimension_semantics = [#tpu.dimension_semantics<core_parallel>, #tpu.dimension_semantics<subcore_parallel>], iteration_bounds = array<i64: 2, 16>, scalar_prefetch = 0 : i64, scratch_operands = 9 : i64, tpu.core_type = #tpu.core_type<sc_vector_subcore>, window_params = [{transform_indices = #map}, {transform_indices = #map}, {transform_indices = #map}]} {
    %mul3A = arith.constant 16 : i32
    %mul3A_0 = arith.muli %arg0, %mul3A : i32
    %add3A = arith.addi %mul3A_0, %arg1 : i32
    %iota3A = tpu.iota {dimensions = array<i32: 0>} : vector<16xi32>
    %broadcast_in_dim3A = arith.constant 0.000000e+00 : f32
    %broadcast_in_dim3A_1 = vector.broadcast %broadcast_in_dim3A : f32 to vector<16xf32>
    %broadcast_in_dim3A_2 = arith.constant 1.000000e+00 : f32
    %broadcast_in_dim3A_3 = vector.broadcast %broadcast_in_dim3A_2 : f32 to vector<16xf32>
    tpu.enqueue_dma source(%arg2 : memref<1536xi32, #tpu.memory_space<hbm>>) target(%arg5 : memref<1536xi32, #tpu.memory_space<vmem>>) target_semaphore(%arg13 : memref<!tpu.dma_semaphore, #tpu.memory_space<semaphore_mem>>)
    %mul3A_4 = arith.constant 64 : i32
    %mul3A_5 = arith.muli %arg1, %mul3A_4 : i32
    %mul3A_6 = arith.constant 384 : i32
    %mul3A_7 = arith.muli %mul3A_5, %mul3A_6 : i32
    %dma_start3A = tpu.memref_slice %arg3[%mul3A_7] : memref<393216xi32, #tpu.memory_space<hbm>> -> memref<24576xi32, #tpu.memory_space<hbm>>
    %dma_start3A_8 = tpu.memref_slice %arg3[%mul3A_7] : memref<393216xi32, #tpu.memory_space<hbm>> -> memref<24576xi32, #tpu.memory_space<hbm>>
    tpu.enqueue_dma source(%dma_start3A_8 : memref<24576xi32, #tpu.memory_space<hbm>>) target(%arg6 : memref<24576xi32, #tpu.memory_space<vmem>>) target_semaphore(%arg13 : memref<!tpu.dma_semaphore, #tpu.memory_space<semaphore_mem>>)
    %swap3A = arith.constant 0 : index
    %swap3A_9 = tpu.vector_load %arg7[%swap3A] {strides = array<i32>} : memref<256xf32, #tpu.memory_space<vmem>>, vector<16xf32>,
    tpu.vector_store %arg7[%swap3A], %broadcast_in_dim3A_1 {strides = array<i32>} : memref<256xf32, #tpu.memory_space<vmem>>, vector<16xf32>,
    %swap3A_10 = arith.constant 16 : index
    %swap3A_11 = tpu.vector_load %arg7[%swap3A_10] {strides = array<i32>} : memref<256xf32, #tpu.memory_space<vmem>>, vector<16xf32>,
    tpu.vector_store %arg7[%swap3A_10], %broadcast_in_dim3A_1 {strides = array<i32>} : memref<256xf32, #tpu.memory_space<vmem>>, vector<16xf32>,
    %swap3A_12 = arith.constant 32 : index
    %swap3A_13 = tpu.vector_load %arg7[%swap3A_12] {strides = array<i32>} : memref<256xf32, #tpu.memory_space<vmem>>, vector<16xf32>,
    tpu.vector_store %arg7[%swap3A_12], %broadcast_in_dim3A_1 {strides = array<i32>} : memref<256xf32, #tpu.memory_space<vmem>>, vector<16xf32>,
    %swap3A_14 = arith.constant 48 : index
    %swap3A_15 = tpu.vector_load %arg7[%swap3A_14] {strides = array<i32>} : memref<256xf32, #tpu.memory_space<vmem>>, vector<16xf32>,
    tpu.vector_store %arg7[%swap3A_14], %broadcast_in_dim3A_1 {strides = array<i32>} : memref<256xf32, #tpu.memory_space<vmem>>, vector<16xf32>,
    %swap3A_16 = arith.constant 64 : index
    %swap3A_17 = tpu.vector_load %arg7[%swap3A_16] {strides = array<i32>} : memref<256xf32, #tpu.memory_space<vmem>>, vector<16xf32>,
    tpu.vector_store %arg7[%swap3A_16], %broadcast_in_dim3A_1 {strides = array<i32>} : memref<256xf32, #tpu.memory_space<vmem>>, vector<16xf32>,
    %swap3A_18 = arith.constant 80 : index
    %swap3A_19 = tpu.vector_load %arg7[%swap3A_18] {strides = array<i32>} : memref<256xf32, #tpu.memory_space<vmem>>, vector<16xf32>,
    tpu.vector_store %arg7[%swap3A_18], %broadcast_in_dim3A_1 {strides = array<i32>} : memref<256xf32, #tpu.memory_space<vmem>>, vector<16xf32>,
    %swap3A_20 = arith.constant 96 : index
    %swap3A_21 = tpu.vector_load %arg7[%swap3A_20] {strides = array<i32>} : memref<256xf32, #tpu.memory_space<vmem>>, vector<16xf32>,
    tpu.vector_store %arg7[%swap3A_20], %broadcast_in_dim3A_1 {strides = array<i32>} : memref<256xf32, #tpu.memory_space<vmem>>, vector<16xf32>,
    %swap3A_22 = arith.constant 112 : index
    %swap3A_23 = tpu.vector_load %arg7[%swap3A_22] {strides = array<i32>} : memref<256xf32, #tpu.memory_space<vmem>>, vector<16xf32>,
    tpu.vector_store %arg7[%swap3A_22], %broadcast_in_dim3A_1 {strides = array<i32>} : memref<256xf32, #tpu.memory_space<vmem>>, vector<16xf32>,
    %swap3A_24 = arith.constant 128 : index
    %swap3A_25 = tpu.vector_load %arg7[%swap3A_24] {strides = array<i32>} : memref<256xf32, #tpu.memory_space<vmem>>, vector<16xf32>,
    tpu.vector_store %arg7[%swap3A_24], %broadcast_in_dim3A_1 {strides = array<i32>} : memref<256xf32, #tpu.memory_space<vmem>>, vector<16xf32>,
    %swap3A_26 = arith.constant 144 : index
    %swap3A_27 = tpu.vector_load %arg7[%swap3A_26] {strides = array<i32>} : memref<256xf32, #tpu.memory_space<vmem>>, vector<16xf32>,
    tpu.vector_store %arg7[%swap3A_26], %broadcast_in_dim3A_1 {strides = array<i32>} : memref<256xf32, #tpu.memory_space<vmem>>, vector<16xf32>,
    %swap3A_28 = arith.constant 160 : index
    %swap3A_29 = tpu.vector_load %arg7[%swap3A_28] {strides = array<i32>} : memref<256xf32, #tpu.memory_space<vmem>>, vector<16xf32>,
    tpu.vector_store %arg7[%swap3A_28], %broadcast_in_dim3A_1 {strides = array<i32>} : memref<256xf32, #tpu.memory_space<vmem>>, vector<16xf32>,
    %swap3A_30 = arith.constant 176 : index
    %swap3A_31 = tpu.vector_load %arg7[%swap3A_30] {strides = array<i32>} : memref<256xf32, #tpu.memory_space<vmem>>, vector<16xf32>,
    tpu.vector_store %arg7[%swap3A_30], %broadcast_in_dim3A_1 {strides = array<i32>} : memref<256xf32, #tpu.memory_space<vmem>>, vector<16xf32>,
    %swap3A_32 = arith.constant 192 : index
    %swap3A_33 = tpu.vector_load %arg7[%swap3A_32] {strides = array<i32>} : memref<256xf32, #tpu.memory_space<vmem>>, vector<16xf32>,
    tpu.vector_store %arg7[%swap3A_32], %broadcast_in_dim3A_1 {strides = array<i32>} : memref<256xf32, #tpu.memory_space<vmem>>, vector<16xf32>,
    %swap3A_34 = arith.constant 208 : index
    %swap3A_35 = tpu.vector_load %arg7[%swap3A_34] {strides = array<i32>} : memref<256xf32, #tpu.memory_space<vmem>>, vector<16xf32>,
    tpu.vector_store %arg7[%swap3A_34], %broadcast_in_dim3A_1 {strides = array<i32>} : memref<256xf32, #tpu.memory_space<vmem>>, vector<16xf32>,
    %swap3A_36 = arith.constant 224 : index
    %swap3A_37 = tpu.vector_load %arg7[%swap3A_36] {strides = array<i32>} : memref<256xf32, #tpu.memory_space<vmem>>, vector<16xf32>,
    tpu.vector_store %arg7[%swap3A_36], %broadcast_in_dim3A_1 {strides = array<i32>} : memref<256xf32, #tpu.memory_space<vmem>>, vector<16xf32>,
    %swap3A_38 = arith.constant 240 : index
    %swap3A_39 = tpu.vector_load %arg7[%swap3A_38] {strides = array<i32>} : memref<256xf32, #tpu.memory_space<vmem>>, vector<16xf32>,
    tpu.vector_store %arg7[%swap3A_38], %broadcast_in_dim3A_1 {strides = array<i32>} : memref<256xf32, #tpu.memory_space<vmem>>, vector<16xf32>,
    %scan3A = arith.constant 0 : i32
    %scan3A_40 = arith.constant 0 : i32
    %scan3A_41 = arith.constant 256 : i32
    %scan3A_42 = arith.addi %scan3A_40, %scan3A_41 : i32
    %scan3A_43 = arith.constant 1 : i32
    %scan3A_44 = scf.for %scan3A_1556 = %scan3A_40 to %scan3A_42 step %scan3A_43 iter_args(%scan3A_1557 = %scan3A) -> (i32)  : i32 {
      %mul3A_1558 = arith.constant 256 : i32
      %mul3A_1559 = arith.muli %scan3A_1556, %mul3A_1558 : i32
      %add3A_1560 = arith.constant 0 : i32
      %add3A_1561 = arith.addi %mul3A_1559, %add3A_1560 : i32
      %swap3A_1562 = arith.index_cast %add3A_1561 : i32 to index
      %swap3A_1563 = tpu.vector_load %arg10[%swap3A_1562] {strides = array<i32>} : memref<65536xf32, #tpu.memory_space<vmem>>, vector<16xf32>,
      tpu.vector_store %arg10[%swap3A_1562], %broadcast_in_dim3A_1 {strides = array<i32>} : memref<65536xf32, #tpu.memory_space<vmem>>, vector<16xf32>,
      %mul3A_1564 = arith.constant 256 : i32
      %mul3A_1565 = arith.muli %scan3A_1556, %mul3A_1564 : i32
      %add3A_1566 = arith.constant 16 : i32
      %add3A_1567 = arith.addi %mul3A_1565, %add3A_1566 : i32
      %swap3A_1568 = arith.index_cast %add3A_1567 : i32 to index
      %swap3A_1569 = tpu.vector_load %arg10[%swap3A_1568] {strides = array<i32>} : memref<65536xf32, #tpu.memory_space<vmem>>, vector<16xf32>,
      tpu.vector_store %arg10[%swap3A_1568], %broadcast_in_dim3A_1 {strides = array<i32>} : memref<65536xf32, #tpu.memory_space<vmem>>, vector<16xf32>,
      %mul3A_1570 = arith.constant 256 : i32
      %mul3A_1571 = arith.muli %scan3A_1556, %mul3A_1570 : i32
      %add3A_1572 = arith.constant 32 : i32
      %add3A_1573 = arith.addi %mul3A_1571, %add3A_1572 : i32
      %swap3A_1574 = arith.index_cast %add3A_1573 : i32 to index
      %swap3A_1575 = tpu.vector_load %arg10[%swap3A_1574] {strides = array<i32>} : memref<65536xf32, #tpu.memory_space<vmem>>, vector<16xf32>,
      tpu.vector_store %arg10[%swap3A_1574], %broadcast_in_dim3A_1 {strides = array<i32>} : memref<65536xf32, #tpu.memory_space<vmem>>, vector<16xf32>,
      %mul3A_1576 = arith.constant 256 : i32
      %mul3A_1577 = arith.muli %scan3A_1556, %mul3A_1576 : i32
      %add3A_1578 = arith.constant 48 : i32
      %add3A_1579 = arith.addi %mul3A_1577, %add3A_1578 : i32
      %swap3A_1580 = arith.index_cast %add3A_1579 : i32 to index
      %swap3A_1581 = tpu.vector_load %arg10[%swap3A_1580] {strides = array<i32>} : memref<65536xf32, #tpu.memory_space<vmem>>, vector<16xf32>,
      tpu.vector_store %arg10[%swap3A_1580], %broadcast_in_dim3A_1 {strides = array<i32>} : memref<65536xf32, #tpu.memory_space<vmem>>, vector<16xf32>,
      %mul3A_1582 = arith.constant 256 : i32
      %mul3A_1583 = arith.muli %scan3A_1556, %mul3A_1582 : i32
      %add3A_1584 = arith.constant 64 : i32
      %add3A_1585 = arith.addi %mul3A_1583, %add3A_1584 : i32
      %swap3A_1586 = arith.index_cast %add3A_1585 : i32 to index
      %swap3A_1587 = tpu.vector_load %arg10[%swap3A_1586] {strides = array<i32>} : memref<65536xf32, #tpu.memory_space<vmem>>, vector<16xf32>,
      tpu.vector_store %arg10[%swap3A_1586], %broadcast_in_dim3A_1 {strides = array<i32>} : memref<65536xf32, #tpu.memory_space<vmem>>, vector<16xf32>,
      %mul3A_1588 = arith.constant 256 : i32
      %mul3A_1589 = arith.muli %scan3A_1556, %mul3A_1588 : i32
      %add3A_1590 = arith.constant 80 : i32
      %add3A_1591 = arith.addi %mul3A_1589, %add3A_1590 : i32
      %swap3A_1592 = arith.index_cast %add3A_1591 : i32 to index
      %swap3A_1593 = tpu.vector_load %arg10[%swap3A_1592] {strides = array<i32>} : memref<65536xf32, #tpu.memory_space<vmem>>, vector<16xf32>,
      tpu.vector_store %arg10[%swap3A_1592], %broadcast_in_dim3A_1 {strides = array<i32>} : memref<65536xf32, #tpu.memory_space<vmem>>, vector<16xf32>,
      %mul3A_1594 = arith.constant 256 : i32
      %mul3A_1595 = arith.muli %scan3A_1556, %mul3A_1594 : i32
      %add3A_1596 = arith.constant 96 : i32
      %add3A_1597 = arith.addi %mul3A_1595, %add3A_1596 : i32
      %swap3A_1598 = arith.index_cast %add3A_1597 : i32 to index
      %swap3A_1599 = tpu.vector_load %arg10[%swap3A_1598] {strides = array<i32>} : memref<65536xf32, #tpu.memory_space<vmem>>, vector<16xf32>,
      tpu.vector_store %arg10[%swap3A_1598], %broadcast_in_dim3A_1 {strides = array<i32>} : memref<65536xf32, #tpu.memory_space<vmem>>, vector<16xf32>,
      %mul3A_1600 = arith.constant 256 : i32
      %mul3A_1601 = arith.muli %scan3A_1556, %mul3A_1600 : i32
      %add3A_1602 = arith.constant 112 : i32
      %add3A_1603 = arith.addi %mul3A_1601, %add3A_1602 : i32
      %swap3A_1604 = arith.index_cast %add3A_1603 : i32 to index
      %swap3A_1605 = tpu.vector_load %arg10[%swap3A_1604] {strides = array<i32>} : memref<65536xf32, #tpu.memory_space<vmem>>, vector<16xf32>,
      tpu.vector_store %arg10[%swap3A_1604], %broadcast_in_dim3A_1 {strides = array<i32>} : memref<65536xf32, #tpu.memory_space<vmem>>, vector<16xf32>,
      %mul3A_1606 = arith.constant 256 : i32
      %mul3A_1607 = arith.muli %scan3A_1556, %mul3A_1606 : i32
      %add3A_1608 = arith.constant 128 : i32
      %add3A_1609 = arith.addi %mul3A_1607, %add3A_1608 : i32
      %swap3A_1610 = arith.index_cast %add3A_1609 : i32 to index
      %swap3A_1611 = tpu.vector_load %arg10[%swap3A_1610] {strides = array<i32>} : memref<65536xf32, #tpu.memory_space<vmem>>, vector<16xf32>,
      tpu.vector_store %arg10[%swap3A_1610], %broadcast_in_dim3A_1 {strides = array<i32>} : memref<65536xf32, #tpu.memory_space<vmem>>, vector<16xf32>,
      %mul3A_1612 = arith.constant 256 : i32
      %mul3A_1613 = arith.muli %scan3A_1556, %mul3A_1612 : i32
      %add3A_1614 = arith.constant 144 : i32
      %add3A_1615 = arith.addi %mul3A_1613, %add3A_1614 : i32
      %swap3A_1616 = arith.index_cast %add3A_1615 : i32 to index
      %swap3A_1617 = tpu.vector_load %arg10[%swap3A_1616] {strides = array<i32>} : memref<65536xf32, #tpu.memory_space<vmem>>, vector<16xf32>,
      tpu.vector_store %arg10[%swap3A_1616], %broadcast_in_dim3A_1 {strides = array<i32>} : memref<65536xf32, #tpu.memory_space<vmem>>, vector<16xf32>,
      %mul3A_1618 = arith.constant 256 : i32
      %mul3A_1619 = arith.muli %scan3A_1556, %mul3A_1618 : i32
      %add3A_1620 = arith.constant 160 : i32
      %add3A_1621 = arith.addi %mul3A_1619, %add3A_1620 : i32
      %swap3A_1622 = arith.index_cast %add3A_1621 : i32 to index
      %swap3A_1623 = tpu.vector_load %arg10[%swap3A_1622] {strides = array<i32>} : memref<65536xf32, #tpu.memory_space<vmem>>, vector<16xf32>,
      tpu.vector_store %arg10[%swap3A_1622], %broadcast_in_dim3A_1 {strides = array<i32>} : memref<65536xf32, #tpu.memory_space<vmem>>, vector<16xf32>,
      %mul3A_1624 = arith.constant 256 : i32
      %mul3A_1625 = arith.muli %scan3A_1556, %mul3A_1624 : i32
      %add3A_1626 = arith.constant 176 : i32
      %add3A_1627 = arith.addi %mul3A_1625, %add3A_1626 : i32
      %swap3A_1628 = arith.index_cast %add3A_1627 : i32 to index
      %swap3A_1629 = tpu.vector_load %arg10[%swap3A_1628] {strides = array<i32>} : memref<65536xf32, #tpu.memory_space<vmem>>, vector<16xf32>,
      tpu.vector_store %arg10[%swap3A_1628], %broadcast_in_dim3A_1 {strides = array<i32>} : memref<65536xf32, #tpu.memory_space<vmem>>, vector<16xf32>,
      %mul3A_1630 = arith.constant 256 : i32
      %mul3A_1631 = arith.muli %scan3A_1556, %mul3A_1630 : i32
      %add3A_1632 = arith.constant 192 : i32
      %add3A_1633 = arith.addi %mul3A_1631, %add3A_1632 : i32
      %swap3A_1634 = arith.index_cast %add3A_1633 : i32 to index
      %swap3A_1635 = tpu.vector_load %arg10[%swap3A_1634] {strides = array<i32>} : memref<65536xf32, #tpu.memory_space<vmem>>, vector<16xf32>,
      tpu.vector_store %arg10[%swap3A_1634], %broadcast_in_dim3A_1 {strides = array<i32>} : memref<65536xf32, #tpu.memory_space<vmem>>, vector<16xf32>,
      %mul3A_1636 = arith.constant 256 : i32
      %mul3A_1637 = arith.muli %scan3A_1556, %mul3A_1636 : i32
      %add3A_1638 = arith.constant 208 : i32
      %add3A_1639 = arith.addi %mul3A_1637, %add3A_1638 : i32
      %swap3A_1640 = arith.index_cast %add3A_1639 : i32 to index
      %swap3A_1641 = tpu.vector_load %arg10[%swap3A_1640] {strides = array<i32>} : memref<65536xf32, #tpu.memory_space<vmem>>, vector<16xf32>,
      tpu.vector_store %arg10[%swap3A_1640], %broadcast_in_dim3A_1 {strides = array<i32>} : memref<65536xf32, #tpu.memory_space<vmem>>, vector<16xf32>,
      %mul3A_1642 = arith.constant 256 : i32
      %mul3A_1643 = arith.muli %scan3A_1556, %mul3A_1642 : i32
      %add3A_1644 = arith.constant 224 : i32
      %add3A_1645 = arith.addi %mul3A_1643, %add3A_1644 : i32
      %swap3A_1646 = arith.index_cast %add3A_1645 : i32 to index
      %swap3A_1647 = tpu.vector_load %arg10[%swap3A_1646] {strides = array<i32>} : memref<65536xf32, #tpu.memory_space<vmem>>, vector<16xf32>,
      tpu.vector_store %arg10[%swap3A_1646], %broadcast_in_dim3A_1 {strides = array<i32>} : memref<65536xf32, #tpu.memory_space<vmem>>, vector<16xf32>,
      %mul3A_1648 = arith.constant 256 : i32
      %mul3A_1649 = arith.muli %scan3A_1556, %mul3A_1648 : i32
      %add3A_1650 = arith.constant 240 : i32
      %add3A_1651 = arith.addi %mul3A_1649, %add3A_1650 : i32
      %swap3A_1652 = arith.index_cast %add3A_1651 : i32 to index
      %swap3A_1653 = tpu.vector_load %arg10[%swap3A_1652] {strides = array<i32>} : memref<65536xf32, #tpu.memory_space<vmem>>, vector<16xf32>,
      tpu.vector_store %arg10[%swap3A_1652], %broadcast_in_dim3A_1 {strides = array<i32>} : memref<65536xf32, #tpu.memory_space<vmem>>, vector<16xf32>,
      %scan3A_1654 = arith.constant 0 : i32
      scf.yield %scan3A_1654 : i32
    }
    %scan3A_45 = arith.constant 256 : i32
    tpu.wait_dma2 semaphore(%arg13 : memref<!tpu.dma_semaphore, #tpu.memory_space<semaphore_mem>>) src(%arg2 : memref<1536xi32, #tpu.memory_space<hbm>>) dst(%arg5 : memref<1536xi32, #tpu.memory_space<vmem>>)
    %dma_wait3A = tpu.memref_slice %arg3[%mul3A_7] : memref<393216xi32, #tpu.memory_space<hbm>> -> memref<24576xi32, #tpu.memory_space<hbm>>
    %dma_wait3A_46 = tpu.memref_slice %arg3[%mul3A_7] : memref<393216xi32, #tpu.memory_space<hbm>> -> memref<24576xi32, #tpu.memory_space<hbm>>
    tpu.wait_dma2 semaphore(%arg13 : memref<!tpu.dma_semaphore, #tpu.memory_space<semaphore_mem>>) src(%dma_wait3A_46 : memref<24576xi32, #tpu.memory_space<hbm>>) dst(%arg6 : memref<24576xi32, #tpu.memory_space<vmem>>)
    %scan3A_47 = arith.constant 0 : i32
    %scan3A_48 = arith.constant 0 : i32
    %scan3A_49 = arith.constant 64 : i32
    %scan3A_50 = arith.addi %scan3A_48, %scan3A_49 : i32
    %scan3A_51 = arith.constant 1 : i32
    %scan3A_52 = scf.for %scan3A_1556 = %scan3A_48 to %scan3A_50 step %scan3A_51 iter_args(%scan3A_1557 = %scan3A_47) -> (i32)  : i32 {
      %mul3A_1558 = arith.constant 384 : i32
      %mul3A_1559 = arith.muli %scan3A_1556, %mul3A_1558 : i32
      %get3A_1560 = arith.index_cast %mul3A_1559 : i32 to index
      %get3A_1561 = tpu.vector_load %arg6[%get3A_1560] {strides = array<i32>} : memref<24576xi32, #tpu.memory_space<vmem>>, vector<16xi32>,
      %broadcast_in_dim3A_1562 = arith.constant 0 : i32
      %broadcast_in_dim3A_1563 = vector.broadcast %broadcast_in_dim3A_1562 : i32 to vector<16xi32>
      %get3A_1564 = arith.constant 0 : index
      %get3A_1565 = tpu.vector_load %arg5[%get3A_1564] {strides = array<i32>} : memref<1536xi32, #tpu.memory_space<vmem>>, vector<16xi32>,
      %eq3A_1566 = arith.cmpi eq, %get3A_1561, %get3A_1565 : vector<16xi32>
      %eq3A_1567 = arith.constant 3 : i32
      %eq3A_1568 = vector.broadcast %eq3A_1567 : i32 to vector<16xi32>
      %eq3A_1569 = arith.cmpi eq, %get3A_1565, %eq3A_1568 : vector<16xi32>
      %or3A = arith.ori %eq3A_1566, %eq3A_1569 : vector<16xi1>
      %convert_element_type3A_1570 = arith.extui %or3A : vector<16xi1> to vector<16xi32>
      %shift_left3A = arith.constant 0 : i32
      %shift_left3A_1571 = vector.broadcast %shift_left3A : i32 to vector<16xi32>
      %shift_left3A_1572 = arith.shli %convert_element_type3A_1570, %shift_left3A_1571 : vector<16xi32>
      %or3A_1573 = arith.ori %broadcast_in_dim3A_1563, %shift_left3A_1572 : vector<16xi32>
      %get3A_1574 = arith.constant 384 : index
      %get3A_1575 = tpu.vector_load %arg5[%get3A_1574] {strides = array<i32>} : memref<1536xi32, #tpu.memory_space<vmem>>, vector<16xi32>,
      %eq3A_1576 = arith.cmpi eq, %get3A_1561, %get3A_1575 : vector<16xi32>
      %eq3A_1577 = arith.constant 3 : i32
      %eq3A_1578 = vector.broadcast %eq3A_1577 : i32 to vector<16xi32>
      %eq3A_1579 = arith.cmpi eq, %get3A_1575, %eq3A_1578 : vector<16xi32>
      %or3A_1580 = arith.ori %eq3A_1576, %eq3A_1579 : vector<16xi1>
      %convert_element_type3A_1581 = arith.extui %or3A_1580 : vector<16xi1> to vector<16xi32>
      %shift_left3A_1582 = arith.constant 1 : i32
      %shift_left3A_1583 = vector.broadcast %shift_left3A_1582 : i32 to vector<16xi32>
      %shift_left3A_1584 = arith.shli %convert_element_type3A_1581, %shift_left3A_1583 : vector<16xi32>
      %or3A_1585 = arith.ori %or3A_1573, %shift_left3A_1584 : vector<16xi32>
      %get3A_1586 = arith.constant 768 : index
      %get3A_1587 = tpu.vector_load %arg5[%get3A_1586] {strides = array<i32>} : memref<1536xi32, #tpu.memory_space<vmem>>, vector<16xi32>,
      %eq3A_1588 = arith.cmpi eq, %get3A_1561, %get3A_1587 : vector<16xi32>
      %eq3A_1589 = arith.constant 3 : i32
      %eq3A_1590 = vector.broadcast %eq3A_1589 : i32 to vector<16xi32>
      %eq3A_1591 = arith.cmpi eq, %get3A_1587, %eq3A_1590 : vector<16xi32>
      %or3A_1592 = arith.ori %eq3A_1588, %eq3A_1591 : vector<16xi1>
      %convert_element_type3A_1593 = arith.extui %or3A_1592 : vector<16xi1> to vector<16xi32>
      %shift_left3A_1594 = arith.constant 2 : i32
      %shift_left3A_1595 = vector.broadcast %shift_left3A_1594 : i32 to vector<16xi32>
      %shift_left3A_1596 = arith.shli %convert_element_type3A_1593, %shift_left3A_1595 : vector<16xi32>
      %or3A_1597 = arith.ori %or3A_1585, %shift_left3A_1596 : vector<16xi32>
      %get3A_1598 = arith.constant 1152 : index
      %get3A_1599 = tpu.vector_load %arg5[%get3A_1598] {strides = array<i32>} : memref<1536xi32, #tpu.memory_space<vmem>>, vector<16xi32>,
      %eq3A_1600 = arith.cmpi eq, %get3A_1561, %get3A_1599 : vector<16xi32>
      %eq3A_1601 = arith.constant 3 : i32
      %eq3A_1602 = vector.broadcast %eq3A_1601 : i32 to vector<16xi32>
      %eq3A_1603 = arith.cmpi eq, %get3A_1599, %eq3A_1602 : vector<16xi32>
      %or3A_1604 = arith.ori %eq3A_1600, %eq3A_1603 : vector<16xi1>
      %convert_element_type3A_1605 = arith.extui %or3A_1604 : vector<16xi1> to vector<16xi32>
      %shift_left3A_1606 = arith.constant 3 : i32
      %shift_left3A_1607 = vector.broadcast %shift_left3A_1606 : i32 to vector<16xi32>
      %shift_left3A_1608 = arith.shli %convert_element_type3A_1605, %shift_left3A_1607 : vector<16xi32>
      %or3A_1609 = arith.ori %or3A_1597, %shift_left3A_1608 : vector<16xi32>
      %add3A_1610 = arith.constant 8 : i32
      %add3A_1611 = vector.broadcast %add3A_1610 : i32 to vector<16xi32>
      %add3A_1612 = arith.addi %iota3A, %add3A_1611 : vector<16xi32>
      %and3A_1613 = arith.constant 15 : i32
      %and3A_1614 = vector.broadcast %and3A_1613 : i32 to vector<16xi32>
      %and3A_1615 = arith.andi %add3A_1612, %and3A_1614 : vector<16xi32>
      %broadcast_in_dim3A_1616 = vector.shape_cast %and3A_1615 : vector<16xi32> to vector<16x1xi32>
      %gather3A_1617 = vector.shape_cast %broadcast_in_dim3A_1616 : vector<16x1xi32> to vector<16xi32>
      %gather3A_1618 = tpu.dynamic_gather %or3A_1609[%gather3A_1617] in [0] : vector<16xi32>, vector<16xi32> -> vector<16xi32>
      %and3A_1619 = arith.andi %or3A_1609, %gather3A_1618 : vector<16xi32>
      %add3A_1620 = arith.constant 4 : i32
      %add3A_1621 = vector.broadcast %add3A_1620 : i32 to vector<16xi32>
      %add3A_1622 = arith.addi %iota3A, %add3A_1621 : vector<16xi32>
      %and3A_1623 = arith.constant 15 : i32
      %and3A_1624 = vector.broadcast %and3A_1623 : i32 to vector<16xi32>
      %and3A_1625 = arith.andi %add3A_1622, %and3A_1624 : vector<16xi32>
      %broadcast_in_dim3A_1626 = vector.shape_cast %and3A_1625 : vector<16xi32> to vector<16x1xi32>
      %gather3A_1627 = vector.shape_cast %broadcast_in_dim3A_1626 : vector<16x1xi32> to vector<16xi32>
      %gather3A_1628 = tpu.dynamic_gather %and3A_1619[%gather3A_1627] in [0] : vector<16xi32>, vector<16xi32> -> vector<16xi32>
      %and3A_1629 = arith.andi %and3A_1619, %gather3A_1628 : vector<16xi32>
      %add3A_1630 = arith.constant 2 : i32
      %add3A_1631 = vector.broadcast %add3A_1630 : i32 to vector<16xi32>
      %add3A_1632 = arith.addi %iota3A, %add3A_1631 : vector<16xi32>
      %and3A_1633 = arith.constant 15 : i32
      %and3A_1634 = vector.broadcast %and3A_1633 : i32 to vector<16xi32>
      %and3A_1635 = arith.andi %add3A_1632, %and3A_1634 : vector<16xi32>
      %broadcast_in_dim3A_1636 = vector.shape_cast %and3A_1635 : vector<16xi32> to vector<16x1xi32>
      %gather3A_1637 = vector.shape_cast %broadcast_in_dim3A_1636 : vector<16x1xi32> to vector<16xi32>
      %gather3A_1638 = tpu.dynamic_gather %and3A_1629[%gather3A_1637] in [0] : vector<16xi32>, vector<16xi32> -> vector<16xi32>
      %and3A_1639 = arith.andi %and3A_1629, %gather3A_1638 : vector<16xi32>
      %add3A_1640 = arith.constant 1 : i32
      %add3A_1641 = vector.broadcast %add3A_1640 : i32 to vector<16xi32>
      %add3A_1642 = arith.addi %iota3A, %add3A_1641 : vector<16xi32>
      %and3A_1643 = arith.constant 15 : i32
      %and3A_1644 = vector.broadcast %and3A_1643 : i32 to vector<16xi32>
      %and3A_1645 = arith.andi %add3A_1642, %and3A_1644 : vector<16xi32>
      %broadcast_in_dim3A_1646 = vector.shape_cast %and3A_1645 : vector<16xi32> to vector<16x1xi32>
      %gather3A_1647 = vector.shape_cast %broadcast_in_dim3A_1646 : vector<16x1xi32> to vector<16xi32>
      %gather3A_1648 = tpu.dynamic_gather %and3A_1639[%gather3A_1647] in [0] : vector<16xi32>, vector<16xi32> -> vector<16xi32>
      %and3A_1649 = arith.andi %and3A_1639, %gather3A_1648 : vector<16xi32>
      %slice3A_1650 = vector.extract_strided_slice %and3A_1649 {offsets = [0], sizes = [1], strides = [1]} : vector<16xi32> to vector<1xi32>
      %squeeze3A_1651 = vector.extract %slice3A_1650[0] : i32 from vector<1xi32>
      %ne3A_1652 = arith.constant 0 : i32
      %ne3A_1653 = arith.cmpi ne, %squeeze3A_1651, %ne3A_1652 : i32
      %convert_element_type3A_1654 = arith.extui %ne3A_1653 : i1 to i32
      %cond3A_1655 = arith.constant 0 : i32
      %cond3A_1656 = arith.cmpi ne, %convert_element_type3A_1654, %cond3A_1655 : i32
      scf.if %cond3A_1656 {
        %broadcast_in_dim3A_1658 = arith.constant true
        %broadcast_in_dim3A_1659 = vector.broadcast %broadcast_in_dim3A_1658 : i1 to vector<16xi1>
        %scan3A_1660 = arith.constant 0 : i32
        %scan3A_1661 = arith.constant 24 : i32
        %scan3A_1662 = arith.addi %scan3A_1660, %scan3A_1661 : i32
        %scan3A_1663 = arith.constant 1 : i32
        %scan3A_1664:4 = scf.for %scan3A_1881 = %scan3A_1660 to %scan3A_1662 step %scan3A_1663 iter_args(%scan3A_1882 = %broadcast_in_dim3A_1659, %scan3A_1883 = %broadcast_in_dim3A_1659, %scan3A_1884 = %broadcast_in_dim3A_1659, %scan3A_1885 = %broadcast_in_dim3A_1659) -> (vector<16xi1>, vector<16xi1>, vector<16xi1>, vector<16xi1>)  : i32 {
          %mul3A_1886 = arith.constant 384 : i32
          %mul3A_1887 = arith.muli %scan3A_1556, %mul3A_1886 : i32
          %mul3A_1888 = arith.constant 16 : i32
          %mul3A_1889 = arith.muli %scan3A_1881, %mul3A_1888 : i32
          %add3A_1890 = arith.addi %mul3A_1887, %mul3A_1889 : i32
          %get3A_1891 = arith.index_cast %add3A_1890 : i32 to index
          %get3A_1892 = tpu.vector_load %arg6[%get3A_1891] {strides = array<i32>} : memref<24576xi32, #tpu.memory_space<vmem>>, vector<16xi32>,
          %mul3A_1893 = arith.constant 16 : i32
          %mul3A_1894 = arith.muli %scan3A_1881, %mul3A_1893 : i32
          %add3A_1895 = arith.constant 0 : i32
          %add3A_1896 = arith.addi %add3A_1895, %mul3A_1894 : i32
          %get3A_1897 = arith.index_cast %add3A_1896 : i32 to index
          %get3A_1898 = tpu.vector_load %arg5[%get3A_1897] {strides = array<i32>} : memref<1536xi32, #tpu.memory_space<vmem>>, vector<16xi32>,
          %eq3A_1899 = arith.cmpi eq, %get3A_1892, %get3A_1898 : vector<16xi32>
          %eq3A_1900 = arith.constant 3 : i32
          %eq3A_1901 = vector.broadcast %eq3A_1900 : i32 to vector<16xi32>
          %eq3A_1902 = arith.cmpi eq, %get3A_1898, %eq3A_1901 : vector<16xi32>
          %or3A_1903 = arith.ori %eq3A_1899, %eq3A_1902 : vector<16xi1>
          %and3A_1904 = arith.andi %scan3A_1882, %or3A_1903 : vector<16xi1>
          %mul3A_1905 = arith.constant 16 : i32
          %mul3A_1906 = arith.muli %scan3A_1881, %mul3A_1905 : i32
          %add3A_1907 = arith.constant 384 : i32
          %add3A_1908 = arith.addi %add3A_1907, %mul3A_1906 : i32
          %get3A_1909 = arith.index_cast %add3A_1908 : i32 to index
          %get3A_1910 = tpu.vector_load %arg5[%get3A_1909] {strides = array<i32>} : memref<1536xi32, #tpu.memory_space<vmem>>, vector<16xi32>,
          %eq3A_1911 = arith.cmpi eq, %get3A_1892, %get3A_1910 : vector<16xi32>
          %eq3A_1912 = arith.constant 3 : i32
          %eq3A_1913 = vector.broadcast %eq3A_1912 : i32 to vector<16xi32>
          %eq3A_1914 = arith.cmpi eq, %get3A_1910, %eq3A_1913 : vector<16xi32>
          %or3A_1915 = arith.ori %eq3A_1911, %eq3A_1914 : vector<16xi1>
          %and3A_1916 = arith.andi %scan3A_1883, %or3A_1915 : vector<16xi1>
          %mul3A_1917 = arith.constant 16 : i32
          %mul3A_1918 = arith.muli %scan3A_1881, %mul3A_1917 : i32
          %add3A_1919 = arith.constant 768 : i32
          %add3A_1920 = arith.addi %add3A_1919, %mul3A_1918 : i32
          %get3A_1921 = arith.index_cast %add3A_1920 : i32 to index
          %get3A_1922 = tpu.vector_load %arg5[%get3A_1921] {strides = array<i32>} : memref<1536xi32, #tpu.memory_space<vmem>>, vector<16xi32>,
          %eq3A_1923 = arith.cmpi eq, %get3A_1892, %get3A_1922 : vector<16xi32>
          %eq3A_1924 = arith.constant 3 : i32
          %eq3A_1925 = vector.broadcast %eq3A_1924 : i32 to vector<16xi32>
          %eq3A_1926 = arith.cmpi eq, %get3A_1922, %eq3A_1925 : vector<16xi32>
          %or3A_1927 = arith.ori %eq3A_1923, %eq3A_1926 : vector<16xi1>
          %and3A_1928 = arith.andi %scan3A_1884, %or3A_1927 : vector<16xi1>
          %mul3A_1929 = arith.constant 16 : i32
          %mul3A_1930 = arith.muli %scan3A_1881, %mul3A_1929 : i32
          %add3A_1931 = arith.constant 1152 : i32
          %add3A_1932 = arith.addi %add3A_1931, %mul3A_1930 : i32
          %get3A_1933 = arith.index_cast %add3A_1932 : i32 to index
          %get3A_1934 = tpu.vector_load %arg5[%get3A_1933] {strides = array<i32>} : memref<1536xi32, #tpu.memory_space<vmem>>, vector<16xi32>,
          %eq3A_1935 = arith.cmpi eq, %get3A_1892, %get3A_1934 : vector<16xi32>
          %eq3A_1936 = arith.constant 3 : i32
          %eq3A_1937 = vector.broadcast %eq3A_1936 : i32 to vector<16xi32>
          %eq3A_1938 = arith.cmpi eq, %get3A_1934, %eq3A_1937 : vector<16xi32>
          %or3A_1939 = arith.ori %eq3A_1935, %eq3A_1938 : vector<16xi1>
          %and3A_1940 = arith.andi %scan3A_1885, %or3A_1939 : vector<16xi1>
          scf.yield %and3A_1904, %and3A_1916, %and3A_1928, %and3A_1940 : vector<16xi1>, vector<16xi1>, vector<16xi1>, vector<16xi1>
        }
        %scan3A_1665 = arith.constant 24 : i32
        %eq3A_1666 = arith.constant 0 : i32
        %eq3A_1667 = vector.broadcast %eq3A_1666 : i32 to vector<16xi32>
        %eq3A_1668 = arith.cmpi eq, %iota3A, %eq3A_1667 : vector<16xi32>
        %convert_element_type3A_1669 = arith.extui %scan3A_1664#0 : vector<16xi1> to vector<16xi32>
        %add3A_1670 = arith.constant 8 : i32
        %add3A_1671 = vector.broadcast %add3A_1670 : i32 to vector<16xi32>
        %add3A_1672 = arith.addi %iota3A, %add3A_1671 : vector<16xi32>
        %and3A_1673 = arith.constant 15 : i32
        %and3A_1674 = vector.broadcast %and3A_1673 : i32 to vector<16xi32>
        %and3A_1675 = arith.andi %add3A_1672, %and3A_1674 : vector<16xi32>
        %broadcast_in_dim3A_1676 = vector.shape_cast %and3A_1675 : vector<16xi32> to vector<16x1xi32>
        %gather3A_1677 = vector.shape_cast %broadcast_in_dim3A_1676 : vector<16x1xi32> to vector<16xi32>
        %gather3A_1678 = tpu.dynamic_gather %convert_element_type3A_1669[%gather3A_1677] in [0] : vector<16xi32>, vector<16xi32> -> vector<16xi32>
        %and3A_1679 = arith.andi %convert_element_type3A_1669, %gather3A_1678 : vector<16xi32>
        %add3A_1680 = arith.constant 4 : i32
        %add3A_1681 = vector.broadcast %add3A_1680 : i32 to vector<16xi32>
        %add3A_1682 = arith.addi %iota3A, %add3A_1681 : vector<16xi32>
        %and3A_1683 = arith.constant 15 : i32
        %and3A_1684 = vector.broadcast %and3A_1683 : i32 to vector<16xi32>
        %and3A_1685 = arith.andi %add3A_1682, %and3A_1684 : vector<16xi32>
        %broadcast_in_dim3A_1686 = vector.shape_cast %and3A_1685 : vector<16xi32> to vector<16x1xi32>
        %gather3A_1687 = vector.shape_cast %broadcast_in_dim3A_1686 : vector<16x1xi32> to vector<16xi32>
        %gather3A_1688 = tpu.dynamic_gather %and3A_1679[%gather3A_1687] in [0] : vector<16xi32>, vector<16xi32> -> vector<16xi32>
        %and3A_1689 = arith.andi %and3A_1679, %gather3A_1688 : vector<16xi32>
        %add3A_1690 = arith.constant 2 : i32
        %add3A_1691 = vector.broadcast %add3A_1690 : i32 to vector<16xi32>
        %add3A_1692 = arith.addi %iota3A, %add3A_1691 : vector<16xi32>
        %and3A_1693 = arith.constant 15 : i32
        %and3A_1694 = vector.broadcast %and3A_1693 : i32 to vector<16xi32>
        %and3A_1695 = arith.andi %add3A_1692, %and3A_1694 : vector<16xi32>
        %broadcast_in_dim3A_1696 = vector.shape_cast %and3A_1695 : vector<16xi32> to vector<16x1xi32>
        %gather3A_1697 = vector.shape_cast %broadcast_in_dim3A_1696 : vector<16x1xi32> to vector<16xi32>
        %gather3A_1698 = tpu.dynamic_gather %and3A_1689[%gather3A_1697] in [0] : vector<16xi32>, vector<16xi32> -> vector<16xi32>
        %and3A_1699 = arith.andi %and3A_1689, %gather3A_1698 : vector<16xi32>
        %add3A_1700 = arith.constant 1 : i32
        %add3A_1701 = vector.broadcast %add3A_1700 : i32 to vector<16xi32>
        %add3A_1702 = arith.addi %iota3A, %add3A_1701 : vector<16xi32>
        %and3A_1703 = arith.constant 15 : i32
        %and3A_1704 = vector.broadcast %and3A_1703 : i32 to vector<16xi32>
        %and3A_1705 = arith.andi %add3A_1702, %and3A_1704 : vector<16xi32>
        %broadcast_in_dim3A_1706 = vector.shape_cast %and3A_1705 : vector<16xi32> to vector<16x1xi32>
        %gather3A_1707 = vector.shape_cast %broadcast_in_dim3A_1706 : vector<16x1xi32> to vector<16xi32>
        %gather3A_1708 = tpu.dynamic_gather %and3A_1699[%gather3A_1707] in [0] : vector<16xi32>, vector<16xi32> -> vector<16xi32>
        %and3A_1709 = arith.andi %and3A_1699, %gather3A_1708 : vector<16xi32>
        %ne3A_1710 = arith.constant 0 : i32
        %ne3A_1711 = vector.broadcast %ne3A_1710 : i32 to vector<16xi32>
        %ne3A_1712 = arith.cmpi ne, %and3A_1709, %ne3A_1711 : vector<16xi32>
        %and3A_1713 = arith.andi %eq3A_1668, %ne3A_1712 : vector<16xi1>
        %jit3A_1714 = arith.constant 1.000000e+00 : f32
        %broadcast_in_dim3A_1715 = vector.broadcast %jit3A_1714 : f32 to vector<16xf32>
        %select_n3A_1716 = arith.select %and3A_1713, %broadcast_in_dim3A_1715, %broadcast_in_dim3A_1 : vector<16xi1>, vector<16xf32>
        %eq3A_1717 = arith.constant 1 : i32
        %eq3A_1718 = vector.broadcast %eq3A_1717 : i32 to vector<16xi32>
        %eq3A_1719 = arith.cmpi eq, %iota3A, %eq3A_1718 : vector<16xi32>
        %convert_element_type3A_1720 = arith.extui %scan3A_1664#1 : vector<16xi1> to vector<16xi32>
        %add3A_1721 = arith.constant 8 : i32
        %add3A_1722 = vector.broadcast %add3A_1721 : i32 to vector<16xi32>
        %add3A_1723 = arith.addi %iota3A, %add3A_1722 : vector<16xi32>
        %and3A_1724 = arith.constant 15 : i32
        %and3A_1725 = vector.broadcast %and3A_1724 : i32 to vector<16xi32>
        %and3A_1726 = arith.andi %add3A_1723, %and3A_1725 : vector<16xi32>
        %broadcast_in_dim3A_1727 = vector.shape_cast %and3A_1726 : vector<16xi32> to vector<16x1xi32>
        %gather3A_1728 = vector.shape_cast %broadcast_in_dim3A_1727 : vector<16x1xi32> to vector<16xi32>
        %gather3A_1729 = tpu.dynamic_gather %convert_element_type3A_1720[%gather3A_1728] in [0] : vector<16xi32>, vector<16xi32> -> vector<16xi32>
        %and3A_1730 = arith.andi %convert_element_type3A_1720, %gather3A_1729 : vector<16xi32>
        %add3A_1731 = arith.constant 4 : i32
        %add3A_1732 = vector.broadcast %add3A_1731 : i32 to vector<16xi32>
        %add3A_1733 = arith.addi %iota3A, %add3A_1732 : vector<16xi32>
        %and3A_1734 = arith.constant 15 : i32
        %and3A_1735 = vector.broadcast %and3A_1734 : i32 to vector<16xi32>
        %and3A_1736 = arith.andi %add3A_1733, %and3A_1735 : vector<16xi32>
        %broadcast_in_dim3A_1737 = vector.shape_cast %and3A_1736 : vector<16xi32> to vector<16x1xi32>
        %gather3A_1738 = vector.shape_cast %broadcast_in_dim3A_1737 : vector<16x1xi32> to vector<16xi32>
        %gather3A_1739 = tpu.dynamic_gather %and3A_1730[%gather3A_1738] in [0] : vector<16xi32>, vector<16xi32> -> vector<16xi32>
        %and3A_1740 = arith.andi %and3A_1730, %gather3A_1739 : vector<16xi32>
        %add3A_1741 = arith.constant 2 : i32
        %add3A_1742 = vector.broadcast %add3A_1741 : i32 to vector<16xi32>
        %add3A_1743 = arith.addi %iota3A, %add3A_1742 : vector<16xi32>
        %and3A_1744 = arith.constant 15 : i32
        %and3A_1745 = vector.broadcast %and3A_1744 : i32 to vector<16xi32>
        %and3A_1746 = arith.andi %add3A_1743, %and3A_1745 : vector<16xi32>
        %broadcast_in_dim3A_1747 = vector.shape_cast %and3A_1746 : vector<16xi32> to vector<16x1xi32>
        %gather3A_1748 = vector.shape_cast %broadcast_in_dim3A_1747 : vector<16x1xi32> to vector<16xi32>
        %gather3A_1749 = tpu.dynamic_gather %and3A_1740[%gather3A_1748] in [0] : vector<16xi32>, vector<16xi32> -> vector<16xi32>
        %and3A_1750 = arith.andi %and3A_1740, %gather3A_1749 : vector<16xi32>
        %add3A_1751 = arith.constant 1 : i32
        %add3A_1752 = vector.broadcast %add3A_1751 : i32 to vector<16xi32>
        %add3A_1753 = arith.addi %iota3A, %add3A_1752 : vector<16xi32>
        %and3A_1754 = arith.constant 15 : i32
        %and3A_1755 = vector.broadcast %and3A_1754 : i32 to vector<16xi32>
        %and3A_1756 = arith.andi %add3A_1753, %and3A_1755 : vector<16xi32>
        %broadcast_in_dim3A_1757 = vector.shape_cast %and3A_1756 : vector<16xi32> to vector<16x1xi32>
        %gather3A_1758 = vector.shape_cast %broadcast_in_dim3A_1757 : vector<16x1xi32> to vector<16xi32>
        %gather3A_1759 = tpu.dynamic_gather %and3A_1750[%gather3A_1758] in [0] : vector<16xi32>, vector<16xi32> -> vector<16xi32>
        %and3A_1760 = arith.andi %and3A_1750, %gather3A_1759 : vector<16xi32>
        %ne3A_1761 = arith.constant 0 : i32
        %ne3A_1762 = vector.broadcast %ne3A_1761 : i32 to vector<16xi32>
        %ne3A_1763 = arith.cmpi ne, %and3A_1760, %ne3A_1762 : vector<16xi32>
        %and3A_1764 = arith.andi %eq3A_1719, %ne3A_1763 : vector<16xi1>
        %jit3A_1765 = arith.constant 1.000000e+00 : f32
        %broadcast_in_dim3A_1766 = vector.broadcast %jit3A_1765 : f32 to vector<16xf32>
        %select_n3A_1767 = arith.select %and3A_1764, %broadcast_in_dim3A_1766, %select_n3A_1716 : vector<16xi1>, vector<16xf32>
        %eq3A_1768 = arith.constant 2 : i32
        %eq3A_1769 = vector.broadcast %eq3A_1768 : i32 to vector<16xi32>
        %eq3A_1770 = arith.cmpi eq, %iota3A, %eq3A_1769 : vector<16xi32>
        %convert_element_type3A_1771 = arith.extui %scan3A_1664#2 : vector<16xi1> to vector<16xi32>
        %add3A_1772 = arith.constant 8 : i32
        %add3A_1773 = vector.broadcast %add3A_1772 : i32 to vector<16xi32>
        %add3A_1774 = arith.addi %iota3A, %add3A_1773 : vector<16xi32>
        %and3A_1775 = arith.constant 15 : i32
        %and3A_1776 = vector.broadcast %and3A_1775 : i32 to vector<16xi32>
        %and3A_1777 = arith.andi %add3A_1774, %and3A_1776 : vector<16xi32>
        %broadcast_in_dim3A_1778 = vector.shape_cast %and3A_1777 : vector<16xi32> to vector<16x1xi32>
        %gather3A_1779 = vector.shape_cast %broadcast_in_dim3A_1778 : vector<16x1xi32> to vector<16xi32>
        %gather3A_1780 = tpu.dynamic_gather %convert_element_type3A_1771[%gather3A_1779] in [0] : vector<16xi32>, vector<16xi32> -> vector<16xi32>
        %and3A_1781 = arith.andi %convert_element_type3A_1771, %gather3A_1780 : vector<16xi32>
        %add3A_1782 = arith.constant 4 : i32
        %add3A_1783 = vector.broadcast %add3A_1782 : i32 to vector<16xi32>
        %add3A_1784 = arith.addi %iota3A, %add3A_1783 : vector<16xi32>
        %and3A_1785 = arith.constant 15 : i32
        %and3A_1786 = vector.broadcast %and3A_1785 : i32 to vector<16xi32>
        %and3A_1787 = arith.andi %add3A_1784, %and3A_1786 : vector<16xi32>
        %broadcast_in_dim3A_1788 = vector.shape_cast %and3A_1787 : vector<16xi32> to vector<16x1xi32>
        %gather3A_1789 = vector.shape_cast %broadcast_in_dim3A_1788 : vector<16x1xi32> to vector<16xi32>
        %gather3A_1790 = tpu.dynamic_gather %and3A_1781[%gather3A_1789] in [0] : vector<16xi32>, vector<16xi32> -> vector<16xi32>
        %and3A_1791 = arith.andi %and3A_1781, %gather3A_1790 : vector<16xi32>
        %add3A_1792 = arith.constant 2 : i32
        %add3A_1793 = vector.broadcast %add3A_1792 : i32 to vector<16xi32>
        %add3A_1794 = arith.addi %iota3A, %add3A_1793 : vector<16xi32>
        %and3A_1795 = arith.constant 15 : i32
        %and3A_1796 = vector.broadcast %and3A_1795 : i32 to vector<16xi32>
        %and3A_1797 = arith.andi %add3A_1794, %and3A_1796 : vector<16xi32>
        %broadcast_in_dim3A_1798 = vector.shape_cast %and3A_1797 : vector<16xi32> to vector<16x1xi32>
        %gather3A_1799 = vector.shape_cast %broadcast_in_dim3A_1798 : vector<16x1xi32> to vector<16xi32>
        %gather3A_1800 = tpu.dynamic_gather %and3A_1791[%gather3A_1799] in [0] : vector<16xi32>, vector<16xi32> -> vector<16xi32>
        %and3A_1801 = arith.andi %and3A_1791, %gather3A_1800 : vector<16xi32>
        %add3A_1802 = arith.constant 1 : i32
        %add3A_1803 = vector.broadcast %add3A_1802 : i32 to vector<16xi32>
        %add3A_1804 = arith.addi %iota3A, %add3A_1803 : vector<16xi32>
        %and3A_1805 = arith.constant 15 : i32
        %and3A_1806 = vector.broadcast %and3A_1805 : i32 to vector<16xi32>
        %and3A_1807 = arith.andi %add3A_1804, %and3A_1806 : vector<16xi32>
        %broadcast_in_dim3A_1808 = vector.shape_cast %and3A_1807 : vector<16xi32> to vector<16x1xi32>
        %gather3A_1809 = vector.shape_cast %broadcast_in_dim3A_1808 : vector<16x1xi32> to vector<16xi32>
        %gather3A_1810 = tpu.dynamic_gather %and3A_1801[%gather3A_1809] in [0] : vector<16xi32>, vector<16xi32> -> vector<16xi32>
        %and3A_1811 = arith.andi %and3A_1801, %gather3A_1810 : vector<16xi32>
        %ne3A_1812 = arith.constant 0 : i32
        %ne3A_1813 = vector.broadcast %ne3A_1812 : i32 to vector<16xi32>
        %ne3A_1814 = arith.cmpi ne, %and3A_1811, %ne3A_1813 : vector<16xi32>
        %and3A_1815 = arith.andi %eq3A_1770, %ne3A_1814 : vector<16xi1>
        %jit3A_1816 = arith.constant 1.000000e+00 : f32
        %broadcast_in_dim3A_1817 = vector.broadcast %jit3A_1816 : f32 to vector<16xf32>
        %select_n3A_1818 = arith.select %and3A_1815, %broadcast_in_dim3A_1817, %select_n3A_1767 : vector<16xi1>, vector<16xf32>
        %eq3A_1819 = arith.constant 3 : i32
        %eq3A_1820 = vector.broadcast %eq3A_1819 : i32 to vector<16xi32>
        %eq3A_1821 = arith.cmpi eq, %iota3A, %eq3A_1820 : vector<16xi32>
        %convert_element_type3A_1822 = arith.extui %scan3A_1664#3 : vector<16xi1> to vector<16xi32>
        %add3A_1823 = arith.constant 8 : i32
        %add3A_1824 = vector.broadcast %add3A_1823 : i32 to vector<16xi32>
        %add3A_1825 = arith.addi %iota3A, %add3A_1824 : vector<16xi32>
        %and3A_1826 = arith.constant 15 : i32
        %and3A_1827 = vector.broadcast %and3A_1826 : i32 to vector<16xi32>
        %and3A_1828 = arith.andi %add3A_1825, %and3A_1827 : vector<16xi32>
        %broadcast_in_dim3A_1829 = vector.shape_cast %and3A_1828 : vector<16xi32> to vector<16x1xi32>
        %gather3A_1830 = vector.shape_cast %broadcast_in_dim3A_1829 : vector<16x1xi32> to vector<16xi32>
        %gather3A_1831 = tpu.dynamic_gather %convert_element_type3A_1822[%gather3A_1830] in [0] : vector<16xi32>, vector<16xi32> -> vector<16xi32>
        %and3A_1832 = arith.andi %convert_element_type3A_1822, %gather3A_1831 : vector<16xi32>
        %add3A_1833 = arith.constant 4 : i32
        %add3A_1834 = vector.broadcast %add3A_1833 : i32 to vector<16xi32>
        %add3A_1835 = arith.addi %iota3A, %add3A_1834 : vector<16xi32>
        %and3A_1836 = arith.constant 15 : i32
        %and3A_1837 = vector.broadcast %and3A_1836 : i32 to vector<16xi32>
        %and3A_1838 = arith.andi %add3A_1835, %and3A_1837 : vector<16xi32>
        %broadcast_in_dim3A_1839 = vector.shape_cast %and3A_1838 : vector<16xi32> to vector<16x1xi32>
        %gather3A_1840 = vector.shape_cast %broadcast_in_dim3A_1839 : vector<16x1xi32> to vector<16xi32>
        %gather3A_1841 = tpu.dynamic_gather %and3A_1832[%gather3A_1840] in [0] : vector<16xi32>, vector<16xi32> -> vector<16xi32>
        %and3A_1842 = arith.andi %and3A_1832, %gather3A_1841 : vector<16xi32>
        %add3A_1843 = arith.constant 2 : i32
        %add3A_1844 = vector.broadcast %add3A_1843 : i32 to vector<16xi32>
        %add3A_1845 = arith.addi %iota3A, %add3A_1844 : vector<16xi32>
        %and3A_1846 = arith.constant 15 : i32
        %and3A_1847 = vector.broadcast %and3A_1846 : i32 to vector<16xi32>
        %and3A_1848 = arith.andi %add3A_1845, %and3A_1847 : vector<16xi32>
        %broadcast_in_dim3A_1849 = vector.shape_cast %and3A_1848 : vector<16xi32> to vector<16x1xi32>
        %gather3A_1850 = vector.shape_cast %broadcast_in_dim3A_1849 : vector<16x1xi32> to vector<16xi32>
        %gather3A_1851 = tpu.dynamic_gather %and3A_1842[%gather3A_1850] in [0] : vector<16xi32>, vector<16xi32> -> vector<16xi32>
        %and3A_1852 = arith.andi %and3A_1842, %gather3A_1851 : vector<16xi32>
        %add3A_1853 = arith.constant 1 : i32
        %add3A_1854 = vector.broadcast %add3A_1853 : i32 to vector<16xi32>
        %add3A_1855 = arith.addi %iota3A, %add3A_1854 : vector<16xi32>
        %and3A_1856 = arith.constant 15 : i32
        %and3A_1857 = vector.broadcast %and3A_1856 : i32 to vector<16xi32>
        %and3A_1858 = arith.andi %add3A_1855, %and3A_1857 : vector<16xi32>
        %broadcast_in_dim3A_1859 = vector.shape_cast %and3A_1858 : vector<16xi32> to vector<16x1xi32>
        %gather3A_1860 = vector.shape_cast %broadcast_in_dim3A_1859 : vector<16x1xi32> to vector<16xi32>
        %gather3A_1861 = tpu.dynamic_gather %and3A_1852[%gather3A_1860] in [0] : vector<16xi32>, vector<16xi32> -> vector<16xi32>
        %and3A_1862 = arith.andi %and3A_1852, %gather3A_1861 : vector<16xi32>
        %ne3A_1863 = arith.constant 0 : i32
        %ne3A_1864 = vector.broadcast %ne3A_1863 : i32 to vector<16xi32>
        %ne3A_1865 = arith.cmpi ne, %and3A_1862, %ne3A_1864 : vector<16xi32>
        %and3A_1866 = arith.andi %eq3A_1821, %ne3A_1865 : vector<16xi1>
        %jit3A_1867 = arith.constant 1.000000e+00 : f32
        %broadcast_in_dim3A_1868 = vector.broadcast %jit3A_1867 : f32 to vector<16xf32>
        %select_n3A_1869 = arith.select %and3A_1866, %broadcast_in_dim3A_1868, %select_n3A_1818 : vector<16xi1>, vector<16xf32>
        %and3A_1870 = arith.constant 3 : i32
        %and3A_1871 = vector.broadcast %and3A_1870 : i32 to vector<16xi32>
        %and3A_1872 = arith.andi %iota3A, %and3A_1871 : vector<16xi32>
        %mul3A_1873 = arith.constant 64 : i32
        %mul3A_1874 = vector.broadcast %mul3A_1873 : i32 to vector<16xi32>
        %mul3A_1875 = arith.muli %and3A_1872, %mul3A_1874 : vector<16xi32>
        %broadcast_in_dim3A_1876 = vector.broadcast %scan3A_1556 : i32 to vector<16xi32>
        %add3A_1877 = arith.addi %mul3A_1875, %broadcast_in_dim3A_1876 : vector<16xi32>
        %lt3A_1878 = arith.constant 4 : i32
        %lt3A_1879 = vector.broadcast %lt3A_1878 : i32 to vector<16xi32>
        %lt3A_1880 = arith.cmpi slt, %iota3A, %lt3A_1879 : vector<16xi32>
        tpu.vector_store_idx %arg7[%add3A_1877], %select_n3A_1869 masked %lt3A_1880 : memref<256xf32, #tpu.memory_space<vmem>>[vector<16xi32>], vector<16xf32>, vector<16xi1>
      } else {
      }
      %scan3A_1657 = arith.constant 0 : i32
      scf.yield %scan3A_1657 : i32
    }
    %scan3A_53 = arith.constant 64 : i32
    %mul3A_54 = arith.constant 4 : i32
    %mul3A_55 = arith.muli %arg1, %mul3A_54 : i32
    %mul3A_56 = arith.constant 64 : i32
    %mul3A_57 = arith.muli %mul3A_55, %mul3A_56 : i32
    "tpu.region"() ({
      %run_scoped3A = tpu.sem_alloc : memref<!tpu.dma_semaphore, #tpu.memory_space<semaphore_mem>>
      %dma_start3A_1556 = tpu.memref_slice %arg12[%mul3A_57] : memref<4096xf32, #tpu.memory_space<vmem_shared>> -> memref<256xf32, #tpu.memory_space<vmem_shared>>
      %dma_start3A_1557 = tpu.memref_slice %arg12[%mul3A_57] : memref<4096xf32, #tpu.memory_space<vmem_shared>> -> memref<256xf32, #tpu.memory_space<vmem_shared>>
      tpu.enqueue_dma source(%arg7 : memref<256xf32, #tpu.memory_space<vmem>>) target(%dma_start3A_1557 : memref<256xf32, #tpu.memory_space<vmem_shared>>) target_semaphore(%run_scoped3A : memref<!tpu.dma_semaphore, #tpu.memory_space<semaphore_mem>>)
      %dma_wait3A_1558 = tpu.memref_slice %arg12[%mul3A_57] : memref<4096xf32, #tpu.memory_space<vmem_shared>> -> memref<256xf32, #tpu.memory_space<vmem_shared>>
      %dma_wait3A_1559 = tpu.memref_slice %arg12[%mul3A_57] : memref<4096xf32, #tpu.memory_space<vmem_shared>> -> memref<256xf32, #tpu.memory_space<vmem_shared>>
      tpu.wait_dma2 semaphore(%run_scoped3A : memref<!tpu.dma_semaphore, #tpu.memory_space<semaphore_mem>>) src(%arg7 : memref<256xf32, #tpu.memory_space<vmem>>) dst(%dma_wait3A_1559 : memref<256xf32, #tpu.memory_space<vmem_shared>>)
      tpu.yield
    }) : () -> ()
    %barrier3A = arith.constant 0 : index
    tpu.barrier barrier_id(%barrier3A)
    "tpu.region"() ({
      %run_scoped3A = tpu.sem_alloc : memref<!tpu.dma_semaphore, #tpu.memory_space<semaphore_mem>>
      tpu.enqueue_dma source(%arg12 : memref<4096xf32, #tpu.memory_space<vmem_shared>>) target(%arg8 : memref<4096xf32, #tpu.memory_space<vmem>>) target_semaphore(%run_scoped3A : memref<!tpu.dma_semaphore, #tpu.memory_space<semaphore_mem>>)
      tpu.wait_dma2 semaphore(%run_scoped3A : memref<!tpu.dma_semaphore, #tpu.memory_space<semaphore_mem>>) src(%arg12 : memref<4096xf32, #tpu.memory_space<vmem_shared>>) dst(%arg8 : memref<4096xf32, #tpu.memory_space<vmem>>)
      tpu.yield
    }) : () -> ()
    %get3A = arith.constant 0 : index
    %get3A_58 = tpu.vector_load %arg8[%get3A] {strides = array<i32>} : memref<4096xf32, #tpu.memory_space<vmem>>, vector<16xf32>,
    %add3A_59 = arith.addf %broadcast_in_dim3A_1, %get3A_58 : vector<16xf32>
    %get3A_60 = arith.constant 16 : index
    %get3A_61 = tpu.vector_load %arg8[%get3A_60] {strides = array<i32>} : memref<4096xf32, #tpu.memory_space<vmem>>, vector<16xf32>,
    %add3A_62 = arith.addf %add3A_59, %get3A_61 : vector<16xf32>
    %get3A_63 = arith.constant 32 : index
    %get3A_64 = tpu.vector_load %arg8[%get3A_63] {strides = array<i32>} : memref<4096xf32, #tpu.memory_space<vmem>>, vector<16xf32>,
    %add3A_65 = arith.addf %add3A_62, %get3A_64 : vector<16xf32>
    %get3A_66 = arith.constant 48 : index
    %get3A_67 = tpu.vector_load %arg8[%get3A_66] {strides = array<i32>} : memref<4096xf32, #tpu.memory_space<vmem>>, vector<16xf32>,
    %add3A_68 = arith.addf %add3A_65, %get3A_67 : vector<16xf32>
    %get3A_69 = arith.constant 256 : index
    %get3A_70 = tpu.vector_load %arg8[%get3A_69] {strides = array<i32>} : memref<4096xf32, #tpu.memory_space<vmem>>, vector<16xf32>,
    %add3A_71 = arith.addf %add3A_68, %get3A_70 : vector<16xf32>
    %get3A_72 = arith.constant 272 : index
    %get3A_73 = tpu.vector_load %arg8[%get3A_72] {strides = array<i32>} : memref<4096xf32, #tpu.memory_space<vmem>>, vector<16xf32>,
    %add3A_74 = arith.addf %add3A_71, %get3A_73 : vector<16xf32>
    %get3A_75 = arith.constant 288 : index
    %get3A_76 = tpu.vector_load %arg8[%get3A_75] {strides = array<i32>} : memref<4096xf32, #tpu.memory_space<vmem>>, vector<16xf32>,
    %add3A_77 = arith.addf %add3A_74, %get3A_76 : vector<16xf32>
    %get3A_78 = arith.constant 304 : index
    %get3A_79 = tpu.vector_load %arg8[%get3A_78] {strides = array<i32>} : memref<4096xf32, #tpu.memory_space<vmem>>, vector<16xf32>,
    %add3A_80 = arith.addf %add3A_77, %get3A_79 : vector<16xf32>
    %get3A_81 = arith.constant 512 : index
    %get3A_82 = tpu.vector_load %arg8[%get3A_81] {strides = array<i32>} : memref<4096xf32, #tpu.memory_space<vmem>>, vector<16xf32>,
    %add3A_83 = arith.addf %add3A_80, %get3A_82 : vector<16xf32>
    %get3A_84 = arith.constant 528 : index
    %get3A_85 = tpu.vector_load %arg8[%get3A_84] {strides = array<i32>} : memref<4096xf32, #tpu.memory_space<vmem>>, vector<16xf32>,
    %add3A_86 = arith.addf %add3A_83, %get3A_85 : vector<16xf32>
    %get3A_87 = arith.constant 544 : index
    %get3A_88 = tpu.vector_load %arg8[%get3A_87] {strides = array<i32>} : memref<4096xf32, #tpu.memory_space<vmem>>, vector<16xf32>,
    %add3A_89 = arith.addf %add3A_86, %get3A_88 : vector<16xf32>
    %get3A_90 = arith.constant 560 : index
    %get3A_91 = tpu.vector_load %arg8[%get3A_90] {strides = array<i32>} : memref<4096xf32, #tpu.memory_space<vmem>>, vector<16xf32>,
    %add3A_92 = arith.addf %add3A_89, %get3A_91 : vector<16xf32>
    %get3A_93 = arith.constant 768 : index
    %get3A_94 = tpu.vector_load %arg8[%get3A_93] {strides = array<i32>} : memref<4096xf32, #tpu.memory_space<vmem>>, vector<16xf32>,
    %add3A_95 = arith.addf %add3A_92, %get3A_94 : vector<16xf32>
    %get3A_96 = arith.constant 784 : index
    %get3A_97 = tpu.vector_load %arg8[%get3A_96] {strides = array<i32>} : memref<4096xf32, #tpu.memory_space<vmem>>, vector<16xf32>,
    %add3A_98 = arith.addf %add3A_95, %get3A_97 : vector<16xf32>
    %get3A_99 = arith.constant 800 : index
    %get3A_100 = tpu.vector_load %arg8[%get3A_99] {strides = array<i32>} : memref<4096xf32, #tpu.memory_space<vmem>>, vector<16xf32>,
    %add3A_101 = arith.addf %add3A_98, %get3A_100 : vector<16xf32>
    %get3A_102 = arith.constant 816 : index
    %get3A_103 = tpu.vector_load %arg8[%get3A_102] {strides = array<i32>} : memref<4096xf32, #tpu.memory_space<vmem>>, vector<16xf32>,
    %add3A_104 = arith.addf %add3A_101, %get3A_103 : vector<16xf32>
    %get3A_105 = arith.constant 1024 : index
    %get3A_106 = tpu.vector_load %arg8[%get3A_105] {strides = array<i32>} : memref<4096xf32, #tpu.memory_space<vmem>>, vector<16xf32>,
    %add3A_107 = arith.addf %add3A_104, %get3A_106 : vector<16xf32>
    %get3A_108 = arith.constant 1040 : index
    %get3A_109 = tpu.vector_load %arg8[%get3A_108] {strides = array<i32>} : memref<4096xf32, #tpu.memory_space<vmem>>, vector<16xf32>,
    %add3A_110 = arith.addf %add3A_107, %get3A_109 : vector<16xf32>
    %get3A_111 = arith.constant 1056 : index
    %get3A_112 = tpu.vector_load %arg8[%get3A_111] {strides = array<i32>} : memref<4096xf32, #tpu.memory_space<vmem>>, vector<16xf32>,
    %add3A_113 = arith.addf %add3A_110, %get3A_112 : vector<16xf32>
    %get3A_114 = arith.constant 1072 : index
    %get3A_115 = tpu.vector_load %arg8[%get3A_114] {strides = array<i32>} : memref<4096xf32, #tpu.memory_space<vmem>>, vector<16xf32>,
    %add3A_116 = arith.addf %add3A_113, %get3A_115 : vector<16xf32>
    %get3A_117 = arith.constant 1280 : index
    %get3A_118 = tpu.vector_load %arg8[%get3A_117] {strides = array<i32>} : memref<4096xf32, #tpu.memory_space<vmem>>, vector<16xf32>,
    %add3A_119 = arith.addf %add3A_116, %get3A_118 : vector<16xf32>
    %get3A_120 = arith.constant 1296 : index
    %get3A_121 = tpu.vector_load %arg8[%get3A_120] {strides = array<i32>} : memref<4096xf32, #tpu.memory_space<vmem>>, vector<16xf32>,
    %add3A_122 = arith.addf %add3A_119, %get3A_121 : vector<16xf32>
    %get3A_123 = arith.constant 1312 : index
    %get3A_124 = tpu.vector_load %arg8[%get3A_123] {strides = array<i32>} : memref<4096xf32, #tpu.memory_space<vmem>>, vector<16xf32>,
    %add3A_125 = arith.addf %add3A_122, %get3A_124 : vector<16xf32>
    %get3A_126 = arith.constant 1328 : index
    %get3A_127 = tpu.vector_load %arg8[%get3A_126] {strides = array<i32>} : memref<4096xf32, #tpu.memory_space<vmem>>, vector<16xf32>,
    %add3A_128 = arith.addf %add3A_125, %get3A_127 : vector<16xf32>
    %get3A_129 = arith.constant 1536 : index
    %get3A_130 = tpu.vector_load %arg8[%get3A_129] {strides = array<i32>} : memref<4096xf32, #tpu.memory_space<vmem>>, vector<16xf32>,
    %add3A_131 = arith.addf %add3A_128, %get3A_130 : vector<16xf32>
    %get3A_132 = arith.constant 1552 : index
    %get3A_133 = tpu.vector_load %arg8[%get3A_132] {strides = array<i32>} : memref<4096xf32, #tpu.memory_space<vmem>>, vector<16xf32>,
    %add3A_134 = arith.addf %add3A_131, %get3A_133 : vector<16xf32>
    %get3A_135 = arith.constant 1568 : index
    %get3A_136 = tpu.vector_load %arg8[%get3A_135] {strides = array<i32>} : memref<4096xf32, #tpu.memory_space<vmem>>, vector<16xf32>,
    %add3A_137 = arith.addf %add3A_134, %get3A_136 : vector<16xf32>
    %get3A_138 = arith.constant 1584 : index
    %get3A_139 = tpu.vector_load %arg8[%get3A_138] {strides = array<i32>} : memref<4096xf32, #tpu.memory_space<vmem>>, vector<16xf32>,
    %add3A_140 = arith.addf %add3A_137, %get3A_139 : vector<16xf32>
    %get3A_141 = arith.constant 1792 : index
    %get3A_142 = tpu.vector_load %arg8[%get3A_141] {strides = array<i32>} : memref<4096xf32, #tpu.memory_space<vmem>>, vector<16xf32>,
    %add3A_143 = arith.addf %add3A_140, %get3A_142 : vector<16xf32>
    %get3A_144 = arith.constant 1808 : index
    %get3A_145 = tpu.vector_load %arg8[%get3A_144] {strides = array<i32>} : memref<4096xf32, #tpu.memory_space<vmem>>, vector<16xf32>,
    %add3A_146 = arith.addf %add3A_143, %get3A_145 : vector<16xf32>
    %get3A_147 = arith.constant 1824 : index
    %get3A_148 = tpu.vector_load %arg8[%get3A_147] {strides = array<i32>} : memref<4096xf32, #tpu.memory_space<vmem>>, vector<16xf32>,
    %add3A_149 = arith.addf %add3A_146, %get3A_148 : vector<16xf32>
    %get3A_150 = arith.constant 1840 : index
    %get3A_151 = tpu.vector_load %arg8[%get3A_150] {strides = array<i32>} : memref<4096xf32, #tpu.memory_space<vmem>>, vector<16xf32>,
    %add3A_152 = arith.addf %add3A_149, %get3A_151 : vector<16xf32>
    %get3A_153 = arith.constant 2048 : index
    %get3A_154 = tpu.vector_load %arg8[%get3A_153] {strides = array<i32>} : memref<4096xf32, #tpu.memory_space<vmem>>, vector<16xf32>,
    %add3A_155 = arith.addf %add3A_152, %get3A_154 : vector<16xf32>
    %get3A_156 = arith.constant 2064 : index
    %get3A_157 = tpu.vector_load %arg8[%get3A_156] {strides = array<i32>} : memref<4096xf32, #tpu.memory_space<vmem>>, vector<16xf32>,
    %add3A_158 = arith.addf %add3A_155, %get3A_157 : vector<16xf32>
    %get3A_159 = arith.constant 2080 : index
    %get3A_160 = tpu.vector_load %arg8[%get3A_159] {strides = array<i32>} : memref<4096xf32, #tpu.memory_space<vmem>>, vector<16xf32>,
    %add3A_161 = arith.addf %add3A_158, %get3A_160 : vector<16xf32>
    %get3A_162 = arith.constant 2096 : index
    %get3A_163 = tpu.vector_load %arg8[%get3A_162] {strides = array<i32>} : memref<4096xf32, #tpu.memory_space<vmem>>, vector<16xf32>,
    %add3A_164 = arith.addf %add3A_161, %get3A_163 : vector<16xf32>
    %get3A_165 = arith.constant 2304 : index
    %get3A_166 = tpu.vector_load %arg8[%get3A_165] {strides = array<i32>} : memref<4096xf32, #tpu.memory_space<vmem>>, vector<16xf32>,
    %add3A_167 = arith.addf %add3A_164, %get3A_166 : vector<16xf32>
    %get3A_168 = arith.constant 2320 : index
    %get3A_169 = tpu.vector_load %arg8[%get3A_168] {strides = array<i32>} : memref<4096xf32, #tpu.memory_space<vmem>>, vector<16xf32>,
    %add3A_170 = arith.addf %add3A_167, %get3A_169 : vector<16xf32>
    %get3A_171 = arith.constant 2336 : index
    %get3A_172 = tpu.vector_load %arg8[%get3A_171] {strides = array<i32>} : memref<4096xf32, #tpu.memory_space<vmem>>, vector<16xf32>,
    %add3A_173 = arith.addf %add3A_170, %get3A_172 : vector<16xf32>
    %get3A_174 = arith.constant 2352 : index
    %get3A_175 = tpu.vector_load %arg8[%get3A_174] {strides = array<i32>} : memref<4096xf32, #tpu.memory_space<vmem>>, vector<16xf32>,
    %add3A_176 = arith.addf %add3A_173, %get3A_175 : vector<16xf32>
    %get3A_177 = arith.constant 2560 : index
    %get3A_178 = tpu.vector_load %arg8[%get3A_177] {strides = array<i32>} : memref<4096xf32, #tpu.memory_space<vmem>>, vector<16xf32>,
    %add3A_179 = arith.addf %add3A_176, %get3A_178 : vector<16xf32>
    %get3A_180 = arith.constant 2576 : index
    %get3A_181 = tpu.vector_load %arg8[%get3A_180] {strides = array<i32>} : memref<4096xf32, #tpu.memory_space<vmem>>, vector<16xf32>,
    %add3A_182 = arith.addf %add3A_179, %get3A_181 : vector<16xf32>
    %get3A_183 = arith.constant 2592 : index
    %get3A_184 = tpu.vector_load %arg8[%get3A_183] {strides = array<i32>} : memref<4096xf32, #tpu.memory_space<vmem>>, vector<16xf32>,
    %add3A_185 = arith.addf %add3A_182, %get3A_184 : vector<16xf32>
    %get3A_186 = arith.constant 2608 : index
    %get3A_187 = tpu.vector_load %arg8[%get3A_186] {strides = array<i32>} : memref<4096xf32, #tpu.memory_space<vmem>>, vector<16xf32>,
    %add3A_188 = arith.addf %add3A_185, %get3A_187 : vector<16xf32>
    %get3A_189 = arith.constant 2816 : index
    %get3A_190 = tpu.vector_load %arg8[%get3A_189] {strides = array<i32>} : memref<4096xf32, #tpu.memory_space<vmem>>, vector<16xf32>,
    %add3A_191 = arith.addf %add3A_188, %get3A_190 : vector<16xf32>
    %get3A_192 = arith.constant 2832 : index
    %get3A_193 = tpu.vector_load %arg8[%get3A_192] {strides = array<i32>} : memref<4096xf32, #tpu.memory_space<vmem>>, vector<16xf32>,
    %add3A_194 = arith.addf %add3A_191, %get3A_193 : vector<16xf32>
    %get3A_195 = arith.constant 2848 : index
    %get3A_196 = tpu.vector_load %arg8[%get3A_195] {strides = array<i32>} : memref<4096xf32, #tpu.memory_space<vmem>>, vector<16xf32>,
    %add3A_197 = arith.addf %add3A_194, %get3A_196 : vector<16xf32>
    %get3A_198 = arith.constant 2864 : index
    %get3A_199 = tpu.vector_load %arg8[%get3A_198] {strides = array<i32>} : memref<4096xf32, #tpu.memory_space<vmem>>, vector<16xf32>,
    %add3A_200 = arith.addf %add3A_197, %get3A_199 : vector<16xf32>
    %get3A_201 = arith.constant 3072 : index
    %get3A_202 = tpu.vector_load %arg8[%get3A_201] {strides = array<i32>} : memref<4096xf32, #tpu.memory_space<vmem>>, vector<16xf32>,
    %add3A_203 = arith.addf %add3A_200, %get3A_202 : vector<16xf32>
    %get3A_204 = arith.constant 3088 : index
    %get3A_205 = tpu.vector_load %arg8[%get3A_204] {strides = array<i32>} : memref<4096xf32, #tpu.memory_space<vmem>>, vector<16xf32>,
    %add3A_206 = arith.addf %add3A_203, %get3A_205 : vector<16xf32>
    %get3A_207 = arith.constant 3104 : index
    %get3A_208 = tpu.vector_load %arg8[%get3A_207] {strides = array<i32>} : memref<4096xf32, #tpu.memory_space<vmem>>, vector<16xf32>,
    %add3A_209 = arith.addf %add3A_206, %get3A_208 : vector<16xf32>
    %get3A_210 = arith.constant 3120 : index
    %get3A_211 = tpu.vector_load %arg8[%get3A_210] {strides = array<i32>} : memref<4096xf32, #tpu.memory_space<vmem>>, vector<16xf32>,
    %add3A_212 = arith.addf %add3A_209, %get3A_211 : vector<16xf32>
    %get3A_213 = arith.constant 3328 : index
    %get3A_214 = tpu.vector_load %arg8[%get3A_213] {strides = array<i32>} : memref<4096xf32, #tpu.memory_space<vmem>>, vector<16xf32>,
    %add3A_215 = arith.addf %add3A_212, %get3A_214 : vector<16xf32>
    %get3A_216 = arith.constant 3344 : index
    %get3A_217 = tpu.vector_load %arg8[%get3A_216] {strides = array<i32>} : memref<4096xf32, #tpu.memory_space<vmem>>, vector<16xf32>,
    %add3A_218 = arith.addf %add3A_215, %get3A_217 : vector<16xf32>
    %get3A_219 = arith.constant 3360 : index
    %get3A_220 = tpu.vector_load %arg8[%get3A_219] {strides = array<i32>} : memref<4096xf32, #tpu.memory_space<vmem>>, vector<16xf32>,
    %add3A_221 = arith.addf %add3A_218, %get3A_220 : vector<16xf32>
    %get3A_222 = arith.constant 3376 : index
    %get3A_223 = tpu.vector_load %arg8[%get3A_222] {strides = array<i32>} : memref<4096xf32, #tpu.memory_space<vmem>>, vector<16xf32>,
    %add3A_224 = arith.addf %add3A_221, %get3A_223 : vector<16xf32>
    %get3A_225 = arith.constant 3584 : index
    %get3A_226 = tpu.vector_load %arg8[%get3A_225] {strides = array<i32>} : memref<4096xf32, #tpu.memory_space<vmem>>, vector<16xf32>,
    %add3A_227 = arith.addf %add3A_224, %get3A_226 : vector<16xf32>
    %get3A_228 = arith.constant 3600 : index
    %get3A_229 = tpu.vector_load %arg8[%get3A_228] {strides = array<i32>} : memref<4096xf32, #tpu.memory_space<vmem>>, vector<16xf32>,
    %add3A_230 = arith.addf %add3A_227, %get3A_229 : vector<16xf32>
    %get3A_231 = arith.constant 3616 : index
    %get3A_232 = tpu.vector_load %arg8[%get3A_231] {strides = array<i32>} : memref<4096xf32, #tpu.memory_space<vmem>>, vector<16xf32>,
    %add3A_233 = arith.addf %add3A_230, %get3A_232 : vector<16xf32>
    %get3A_234 = arith.constant 3632 : index
    %get3A_235 = tpu.vector_load %arg8[%get3A_234] {strides = array<i32>} : memref<4096xf32, #tpu.memory_space<vmem>>, vector<16xf32>,
    %add3A_236 = arith.addf %add3A_233, %get3A_235 : vector<16xf32>
    %get3A_237 = arith.constant 3840 : index
    %get3A_238 = tpu.vector_load %arg8[%get3A_237] {strides = array<i32>} : memref<4096xf32, #tpu.memory_space<vmem>>, vector<16xf32>,
    %add3A_239 = arith.addf %add3A_236, %get3A_238 : vector<16xf32>
    %get3A_240 = arith.constant 3856 : index
    %get3A_241 = tpu.vector_load %arg8[%get3A_240] {strides = array<i32>} : memref<4096xf32, #tpu.memory_space<vmem>>, vector<16xf32>,
    %add3A_242 = arith.addf %add3A_239, %get3A_241 : vector<16xf32>
    %get3A_243 = arith.constant 3872 : index
    %get3A_244 = tpu.vector_load %arg8[%get3A_243] {strides = array<i32>} : memref<4096xf32, #tpu.memory_space<vmem>>, vector<16xf32>,
    %add3A_245 = arith.addf %add3A_242, %get3A_244 : vector<16xf32>
    %get3A_246 = arith.constant 3888 : index
    %get3A_247 = tpu.vector_load %arg8[%get3A_246] {strides = array<i32>} : memref<4096xf32, #tpu.memory_space<vmem>>, vector<16xf32>,
    %add3A_248 = arith.addf %add3A_245, %get3A_247 : vector<16xf32>
    %add3A_249 = arith.constant 8 : i32
    %add3A_250 = vector.broadcast %add3A_249 : i32 to vector<16xi32>
    %add3A_251 = arith.addi %iota3A, %add3A_250 : vector<16xi32>
    %and3A = arith.constant 15 : i32
    %and3A_252 = vector.broadcast %and3A : i32 to vector<16xi32>
    %and3A_253 = arith.andi %add3A_251, %and3A_252 : vector<16xi32>
    %broadcast_in_dim3A_254 = vector.shape_cast %and3A_253 : vector<16xi32> to vector<16x1xi32>
    %gather3A = vector.shape_cast %broadcast_in_dim3A_254 : vector<16x1xi32> to vector<16xi32>
    %gather3A_255 = tpu.dynamic_gather %add3A_248[%gather3A] in [0] : vector<16xf32>, vector<16xi32> -> vector<16xf32>
    %add3A_256 = arith.addf %add3A_248, %gather3A_255 : vector<16xf32>
    %add3A_257 = arith.constant 4 : i32
    %add3A_258 = vector.broadcast %add3A_257 : i32 to vector<16xi32>
    %add3A_259 = arith.addi %iota3A, %add3A_258 : vector<16xi32>
    %and3A_260 = arith.constant 15 : i32
    %and3A_261 = vector.broadcast %and3A_260 : i32 to vector<16xi32>
    %and3A_262 = arith.andi %add3A_259, %and3A_261 : vector<16xi32>
    %broadcast_in_dim3A_263 = vector.shape_cast %and3A_262 : vector<16xi32> to vector<16x1xi32>
    %gather3A_264 = vector.shape_cast %broadcast_in_dim3A_263 : vector<16x1xi32> to vector<16xi32>
    %gather3A_265 = tpu.dynamic_gather %add3A_256[%gather3A_264] in [0] : vector<16xf32>, vector<16xi32> -> vector<16xf32>
    %add3A_266 = arith.addf %add3A_256, %gather3A_265 : vector<16xf32>
    %add3A_267 = arith.constant 2 : i32
    %add3A_268 = vector.broadcast %add3A_267 : i32 to vector<16xi32>
    %add3A_269 = arith.addi %iota3A, %add3A_268 : vector<16xi32>
    %and3A_270 = arith.constant 15 : i32
    %and3A_271 = vector.broadcast %and3A_270 : i32 to vector<16xi32>
    %and3A_272 = arith.andi %add3A_269, %and3A_271 : vector<16xi32>
    %broadcast_in_dim3A_273 = vector.shape_cast %and3A_272 : vector<16xi32> to vector<16x1xi32>
    %gather3A_274 = vector.shape_cast %broadcast_in_dim3A_273 : vector<16x1xi32> to vector<16xi32>
    %gather3A_275 = tpu.dynamic_gather %add3A_266[%gather3A_274] in [0] : vector<16xf32>, vector<16xi32> -> vector<16xf32>
    %add3A_276 = arith.addf %add3A_266, %gather3A_275 : vector<16xf32>
    %add3A_277 = arith.constant 1 : i32
    %add3A_278 = vector.broadcast %add3A_277 : i32 to vector<16xi32>
    %add3A_279 = arith.addi %iota3A, %add3A_278 : vector<16xi32>
    %and3A_280 = arith.constant 15 : i32
    %and3A_281 = vector.broadcast %and3A_280 : i32 to vector<16xi32>
    %and3A_282 = arith.andi %add3A_279, %and3A_281 : vector<16xi32>
    %broadcast_in_dim3A_283 = vector.shape_cast %and3A_282 : vector<16xi32> to vector<16x1xi32>
    %gather3A_284 = vector.shape_cast %broadcast_in_dim3A_283 : vector<16x1xi32> to vector<16xi32>
    %gather3A_285 = tpu.dynamic_gather %add3A_276[%gather3A_284] in [0] : vector<16xf32>, vector<16xi32> -> vector<16xf32>
    %add3A_286 = arith.addf %add3A_276, %gather3A_285 : vector<16xf32>
    %eq3A = arith.constant 0 : i32
    %eq3A_287 = vector.broadcast %eq3A : i32 to vector<16xi32>
    %eq3A_288 = arith.cmpi eq, %iota3A, %eq3A_287 : vector<16xi32>
    %select_n3A = arith.select %eq3A_288, %add3A_286, %broadcast_in_dim3A_1 : vector<16xi1>, vector<16xf32>
    %add3A_289 = arith.addf %broadcast_in_dim3A_1, %add3A_286 : vector<16xf32>
    %get3A_290 = arith.constant 64 : index
    %get3A_291 = tpu.vector_load %arg8[%get3A_290] {strides = array<i32>} : memref<4096xf32, #tpu.memory_space<vmem>>, vector<16xf32>,
    %add3A_292 = arith.addf %broadcast_in_dim3A_1, %get3A_291 : vector<16xf32>
    %get3A_293 = arith.constant 80 : index
    %get3A_294 = tpu.vector_load %arg8[%get3A_293] {strides = array<i32>} : memref<4096xf32, #tpu.memory_space<vmem>>, vector<16xf32>,
    %add3A_295 = arith.addf %add3A_292, %get3A_294 : vector<16xf32>
    %get3A_296 = arith.constant 96 : index
    %get3A_297 = tpu.vector_load %arg8[%get3A_296] {strides = array<i32>} : memref<4096xf32, #tpu.memory_space<vmem>>, vector<16xf32>,
    %add3A_298 = arith.addf %add3A_295, %get3A_297 : vector<16xf32>
    %get3A_299 = arith.constant 112 : index
    %get3A_300 = tpu.vector_load %arg8[%get3A_299] {strides = array<i32>} : memref<4096xf32, #tpu.memory_space<vmem>>, vector<16xf32>,
    %add3A_301 = arith.addf %add3A_298, %get3A_300 : vector<16xf32>
    %get3A_302 = arith.constant 320 : index
    %get3A_303 = tpu.vector_load %arg8[%get3A_302] {strides = array<i32>} : memref<4096xf32, #tpu.memory_space<vmem>>, vector<16xf32>,
    %add3A_304 = arith.addf %add3A_301, %get3A_303 : vector<16xf32>
    %get3A_305 = arith.constant 336 : index
    %get3A_306 = tpu.vector_load %arg8[%get3A_305] {strides = array<i32>} : memref<4096xf32, #tpu.memory_space<vmem>>, vector<16xf32>,
    %add3A_307 = arith.addf %add3A_304, %get3A_306 : vector<16xf32>
    %get3A_308 = arith.constant 352 : index
    %get3A_309 = tpu.vector_load %arg8[%get3A_308] {strides = array<i32>} : memref<4096xf32, #tpu.memory_space<vmem>>, vector<16xf32>,
    %add3A_310 = arith.addf %add3A_307, %get3A_309 : vector<16xf32>
    %get3A_311 = arith.constant 368 : index
    %get3A_312 = tpu.vector_load %arg8[%get3A_311] {strides = array<i32>} : memref<4096xf32, #tpu.memory_space<vmem>>, vector<16xf32>,
    %add3A_313 = arith.addf %add3A_310, %get3A_312 : vector<16xf32>
    %get3A_314 = arith.constant 576 : index
    %get3A_315 = tpu.vector_load %arg8[%get3A_314] {strides = array<i32>} : memref<4096xf32, #tpu.memory_space<vmem>>, vector<16xf32>,
    %add3A_316 = arith.addf %add3A_313, %get3A_315 : vector<16xf32>
    %get3A_317 = arith.constant 592 : index
    %get3A_318 = tpu.vector_load %arg8[%get3A_317] {strides = array<i32>} : memref<4096xf32, #tpu.memory_space<vmem>>, vector<16xf32>,
    %add3A_319 = arith.addf %add3A_316, %get3A_318 : vector<16xf32>
    %get3A_320 = arith.constant 608 : index
    %get3A_321 = tpu.vector_load %arg8[%get3A_320] {strides = array<i32>} : memref<4096xf32, #tpu.memory_space<vmem>>, vector<16xf32>,
    %add3A_322 = arith.addf %add3A_319, %get3A_321 : vector<16xf32>
    %get3A_323 = arith.constant 624 : index
    %get3A_324 = tpu.vector_load %arg8[%get3A_323] {strides = array<i32>} : memref<4096xf32, #tpu.memory_space<vmem>>, vector<16xf32>,
    %add3A_325 = arith.addf %add3A_322, %get3A_324 : vector<16xf32>
    %get3A_326 = arith.constant 832 : index
    %get3A_327 = tpu.vector_load %arg8[%get3A_326] {strides = array<i32>} : memref<4096xf32, #tpu.memory_space<vmem>>, vector<16xf32>,
    %add3A_328 = arith.addf %add3A_325, %get3A_327 : vector<16xf32>
    %get3A_329 = arith.constant 848 : index
    %get3A_330 = tpu.vector_load %arg8[%get3A_329] {strides = array<i32>} : memref<4096xf32, #tpu.memory_space<vmem>>, vector<16xf32>,
    %add3A_331 = arith.addf %add3A_328, %get3A_330 : vector<16xf32>
    %get3A_332 = arith.constant 864 : index
    %get3A_333 = tpu.vector_load %arg8[%get3A_332] {strides = array<i32>} : memref<4096xf32, #tpu.memory_space<vmem>>, vector<16xf32>,
    %add3A_334 = arith.addf %add3A_331, %get3A_333 : vector<16xf32>
    %get3A_335 = arith.constant 880 : index
    %get3A_336 = tpu.vector_load %arg8[%get3A_335] {strides = array<i32>} : memref<4096xf32, #tpu.memory_space<vmem>>, vector<16xf32>,
    %add3A_337 = arith.addf %add3A_334, %get3A_336 : vector<16xf32>
    %get3A_338 = arith.constant 1088 : index
    %get3A_339 = tpu.vector_load %arg8[%get3A_338] {strides = array<i32>} : memref<4096xf32, #tpu.memory_space<vmem>>, vector<16xf32>,
    %add3A_340 = arith.addf %add3A_337, %get3A_339 : vector<16xf32>
    %get3A_341 = arith.constant 1104 : index
    %get3A_342 = tpu.vector_load %arg8[%get3A_341] {strides = array<i32>} : memref<4096xf32, #tpu.memory_space<vmem>>, vector<16xf32>,
    %add3A_343 = arith.addf %add3A_340, %get3A_342 : vector<16xf32>
    %get3A_344 = arith.constant 1120 : index
    %get3A_345 = tpu.vector_load %arg8[%get3A_344] {strides = array<i32>} : memref<4096xf32, #tpu.memory_space<vmem>>, vector<16xf32>,
    %add3A_346 = arith.addf %add3A_343, %get3A_345 : vector<16xf32>
    %get3A_347 = arith.constant 1136 : index
    %get3A_348 = tpu.vector_load %arg8[%get3A_347] {strides = array<i32>} : memref<4096xf32, #tpu.memory_space<vmem>>, vector<16xf32>,
    %add3A_349 = arith.addf %add3A_346, %get3A_348 : vector<16xf32>
    %get3A_350 = arith.constant 1344 : index
    %get3A_351 = tpu.vector_load %arg8[%get3A_350] {strides = array<i32>} : memref<4096xf32, #tpu.memory_space<vmem>>, vector<16xf32>,
    %add3A_352 = arith.addf %add3A_349, %get3A_351 : vector<16xf32>
    %get3A_353 = arith.constant 1360 : index
    %get3A_354 = tpu.vector_load %arg8[%get3A_353] {strides = array<i32>} : memref<4096xf32, #tpu.memory_space<vmem>>, vector<16xf32>,
    %add3A_355 = arith.addf %add3A_352, %get3A_354 : vector<16xf32>
    %get3A_356 = arith.constant 1376 : index
    %get3A_357 = tpu.vector_load %arg8[%get3A_356] {strides = array<i32>} : memref<4096xf32, #tpu.memory_space<vmem>>, vector<16xf32>,
    %add3A_358 = arith.addf %add3A_355, %get3A_357 : vector<16xf32>
    %get3A_359 = arith.constant 1392 : index
    %get3A_360 = tpu.vector_load %arg8[%get3A_359] {strides = array<i32>} : memref<4096xf32, #tpu.memory_space<vmem>>, vector<16xf32>,
    %add3A_361 = arith.addf %add3A_358, %get3A_360 : vector<16xf32>
    %get3A_362 = arith.constant 1600 : index
    %get3A_363 = tpu.vector_load %arg8[%get3A_362] {strides = array<i32>} : memref<4096xf32, #tpu.memory_space<vmem>>, vector<16xf32>,
    %add3A_364 = arith.addf %add3A_361, %get3A_363 : vector<16xf32>
    %get3A_365 = arith.constant 1616 : index
    %get3A_366 = tpu.vector_load %arg8[%get3A_365] {strides = array<i32>} : memref<4096xf32, #tpu.memory_space<vmem>>, vector<16xf32>,
    %add3A_367 = arith.addf %add3A_364, %get3A_366 : vector<16xf32>
    %get3A_368 = arith.constant 1632 : index
    %get3A_369 = tpu.vector_load %arg8[%get3A_368] {strides = array<i32>} : memref<4096xf32, #tpu.memory_space<vmem>>, vector<16xf32>,
    %add3A_370 = arith.addf %add3A_367, %get3A_369 : vector<16xf32>
    %get3A_371 = arith.constant 1648 : index
    %get3A_372 = tpu.vector_load %arg8[%get3A_371] {strides = array<i32>} : memref<4096xf32, #tpu.memory_space<vmem>>, vector<16xf32>,
    %add3A_373 = arith.addf %add3A_370, %get3A_372 : vector<16xf32>
    %get3A_374 = arith.constant 1856 : index
    %get3A_375 = tpu.vector_load %arg8[%get3A_374] {strides = array<i32>} : memref<4096xf32, #tpu.memory_space<vmem>>, vector<16xf32>,
    %add3A_376 = arith.addf %add3A_373, %get3A_375 : vector<16xf32>
    %get3A_377 = arith.constant 1872 : index
    %get3A_378 = tpu.vector_load %arg8[%get3A_377] {strides = array<i32>} : memref<4096xf32, #tpu.memory_space<vmem>>, vector<16xf32>,
    %add3A_379 = arith.addf %add3A_376, %get3A_378 : vector<16xf32>
    %get3A_380 = arith.constant 1888 : index
    %get3A_381 = tpu.vector_load %arg8[%get3A_380] {strides = array<i32>} : memref<4096xf32, #tpu.memory_space<vmem>>, vector<16xf32>,
    %add3A_382 = arith.addf %add3A_379, %get3A_381 : vector<16xf32>
    %get3A_383 = arith.constant 1904 : index
    %get3A_384 = tpu.vector_load %arg8[%get3A_383] {strides = array<i32>} : memref<4096xf32, #tpu.memory_space<vmem>>, vector<16xf32>,
    %add3A_385 = arith.addf %add3A_382, %get3A_384 : vector<16xf32>
    %get3A_386 = arith.constant 2112 : index
    %get3A_387 = tpu.vector_load %arg8[%get3A_386] {strides = array<i32>} : memref<4096xf32, #tpu.memory_space<vmem>>, vector<16xf32>,
    %add3A_388 = arith.addf %add3A_385, %get3A_387 : vector<16xf32>
    %get3A_389 = arith.constant 2128 : index
    %get3A_390 = tpu.vector_load %arg8[%get3A_389] {strides = array<i32>} : memref<4096xf32, #tpu.memory_space<vmem>>, vector<16xf32>,
    %add3A_391 = arith.addf %add3A_388, %get3A_390 : vector<16xf32>
    %get3A_392 = arith.constant 2144 : index
    %get3A_393 = tpu.vector_load %arg8[%get3A_392] {strides = array<i32>} : memref<4096xf32, #tpu.memory_space<vmem>>, vector<16xf32>,
    %add3A_394 = arith.addf %add3A_391, %get3A_393 : vector<16xf32>
    %get3A_395 = arith.constant 2160 : index
    %get3A_396 = tpu.vector_load %arg8[%get3A_395] {strides = array<i32>} : memref<4096xf32, #tpu.memory_space<vmem>>, vector<16xf32>,
    %add3A_397 = arith.addf %add3A_394, %get3A_396 : vector<16xf32>
    %get3A_398 = arith.constant 2368 : index
    %get3A_399 = tpu.vector_load %arg8[%get3A_398] {strides = array<i32>} : memref<4096xf32, #tpu.memory_space<vmem>>, vector<16xf32>,
    %add3A_400 = arith.addf %add3A_397, %get3A_399 : vector<16xf32>
    %get3A_401 = arith.constant 2384 : index
    %get3A_402 = tpu.vector_load %arg8[%get3A_401] {strides = array<i32>} : memref<4096xf32, #tpu.memory_space<vmem>>, vector<16xf32>,
    %add3A_403 = arith.addf %add3A_400, %get3A_402 : vector<16xf32>
    %get3A_404 = arith.constant 2400 : index
    %get3A_405 = tpu.vector_load %arg8[%get3A_404] {strides = array<i32>} : memref<4096xf32, #tpu.memory_space<vmem>>, vector<16xf32>,
    %add3A_406 = arith.addf %add3A_403, %get3A_405 : vector<16xf32>
    %get3A_407 = arith.constant 2416 : index
    %get3A_408 = tpu.vector_load %arg8[%get3A_407] {strides = array<i32>} : memref<4096xf32, #tpu.memory_space<vmem>>, vector<16xf32>,
    %add3A_409 = arith.addf %add3A_406, %get3A_408 : vector<16xf32>
    %get3A_410 = arith.constant 2624 : index
    %get3A_411 = tpu.vector_load %arg8[%get3A_410] {strides = array<i32>} : memref<4096xf32, #tpu.memory_space<vmem>>, vector<16xf32>,
    %add3A_412 = arith.addf %add3A_409, %get3A_411 : vector<16xf32>
    %get3A_413 = arith.constant 2640 : index
    %get3A_414 = tpu.vector_load %arg8[%get3A_413] {strides = array<i32>} : memref<4096xf32, #tpu.memory_space<vmem>>, vector<16xf32>,
    %add3A_415 = arith.addf %add3A_412, %get3A_414 : vector<16xf32>
    %get3A_416 = arith.constant 2656 : index
    %get3A_417 = tpu.vector_load %arg8[%get3A_416] {strides = array<i32>} : memref<4096xf32, #tpu.memory_space<vmem>>, vector<16xf32>,
    %add3A_418 = arith.addf %add3A_415, %get3A_417 : vector<16xf32>
    %get3A_419 = arith.constant 2672 : index
    %get3A_420 = tpu.vector_load %arg8[%get3A_419] {strides = array<i32>} : memref<4096xf32, #tpu.memory_space<vmem>>, vector<16xf32>,
    %add3A_421 = arith.addf %add3A_418, %get3A_420 : vector<16xf32>
    %get3A_422 = arith.constant 2880 : index
    %get3A_423 = tpu.vector_load %arg8[%get3A_422] {strides = array<i32>} : memref<4096xf32, #tpu.memory_space<vmem>>, vector<16xf32>,
    %add3A_424 = arith.addf %add3A_421, %get3A_423 : vector<16xf32>
    %get3A_425 = arith.constant 2896 : index
    %get3A_426 = tpu.vector_load %arg8[%get3A_425] {strides = array<i32>} : memref<4096xf32, #tpu.memory_space<vmem>>, vector<16xf32>,
    %add3A_427 = arith.addf %add3A_424, %get3A_426 : vector<16xf32>
    %get3A_428 = arith.constant 2912 : index
    %get3A_429 = tpu.vector_load %arg8[%get3A_428] {strides = array<i32>} : memref<4096xf32, #tpu.memory_space<vmem>>, vector<16xf32>,
    %add3A_430 = arith.addf %add3A_427, %get3A_429 : vector<16xf32>
    %get3A_431 = arith.constant 2928 : index
    %get3A_432 = tpu.vector_load %arg8[%get3A_431] {strides = array<i32>} : memref<4096xf32, #tpu.memory_space<vmem>>, vector<16xf32>,
    %add3A_433 = arith.addf %add3A_430, %get3A_432 : vector<16xf32>
    %get3A_434 = arith.constant 3136 : index
    %get3A_435 = tpu.vector_load %arg8[%get3A_434] {strides = array<i32>} : memref<4096xf32, #tpu.memory_space<vmem>>, vector<16xf32>,
    %add3A_436 = arith.addf %add3A_433, %get3A_435 : vector<16xf32>
    %get3A_437 = arith.constant 3152 : index
    %get3A_438 = tpu.vector_load %arg8[%get3A_437] {strides = array<i32>} : memref<4096xf32, #tpu.memory_space<vmem>>, vector<16xf32>,
    %add3A_439 = arith.addf %add3A_436, %get3A_438 : vector<16xf32>
    %get3A_440 = arith.constant 3168 : index
    %get3A_441 = tpu.vector_load %arg8[%get3A_440] {strides = array<i32>} : memref<4096xf32, #tpu.memory_space<vmem>>, vector<16xf32>,
    %add3A_442 = arith.addf %add3A_439, %get3A_441 : vector<16xf32>
    %get3A_443 = arith.constant 3184 : index
    %get3A_444 = tpu.vector_load %arg8[%get3A_443] {strides = array<i32>} : memref<4096xf32, #tpu.memory_space<vmem>>, vector<16xf32>,
    %add3A_445 = arith.addf %add3A_442, %get3A_444 : vector<16xf32>
    %get3A_446 = arith.constant 3392 : index
    %get3A_447 = tpu.vector_load %arg8[%get3A_446] {strides = array<i32>} : memref<4096xf32, #tpu.memory_space<vmem>>, vector<16xf32>,
    %add3A_448 = arith.addf %add3A_445, %get3A_447 : vector<16xf32>
    %get3A_449 = arith.constant 3408 : index
    %get3A_450 = tpu.vector_load %arg8[%get3A_449] {strides = array<i32>} : memref<4096xf32, #tpu.memory_space<vmem>>, vector<16xf32>,
    %add3A_451 = arith.addf %add3A_448, %get3A_450 : vector<16xf32>
    %get3A_452 = arith.constant 3424 : index
    %get3A_453 = tpu.vector_load %arg8[%get3A_452] {strides = array<i32>} : memref<4096xf32, #tpu.memory_space<vmem>>, vector<16xf32>,
    %add3A_454 = arith.addf %add3A_451, %get3A_453 : vector<16xf32>
    %get3A_455 = arith.constant 3440 : index
    %get3A_456 = tpu.vector_load %arg8[%get3A_455] {strides = array<i32>} : memref<4096xf32, #tpu.memory_space<vmem>>, vector<16xf32>,
    %add3A_457 = arith.addf %add3A_454, %get3A_456 : vector<16xf32>
    %get3A_458 = arith.constant 3648 : index
    %get3A_459 = tpu.vector_load %arg8[%get3A_458] {strides = array<i32>} : memref<4096xf32, #tpu.memory_space<vmem>>, vector<16xf32>,
    %add3A_460 = arith.addf %add3A_457, %get3A_459 : vector<16xf32>
    %get3A_461 = arith.constant 3664 : index
    %get3A_462 = tpu.vector_load %arg8[%get3A_461] {strides = array<i32>} : memref<4096xf32, #tpu.memory_space<vmem>>, vector<16xf32>,
    %add3A_463 = arith.addf %add3A_460, %get3A_462 : vector<16xf32>
    %get3A_464 = arith.constant 3680 : index
    %get3A_465 = tpu.vector_load %arg8[%get3A_464] {strides = array<i32>} : memref<4096xf32, #tpu.memory_space<vmem>>, vector<16xf32>,
    %add3A_466 = arith.addf %add3A_463, %get3A_465 : vector<16xf32>
    %get3A_467 = arith.constant 3696 : index
    %get3A_468 = tpu.vector_load %arg8[%get3A_467] {strides = array<i32>} : memref<4096xf32, #tpu.memory_space<vmem>>, vector<16xf32>,
    %add3A_469 = arith.addf %add3A_466, %get3A_468 : vector<16xf32>
    %get3A_470 = arith.constant 3904 : index
    %get3A_471 = tpu.vector_load %arg8[%get3A_470] {strides = array<i32>} : memref<4096xf32, #tpu.memory_space<vmem>>, vector<16xf32>,
    %add3A_472 = arith.addf %add3A_469, %get3A_471 : vector<16xf32>
    %get3A_473 = arith.constant 3920 : index
    %get3A_474 = tpu.vector_load %arg8[%get3A_473] {strides = array<i32>} : memref<4096xf32, #tpu.memory_space<vmem>>, vector<16xf32>,
    %add3A_475 = arith.addf %add3A_472, %get3A_474 : vector<16xf32>
    %get3A_476 = arith.constant 3936 : index
    %get3A_477 = tpu.vector_load %arg8[%get3A_476] {strides = array<i32>} : memref<4096xf32, #tpu.memory_space<vmem>>, vector<16xf32>,
    %add3A_478 = arith.addf %add3A_475, %get3A_477 : vector<16xf32>
    %get3A_479 = arith.constant 3952 : index
    %get3A_480 = tpu.vector_load %arg8[%get3A_479] {strides = array<i32>} : memref<4096xf32, #tpu.memory_space<vmem>>, vector<16xf32>,
    %add3A_481 = arith.addf %add3A_478, %get3A_480 : vector<16xf32>
    %add3A_482 = arith.constant 8 : i32
    %add3A_483 = vector.broadcast %add3A_482 : i32 to vector<16xi32>
    %add3A_484 = arith.addi %iota3A, %add3A_483 : vector<16xi32>
    %and3A_485 = arith.constant 15 : i32
    %and3A_486 = vector.broadcast %and3A_485 : i32 to vector<16xi32>
    %and3A_487 = arith.andi %add3A_484, %and3A_486 : vector<16xi32>
    %broadcast_in_dim3A_488 = vector.shape_cast %and3A_487 : vector<16xi32> to vector<16x1xi32>
    %gather3A_489 = vector.shape_cast %broadcast_in_dim3A_488 : vector<16x1xi32> to vector<16xi32>
    %gather3A_490 = tpu.dynamic_gather %add3A_481[%gather3A_489] in [0] : vector<16xf32>, vector<16xi32> -> vector<16xf32>
    %add3A_491 = arith.addf %add3A_481, %gather3A_490 : vector<16xf32>
    %add3A_492 = arith.constant 4 : i32
    %add3A_493 = vector.broadcast %add3A_492 : i32 to vector<16xi32>
    %add3A_494 = arith.addi %iota3A, %add3A_493 : vector<16xi32>
    %and3A_495 = arith.constant 15 : i32
    %and3A_496 = vector.broadcast %and3A_495 : i32 to vector<16xi32>
    %and3A_497 = arith.andi %add3A_494, %and3A_496 : vector<16xi32>
    %broadcast_in_dim3A_498 = vector.shape_cast %and3A_497 : vector<16xi32> to vector<16x1xi32>
    %gather3A_499 = vector.shape_cast %broadcast_in_dim3A_498 : vector<16x1xi32> to vector<16xi32>
    %gather3A_500 = tpu.dynamic_gather %add3A_491[%gather3A_499] in [0] : vector<16xf32>, vector<16xi32> -> vector<16xf32>
    %add3A_501 = arith.addf %add3A_491, %gather3A_500 : vector<16xf32>
    %add3A_502 = arith.constant 2 : i32
    %add3A_503 = vector.broadcast %add3A_502 : i32 to vector<16xi32>
    %add3A_504 = arith.addi %iota3A, %add3A_503 : vector<16xi32>
    %and3A_505 = arith.constant 15 : i32
    %and3A_506 = vector.broadcast %and3A_505 : i32 to vector<16xi32>
    %and3A_507 = arith.andi %add3A_504, %and3A_506 : vector<16xi32>
    %broadcast_in_dim3A_508 = vector.shape_cast %and3A_507 : vector<16xi32> to vector<16x1xi32>
    %gather3A_509 = vector.shape_cast %broadcast_in_dim3A_508 : vector<16x1xi32> to vector<16xi32>
    %gather3A_510 = tpu.dynamic_gather %add3A_501[%gather3A_509] in [0] : vector<16xf32>, vector<16xi32> -> vector<16xf32>
    %add3A_511 = arith.addf %add3A_501, %gather3A_510 : vector<16xf32>
    %add3A_512 = arith.constant 1 : i32
    %add3A_513 = vector.broadcast %add3A_512 : i32 to vector<16xi32>
    %add3A_514 = arith.addi %iota3A, %add3A_513 : vector<16xi32>
    %and3A_515 = arith.constant 15 : i32
    %and3A_516 = vector.broadcast %and3A_515 : i32 to vector<16xi32>
    %and3A_517 = arith.andi %add3A_514, %and3A_516 : vector<16xi32>
    %broadcast_in_dim3A_518 = vector.shape_cast %and3A_517 : vector<16xi32> to vector<16x1xi32>
    %gather3A_519 = vector.shape_cast %broadcast_in_dim3A_518 : vector<16x1xi32> to vector<16xi32>
    %gather3A_520 = tpu.dynamic_gather %add3A_511[%gather3A_519] in [0] : vector<16xf32>, vector<16xi32> -> vector<16xf32>
    %add3A_521 = arith.addf %add3A_511, %gather3A_520 : vector<16xf32>
    %eq3A_522 = arith.constant 1 : i32
    %eq3A_523 = vector.broadcast %eq3A_522 : i32 to vector<16xi32>
    %eq3A_524 = arith.cmpi eq, %iota3A, %eq3A_523 : vector<16xi32>
    %select_n3A_525 = arith.select %eq3A_524, %add3A_521, %select_n3A : vector<16xi1>, vector<16xf32>
    %add3A_526 = arith.addf %add3A_289, %add3A_521 : vector<16xf32>
    %get3A_527 = arith.constant 128 : index
    %get3A_528 = tpu.vector_load %arg8[%get3A_527] {strides = array<i32>} : memref<4096xf32, #tpu.memory_space<vmem>>, vector<16xf32>,
    %add3A_529 = arith.addf %broadcast_in_dim3A_1, %get3A_528 : vector<16xf32>
    %get3A_530 = arith.constant 144 : index
    %get3A_531 = tpu.vector_load %arg8[%get3A_530] {strides = array<i32>} : memref<4096xf32, #tpu.memory_space<vmem>>, vector<16xf32>,
    %add3A_532 = arith.addf %add3A_529, %get3A_531 : vector<16xf32>
    %get3A_533 = arith.constant 160 : index
    %get3A_534 = tpu.vector_load %arg8[%get3A_533] {strides = array<i32>} : memref<4096xf32, #tpu.memory_space<vmem>>, vector<16xf32>,
    %add3A_535 = arith.addf %add3A_532, %get3A_534 : vector<16xf32>
    %get3A_536 = arith.constant 176 : index
    %get3A_537 = tpu.vector_load %arg8[%get3A_536] {strides = array<i32>} : memref<4096xf32, #tpu.memory_space<vmem>>, vector<16xf32>,
    %add3A_538 = arith.addf %add3A_535, %get3A_537 : vector<16xf32>
    %get3A_539 = arith.constant 384 : index
    %get3A_540 = tpu.vector_load %arg8[%get3A_539] {strides = array<i32>} : memref<4096xf32, #tpu.memory_space<vmem>>, vector<16xf32>,
    %add3A_541 = arith.addf %add3A_538, %get3A_540 : vector<16xf32>
    %get3A_542 = arith.constant 400 : index
    %get3A_543 = tpu.vector_load %arg8[%get3A_542] {strides = array<i32>} : memref<4096xf32, #tpu.memory_space<vmem>>, vector<16xf32>,
    %add3A_544 = arith.addf %add3A_541, %get3A_543 : vector<16xf32>
    %get3A_545 = arith.constant 416 : index
    %get3A_546 = tpu.vector_load %arg8[%get3A_545] {strides = array<i32>} : memref<4096xf32, #tpu.memory_space<vmem>>, vector<16xf32>,
    %add3A_547 = arith.addf %add3A_544, %get3A_546 : vector<16xf32>
    %get3A_548 = arith.constant 432 : index
    %get3A_549 = tpu.vector_load %arg8[%get3A_548] {strides = array<i32>} : memref<4096xf32, #tpu.memory_space<vmem>>, vector<16xf32>,
    %add3A_550 = arith.addf %add3A_547, %get3A_549 : vector<16xf32>
    %get3A_551 = arith.constant 640 : index
    %get3A_552 = tpu.vector_load %arg8[%get3A_551] {strides = array<i32>} : memref<4096xf32, #tpu.memory_space<vmem>>, vector<16xf32>,
    %add3A_553 = arith.addf %add3A_550, %get3A_552 : vector<16xf32>
    %get3A_554 = arith.constant 656 : index
    %get3A_555 = tpu.vector_load %arg8[%get3A_554] {strides = array<i32>} : memref<4096xf32, #tpu.memory_space<vmem>>, vector<16xf32>,
    %add3A_556 = arith.addf %add3A_553, %get3A_555 : vector<16xf32>
    %get3A_557 = arith.constant 672 : index
    %get3A_558 = tpu.vector_load %arg8[%get3A_557] {strides = array<i32>} : memref<4096xf32, #tpu.memory_space<vmem>>, vector<16xf32>,
    %add3A_559 = arith.addf %add3A_556, %get3A_558 : vector<16xf32>
    %get3A_560 = arith.constant 688 : index
    %get3A_561 = tpu.vector_load %arg8[%get3A_560] {strides = array<i32>} : memref<4096xf32, #tpu.memory_space<vmem>>, vector<16xf32>,
    %add3A_562 = arith.addf %add3A_559, %get3A_561 : vector<16xf32>
    %get3A_563 = arith.constant 896 : index
    %get3A_564 = tpu.vector_load %arg8[%get3A_563] {strides = array<i32>} : memref<4096xf32, #tpu.memory_space<vmem>>, vector<16xf32>,
    %add3A_565 = arith.addf %add3A_562, %get3A_564 : vector<16xf32>
    %get3A_566 = arith.constant 912 : index
    %get3A_567 = tpu.vector_load %arg8[%get3A_566] {strides = array<i32>} : memref<4096xf32, #tpu.memory_space<vmem>>, vector<16xf32>,
    %add3A_568 = arith.addf %add3A_565, %get3A_567 : vector<16xf32>
    %get3A_569 = arith.constant 928 : index
    %get3A_570 = tpu.vector_load %arg8[%get3A_569] {strides = array<i32>} : memref<4096xf32, #tpu.memory_space<vmem>>, vector<16xf32>,
    %add3A_571 = arith.addf %add3A_568, %get3A_570 : vector<16xf32>
    %get3A_572 = arith.constant 944 : index
    %get3A_573 = tpu.vector_load %arg8[%get3A_572] {strides = array<i32>} : memref<4096xf32, #tpu.memory_space<vmem>>, vector<16xf32>,
    %add3A_574 = arith.addf %add3A_571, %get3A_573 : vector<16xf32>
    %get3A_575 = arith.constant 1152 : index
    %get3A_576 = tpu.vector_load %arg8[%get3A_575] {strides = array<i32>} : memref<4096xf32, #tpu.memory_space<vmem>>, vector<16xf32>,
    %add3A_577 = arith.addf %add3A_574, %get3A_576 : vector<16xf32>
    %get3A_578 = arith.constant 1168 : index
    %get3A_579 = tpu.vector_load %arg8[%get3A_578] {strides = array<i32>} : memref<4096xf32, #tpu.memory_space<vmem>>, vector<16xf32>,
    %add3A_580 = arith.addf %add3A_577, %get3A_579 : vector<16xf32>
    %get3A_581 = arith.constant 1184 : index
    %get3A_582 = tpu.vector_load %arg8[%get3A_581] {strides = array<i32>} : memref<4096xf32, #tpu.memory_space<vmem>>, vector<16xf32>,
    %add3A_583 = arith.addf %add3A_580, %get3A_582 : vector<16xf32>
    %get3A_584 = arith.constant 1200 : index
    %get3A_585 = tpu.vector_load %arg8[%get3A_584] {strides = array<i32>} : memref<4096xf32, #tpu.memory_space<vmem>>, vector<16xf32>,
    %add3A_586 = arith.addf %add3A_583, %get3A_585 : vector<16xf32>
    %get3A_587 = arith.constant 1408 : index
    %get3A_588 = tpu.vector_load %arg8[%get3A_587] {strides = array<i32>} : memref<4096xf32, #tpu.memory_space<vmem>>, vector<16xf32>,
    %add3A_589 = arith.addf %add3A_586, %get3A_588 : vector<16xf32>
    %get3A_590 = arith.constant 1424 : index
    %get3A_591 = tpu.vector_load %arg8[%get3A_590] {strides = array<i32>} : memref<4096xf32, #tpu.memory_space<vmem>>, vector<16xf32>,
    %add3A_592 = arith.addf %add3A_589, %get3A_591 : vector<16xf32>
    %get3A_593 = arith.constant 1440 : index
    %get3A_594 = tpu.vector_load %arg8[%get3A_593] {strides = array<i32>} : memref<4096xf32, #tpu.memory_space<vmem>>, vector<16xf32>,
    %add3A_595 = arith.addf %add3A_592, %get3A_594 : vector<16xf32>
    %get3A_596 = arith.constant 1456 : index
    %get3A_597 = tpu.vector_load %arg8[%get3A_596] {strides = array<i32>} : memref<4096xf32, #tpu.memory_space<vmem>>, vector<16xf32>,
    %add3A_598 = arith.addf %add3A_595, %get3A_597 : vector<16xf32>
    %get3A_599 = arith.constant 1664 : index
    %get3A_600 = tpu.vector_load %arg8[%get3A_599] {strides = array<i32>} : memref<4096xf32, #tpu.memory_space<vmem>>, vector<16xf32>,
    %add3A_601 = arith.addf %add3A_598, %get3A_600 : vector<16xf32>
    %get3A_602 = arith.constant 1680 : index
    %get3A_603 = tpu.vector_load %arg8[%get3A_602] {strides = array<i32>} : memref<4096xf32, #tpu.memory_space<vmem>>, vector<16xf32>,
    %add3A_604 = arith.addf %add3A_601, %get3A_603 : vector<16xf32>
    %get3A_605 = arith.constant 1696 : index
    %get3A_606 = tpu.vector_load %arg8[%get3A_605] {strides = array<i32>} : memref<4096xf32, #tpu.memory_space<vmem>>, vector<16xf32>,
    %add3A_607 = arith.addf %add3A_604, %get3A_606 : vector<16xf32>
    %get3A_608 = arith.constant 1712 : index
    %get3A_609 = tpu.vector_load %arg8[%get3A_608] {strides = array<i32>} : memref<4096xf32, #tpu.memory_space<vmem>>, vector<16xf32>,
    %add3A_610 = arith.addf %add3A_607, %get3A_609 : vector<16xf32>
    %get3A_611 = arith.constant 1920 : index
    %get3A_612 = tpu.vector_load %arg8[%get3A_611] {strides = array<i32>} : memref<4096xf32, #tpu.memory_space<vmem>>, vector<16xf32>,
    %add3A_613 = arith.addf %add3A_610, %get3A_612 : vector<16xf32>
    %get3A_614 = arith.constant 1936 : index
    %get3A_615 = tpu.vector_load %arg8[%get3A_614] {strides = array<i32>} : memref<4096xf32, #tpu.memory_space<vmem>>, vector<16xf32>,
    %add3A_616 = arith.addf %add3A_613, %get3A_615 : vector<16xf32>
    %get3A_617 = arith.constant 1952 : index
    %get3A_618 = tpu.vector_load %arg8[%get3A_617] {strides = array<i32>} : memref<4096xf32, #tpu.memory_space<vmem>>, vector<16xf32>,
    %add3A_619 = arith.addf %add3A_616, %get3A_618 : vector<16xf32>
    %get3A_620 = arith.constant 1968 : index
    %get3A_621 = tpu.vector_load %arg8[%get3A_620] {strides = array<i32>} : memref<4096xf32, #tpu.memory_space<vmem>>, vector<16xf32>,
    %add3A_622 = arith.addf %add3A_619, %get3A_621 : vector<16xf32>
    %get3A_623 = arith.constant 2176 : index
    %get3A_624 = tpu.vector_load %arg8[%get3A_623] {strides = array<i32>} : memref<4096xf32, #tpu.memory_space<vmem>>, vector<16xf32>,
    %add3A_625 = arith.addf %add3A_622, %get3A_624 : vector<16xf32>
    %get3A_626 = arith.constant 2192 : index
    %get3A_627 = tpu.vector_load %arg8[%get3A_626] {strides = array<i32>} : memref<4096xf32, #tpu.memory_space<vmem>>, vector<16xf32>,
    %add3A_628 = arith.addf %add3A_625, %get3A_627 : vector<16xf32>
    %get3A_629 = arith.constant 2208 : index
    %get3A_630 = tpu.vector_load %arg8[%get3A_629] {strides = array<i32>} : memref<4096xf32, #tpu.memory_space<vmem>>, vector<16xf32>,
    %add3A_631 = arith.addf %add3A_628, %get3A_630 : vector<16xf32>
    %get3A_632 = arith.constant 2224 : index
    %get3A_633 = tpu.vector_load %arg8[%get3A_632] {strides = array<i32>} : memref<4096xf32, #tpu.memory_space<vmem>>, vector<16xf32>,
    %add3A_634 = arith.addf %add3A_631, %get3A_633 : vector<16xf32>
    %get3A_635 = arith.constant 2432 : index
    %get3A_636 = tpu.vector_load %arg8[%get3A_635] {strides = array<i32>} : memref<4096xf32, #tpu.memory_space<vmem>>, vector<16xf32>,
    %add3A_637 = arith.addf %add3A_634, %get3A_636 : vector<16xf32>
    %get3A_638 = arith.constant 2448 : index
    %get3A_639 = tpu.vector_load %arg8[%get3A_638] {strides = array<i32>} : memref<4096xf32, #tpu.memory_space<vmem>>, vector<16xf32>,
    %add3A_640 = arith.addf %add3A_637, %get3A_639 : vector<16xf32>
    %get3A_641 = arith.constant 2464 : index
    %get3A_642 = tpu.vector_load %arg8[%get3A_641] {strides = array<i32>} : memref<4096xf32, #tpu.memory_space<vmem>>, vector<16xf32>,
    %add3A_643 = arith.addf %add3A_640, %get3A_642 : vector<16xf32>
    %get3A_644 = arith.constant 2480 : index
    %get3A_645 = tpu.vector_load %arg8[%get3A_644] {strides = array<i32>} : memref<4096xf32, #tpu.memory_space<vmem>>, vector<16xf32>,
    %add3A_646 = arith.addf %add3A_643, %get3A_645 : vector<16xf32>
    %get3A_647 = arith.constant 2688 : index
    %get3A_648 = tpu.vector_load %arg8[%get3A_647] {strides = array<i32>} : memref<4096xf32, #tpu.memory_space<vmem>>, vector<16xf32>,
    %add3A_649 = arith.addf %add3A_646, %get3A_648 : vector<16xf32>
    %get3A_650 = arith.constant 2704 : index
    %get3A_651 = tpu.vector_load %arg8[%get3A_650] {strides = array<i32>} : memref<4096xf32, #tpu.memory_space<vmem>>, vector<16xf32>,
    %add3A_652 = arith.addf %add3A_649, %get3A_651 : vector<16xf32>
    %get3A_653 = arith.constant 2720 : index
    %get3A_654 = tpu.vector_load %arg8[%get3A_653] {strides = array<i32>} : memref<4096xf32, #tpu.memory_space<vmem>>, vector<16xf32>,
    %add3A_655 = arith.addf %add3A_652, %get3A_654 : vector<16xf32>
    %get3A_656 = arith.constant 2736 : index
    %get3A_657 = tpu.vector_load %arg8[%get3A_656] {strides = array<i32>} : memref<4096xf32, #tpu.memory_space<vmem>>, vector<16xf32>,
    %add3A_658 = arith.addf %add3A_655, %get3A_657 : vector<16xf32>
    %get3A_659 = arith.constant 2944 : index
    %get3A_660 = tpu.vector_load %arg8[%get3A_659] {strides = array<i32>} : memref<4096xf32, #tpu.memory_space<vmem>>, vector<16xf32>,
    %add3A_661 = arith.addf %add3A_658, %get3A_660 : vector<16xf32>
    %get3A_662 = arith.constant 2960 : index
    %get3A_663 = tpu.vector_load %arg8[%get3A_662] {strides = array<i32>} : memref<4096xf32, #tpu.memory_space<vmem>>, vector<16xf32>,
    %add3A_664 = arith.addf %add3A_661, %get3A_663 : vector<16xf32>
    %get3A_665 = arith.constant 2976 : index
    %get3A_666 = tpu.vector_load %arg8[%get3A_665] {strides = array<i32>} : memref<4096xf32, #tpu.memory_space<vmem>>, vector<16xf32>,
    %add3A_667 = arith.addf %add3A_664, %get3A_666 : vector<16xf32>
    %get3A_668 = arith.constant 2992 : index
    %get3A_669 = tpu.vector_load %arg8[%get3A_668] {strides = array<i32>} : memref<4096xf32, #tpu.memory_space<vmem>>, vector<16xf32>,
    %add3A_670 = arith.addf %add3A_667, %get3A_669 : vector<16xf32>
    %get3A_671 = arith.constant 3200 : index
    %get3A_672 = tpu.vector_load %arg8[%get3A_671] {strides = array<i32>} : memref<4096xf32, #tpu.memory_space<vmem>>, vector<16xf32>,
    %add3A_673 = arith.addf %add3A_670, %get3A_672 : vector<16xf32>
    %get3A_674 = arith.constant 3216 : index
    %get3A_675 = tpu.vector_load %arg8[%get3A_674] {strides = array<i32>} : memref<4096xf32, #tpu.memory_space<vmem>>, vector<16xf32>,
    %add3A_676 = arith.addf %add3A_673, %get3A_675 : vector<16xf32>
    %get3A_677 = arith.constant 3232 : index
    %get3A_678 = tpu.vector_load %arg8[%get3A_677] {strides = array<i32>} : memref<4096xf32, #tpu.memory_space<vmem>>, vector<16xf32>,
    %add3A_679 = arith.addf %add3A_676, %get3A_678 : vector<16xf32>
    %get3A_680 = arith.constant 3248 : index
    %get3A_681 = tpu.vector_load %arg8[%get3A_680] {strides = array<i32>} : memref<4096xf32, #tpu.memory_space<vmem>>, vector<16xf32>,
    %add3A_682 = arith.addf %add3A_679, %get3A_681 : vector<16xf32>
    %get3A_683 = arith.constant 3456 : index
    %get3A_684 = tpu.vector_load %arg8[%get3A_683] {strides = array<i32>} : memref<4096xf32, #tpu.memory_space<vmem>>, vector<16xf32>,
    %add3A_685 = arith.addf %add3A_682, %get3A_684 : vector<16xf32>
    %get3A_686 = arith.constant 3472 : index
    %get3A_687 = tpu.vector_load %arg8[%get3A_686] {strides = array<i32>} : memref<4096xf32, #tpu.memory_space<vmem>>, vector<16xf32>,
    %add3A_688 = arith.addf %add3A_685, %get3A_687 : vector<16xf32>
    %get3A_689 = arith.constant 3488 : index
    %get3A_690 = tpu.vector_load %arg8[%get3A_689] {strides = array<i32>} : memref<4096xf32, #tpu.memory_space<vmem>>, vector<16xf32>,
    %add3A_691 = arith.addf %add3A_688, %get3A_690 : vector<16xf32>
    %get3A_692 = arith.constant 3504 : index
    %get3A_693 = tpu.vector_load %arg8[%get3A_692] {strides = array<i32>} : memref<4096xf32, #tpu.memory_space<vmem>>, vector<16xf32>,
    %add3A_694 = arith.addf %add3A_691, %get3A_693 : vector<16xf32>
    %get3A_695 = arith.constant 3712 : index
    %get3A_696 = tpu.vector_load %arg8[%get3A_695] {strides = array<i32>} : memref<4096xf32, #tpu.memory_space<vmem>>, vector<16xf32>,
    %add3A_697 = arith.addf %add3A_694, %get3A_696 : vector<16xf32>
    %get3A_698 = arith.constant 3728 : index
    %get3A_699 = tpu.vector_load %arg8[%get3A_698] {strides = array<i32>} : memref<4096xf32, #tpu.memory_space<vmem>>, vector<16xf32>,
    %add3A_700 = arith.addf %add3A_697, %get3A_699 : vector<16xf32>
    %get3A_701 = arith.constant 3744 : index
    %get3A_702 = tpu.vector_load %arg8[%get3A_701] {strides = array<i32>} : memref<4096xf32, #tpu.memory_space<vmem>>, vector<16xf32>,
    %add3A_703 = arith.addf %add3A_700, %get3A_702 : vector<16xf32>
    %get3A_704 = arith.constant 3760 : index
    %get3A_705 = tpu.vector_load %arg8[%get3A_704] {strides = array<i32>} : memref<4096xf32, #tpu.memory_space<vmem>>, vector<16xf32>,
    %add3A_706 = arith.addf %add3A_703, %get3A_705 : vector<16xf32>
    %get3A_707 = arith.constant 3968 : index
    %get3A_708 = tpu.vector_load %arg8[%get3A_707] {strides = array<i32>} : memref<4096xf32, #tpu.memory_space<vmem>>, vector<16xf32>,
    %add3A_709 = arith.addf %add3A_706, %get3A_708 : vector<16xf32>
    %get3A_710 = arith.constant 3984 : index
    %get3A_711 = tpu.vector_load %arg8[%get3A_710] {strides = array<i32>} : memref<4096xf32, #tpu.memory_space<vmem>>, vector<16xf32>,
    %add3A_712 = arith.addf %add3A_709, %get3A_711 : vector<16xf32>
    %get3A_713 = arith.constant 4000 : index
    %get3A_714 = tpu.vector_load %arg8[%get3A_713] {strides = array<i32>} : memref<4096xf32, #tpu.memory_space<vmem>>, vector<16xf32>,
    %add3A_715 = arith.addf %add3A_712, %get3A_714 : vector<16xf32>
    %get3A_716 = arith.constant 4016 : index
    %get3A_717 = tpu.vector_load %arg8[%get3A_716] {strides = array<i32>} : memref<4096xf32, #tpu.memory_space<vmem>>, vector<16xf32>,
    %add3A_718 = arith.addf %add3A_715, %get3A_717 : vector<16xf32>
    %add3A_719 = arith.constant 8 : i32
    %add3A_720 = vector.broadcast %add3A_719 : i32 to vector<16xi32>
    %add3A_721 = arith.addi %iota3A, %add3A_720 : vector<16xi32>
    %and3A_722 = arith.constant 15 : i32
    %and3A_723 = vector.broadcast %and3A_722 : i32 to vector<16xi32>
    %and3A_724 = arith.andi %add3A_721, %and3A_723 : vector<16xi32>
    %broadcast_in_dim3A_725 = vector.shape_cast %and3A_724 : vector<16xi32> to vector<16x1xi32>
    %gather3A_726 = vector.shape_cast %broadcast_in_dim3A_725 : vector<16x1xi32> to vector<16xi32>
    %gather3A_727 = tpu.dynamic_gather %add3A_718[%gather3A_726] in [0] : vector<16xf32>, vector<16xi32> -> vector<16xf32>
    %add3A_728 = arith.addf %add3A_718, %gather3A_727 : vector<16xf32>
    %add3A_729 = arith.constant 4 : i32
    %add3A_730 = vector.broadcast %add3A_729 : i32 to vector<16xi32>
    %add3A_731 = arith.addi %iota3A, %add3A_730 : vector<16xi32>
    %and3A_732 = arith.constant 15 : i32
    %and3A_733 = vector.broadcast %and3A_732 : i32 to vector<16xi32>
    %and3A_734 = arith.andi %add3A_731, %and3A_733 : vector<16xi32>
    %broadcast_in_dim3A_735 = vector.shape_cast %and3A_734 : vector<16xi32> to vector<16x1xi32>
    %gather3A_736 = vector.shape_cast %broadcast_in_dim3A_735 : vector<16x1xi32> to vector<16xi32>
    %gather3A_737 = tpu.dynamic_gather %add3A_728[%gather3A_736] in [0] : vector<16xf32>, vector<16xi32> -> vector<16xf32>
    %add3A_738 = arith.addf %add3A_728, %gather3A_737 : vector<16xf32>
    %add3A_739 = arith.constant 2 : i32
    %add3A_740 = vector.broadcast %add3A_739 : i32 to vector<16xi32>
    %add3A_741 = arith.addi %iota3A, %add3A_740 : vector<16xi32>
    %and3A_742 = arith.constant 15 : i32
    %and3A_743 = vector.broadcast %and3A_742 : i32 to vector<16xi32>
    %and3A_744 = arith.andi %add3A_741, %and3A_743 : vector<16xi32>
    %broadcast_in_dim3A_745 = vector.shape_cast %and3A_744 : vector<16xi32> to vector<16x1xi32>
    %gather3A_746 = vector.shape_cast %broadcast_in_dim3A_745 : vector<16x1xi32> to vector<16xi32>
    %gather3A_747 = tpu.dynamic_gather %add3A_738[%gather3A_746] in [0] : vector<16xf32>, vector<16xi32> -> vector<16xf32>
    %add3A_748 = arith.addf %add3A_738, %gather3A_747 : vector<16xf32>
    %add3A_749 = arith.constant 1 : i32
    %add3A_750 = vector.broadcast %add3A_749 : i32 to vector<16xi32>
    %add3A_751 = arith.addi %iota3A, %add3A_750 : vector<16xi32>
    %and3A_752 = arith.constant 15 : i32
    %and3A_753 = vector.broadcast %and3A_752 : i32 to vector<16xi32>
    %and3A_754 = arith.andi %add3A_751, %and3A_753 : vector<16xi32>
    %broadcast_in_dim3A_755 = vector.shape_cast %and3A_754 : vector<16xi32> to vector<16x1xi32>
    %gather3A_756 = vector.shape_cast %broadcast_in_dim3A_755 : vector<16x1xi32> to vector<16xi32>
    %gather3A_757 = tpu.dynamic_gather %add3A_748[%gather3A_756] in [0] : vector<16xf32>, vector<16xi32> -> vector<16xf32>
    %add3A_758 = arith.addf %add3A_748, %gather3A_757 : vector<16xf32>
    %eq3A_759 = arith.constant 2 : i32
    %eq3A_760 = vector.broadcast %eq3A_759 : i32 to vector<16xi32>
    %eq3A_761 = arith.cmpi eq, %iota3A, %eq3A_760 : vector<16xi32>
    %select_n3A_762 = arith.select %eq3A_761, %add3A_758, %select_n3A_525 : vector<16xi1>, vector<16xf32>
    %add3A_763 = arith.addf %add3A_526, %add3A_758 : vector<16xf32>
    %get3A_764 = arith.constant 192 : index
    %get3A_765 = tpu.vector_load %arg8[%get3A_764] {strides = array<i32>} : memref<4096xf32, #tpu.memory_space<vmem>>, vector<16xf32>,
    %add3A_766 = arith.addf %broadcast_in_dim3A_1, %get3A_765 : vector<16xf32>
    %get3A_767 = arith.constant 208 : index
    %get3A_768 = tpu.vector_load %arg8[%get3A_767] {strides = array<i32>} : memref<4096xf32, #tpu.memory_space<vmem>>, vector<16xf32>,
    %add3A_769 = arith.addf %add3A_766, %get3A_768 : vector<16xf32>
    %get3A_770 = arith.constant 224 : index
    %get3A_771 = tpu.vector_load %arg8[%get3A_770] {strides = array<i32>} : memref<4096xf32, #tpu.memory_space<vmem>>, vector<16xf32>,
    %add3A_772 = arith.addf %add3A_769, %get3A_771 : vector<16xf32>
    %get3A_773 = arith.constant 240 : index
    %get3A_774 = tpu.vector_load %arg8[%get3A_773] {strides = array<i32>} : memref<4096xf32, #tpu.memory_space<vmem>>, vector<16xf32>,
    %add3A_775 = arith.addf %add3A_772, %get3A_774 : vector<16xf32>
    %get3A_776 = arith.constant 448 : index
    %get3A_777 = tpu.vector_load %arg8[%get3A_776] {strides = array<i32>} : memref<4096xf32, #tpu.memory_space<vmem>>, vector<16xf32>,
    %add3A_778 = arith.addf %add3A_775, %get3A_777 : vector<16xf32>
    %get3A_779 = arith.constant 464 : index
    %get3A_780 = tpu.vector_load %arg8[%get3A_779] {strides = array<i32>} : memref<4096xf32, #tpu.memory_space<vmem>>, vector<16xf32>,
    %add3A_781 = arith.addf %add3A_778, %get3A_780 : vector<16xf32>
    %get3A_782 = arith.constant 480 : index
    %get3A_783 = tpu.vector_load %arg8[%get3A_782] {strides = array<i32>} : memref<4096xf32, #tpu.memory_space<vmem>>, vector<16xf32>,
    %add3A_784 = arith.addf %add3A_781, %get3A_783 : vector<16xf32>
    %get3A_785 = arith.constant 496 : index
    %get3A_786 = tpu.vector_load %arg8[%get3A_785] {strides = array<i32>} : memref<4096xf32, #tpu.memory_space<vmem>>, vector<16xf32>,
    %add3A_787 = arith.addf %add3A_784, %get3A_786 : vector<16xf32>
    %get3A_788 = arith.constant 704 : index
    %get3A_789 = tpu.vector_load %arg8[%get3A_788] {strides = array<i32>} : memref<4096xf32, #tpu.memory_space<vmem>>, vector<16xf32>,
    %add3A_790 = arith.addf %add3A_787, %get3A_789 : vector<16xf32>
    %get3A_791 = arith.constant 720 : index
    %get3A_792 = tpu.vector_load %arg8[%get3A_791] {strides = array<i32>} : memref<4096xf32, #tpu.memory_space<vmem>>, vector<16xf32>,
    %add3A_793 = arith.addf %add3A_790, %get3A_792 : vector<16xf32>
    %get3A_794 = arith.constant 736 : index
    %get3A_795 = tpu.vector_load %arg8[%get3A_794] {strides = array<i32>} : memref<4096xf32, #tpu.memory_space<vmem>>, vector<16xf32>,
    %add3A_796 = arith.addf %add3A_793, %get3A_795 : vector<16xf32>
    %get3A_797 = arith.constant 752 : index
    %get3A_798 = tpu.vector_load %arg8[%get3A_797] {strides = array<i32>} : memref<4096xf32, #tpu.memory_space<vmem>>, vector<16xf32>,
    %add3A_799 = arith.addf %add3A_796, %get3A_798 : vector<16xf32>
    %get3A_800 = arith.constant 960 : index
    %get3A_801 = tpu.vector_load %arg8[%get3A_800] {strides = array<i32>} : memref<4096xf32, #tpu.memory_space<vmem>>, vector<16xf32>,
    %add3A_802 = arith.addf %add3A_799, %get3A_801 : vector<16xf32>
    %get3A_803 = arith.constant 976 : index
    %get3A_804 = tpu.vector_load %arg8[%get3A_803] {strides = array<i32>} : memref<4096xf32, #tpu.memory_space<vmem>>, vector<16xf32>,
    %add3A_805 = arith.addf %add3A_802, %get3A_804 : vector<16xf32>
    %get3A_806 = arith.constant 992 : index
    %get3A_807 = tpu.vector_load %arg8[%get3A_806] {strides = array<i32>} : memref<4096xf32, #tpu.memory_space<vmem>>, vector<16xf32>,
    %add3A_808 = arith.addf %add3A_805, %get3A_807 : vector<16xf32>
    %get3A_809 = arith.constant 1008 : index
    %get3A_810 = tpu.vector_load %arg8[%get3A_809] {strides = array<i32>} : memref<4096xf32, #tpu.memory_space<vmem>>, vector<16xf32>,
    %add3A_811 = arith.addf %add3A_808, %get3A_810 : vector<16xf32>
    %get3A_812 = arith.constant 1216 : index
    %get3A_813 = tpu.vector_load %arg8[%get3A_812] {strides = array<i32>} : memref<4096xf32, #tpu.memory_space<vmem>>, vector<16xf32>,
    %add3A_814 = arith.addf %add3A_811, %get3A_813 : vector<16xf32>
    %get3A_815 = arith.constant 1232 : index
    %get3A_816 = tpu.vector_load %arg8[%get3A_815] {strides = array<i32>} : memref<4096xf32, #tpu.memory_space<vmem>>, vector<16xf32>,
    %add3A_817 = arith.addf %add3A_814, %get3A_816 : vector<16xf32>
    %get3A_818 = arith.constant 1248 : index
    %get3A_819 = tpu.vector_load %arg8[%get3A_818] {strides = array<i32>} : memref<4096xf32, #tpu.memory_space<vmem>>, vector<16xf32>,
    %add3A_820 = arith.addf %add3A_817, %get3A_819 : vector<16xf32>
    %get3A_821 = arith.constant 1264 : index
    %get3A_822 = tpu.vector_load %arg8[%get3A_821] {strides = array<i32>} : memref<4096xf32, #tpu.memory_space<vmem>>, vector<16xf32>,
    %add3A_823 = arith.addf %add3A_820, %get3A_822 : vector<16xf32>
    %get3A_824 = arith.constant 1472 : index
    %get3A_825 = tpu.vector_load %arg8[%get3A_824] {strides = array<i32>} : memref<4096xf32, #tpu.memory_space<vmem>>, vector<16xf32>,
    %add3A_826 = arith.addf %add3A_823, %get3A_825 : vector<16xf32>
    %get3A_827 = arith.constant 1488 : index
    %get3A_828 = tpu.vector_load %arg8[%get3A_827] {strides = array<i32>} : memref<4096xf32, #tpu.memory_space<vmem>>, vector<16xf32>,
    %add3A_829 = arith.addf %add3A_826, %get3A_828 : vector<16xf32>
    %get3A_830 = arith.constant 1504 : index
    %get3A_831 = tpu.vector_load %arg8[%get3A_830] {strides = array<i32>} : memref<4096xf32, #tpu.memory_space<vmem>>, vector<16xf32>,
    %add3A_832 = arith.addf %add3A_829, %get3A_831 : vector<16xf32>
    %get3A_833 = arith.constant 1520 : index
    %get3A_834 = tpu.vector_load %arg8[%get3A_833] {strides = array<i32>} : memref<4096xf32, #tpu.memory_space<vmem>>, vector<16xf32>,
    %add3A_835 = arith.addf %add3A_832, %get3A_834 : vector<16xf32>
    %get3A_836 = arith.constant 1728 : index
    %get3A_837 = tpu.vector_load %arg8[%get3A_836] {strides = array<i32>} : memref<4096xf32, #tpu.memory_space<vmem>>, vector<16xf32>,
    %add3A_838 = arith.addf %add3A_835, %get3A_837 : vector<16xf32>
    %get3A_839 = arith.constant 1744 : index
    %get3A_840 = tpu.vector_load %arg8[%get3A_839] {strides = array<i32>} : memref<4096xf32, #tpu.memory_space<vmem>>, vector<16xf32>,
    %add3A_841 = arith.addf %add3A_838, %get3A_840 : vector<16xf32>
    %get3A_842 = arith.constant 1760 : index
    %get3A_843 = tpu.vector_load %arg8[%get3A_842] {strides = array<i32>} : memref<4096xf32, #tpu.memory_space<vmem>>, vector<16xf32>,
    %add3A_844 = arith.addf %add3A_841, %get3A_843 : vector<16xf32>
    %get3A_845 = arith.constant 1776 : index
    %get3A_846 = tpu.vector_load %arg8[%get3A_845] {strides = array<i32>} : memref<4096xf32, #tpu.memory_space<vmem>>, vector<16xf32>,
    %add3A_847 = arith.addf %add3A_844, %get3A_846 : vector<16xf32>
    %get3A_848 = arith.constant 1984 : index
    %get3A_849 = tpu.vector_load %arg8[%get3A_848] {strides = array<i32>} : memref<4096xf32, #tpu.memory_space<vmem>>, vector<16xf32>,
    %add3A_850 = arith.addf %add3A_847, %get3A_849 : vector<16xf32>
    %get3A_851 = arith.constant 2000 : index
    %get3A_852 = tpu.vector_load %arg8[%get3A_851] {strides = array<i32>} : memref<4096xf32, #tpu.memory_space<vmem>>, vector<16xf32>,
    %add3A_853 = arith.addf %add3A_850, %get3A_852 : vector<16xf32>
    %get3A_854 = arith.constant 2016 : index
    %get3A_855 = tpu.vector_load %arg8[%get3A_854] {strides = array<i32>} : memref<4096xf32, #tpu.memory_space<vmem>>, vector<16xf32>,
    %add3A_856 = arith.addf %add3A_853, %get3A_855 : vector<16xf32>
    %get3A_857 = arith.constant 2032 : index
    %get3A_858 = tpu.vector_load %arg8[%get3A_857] {strides = array<i32>} : memref<4096xf32, #tpu.memory_space<vmem>>, vector<16xf32>,
    %add3A_859 = arith.addf %add3A_856, %get3A_858 : vector<16xf32>
    %get3A_860 = arith.constant 2240 : index
    %get3A_861 = tpu.vector_load %arg8[%get3A_860] {strides = array<i32>} : memref<4096xf32, #tpu.memory_space<vmem>>, vector<16xf32>,
    %add3A_862 = arith.addf %add3A_859, %get3A_861 : vector<16xf32>
    %get3A_863 = arith.constant 2256 : index
    %get3A_864 = tpu.vector_load %arg8[%get3A_863] {strides = array<i32>} : memref<4096xf32, #tpu.memory_space<vmem>>, vector<16xf32>,
    %add3A_865 = arith.addf %add3A_862, %get3A_864 : vector<16xf32>
    %get3A_866 = arith.constant 2272 : index
    %get3A_867 = tpu.vector_load %arg8[%get3A_866] {strides = array<i32>} : memref<4096xf32, #tpu.memory_space<vmem>>, vector<16xf32>,
    %add3A_868 = arith.addf %add3A_865, %get3A_867 : vector<16xf32>
    %get3A_869 = arith.constant 2288 : index
    %get3A_870 = tpu.vector_load %arg8[%get3A_869] {strides = array<i32>} : memref<4096xf32, #tpu.memory_space<vmem>>, vector<16xf32>,
    %add3A_871 = arith.addf %add3A_868, %get3A_870 : vector<16xf32>
    %get3A_872 = arith.constant 2496 : index
    %get3A_873 = tpu.vector_load %arg8[%get3A_872] {strides = array<i32>} : memref<4096xf32, #tpu.memory_space<vmem>>, vector<16xf32>,
    %add3A_874 = arith.addf %add3A_871, %get3A_873 : vector<16xf32>
    %get3A_875 = arith.constant 2512 : index
    %get3A_876 = tpu.vector_load %arg8[%get3A_875] {strides = array<i32>} : memref<4096xf32, #tpu.memory_space<vmem>>, vector<16xf32>,
    %add3A_877 = arith.addf %add3A_874, %get3A_876 : vector<16xf32>
    %get3A_878 = arith.constant 2528 : index
    %get3A_879 = tpu.vector_load %arg8[%get3A_878] {strides = array<i32>} : memref<4096xf32, #tpu.memory_space<vmem>>, vector<16xf32>,
    %add3A_880 = arith.addf %add3A_877, %get3A_879 : vector<16xf32>
    %get3A_881 = arith.constant 2544 : index
    %get3A_882 = tpu.vector_load %arg8[%get3A_881] {strides = array<i32>} : memref<4096xf32, #tpu.memory_space<vmem>>, vector<16xf32>,
    %add3A_883 = arith.addf %add3A_880, %get3A_882 : vector<16xf32>
    %get3A_884 = arith.constant 2752 : index
    %get3A_885 = tpu.vector_load %arg8[%get3A_884] {strides = array<i32>} : memref<4096xf32, #tpu.memory_space<vmem>>, vector<16xf32>,
    %add3A_886 = arith.addf %add3A_883, %get3A_885 : vector<16xf32>
    %get3A_887 = arith.constant 2768 : index
    %get3A_888 = tpu.vector_load %arg8[%get3A_887] {strides = array<i32>} : memref<4096xf32, #tpu.memory_space<vmem>>, vector<16xf32>,
    %add3A_889 = arith.addf %add3A_886, %get3A_888 : vector<16xf32>
    %get3A_890 = arith.constant 2784 : index
    %get3A_891 = tpu.vector_load %arg8[%get3A_890] {strides = array<i32>} : memref<4096xf32, #tpu.memory_space<vmem>>, vector<16xf32>,
    %add3A_892 = arith.addf %add3A_889, %get3A_891 : vector<16xf32>
    %get3A_893 = arith.constant 2800 : index
    %get3A_894 = tpu.vector_load %arg8[%get3A_893] {strides = array<i32>} : memref<4096xf32, #tpu.memory_space<vmem>>, vector<16xf32>,
    %add3A_895 = arith.addf %add3A_892, %get3A_894 : vector<16xf32>
    %get3A_896 = arith.constant 3008 : index
    %get3A_897 = tpu.vector_load %arg8[%get3A_896] {strides = array<i32>} : memref<4096xf32, #tpu.memory_space<vmem>>, vector<16xf32>,
    %add3A_898 = arith.addf %add3A_895, %get3A_897 : vector<16xf32>
    %get3A_899 = arith.constant 3024 : index
    %get3A_900 = tpu.vector_load %arg8[%get3A_899] {strides = array<i32>} : memref<4096xf32, #tpu.memory_space<vmem>>, vector<16xf32>,
    %add3A_901 = arith.addf %add3A_898, %get3A_900 : vector<16xf32>
    %get3A_902 = arith.constant 3040 : index
    %get3A_903 = tpu.vector_load %arg8[%get3A_902] {strides = array<i32>} : memref<4096xf32, #tpu.memory_space<vmem>>, vector<16xf32>,
    %add3A_904 = arith.addf %add3A_901, %get3A_903 : vector<16xf32>
    %get3A_905 = arith.constant 3056 : index
    %get3A_906 = tpu.vector_load %arg8[%get3A_905] {strides = array<i32>} : memref<4096xf32, #tpu.memory_space<vmem>>, vector<16xf32>,
    %add3A_907 = arith.addf %add3A_904, %get3A_906 : vector<16xf32>
    %get3A_908 = arith.constant 3264 : index
    %get3A_909 = tpu.vector_load %arg8[%get3A_908] {strides = array<i32>} : memref<4096xf32, #tpu.memory_space<vmem>>, vector<16xf32>,
    %add3A_910 = arith.addf %add3A_907, %get3A_909 : vector<16xf32>
    %get3A_911 = arith.constant 3280 : index
    %get3A_912 = tpu.vector_load %arg8[%get3A_911] {strides = array<i32>} : memref<4096xf32, #tpu.memory_space<vmem>>, vector<16xf32>,
    %add3A_913 = arith.addf %add3A_910, %get3A_912 : vector<16xf32>
    %get3A_914 = arith.constant 3296 : index
    %get3A_915 = tpu.vector_load %arg8[%get3A_914] {strides = array<i32>} : memref<4096xf32, #tpu.memory_space<vmem>>, vector<16xf32>,
    %add3A_916 = arith.addf %add3A_913, %get3A_915 : vector<16xf32>
    %get3A_917 = arith.constant 3312 : index
    %get3A_918 = tpu.vector_load %arg8[%get3A_917] {strides = array<i32>} : memref<4096xf32, #tpu.memory_space<vmem>>, vector<16xf32>,
    %add3A_919 = arith.addf %add3A_916, %get3A_918 : vector<16xf32>
    %get3A_920 = arith.constant 3520 : index
    %get3A_921 = tpu.vector_load %arg8[%get3A_920] {strides = array<i32>} : memref<4096xf32, #tpu.memory_space<vmem>>, vector<16xf32>,
    %add3A_922 = arith.addf %add3A_919, %get3A_921 : vector<16xf32>
    %get3A_923 = arith.constant 3536 : index
    %get3A_924 = tpu.vector_load %arg8[%get3A_923] {strides = array<i32>} : memref<4096xf32, #tpu.memory_space<vmem>>, vector<16xf32>,
    %add3A_925 = arith.addf %add3A_922, %get3A_924 : vector<16xf32>
    %get3A_926 = arith.constant 3552 : index
    %get3A_927 = tpu.vector_load %arg8[%get3A_926] {strides = array<i32>} : memref<4096xf32, #tpu.memory_space<vmem>>, vector<16xf32>,
    %add3A_928 = arith.addf %add3A_925, %get3A_927 : vector<16xf32>
    %get3A_929 = arith.constant 3568 : index
    %get3A_930 = tpu.vector_load %arg8[%get3A_929] {strides = array<i32>} : memref<4096xf32, #tpu.memory_space<vmem>>, vector<16xf32>,
    %add3A_931 = arith.addf %add3A_928, %get3A_930 : vector<16xf32>
    %get3A_932 = arith.constant 3776 : index
    %get3A_933 = tpu.vector_load %arg8[%get3A_932] {strides = array<i32>} : memref<4096xf32, #tpu.memory_space<vmem>>, vector<16xf32>,
    %add3A_934 = arith.addf %add3A_931, %get3A_933 : vector<16xf32>
    %get3A_935 = arith.constant 3792 : index
    %get3A_936 = tpu.vector_load %arg8[%get3A_935] {strides = array<i32>} : memref<4096xf32, #tpu.memory_space<vmem>>, vector<16xf32>,
    %add3A_937 = arith.addf %add3A_934, %get3A_936 : vector<16xf32>
    %get3A_938 = arith.constant 3808 : index
    %get3A_939 = tpu.vector_load %arg8[%get3A_938] {strides = array<i32>} : memref<4096xf32, #tpu.memory_space<vmem>>, vector<16xf32>,
    %add3A_940 = arith.addf %add3A_937, %get3A_939 : vector<16xf32>
    %get3A_941 = arith.constant 3824 : index
    %get3A_942 = tpu.vector_load %arg8[%get3A_941] {strides = array<i32>} : memref<4096xf32, #tpu.memory_space<vmem>>, vector<16xf32>,
    %add3A_943 = arith.addf %add3A_940, %get3A_942 : vector<16xf32>
    %get3A_944 = arith.constant 4032 : index
    %get3A_945 = tpu.vector_load %arg8[%get3A_944] {strides = array<i32>} : memref<4096xf32, #tpu.memory_space<vmem>>, vector<16xf32>,
    %add3A_946 = arith.addf %add3A_943, %get3A_945 : vector<16xf32>
    %get3A_947 = arith.constant 4048 : index
    %get3A_948 = tpu.vector_load %arg8[%get3A_947] {strides = array<i32>} : memref<4096xf32, #tpu.memory_space<vmem>>, vector<16xf32>,
    %add3A_949 = arith.addf %add3A_946, %get3A_948 : vector<16xf32>
    %get3A_950 = arith.constant 4064 : index
    %get3A_951 = tpu.vector_load %arg8[%get3A_950] {strides = array<i32>} : memref<4096xf32, #tpu.memory_space<vmem>>, vector<16xf32>,
    %add3A_952 = arith.addf %add3A_949, %get3A_951 : vector<16xf32>
    %get3A_953 = arith.constant 4080 : index
    %get3A_954 = tpu.vector_load %arg8[%get3A_953] {strides = array<i32>} : memref<4096xf32, #tpu.memory_space<vmem>>, vector<16xf32>,
    %add3A_955 = arith.addf %add3A_952, %get3A_954 : vector<16xf32>
    %add3A_956 = arith.constant 8 : i32
    %add3A_957 = vector.broadcast %add3A_956 : i32 to vector<16xi32>
    %add3A_958 = arith.addi %iota3A, %add3A_957 : vector<16xi32>
    %and3A_959 = arith.constant 15 : i32
    %and3A_960 = vector.broadcast %and3A_959 : i32 to vector<16xi32>
    %and3A_961 = arith.andi %add3A_958, %and3A_960 : vector<16xi32>
    %broadcast_in_dim3A_962 = vector.shape_cast %and3A_961 : vector<16xi32> to vector<16x1xi32>
    %gather3A_963 = vector.shape_cast %broadcast_in_dim3A_962 : vector<16x1xi32> to vector<16xi32>
    %gather3A_964 = tpu.dynamic_gather %add3A_955[%gather3A_963] in [0] : vector<16xf32>, vector<16xi32> -> vector<16xf32>
    %add3A_965 = arith.addf %add3A_955, %gather3A_964 : vector<16xf32>
    %add3A_966 = arith.constant 4 : i32
    %add3A_967 = vector.broadcast %add3A_966 : i32 to vector<16xi32>
    %add3A_968 = arith.addi %iota3A, %add3A_967 : vector<16xi32>
    %and3A_969 = arith.constant 15 : i32
    %and3A_970 = vector.broadcast %and3A_969 : i32 to vector<16xi32>
    %and3A_971 = arith.andi %add3A_968, %and3A_970 : vector<16xi32>
    %broadcast_in_dim3A_972 = vector.shape_cast %and3A_971 : vector<16xi32> to vector<16x1xi32>
    %gather3A_973 = vector.shape_cast %broadcast_in_dim3A_972 : vector<16x1xi32> to vector<16xi32>
    %gather3A_974 = tpu.dynamic_gather %add3A_965[%gather3A_973] in [0] : vector<16xf32>, vector<16xi32> -> vector<16xf32>
    %add3A_975 = arith.addf %add3A_965, %gather3A_974 : vector<16xf32>
    %add3A_976 = arith.constant 2 : i32
    %add3A_977 = vector.broadcast %add3A_976 : i32 to vector<16xi32>
    %add3A_978 = arith.addi %iota3A, %add3A_977 : vector<16xi32>
    %and3A_979 = arith.constant 15 : i32
    %and3A_980 = vector.broadcast %and3A_979 : i32 to vector<16xi32>
    %and3A_981 = arith.andi %add3A_978, %and3A_980 : vector<16xi32>
    %broadcast_in_dim3A_982 = vector.shape_cast %and3A_981 : vector<16xi32> to vector<16x1xi32>
    %gather3A_983 = vector.shape_cast %broadcast_in_dim3A_982 : vector<16x1xi32> to vector<16xi32>
    %gather3A_984 = tpu.dynamic_gather %add3A_975[%gather3A_983] in [0] : vector<16xf32>, vector<16xi32> -> vector<16xf32>
    %add3A_985 = arith.addf %add3A_975, %gather3A_984 : vector<16xf32>
    %add3A_986 = arith.constant 1 : i32
    %add3A_987 = vector.broadcast %add3A_986 : i32 to vector<16xi32>
    %add3A_988 = arith.addi %iota3A, %add3A_987 : vector<16xi32>
    %and3A_989 = arith.constant 15 : i32
    %and3A_990 = vector.broadcast %and3A_989 : i32 to vector<16xi32>
    %and3A_991 = arith.andi %add3A_988, %and3A_990 : vector<16xi32>
    %broadcast_in_dim3A_992 = vector.shape_cast %and3A_991 : vector<16xi32> to vector<16x1xi32>
    %gather3A_993 = vector.shape_cast %broadcast_in_dim3A_992 : vector<16x1xi32> to vector<16xi32>
    %gather3A_994 = tpu.dynamic_gather %add3A_985[%gather3A_993] in [0] : vector<16xf32>, vector<16xi32> -> vector<16xf32>
    %add3A_995 = arith.addf %add3A_985, %gather3A_994 : vector<16xf32>
    %eq3A_996 = arith.constant 3 : i32
    %eq3A_997 = vector.broadcast %eq3A_996 : i32 to vector<16xi32>
    %eq3A_998 = arith.cmpi eq, %iota3A, %eq3A_997 : vector<16xi32>
    %select_n3A_999 = arith.select %eq3A_998, %add3A_995, %select_n3A_762 : vector<16xi1>, vector<16xf32>
    %add3A_1000 = arith.addf %add3A_763, %add3A_995 : vector<16xf32>
    %swap3A_1001 = arith.constant 0 : index
    %swap3A_1002 = tpu.vector_load %arg9[%swap3A_1001] {strides = array<i32>} : memref<16xf32, #tpu.memory_space<vmem>>, vector<16xf32>,
    tpu.vector_store %arg9[%swap3A_1001], %select_n3A_999 {strides = array<i32>} : memref<16xf32, #tpu.memory_space<vmem>>, vector<16xf32>,
    %slice3A = vector.extract_strided_slice %add3A_1000 {offsets = [0], sizes = [1], strides = [1]} : vector<16xf32> to vector<1xf32>
    %squeeze3A = vector.extract %slice3A[0] : f32 from vector<1xf32>
    %mul3A_1003 = arith.constant 48 : i32
    %mul3A_1004 = arith.muli %add3A, %mul3A_1003 : i32
    %add3A_1005 = arith.constant 0 : i32
    %add3A_1006 = arith.addi %mul3A_1004, %add3A_1005 : i32
    %add3A_1007 = vector.broadcast %add3A_1006 : i32 to vector<16xi32>
    %add3A_1008 = arith.addi %add3A_1007, %iota3A : vector<16xi32>
    %min3A = arith.constant 1535 : i32
    %min3A_1009 = vector.broadcast %min3A : i32 to vector<16xi32>
    %min3A_1010 = arith.minsi %add3A_1008, %min3A_1009 : vector<16xi32>
    %jit3A = arith.constant 384 : i32
    %div3A = vector.broadcast %jit3A : i32 to vector<16xi32>
    %div3A_1011 = arith.divsi %min3A_1010, %div3A : vector<16xi32>
    %sign3A = arith.constant 0 : i32
    %sign3A_1012 = vector.broadcast %sign3A : i32 to vector<16xi32>
    %sign3A_1013 = arith.cmpi sgt, %min3A_1010, %sign3A_1012 : vector<16xi32>
    %sign3A_1014 = arith.extui %sign3A_1013 : vector<16xi1> to vector<16xi32>
    %sign3A_1015 = arith.constant 0 : i32
    %sign3A_1016 = vector.broadcast %sign3A_1015 : i32 to vector<16xi32>
    %sign3A_1017 = arith.cmpi slt, %min3A_1010, %sign3A_1016 : vector<16xi32>
    %sign3A_1018 = arith.extui %sign3A_1017 : vector<16xi1> to vector<16xi32>
    %sign3A_1019 = arith.subi %sign3A_1014, %sign3A_1018 : vector<16xi32>
    %sign3A_1020 = arith.constant 0 : i32
    %sign3A_1021 = arith.cmpi sgt, %jit3A, %sign3A_1020 : i32
    %sign3A_1022 = arith.extui %sign3A_1021 : i1 to i32
    %sign3A_1023 = arith.constant 0 : i32
    %sign3A_1024 = arith.cmpi slt, %jit3A, %sign3A_1023 : i32
    %sign3A_1025 = arith.extui %sign3A_1024 : i1 to i32
    %sign3A_1026 = arith.subi %sign3A_1022, %sign3A_1025 : i32
    %ne3A = vector.broadcast %sign3A_1026 : i32 to vector<16xi32>
    %ne3A_1027 = arith.cmpi ne, %sign3A_1019, %ne3A : vector<16xi32>
    %rem3A = vector.broadcast %jit3A : i32 to vector<16xi32>
    %rem3A_1028 = arith.remsi %min3A_1010, %rem3A : vector<16xi32>
    %ne3A_1029 = arith.constant 0 : i32
    %ne3A_1030 = vector.broadcast %ne3A_1029 : i32 to vector<16xi32>
    %ne3A_1031 = arith.cmpi ne, %rem3A_1028, %ne3A_1030 : vector<16xi32>
    %and3A_1032 = arith.andi %ne3A_1027, %ne3A_1031 : vector<16xi1>
    %sub3A = arith.constant 1 : i32
    %sub3A_1033 = vector.broadcast %sub3A : i32 to vector<16xi32>
    %sub3A_1034 = arith.subi %div3A_1011, %sub3A_1033 : vector<16xi32>
    %select_n3A_1035 = arith.select %and3A_1032, %sub3A_1034, %div3A_1011 : vector<16xi1>, vector<16xi32>
    %jit3A_1036 = arith.constant 384 : i32
    %eq3A_1037 = arith.constant 0 : i32
    %eq3A_1038 = arith.cmpi eq, %jit3A_1036, %eq3A_1037 : i32
    %jit3A_1039 = arith.constant 1 : i32
    %select_n3A_1040 = arith.select %eq3A_1038, %jit3A_1039, %jit3A_1036 : i32
    %rem3A_1041 = vector.broadcast %select_n3A_1040 : i32 to vector<16xi32>
    %rem3A_1042 = arith.remsi %min3A_1010, %rem3A_1041 : vector<16xi32>
    %ne3A_1043 = arith.constant 0 : i32
    %ne3A_1044 = vector.broadcast %ne3A_1043 : i32 to vector<16xi32>
    %ne3A_1045 = arith.cmpi ne, %rem3A_1042, %ne3A_1044 : vector<16xi32>
    %lt3A = arith.constant 0 : i32
    %lt3A_1046 = vector.broadcast %lt3A : i32 to vector<16xi32>
    %lt3A_1047 = arith.cmpi slt, %rem3A_1042, %lt3A_1046 : vector<16xi32>
    %lt3A_1048 = arith.constant 0 : i32
    %lt3A_1049 = arith.cmpi slt, %select_n3A_1040, %lt3A_1048 : i32
    %ne3A_1050 = vector.broadcast %lt3A_1049 : i1 to vector<16xi1>
    %ne3A_1051 = vector.broadcast %ne3A_1050 : vector<16xi1> to vector<16xi1>
    %ne3A_1052 = arith.xori %lt3A_1047, %ne3A_1051 : vector<16xi1>
    %and3A_1053 = arith.andi %ne3A_1052, %ne3A_1045 : vector<16xi1>
    %add3A_1054 = vector.broadcast %select_n3A_1040 : i32 to vector<16xi32>
    %add3A_1055 = arith.addi %rem3A_1042, %add3A_1054 : vector<16xi32>
    %select_n3A_1056 = arith.select %and3A_1053, %add3A_1055, %rem3A_1042 : vector<16xi1>, vector<16xi32>
    %lt3A_1057 = arith.constant 8 : i32
    %lt3A_1058 = vector.broadcast %lt3A_1057 : i32 to vector<16xi32>
    %lt3A_1059 = arith.cmpi slt, %iota3A, %lt3A_1058 : vector<16xi32>
    %and3A_1060 = arith.constant 7 : i32
    %and3A_1061 = vector.broadcast %and3A_1060 : i32 to vector<16xi32>
    %and3A_1062 = arith.andi %iota3A, %and3A_1061 : vector<16xi32>
    %gather3A_1063 = tpu.vector_load_idx %arg5[%min3A_1010] : memref<1536xi32, #tpu.memory_space<vmem>>[vector<16xi32>], vector<16xi32>,
    %gather3A_1064 = tpu.vector_load_idx %arg9[%select_n3A_1035] : memref<16xf32, #tpu.memory_space<vmem>>[vector<16xi32>], vector<16xf32>,
    %eq3A_1065 = arith.constant 0.000000e+00 : f32
    %eq3A_1066 = vector.broadcast %eq3A_1065 : f32 to vector<16xf32>
    %eq3A_1067 = arith.cmpf oeq, %gather3A_1064, %eq3A_1066 : vector<16xf32>
    %and3A_1068 = arith.andi %lt3A_1059, %eq3A_1067 : vector<16xi1>
    %mul3A_1069 = arith.constant 8192 : i32
    %mul3A_1070 = vector.broadcast %mul3A_1069 : i32 to vector<16xi32>
    %mul3A_1071 = arith.muli %and3A_1062, %mul3A_1070 : vector<16xi32>
    %add3A_1072 = arith.addi %mul3A_1071, %gather3A_1063 : vector<16xi32>
    tpu.vector_store_idx %arg10[%add3A_1072], %broadcast_in_dim3A_3 masked %and3A_1068 : memref<65536xf32, #tpu.memory_space<vmem>>[vector<16xi32>], vector<16xf32>, vector<16xi1>
    %gt3A = arith.constant 0.000000e+00 : f32
    %gt3A_1073 = arith.cmpf ogt, %squeeze3A, %gt3A : f32
    %convert_element_type3A = arith.extui %gt3A_1073 : i1 to i32
    %cond3A = arith.constant 0 : i32
    %cond3A_1074 = arith.cmpi ne, %convert_element_type3A, %cond3A : i32
    scf.if %cond3A_1074 {
      %max3A = arith.constant 1.000000e+00 : f32
      %max3A_1556 = vector.broadcast %max3A : f32 to vector<16xf32>
      %max3A_1557 = arith.maximumf %gather3A_1064, %max3A_1556 : vector<16xf32>
      %div3A_1558 = arith.constant 1.000000e+00 : f32
      %div3A_1559 = vector.broadcast %div3A_1558 : f32 to vector<16xf32>
      %div3A_1560 = arith.divf %div3A_1559, %max3A_1557 : vector<16xf32>
      %scan3A_1561 = arith.constant 0 : i32
      %scan3A_1562 = arith.constant 0 : i32
      %scan3A_1563 = arith.constant 1024 : i32
      %scan3A_1564 = arith.addi %scan3A_1562, %scan3A_1563 : i32
      %scan3A_1565 = arith.constant 1 : i32
      %scan3A_1566 = scf.for %scan3A_1568 = %scan3A_1562 to %scan3A_1564 step %scan3A_1565 iter_args(%scan3A_1569 = %scan3A_1561) -> (i32)  : i32 {
        %mul3A_1570 = arith.constant 384 : i32
        %mul3A_1571 = arith.muli %scan3A_1568, %mul3A_1570 : i32
        "tpu.region"() ({
          %run_scoped3A = tpu.sem_alloc : memref<!tpu.dma_semaphore, #tpu.memory_space<semaphore_mem>>
          %dma_start3A_1632 = tpu.memref_slice %arg3[%mul3A_1571] : memref<393216xi32, #tpu.memory_space<hbm>> -> memref<384xi32, #tpu.memory_space<hbm>>
          %dma_start3A_1633 = tpu.memref_slice %arg3[%mul3A_1571] : memref<393216xi32, #tpu.memory_space<hbm>> -> memref<384xi32, #tpu.memory_space<hbm>>
          tpu.enqueue_dma source(%dma_start3A_1633 : memref<384xi32, #tpu.memory_space<hbm>>) target(%arg11 : memref<384xi32, #tpu.memory_space<vmem>>) target_semaphore(%run_scoped3A : memref<!tpu.dma_semaphore, #tpu.memory_space<semaphore_mem>>)
          %dma_wait3A_1634 = tpu.memref_slice %arg3[%mul3A_1571] : memref<393216xi32, #tpu.memory_space<hbm>> -> memref<384xi32, #tpu.memory_space<hbm>>
          %dma_wait3A_1635 = tpu.memref_slice %arg3[%mul3A_1571] : memref<393216xi32, #tpu.memory_space<hbm>> -> memref<384xi32, #tpu.memory_space<hbm>>
          tpu.wait_dma2 semaphore(%run_scoped3A : memref<!tpu.dma_semaphore, #tpu.memory_space<semaphore_mem>>) src(%dma_wait3A_1635 : memref<384xi32, #tpu.memory_space<hbm>>) dst(%arg11 : memref<384xi32, #tpu.memory_space<vmem>>)
          tpu.yield
        }) : () -> ()
        %jit3A_1572 = arith.constant 64 : i32
        %div3A_1573 = arith.divsi %scan3A_1568, %jit3A_1572 : i32
        %sign3A_1574 = arith.constant 0 : i32
        %sign3A_1575 = arith.cmpi sgt, %scan3A_1568, %sign3A_1574 : i32
        %sign3A_1576 = arith.extui %sign3A_1575 : i1 to i32
        %sign3A_1577 = arith.constant 0 : i32
        %sign3A_1578 = arith.cmpi slt, %scan3A_1568, %sign3A_1577 : i32
        %sign3A_1579 = arith.extui %sign3A_1578 : i1 to i32
        %sign3A_1580 = arith.subi %sign3A_1576, %sign3A_1579 : i32
        %sign3A_1581 = arith.constant 0 : i32
        %sign3A_1582 = arith.cmpi sgt, %jit3A_1572, %sign3A_1581 : i32
        %sign3A_1583 = arith.extui %sign3A_1582 : i1 to i32
        %sign3A_1584 = arith.constant 0 : i32
        %sign3A_1585 = arith.cmpi slt, %jit3A_1572, %sign3A_1584 : i32
        %sign3A_1586 = arith.extui %sign3A_1585 : i1 to i32
        %sign3A_1587 = arith.subi %sign3A_1583, %sign3A_1586 : i32
        %ne3A_1588 = arith.cmpi ne, %sign3A_1580, %sign3A_1587 : i32
        %rem3A_1589 = arith.remsi %scan3A_1568, %jit3A_1572 : i32
        %ne3A_1590 = arith.constant 0 : i32
        %ne3A_1591 = arith.cmpi ne, %rem3A_1589, %ne3A_1590 : i32
        %and3A_1592 = arith.andi %ne3A_1588, %ne3A_1591 : i1
        %sub3A_1593 = arith.constant 1 : i32
        %sub3A_1594 = arith.subi %div3A_1573, %sub3A_1593 : i32
        %select_n3A_1595 = arith.select %and3A_1592, %sub3A_1594, %div3A_1573 : i32
        %mul3A_1596 = arith.constant 256 : i32
        %mul3A_1597 = arith.muli %select_n3A_1595, %mul3A_1596 : i32
        %mul3A_1598 = arith.constant 64 : i32
        %mul3A_1599 = vector.broadcast %mul3A_1598 : i32 to vector<16xi32>
        %mul3A_1600 = arith.muli %select_n3A_1035, %mul3A_1599 : vector<16xi32>
        %add3A_1601 = vector.broadcast %mul3A_1597 : i32 to vector<16xi32>
        %add3A_1602 = arith.addi %add3A_1601, %mul3A_1600 : vector<16xi32>
        %jit3A_1603 = arith.constant 64 : i32
        %eq3A_1604 = arith.constant 0 : i32
        %eq3A_1605 = arith.cmpi eq, %jit3A_1603, %eq3A_1604 : i32
        %jit3A_1606 = arith.constant 1 : i32
        %select_n3A_1607 = arith.select %eq3A_1605, %jit3A_1606, %jit3A_1603 : i32
        %rem3A_1608 = arith.remsi %scan3A_1568, %select_n3A_1607 : i32
        %ne3A_1609 = arith.constant 0 : i32
        %ne3A_1610 = arith.cmpi ne, %rem3A_1608, %ne3A_1609 : i32
        %lt3A_1611 = arith.constant 0 : i32
        %lt3A_1612 = arith.cmpi slt, %rem3A_1608, %lt3A_1611 : i32
        %lt3A_1613 = arith.constant 0 : i32
        %lt3A_1614 = arith.cmpi slt, %select_n3A_1607, %lt3A_1613 : i32
        %ne3A_1615 = arith.xori %lt3A_1612, %lt3A_1614 : i1
        %and3A_1616 = arith.andi %ne3A_1615, %ne3A_1610 : i1
        %add3A_1617 = arith.addi %rem3A_1608, %select_n3A_1607 : i32
        %select_n3A_1618 = arith.select %and3A_1616, %add3A_1617, %rem3A_1608 : i32
        %add3A_1619 = vector.broadcast %select_n3A_1618 : i32 to vector<16xi32>
        %add3A_1620 = arith.addi %add3A_1602, %add3A_1619 : vector<16xi32>
        %gather3A_1621 = tpu.vector_load_idx %arg8[%add3A_1620] : memref<4096xf32, #tpu.memory_space<vmem>>[vector<16xi32>], vector<16xf32>,
        %gather3A_1622 = tpu.vector_load_idx %arg11[%select_n3A_1056] : memref<384xi32, #tpu.memory_space<vmem>>[vector<16xi32>], vector<16xi32>,
        %gt3A_1623 = arith.constant 0.000000e+00 : f32
        %gt3A_1624 = vector.broadcast %gt3A_1623 : f32 to vector<16xf32>
        %gt3A_1625 = arith.cmpf ogt, %gather3A_1621, %gt3A_1624 : vector<16xf32>
        %and3A_1626 = arith.andi %lt3A_1059, %gt3A_1625 : vector<16xi1>
        %mul3A_1627 = arith.constant 8192 : i32
        %mul3A_1628 = vector.broadcast %mul3A_1627 : i32 to vector<16xi32>
        %mul3A_1629 = arith.muli %and3A_1062, %mul3A_1628 : vector<16xi32>
        %add3A_1630 = arith.addi %mul3A_1629, %gather3A_1622 : vector<16xi32>
        tpu.vector_store_idx %arg10[%add3A_1630], %div3A_1560 masked %and3A_1626 {add = true} : memref<65536xf32, #tpu.memory_space<vmem>>[vector<16xi32>], vector<16xf32>, vector<16xi1>
        %scan3A_1631 = arith.constant 0 : i32
        scf.yield %scan3A_1631 : i32
      }
      %scan3A_1567 = arith.constant 1024 : i32
    } else {
    }
    %mul3A_1075 = arith.constant 8192 : i32
    %mul3A_1076 = arith.muli %add3A_1006, %mul3A_1075 : i32
    "tpu.region"() ({
      %run_scoped3A = tpu.sem_alloc : memref<!tpu.dma_semaphore, #tpu.memory_space<semaphore_mem>>
      %dma_start3A_1556 = tpu.memref_slice %arg4[%mul3A_1076] : memref<12582912xf32, #tpu.memory_space<hbm>> -> memref<65536xf32, #tpu.memory_space<hbm>>
      %dma_start3A_1557 = tpu.memref_slice %arg4[%mul3A_1076] : memref<12582912xf32, #tpu.memory_space<hbm>> -> memref<65536xf32, #tpu.memory_space<hbm>>
      tpu.enqueue_dma source(%arg10 : memref<65536xf32, #tpu.memory_space<vmem>>) target(%dma_start3A_1557 : memref<65536xf32, #tpu.memory_space<hbm>>) target_semaphore(%run_scoped3A : memref<!tpu.dma_semaphore, #tpu.memory_space<semaphore_mem>>)
      %dma_wait3A_1558 = tpu.memref_slice %arg4[%mul3A_1076] : memref<12582912xf32, #tpu.memory_space<hbm>> -> memref<65536xf32, #tpu.memory_space<hbm>>
      %dma_wait3A_1559 = tpu.memref_slice %arg4[%mul3A_1076] : memref<12582912xf32, #tpu.memory_space<hbm>> -> memref<65536xf32, #tpu.memory_space<hbm>>
      tpu.wait_dma2 semaphore(%run_scoped3A : memref<!tpu.dma_semaphore, #tpu.memory_space<semaphore_mem>>) src(%arg10 : memref<65536xf32, #tpu.memory_space<vmem>>) dst(%dma_wait3A_1559 : memref<65536xf32, #tpu.memory_space<hbm>>)
      tpu.yield
    }) : () -> ()
    %mul3A_1077 = arith.constant 8192 : i32
    %mul3A_1078 = vector.broadcast %mul3A_1077 : i32 to vector<16xi32>
    %mul3A_1079 = arith.muli %and3A_1062, %mul3A_1078 : vector<16xi32>
    %add3A_1080 = arith.addi %mul3A_1079, %gather3A_1063 : vector<16xi32>
    tpu.vector_store_idx %arg10[%add3A_1080], %broadcast_in_dim3A_1 masked %and3A_1068 : memref<65536xf32, #tpu.memory_space<vmem>>[vector<16xi32>], vector<16xf32>, vector<16xi1>
    %gt3A_1081 = arith.constant 0.000000e+00 : f32
    %gt3A_1082 = arith.cmpf ogt, %squeeze3A, %gt3A_1081 : f32
    %convert_element_type3A_1083 = arith.extui %gt3A_1082 : i1 to i32
    %cond3A_1084 = arith.constant 0 : i32
    %cond3A_1085 = arith.cmpi ne, %convert_element_type3A_1083, %cond3A_1084 : i32
    scf.if %cond3A_1085 {
      %scan3A_1556 = arith.constant 0 : i32
      %scan3A_1557 = arith.constant 0 : i32
      %scan3A_1558 = arith.constant 256 : i32
      %scan3A_1559 = arith.addi %scan3A_1557, %scan3A_1558 : i32
      %scan3A_1560 = arith.constant 1 : i32
      %scan3A_1561 = scf.for %scan3A_1563 = %scan3A_1557 to %scan3A_1559 step %scan3A_1560 iter_args(%scan3A_1564 = %scan3A_1556) -> (i32)  : i32 {
        %mul3A_1565 = arith.constant 256 : i32
        %mul3A_1566 = arith.muli %scan3A_1563, %mul3A_1565 : i32
        %add3A_1567 = arith.constant 0 : i32
        %add3A_1568 = arith.addi %mul3A_1566, %add3A_1567 : i32
        %swap3A_1569 = arith.index_cast %add3A_1568 : i32 to index
        %swap3A_1570 = tpu.vector_load %arg10[%swap3A_1569] {strides = array<i32>} : memref<65536xf32, #tpu.memory_space<vmem>>, vector<16xf32>,
        tpu.vector_store %arg10[%swap3A_1569], %broadcast_in_dim3A_1 {strides = array<i32>} : memref<65536xf32, #tpu.memory_space<vmem>>, vector<16xf32>,
        %mul3A_1571 = arith.constant 256 : i32
        %mul3A_1572 = arith.muli %scan3A_1563, %mul3A_1571 : i32
        %add3A_1573 = arith.constant 16 : i32
        %add3A_1574 = arith.addi %mul3A_1572, %add3A_1573 : i32
        %swap3A_1575 = arith.index_cast %add3A_1574 : i32 to index
        %swap3A_1576 = tpu.vector_load %arg10[%swap3A_1575] {strides = array<i32>} : memref<65536xf32, #tpu.memory_space<vmem>>, vector<16xf32>,
        tpu.vector_store %arg10[%swap3A_1575], %broadcast_in_dim3A_1 {strides = array<i32>} : memref<65536xf32, #tpu.memory_space<vmem>>, vector<16xf32>,
        %mul3A_1577 = arith.constant 256 : i32
        %mul3A_1578 = arith.muli %scan3A_1563, %mul3A_1577 : i32
        %add3A_1579 = arith.constant 32 : i32
        %add3A_1580 = arith.addi %mul3A_1578, %add3A_1579 : i32
        %swap3A_1581 = arith.index_cast %add3A_1580 : i32 to index
        %swap3A_1582 = tpu.vector_load %arg10[%swap3A_1581] {strides = array<i32>} : memref<65536xf32, #tpu.memory_space<vmem>>, vector<16xf32>,
        tpu.vector_store %arg10[%swap3A_1581], %broadcast_in_dim3A_1 {strides = array<i32>} : memref<65536xf32, #tpu.memory_space<vmem>>, vector<16xf32>,
        %mul3A_1583 = arith.constant 256 : i32
        %mul3A_1584 = arith.muli %scan3A_1563, %mul3A_1583 : i32
        %add3A_1585 = arith.constant 48 : i32
        %add3A_1586 = arith.addi %mul3A_1584, %add3A_1585 : i32
        %swap3A_1587 = arith.index_cast %add3A_1586 : i32 to index
        %swap3A_1588 = tpu.vector_load %arg10[%swap3A_1587] {strides = array<i32>} : memref<65536xf32, #tpu.memory_space<vmem>>, vector<16xf32>,
        tpu.vector_store %arg10[%swap3A_1587], %broadcast_in_dim3A_1 {strides = array<i32>} : memref<65536xf32, #tpu.memory_space<vmem>>, vector<16xf32>,
        %mul3A_1589 = arith.constant 256 : i32
        %mul3A_1590 = arith.muli %scan3A_1563, %mul3A_1589 : i32
        %add3A_1591 = arith.constant 64 : i32
        %add3A_1592 = arith.addi %mul3A_1590, %add3A_1591 : i32
        %swap3A_1593 = arith.index_cast %add3A_1592 : i32 to index
        %swap3A_1594 = tpu.vector_load %arg10[%swap3A_1593] {strides = array<i32>} : memref<65536xf32, #tpu.memory_space<vmem>>, vector<16xf32>,
        tpu.vector_store %arg10[%swap3A_1593], %broadcast_in_dim3A_1 {strides = array<i32>} : memref<65536xf32, #tpu.memory_space<vmem>>, vector<16xf32>,
        %mul3A_1595 = arith.constant 256 : i32
        %mul3A_1596 = arith.muli %scan3A_1563, %mul3A_1595 : i32
        %add3A_1597 = arith.constant 80 : i32
        %add3A_1598 = arith.addi %mul3A_1596, %add3A_1597 : i32
        %swap3A_1599 = arith.index_cast %add3A_1598 : i32 to index
        %swap3A_1600 = tpu.vector_load %arg10[%swap3A_1599] {strides = array<i32>} : memref<65536xf32, #tpu.memory_space<vmem>>, vector<16xf32>,
        tpu.vector_store %arg10[%swap3A_1599], %broadcast_in_dim3A_1 {strides = array<i32>} : memref<65536xf32, #tpu.memory_space<vmem>>, vector<16xf32>,
        %mul3A_1601 = arith.constant 256 : i32
        %mul3A_1602 = arith.muli %scan3A_1563, %mul3A_1601 : i32
        %add3A_1603 = arith.constant 96 : i32
        %add3A_1604 = arith.addi %mul3A_1602, %add3A_1603 : i32
        %swap3A_1605 = arith.index_cast %add3A_1604 : i32 to index
        %swap3A_1606 = tpu.vector_load %arg10[%swap3A_1605] {strides = array<i32>} : memref<65536xf32, #tpu.memory_space<vmem>>, vector<16xf32>,
        tpu.vector_store %arg10[%swap3A_1605], %broadcast_in_dim3A_1 {strides = array<i32>} : memref<65536xf32, #tpu.memory_space<vmem>>, vector<16xf32>,
        %mul3A_1607 = arith.constant 256 : i32
        %mul3A_1608 = arith.muli %scan3A_1563, %mul3A_1607 : i32
        %add3A_1609 = arith.constant 112 : i32
        %add3A_1610 = arith.addi %mul3A_1608, %add3A_1609 : i32
        %swap3A_1611 = arith.index_cast %add3A_1610 : i32 to index
        %swap3A_1612 = tpu.vector_load %arg10[%swap3A_1611] {strides = array<i32>} : memref<65536xf32, #tpu.memory_space<vmem>>, vector<16xf32>,
        tpu.vector_store %arg10[%swap3A_1611], %broadcast_in_dim3A_1 {strides = array<i32>} : memref<65536xf32, #tpu.memory_space<vmem>>, vector<16xf32>,
        %mul3A_1613 = arith.constant 256 : i32
        %mul3A_1614 = arith.muli %scan3A_1563, %mul3A_1613 : i32
        %add3A_1615 = arith.constant 128 : i32
        %add3A_1616 = arith.addi %mul3A_1614, %add3A_1615 : i32
        %swap3A_1617 = arith.index_cast %add3A_1616 : i32 to index
        %swap3A_1618 = tpu.vector_load %arg10[%swap3A_1617] {strides = array<i32>} : memref<65536xf32, #tpu.memory_space<vmem>>, vector<16xf32>,
        tpu.vector_store %arg10[%swap3A_1617], %broadcast_in_dim3A_1 {strides = array<i32>} : memref<65536xf32, #tpu.memory_space<vmem>>, vector<16xf32>,
        %mul3A_1619 = arith.constant 256 : i32
        %mul3A_1620 = arith.muli %scan3A_1563, %mul3A_1619 : i32
        %add3A_1621 = arith.constant 144 : i32
        %add3A_1622 = arith.addi %mul3A_1620, %add3A_1621 : i32
        %swap3A_1623 = arith.index_cast %add3A_1622 : i32 to index
        %swap3A_1624 = tpu.vector_load %arg10[%swap3A_1623] {strides = array<i32>} : memref<65536xf32, #tpu.memory_space<vmem>>, vector<16xf32>,
        tpu.vector_store %arg10[%swap3A_1623], %broadcast_in_dim3A_1 {strides = array<i32>} : memref<65536xf32, #tpu.memory_space<vmem>>, vector<16xf32>,
        %mul3A_1625 = arith.constant 256 : i32
        %mul3A_1626 = arith.muli %scan3A_1563, %mul3A_1625 : i32
        %add3A_1627 = arith.constant 160 : i32
        %add3A_1628 = arith.addi %mul3A_1626, %add3A_1627 : i32
        %swap3A_1629 = arith.index_cast %add3A_1628 : i32 to index
        %swap3A_1630 = tpu.vector_load %arg10[%swap3A_1629] {strides = array<i32>} : memref<65536xf32, #tpu.memory_space<vmem>>, vector<16xf32>,
        tpu.vector_store %arg10[%swap3A_1629], %broadcast_in_dim3A_1 {strides = array<i32>} : memref<65536xf32, #tpu.memory_space<vmem>>, vector<16xf32>,
        %mul3A_1631 = arith.constant 256 : i32
        %mul3A_1632 = arith.muli %scan3A_1563, %mul3A_1631 : i32
        %add3A_1633 = arith.constant 176 : i32
        %add3A_1634 = arith.addi %mul3A_1632, %add3A_1633 : i32
        %swap3A_1635 = arith.index_cast %add3A_1634 : i32 to index
        %swap3A_1636 = tpu.vector_load %arg10[%swap3A_1635] {strides = array<i32>} : memref<65536xf32, #tpu.memory_space<vmem>>, vector<16xf32>,
        tpu.vector_store %arg10[%swap3A_1635], %broadcast_in_dim3A_1 {strides = array<i32>} : memref<65536xf32, #tpu.memory_space<vmem>>, vector<16xf32>,
        %mul3A_1637 = arith.constant 256 : i32
        %mul3A_1638 = arith.muli %scan3A_1563, %mul3A_1637 : i32
        %add3A_1639 = arith.constant 192 : i32
        %add3A_1640 = arith.addi %mul3A_1638, %add3A_1639 : i32
        %swap3A_1641 = arith.index_cast %add3A_1640 : i32 to index
        %swap3A_1642 = tpu.vector_load %arg10[%swap3A_1641] {strides = array<i32>} : memref<65536xf32, #tpu.memory_space<vmem>>, vector<16xf32>,
        tpu.vector_store %arg10[%swap3A_1641], %broadcast_in_dim3A_1 {strides = array<i32>} : memref<65536xf32, #tpu.memory_space<vmem>>, vector<16xf32>,
        %mul3A_1643 = arith.constant 256 : i32
        %mul3A_1644 = arith.muli %scan3A_1563, %mul3A_1643 : i32
        %add3A_1645 = arith.constant 208 : i32
        %add3A_1646 = arith.addi %mul3A_1644, %add3A_1645 : i32
        %swap3A_1647 = arith.index_cast %add3A_1646 : i32 to index
        %swap3A_1648 = tpu.vector_load %arg10[%swap3A_1647] {strides = array<i32>} : memref<65536xf32, #tpu.memory_space<vmem>>, vector<16xf32>,
        tpu.vector_store %arg10[%swap3A_1647], %broadcast_in_dim3A_1 {strides = array<i32>} : memref<65536xf32, #tpu.memory_space<vmem>>, vector<16xf32>,
        %mul3A_1649 = arith.constant 256 : i32
        %mul3A_1650 = arith.muli %scan3A_1563, %mul3A_1649 : i32
        %add3A_1651 = arith.constant 224 : i32
        %add3A_1652 = arith.addi %mul3A_1650, %add3A_1651 : i32
        %swap3A_1653 = arith.index_cast %add3A_1652 : i32 to index
        %swap3A_1654 = tpu.vector_load %arg10[%swap3A_1653] {strides = array<i32>} : memref<65536xf32, #tpu.memory_space<vmem>>, vector<16xf32>,
        tpu.vector_store %arg10[%swap3A_1653], %broadcast_in_dim3A_1 {strides = array<i32>} : memref<65536xf32, #tpu.memory_space<vmem>>, vector<16xf32>,
        %mul3A_1655 = arith.constant 256 : i32
        %mul3A_1656 = arith.muli %scan3A_1563, %mul3A_1655 : i32
        %add3A_1657 = arith.constant 240 : i32
        %add3A_1658 = arith.addi %mul3A_1656, %add3A_1657 : i32
        %swap3A_1659 = arith.index_cast %add3A_1658 : i32 to index
        %swap3A_1660 = tpu.vector_load %arg10[%swap3A_1659] {strides = array<i32>} : memref<65536xf32, #tpu.memory_space<vmem>>, vector<16xf32>,
        tpu.vector_store %arg10[%swap3A_1659], %broadcast_in_dim3A_1 {strides = array<i32>} : memref<65536xf32, #tpu.memory_space<vmem>>, vector<16xf32>,
        %scan3A_1661 = arith.constant 0 : i32
        scf.yield %scan3A_1661 : i32
      }
      %scan3A_1562 = arith.constant 256 : i32
    } else {
    }
    %mul3A_1086 = arith.constant 48 : i32
    %mul3A_1087 = arith.muli %add3A, %mul3A_1086 : i32
    %add3A_1088 = arith.constant 8 : i32
    %add3A_1089 = arith.addi %mul3A_1087, %add3A_1088 : i32
    %add3A_1090 = vector.broadcast %add3A_1089 : i32 to vector<16xi32>
    %add3A_1091 = arith.addi %add3A_1090, %iota3A : vector<16xi32>
    %min3A_1092 = arith.constant 1535 : i32
    %min3A_1093 = vector.broadcast %min3A_1092 : i32 to vector<16xi32>
    %min3A_1094 = arith.minsi %add3A_1091, %min3A_1093 : vector<16xi32>
    %jit3A_1095 = arith.constant 384 : i32
    %div3A_1096 = vector.broadcast %jit3A_1095 : i32 to vector<16xi32>
    %div3A_1097 = arith.divsi %min3A_1094, %div3A_1096 : vector<16xi32>
    %sign3A_1098 = arith.constant 0 : i32
    %sign3A_1099 = vector.broadcast %sign3A_1098 : i32 to vector<16xi32>
    %sign3A_1100 = arith.cmpi sgt, %min3A_1094, %sign3A_1099 : vector<16xi32>
    %sign3A_1101 = arith.extui %sign3A_1100 : vector<16xi1> to vector<16xi32>
    %sign3A_1102 = arith.constant 0 : i32
    %sign3A_1103 = vector.broadcast %sign3A_1102 : i32 to vector<16xi32>
    %sign3A_1104 = arith.cmpi slt, %min3A_1094, %sign3A_1103 : vector<16xi32>
    %sign3A_1105 = arith.extui %sign3A_1104 : vector<16xi1> to vector<16xi32>
    %sign3A_1106 = arith.subi %sign3A_1101, %sign3A_1105 : vector<16xi32>
    %sign3A_1107 = arith.constant 0 : i32
    %sign3A_1108 = arith.cmpi sgt, %jit3A_1095, %sign3A_1107 : i32
    %sign3A_1109 = arith.extui %sign3A_1108 : i1 to i32
    %sign3A_1110 = arith.constant 0 : i32
    %sign3A_1111 = arith.cmpi slt, %jit3A_1095, %sign3A_1110 : i32
    %sign3A_1112 = arith.extui %sign3A_1111 : i1 to i32
    %sign3A_1113 = arith.subi %sign3A_1109, %sign3A_1112 : i32
    %ne3A_1114 = vector.broadcast %sign3A_1113 : i32 to vector<16xi32>
    %ne3A_1115 = arith.cmpi ne, %sign3A_1106, %ne3A_1114 : vector<16xi32>
    %rem3A_1116 = vector.broadcast %jit3A_1095 : i32 to vector<16xi32>
    %rem3A_1117 = arith.remsi %min3A_1094, %rem3A_1116 : vector<16xi32>
    %ne3A_1118 = arith.constant 0 : i32
    %ne3A_1119 = vector.broadcast %ne3A_1118 : i32 to vector<16xi32>
    %ne3A_1120 = arith.cmpi ne, %rem3A_1117, %ne3A_1119 : vector<16xi32>
    %and3A_1121 = arith.andi %ne3A_1115, %ne3A_1120 : vector<16xi1>
    %sub3A_1122 = arith.constant 1 : i32
    %sub3A_1123 = vector.broadcast %sub3A_1122 : i32 to vector<16xi32>
    %sub3A_1124 = arith.subi %div3A_1097, %sub3A_1123 : vector<16xi32>
    %select_n3A_1125 = arith.select %and3A_1121, %sub3A_1124, %div3A_1097 : vector<16xi1>, vector<16xi32>
    %jit3A_1126 = arith.constant 384 : i32
    %eq3A_1127 = arith.constant 0 : i32
    %eq3A_1128 = arith.cmpi eq, %jit3A_1126, %eq3A_1127 : i32
    %jit3A_1129 = arith.constant 1 : i32
    %select_n3A_1130 = arith.select %eq3A_1128, %jit3A_1129, %jit3A_1126 : i32
    %rem3A_1131 = vector.broadcast %select_n3A_1130 : i32 to vector<16xi32>
    %rem3A_1132 = arith.remsi %min3A_1094, %rem3A_1131 : vector<16xi32>
    %ne3A_1133 = arith.constant 0 : i32
    %ne3A_1134 = vector.broadcast %ne3A_1133 : i32 to vector<16xi32>
    %ne3A_1135 = arith.cmpi ne, %rem3A_1132, %ne3A_1134 : vector<16xi32>
    %lt3A_1136 = arith.constant 0 : i32
    %lt3A_1137 = vector.broadcast %lt3A_1136 : i32 to vector<16xi32>
    %lt3A_1138 = arith.cmpi slt, %rem3A_1132, %lt3A_1137 : vector<16xi32>
    %lt3A_1139 = arith.constant 0 : i32
    %lt3A_1140 = arith.cmpi slt, %select_n3A_1130, %lt3A_1139 : i32
    %ne3A_1141 = vector.broadcast %lt3A_1140 : i1 to vector<16xi1>
    %ne3A_1142 = vector.broadcast %ne3A_1141 : vector<16xi1> to vector<16xi1>
    %ne3A_1143 = arith.xori %lt3A_1138, %ne3A_1142 : vector<16xi1>
    %and3A_1144 = arith.andi %ne3A_1143, %ne3A_1135 : vector<16xi1>
    %add3A_1145 = vector.broadcast %select_n3A_1130 : i32 to vector<16xi32>
    %add3A_1146 = arith.addi %rem3A_1132, %add3A_1145 : vector<16xi32>
    %select_n3A_1147 = arith.select %and3A_1144, %add3A_1146, %rem3A_1132 : vector<16xi1>, vector<16xi32>
    %lt3A_1148 = arith.constant 8 : i32
    %lt3A_1149 = vector.broadcast %lt3A_1148 : i32 to vector<16xi32>
    %lt3A_1150 = arith.cmpi slt, %iota3A, %lt3A_1149 : vector<16xi32>
    %and3A_1151 = arith.constant 7 : i32
    %and3A_1152 = vector.broadcast %and3A_1151 : i32 to vector<16xi32>
    %and3A_1153 = arith.andi %iota3A, %and3A_1152 : vector<16xi32>
    %gather3A_1154 = tpu.vector_load_idx %arg5[%min3A_1094] : memref<1536xi32, #tpu.memory_space<vmem>>[vector<16xi32>], vector<16xi32>,
    %gather3A_1155 = tpu.vector_load_idx %arg9[%select_n3A_1125] : memref<16xf32, #tpu.memory_space<vmem>>[vector<16xi32>], vector<16xf32>,
    %eq3A_1156 = arith.constant 0.000000e+00 : f32
    %eq3A_1157 = vector.broadcast %eq3A_1156 : f32 to vector<16xf32>
    %eq3A_1158 = arith.cmpf oeq, %gather3A_1155, %eq3A_1157 : vector<16xf32>
    %and3A_1159 = arith.andi %lt3A_1150, %eq3A_1158 : vector<16xi1>
    %mul3A_1160 = arith.constant 8192 : i32
    %mul3A_1161 = vector.broadcast %mul3A_1160 : i32 to vector<16xi32>
    %mul3A_1162 = arith.muli %and3A_1153, %mul3A_1161 : vector<16xi32>
    %add3A_1163 = arith.addi %mul3A_1162, %gather3A_1154 : vector<16xi32>
    tpu.vector_store_idx %arg10[%add3A_1163], %broadcast_in_dim3A_3 masked %and3A_1159 : memref<65536xf32, #tpu.memory_space<vmem>>[vector<16xi32>], vector<16xf32>, vector<16xi1>
    %gt3A_1164 = arith.constant 0.000000e+00 : f32
    %gt3A_1165 = arith.cmpf ogt, %squeeze3A, %gt3A_1164 : f32
    %convert_element_type3A_1166 = arith.extui %gt3A_1165 : i1 to i32
    %cond3A_1167 = arith.constant 0 : i32
    %cond3A_1168 = arith.cmpi ne, %convert_element_type3A_1166, %cond3A_1167 : i32
    scf.if %cond3A_1168 {
      %max3A = arith.constant 1.000000e+00 : f32
      %max3A_1556 = vector.broadcast %max3A : f32 to vector<16xf32>
      %max3A_1557 = arith.maximumf %gather3A_1155, %max3A_1556 : vector<16xf32>
      %div3A_1558 = arith.constant 1.000000e+00 : f32
      %div3A_1559 = vector.broadcast %div3A_1558 : f32 to vector<16xf32>
      %div3A_1560 = arith.divf %div3A_1559, %max3A_1557 : vector<16xf32>
      %scan3A_1561 = arith.constant 0 : i32
      %scan3A_1562 = arith.constant 0 : i32
      %scan3A_1563 = arith.constant 1024 : i32
      %scan3A_1564 = arith.addi %scan3A_1562, %scan3A_1563 : i32
      %scan3A_1565 = arith.constant 1 : i32
      %scan3A_1566 = scf.for %scan3A_1568 = %scan3A_1562 to %scan3A_1564 step %scan3A_1565 iter_args(%scan3A_1569 = %scan3A_1561) -> (i32)  : i32 {
        %mul3A_1570 = arith.constant 384 : i32
        %mul3A_1571 = arith.muli %scan3A_1568, %mul3A_1570 : i32
        "tpu.region"() ({
          %run_scoped3A = tpu.sem_alloc : memref<!tpu.dma_semaphore, #tpu.memory_space<semaphore_mem>>
          %dma_start3A_1632 = tpu.memref_slice %arg3[%mul3A_1571] : memref<393216xi32, #tpu.memory_space<hbm>> -> memref<384xi32, #tpu.memory_space<hbm>>
          %dma_start3A_1633 = tpu.memref_slice %arg3[%mul3A_1571] : memref<393216xi32, #tpu.memory_space<hbm>> -> memref<384xi32, #tpu.memory_space<hbm>>
          tpu.enqueue_dma source(%dma_start3A_1633 : memref<384xi32, #tpu.memory_space<hbm>>) target(%arg11 : memref<384xi32, #tpu.memory_space<vmem>>) target_semaphore(%run_scoped3A : memref<!tpu.dma_semaphore, #tpu.memory_space<semaphore_mem>>)
          %dma_wait3A_1634 = tpu.memref_slice %arg3[%mul3A_1571] : memref<393216xi32, #tpu.memory_space<hbm>> -> memref<384xi32, #tpu.memory_space<hbm>>
          %dma_wait3A_1635 = tpu.memref_slice %arg3[%mul3A_1571] : memref<393216xi32, #tpu.memory_space<hbm>> -> memref<384xi32, #tpu.memory_space<hbm>>
          tpu.wait_dma2 semaphore(%run_scoped3A : memref<!tpu.dma_semaphore, #tpu.memory_space<semaphore_mem>>) src(%dma_wait3A_1635 : memref<384xi32, #tpu.memory_space<hbm>>) dst(%arg11 : memref<384xi32, #tpu.memory_space<vmem>>)
          tpu.yield
        }) : () -> ()
        %jit3A_1572 = arith.constant 64 : i32
        %div3A_1573 = arith.divsi %scan3A_1568, %jit3A_1572 : i32
        %sign3A_1574 = arith.constant 0 : i32
        %sign3A_1575 = arith.cmpi sgt, %scan3A_1568, %sign3A_1574 : i32
        %sign3A_1576 = arith.extui %sign3A_1575 : i1 to i32
        %sign3A_1577 = arith.constant 0 : i32
        %sign3A_1578 = arith.cmpi slt, %scan3A_1568, %sign3A_1577 : i32
        %sign3A_1579 = arith.extui %sign3A_1578 : i1 to i32
        %sign3A_1580 = arith.subi %sign3A_1576, %sign3A_1579 : i32
        %sign3A_1581 = arith.constant 0 : i32
        %sign3A_1582 = arith.cmpi sgt, %jit3A_1572, %sign3A_1581 : i32
        %sign3A_1583 = arith.extui %sign3A_1582 : i1 to i32
        %sign3A_1584 = arith.constant 0 : i32
        %sign3A_1585 = arith.cmpi slt, %jit3A_1572, %sign3A_1584 : i32
        %sign3A_1586 = arith.extui %sign3A_1585 : i1 to i32
        %sign3A_1587 = arith.subi %sign3A_1583, %sign3A_1586 : i32
        %ne3A_1588 = arith.cmpi ne, %sign3A_1580, %sign3A_1587 : i32
        %rem3A_1589 = arith.remsi %scan3A_1568, %jit3A_1572 : i32
        %ne3A_1590 = arith.constant 0 : i32
        %ne3A_1591 = arith.cmpi ne, %rem3A_1589, %ne3A_1590 : i32
        %and3A_1592 = arith.andi %ne3A_1588, %ne3A_1591 : i1
        %sub3A_1593 = arith.constant 1 : i32
        %sub3A_1594 = arith.subi %div3A_1573, %sub3A_1593 : i32
        %select_n3A_1595 = arith.select %and3A_1592, %sub3A_1594, %div3A_1573 : i32
        %mul3A_1596 = arith.constant 256 : i32
        %mul3A_1597 = arith.muli %select_n3A_1595, %mul3A_1596 : i32
        %mul3A_1598 = arith.constant 64 : i32
        %mul3A_1599 = vector.broadcast %mul3A_1598 : i32 to vector<16xi32>
        %mul3A_1600 = arith.muli %select_n3A_1125, %mul3A_1599 : vector<16xi32>
        %add3A_1601 = vector.broadcast %mul3A_1597 : i32 to vector<16xi32>
        %add3A_1602 = arith.addi %add3A_1601, %mul3A_1600 : vector<16xi32>
        %jit3A_1603 = arith.constant 64 : i32
        %eq3A_1604 = arith.constant 0 : i32
        %eq3A_1605 = arith.cmpi eq, %jit3A_1603, %eq3A_1604 : i32
        %jit3A_1606 = arith.constant 1 : i32
        %select_n3A_1607 = arith.select %eq3A_1605, %jit3A_1606, %jit3A_1603 : i32
        %rem3A_1608 = arith.remsi %scan3A_1568, %select_n3A_1607 : i32
        %ne3A_1609 = arith.constant 0 : i32
        %ne3A_1610 = arith.cmpi ne, %rem3A_1608, %ne3A_1609 : i32
        %lt3A_1611 = arith.constant 0 : i32
        %lt3A_1612 = arith.cmpi slt, %rem3A_1608, %lt3A_1611 : i32
        %lt3A_1613 = arith.constant 0 : i32
        %lt3A_1614 = arith.cmpi slt, %select_n3A_1607, %lt3A_1613 : i32
        %ne3A_1615 = arith.xori %lt3A_1612, %lt3A_1614 : i1
        %and3A_1616 = arith.andi %ne3A_1615, %ne3A_1610 : i1
        %add3A_1617 = arith.addi %rem3A_1608, %select_n3A_1607 : i32
        %select_n3A_1618 = arith.select %and3A_1616, %add3A_1617, %rem3A_1608 : i32
        %add3A_1619 = vector.broadcast %select_n3A_1618 : i32 to vector<16xi32>
        %add3A_1620 = arith.addi %add3A_1602, %add3A_1619 : vector<16xi32>
        %gather3A_1621 = tpu.vector_load_idx %arg8[%add3A_1620] : memref<4096xf32, #tpu.memory_space<vmem>>[vector<16xi32>], vector<16xf32>,
        %gather3A_1622 = tpu.vector_load_idx %arg11[%select_n3A_1147] : memref<384xi32, #tpu.memory_space<vmem>>[vector<16xi32>], vector<16xi32>,
        %gt3A_1623 = arith.constant 0.000000e+00 : f32
        %gt3A_1624 = vector.broadcast %gt3A_1623 : f32 to vector<16xf32>
        %gt3A_1625 = arith.cmpf ogt, %gather3A_1621, %gt3A_1624 : vector<16xf32>
        %and3A_1626 = arith.andi %lt3A_1150, %gt3A_1625 : vector<16xi1>
        %mul3A_1627 = arith.constant 8192 : i32
        %mul3A_1628 = vector.broadcast %mul3A_1627 : i32 to vector<16xi32>
        %mul3A_1629 = arith.muli %and3A_1153, %mul3A_1628 : vector<16xi32>
        %add3A_1630 = arith.addi %mul3A_1629, %gather3A_1622 : vector<16xi32>
        tpu.vector_store_idx %arg10[%add3A_1630], %div3A_1560 masked %and3A_1626 {add = true} : memref<65536xf32, #tpu.memory_space<vmem>>[vector<16xi32>], vector<16xf32>, vector<16xi1>
        %scan3A_1631 = arith.constant 0 : i32
        scf.yield %scan3A_1631 : i32
      }
      %scan3A_1567 = arith.constant 1024 : i32
    } else {
    }
    %mul3A_1169 = arith.constant 8192 : i32
    %mul3A_1170 = arith.muli %add3A_1089, %mul3A_1169 : i32
    "tpu.region"() ({
      %run_scoped3A = tpu.sem_alloc : memref<!tpu.dma_semaphore, #tpu.memory_space<semaphore_mem>>
      %dma_start3A_1556 = tpu.memref_slice %arg4[%mul3A_1170] : memref<12582912xf32, #tpu.memory_space<hbm>> -> memref<65536xf32, #tpu.memory_space<hbm>>
      %dma_start3A_1557 = tpu.memref_slice %arg4[%mul3A_1170] : memref<12582912xf32, #tpu.memory_space<hbm>> -> memref<65536xf32, #tpu.memory_space<hbm>>
      tpu.enqueue_dma source(%arg10 : memref<65536xf32, #tpu.memory_space<vmem>>) target(%dma_start3A_1557 : memref<65536xf32, #tpu.memory_space<hbm>>) target_semaphore(%run_scoped3A : memref<!tpu.dma_semaphore, #tpu.memory_space<semaphore_mem>>)
      %dma_wait3A_1558 = tpu.memref_slice %arg4[%mul3A_1170] : memref<12582912xf32, #tpu.memory_space<hbm>> -> memref<65536xf32, #tpu.memory_space<hbm>>
      %dma_wait3A_1559 = tpu.memref_slice %arg4[%mul3A_1170] : memref<12582912xf32, #tpu.memory_space<hbm>> -> memref<65536xf32, #tpu.memory_space<hbm>>
      tpu.wait_dma2 semaphore(%run_scoped3A : memref<!tpu.dma_semaphore, #tpu.memory_space<semaphore_mem>>) src(%arg10 : memref<65536xf32, #tpu.memory_space<vmem>>) dst(%dma_wait3A_1559 : memref<65536xf32, #tpu.memory_space<hbm>>)
      tpu.yield
    }) : () -> ()
    %mul3A_1171 = arith.constant 8192 : i32
    %mul3A_1172 = vector.broadcast %mul3A_1171 : i32 to vector<16xi32>
    %mul3A_1173 = arith.muli %and3A_1153, %mul3A_1172 : vector<16xi32>
    %add3A_1174 = arith.addi %mul3A_1173, %gather3A_1154 : vector<16xi32>
    tpu.vector_store_idx %arg10[%add3A_1174], %broadcast_in_dim3A_1 masked %and3A_1159 : memref<65536xf32, #tpu.memory_space<vmem>>[vector<16xi32>], vector<16xf32>, vector<16xi1>
    %gt3A_1175 = arith.constant 0.000000e+00 : f32
    %gt3A_1176 = arith.cmpf ogt, %squeeze3A, %gt3A_1175 : f32
    %convert_element_type3A_1177 = arith.extui %gt3A_1176 : i1 to i32
    %cond3A_1178 = arith.constant 0 : i32
    %cond3A_1179 = arith.cmpi ne, %convert_element_type3A_1177, %cond3A_1178 : i32
    scf.if %cond3A_1179 {
      %scan3A_1556 = arith.constant 0 : i32
      %scan3A_1557 = arith.constant 0 : i32
      %scan3A_1558 = arith.constant 256 : i32
      %scan3A_1559 = arith.addi %scan3A_1557, %scan3A_1558 : i32
      %scan3A_1560 = arith.constant 1 : i32
      %scan3A_1561 = scf.for %scan3A_1563 = %scan3A_1557 to %scan3A_1559 step %scan3A_1560 iter_args(%scan3A_1564 = %scan3A_1556) -> (i32)  : i32 {
        %mul3A_1565 = arith.constant 256 : i32
        %mul3A_1566 = arith.muli %scan3A_1563, %mul3A_1565 : i32
        %add3A_1567 = arith.constant 0 : i32
        %add3A_1568 = arith.addi %mul3A_1566, %add3A_1567 : i32
        %swap3A_1569 = arith.index_cast %add3A_1568 : i32 to index
        %swap3A_1570 = tpu.vector_load %arg10[%swap3A_1569] {strides = array<i32>} : memref<65536xf32, #tpu.memory_space<vmem>>, vector<16xf32>,
        tpu.vector_store %arg10[%swap3A_1569], %broadcast_in_dim3A_1 {strides = array<i32>} : memref<65536xf32, #tpu.memory_space<vmem>>, vector<16xf32>,
        %mul3A_1571 = arith.constant 256 : i32
        %mul3A_1572 = arith.muli %scan3A_1563, %mul3A_1571 : i32
        %add3A_1573 = arith.constant 16 : i32
        %add3A_1574 = arith.addi %mul3A_1572, %add3A_1573 : i32
        %swap3A_1575 = arith.index_cast %add3A_1574 : i32 to index
        %swap3A_1576 = tpu.vector_load %arg10[%swap3A_1575] {strides = array<i32>} : memref<65536xf32, #tpu.memory_space<vmem>>, vector<16xf32>,
        tpu.vector_store %arg10[%swap3A_1575], %broadcast_in_dim3A_1 {strides = array<i32>} : memref<65536xf32, #tpu.memory_space<vmem>>, vector<16xf32>,
        %mul3A_1577 = arith.constant 256 : i32
        %mul3A_1578 = arith.muli %scan3A_1563, %mul3A_1577 : i32
        %add3A_1579 = arith.constant 32 : i32
        %add3A_1580 = arith.addi %mul3A_1578, %add3A_1579 : i32
        %swap3A_1581 = arith.index_cast %add3A_1580 : i32 to index
        %swap3A_1582 = tpu.vector_load %arg10[%swap3A_1581] {strides = array<i32>} : memref<65536xf32, #tpu.memory_space<vmem>>, vector<16xf32>,
        tpu.vector_store %arg10[%swap3A_1581], %broadcast_in_dim3A_1 {strides = array<i32>} : memref<65536xf32, #tpu.memory_space<vmem>>, vector<16xf32>,
        %mul3A_1583 = arith.constant 256 : i32
        %mul3A_1584 = arith.muli %scan3A_1563, %mul3A_1583 : i32
        %add3A_1585 = arith.constant 48 : i32
        %add3A_1586 = arith.addi %mul3A_1584, %add3A_1585 : i32
        %swap3A_1587 = arith.index_cast %add3A_1586 : i32 to index
        %swap3A_1588 = tpu.vector_load %arg10[%swap3A_1587] {strides = array<i32>} : memref<65536xf32, #tpu.memory_space<vmem>>, vector<16xf32>,
        tpu.vector_store %arg10[%swap3A_1587], %broadcast_in_dim3A_1 {strides = array<i32>} : memref<65536xf32, #tpu.memory_space<vmem>>, vector<16xf32>,
        %mul3A_1589 = arith.constant 256 : i32
        %mul3A_1590 = arith.muli %scan3A_1563, %mul3A_1589 : i32
        %add3A_1591 = arith.constant 64 : i32
        %add3A_1592 = arith.addi %mul3A_1590, %add3A_1591 : i32
        %swap3A_1593 = arith.index_cast %add3A_1592 : i32 to index
        %swap3A_1594 = tpu.vector_load %arg10[%swap3A_1593] {strides = array<i32>} : memref<65536xf32, #tpu.memory_space<vmem>>, vector<16xf32>,
        tpu.vector_store %arg10[%swap3A_1593], %broadcast_in_dim3A_1 {strides = array<i32>} : memref<65536xf32, #tpu.memory_space<vmem>>, vector<16xf32>,
        %mul3A_1595 = arith.constant 256 : i32
        %mul3A_1596 = arith.muli %scan3A_1563, %mul3A_1595 : i32
        %add3A_1597 = arith.constant 80 : i32
        %add3A_1598 = arith.addi %mul3A_1596, %add3A_1597 : i32
        %swap3A_1599 = arith.index_cast %add3A_1598 : i32 to index
        %swap3A_1600 = tpu.vector_load %arg10[%swap3A_1599] {strides = array<i32>} : memref<65536xf32, #tpu.memory_space<vmem>>, vector<16xf32>,
        tpu.vector_store %arg10[%swap3A_1599], %broadcast_in_dim3A_1 {strides = array<i32>} : memref<65536xf32, #tpu.memory_space<vmem>>, vector<16xf32>,
        %mul3A_1601 = arith.constant 256 : i32
        %mul3A_1602 = arith.muli %scan3A_1563, %mul3A_1601 : i32
        %add3A_1603 = arith.constant 96 : i32
        %add3A_1604 = arith.addi %mul3A_1602, %add3A_1603 : i32
        %swap3A_1605 = arith.index_cast %add3A_1604 : i32 to index
        %swap3A_1606 = tpu.vector_load %arg10[%swap3A_1605] {strides = array<i32>} : memref<65536xf32, #tpu.memory_space<vmem>>, vector<16xf32>,
        tpu.vector_store %arg10[%swap3A_1605], %broadcast_in_dim3A_1 {strides = array<i32>} : memref<65536xf32, #tpu.memory_space<vmem>>, vector<16xf32>,
        %mul3A_1607 = arith.constant 256 : i32
        %mul3A_1608 = arith.muli %scan3A_1563, %mul3A_1607 : i32
        %add3A_1609 = arith.constant 112 : i32
        %add3A_1610 = arith.addi %mul3A_1608, %add3A_1609 : i32
        %swap3A_1611 = arith.index_cast %add3A_1610 : i32 to index
        %swap3A_1612 = tpu.vector_load %arg10[%swap3A_1611] {strides = array<i32>} : memref<65536xf32, #tpu.memory_space<vmem>>, vector<16xf32>,
        tpu.vector_store %arg10[%swap3A_1611], %broadcast_in_dim3A_1 {strides = array<i32>} : memref<65536xf32, #tpu.memory_space<vmem>>, vector<16xf32>,
        %mul3A_1613 = arith.constant 256 : i32
        %mul3A_1614 = arith.muli %scan3A_1563, %mul3A_1613 : i32
        %add3A_1615 = arith.constant 128 : i32
        %add3A_1616 = arith.addi %mul3A_1614, %add3A_1615 : i32
        %swap3A_1617 = arith.index_cast %add3A_1616 : i32 to index
        %swap3A_1618 = tpu.vector_load %arg10[%swap3A_1617] {strides = array<i32>} : memref<65536xf32, #tpu.memory_space<vmem>>, vector<16xf32>,
        tpu.vector_store %arg10[%swap3A_1617], %broadcast_in_dim3A_1 {strides = array<i32>} : memref<65536xf32, #tpu.memory_space<vmem>>, vector<16xf32>,
        %mul3A_1619 = arith.constant 256 : i32
        %mul3A_1620 = arith.muli %scan3A_1563, %mul3A_1619 : i32
        %add3A_1621 = arith.constant 144 : i32
        %add3A_1622 = arith.addi %mul3A_1620, %add3A_1621 : i32
        %swap3A_1623 = arith.index_cast %add3A_1622 : i32 to index
        %swap3A_1624 = tpu.vector_load %arg10[%swap3A_1623] {strides = array<i32>} : memref<65536xf32, #tpu.memory_space<vmem>>, vector<16xf32>,
        tpu.vector_store %arg10[%swap3A_1623], %broadcast_in_dim3A_1 {strides = array<i32>} : memref<65536xf32, #tpu.memory_space<vmem>>, vector<16xf32>,
        %mul3A_1625 = arith.constant 256 : i32
        %mul3A_1626 = arith.muli %scan3A_1563, %mul3A_1625 : i32
        %add3A_1627 = arith.constant 160 : i32
        %add3A_1628 = arith.addi %mul3A_1626, %add3A_1627 : i32
        %swap3A_1629 = arith.index_cast %add3A_1628 : i32 to index
        %swap3A_1630 = tpu.vector_load %arg10[%swap3A_1629] {strides = array<i32>} : memref<65536xf32, #tpu.memory_space<vmem>>, vector<16xf32>,
        tpu.vector_store %arg10[%swap3A_1629], %broadcast_in_dim3A_1 {strides = array<i32>} : memref<65536xf32, #tpu.memory_space<vmem>>, vector<16xf32>,
        %mul3A_1631 = arith.constant 256 : i32
        %mul3A_1632 = arith.muli %scan3A_1563, %mul3A_1631 : i32
        %add3A_1633 = arith.constant 176 : i32
        %add3A_1634 = arith.addi %mul3A_1632, %add3A_1633 : i32
        %swap3A_1635 = arith.index_cast %add3A_1634 : i32 to index
        %swap3A_1636 = tpu.vector_load %arg10[%swap3A_1635] {strides = array<i32>} : memref<65536xf32, #tpu.memory_space<vmem>>, vector<16xf32>,
        tpu.vector_store %arg10[%swap3A_1635], %broadcast_in_dim3A_1 {strides = array<i32>} : memref<65536xf32, #tpu.memory_space<vmem>>, vector<16xf32>,
        %mul3A_1637 = arith.constant 256 : i32
        %mul3A_1638 = arith.muli %scan3A_1563, %mul3A_1637 : i32
        %add3A_1639 = arith.constant 192 : i32
        %add3A_1640 = arith.addi %mul3A_1638, %add3A_1639 : i32
        %swap3A_1641 = arith.index_cast %add3A_1640 : i32 to index
        %swap3A_1642 = tpu.vector_load %arg10[%swap3A_1641] {strides = array<i32>} : memref<65536xf32, #tpu.memory_space<vmem>>, vector<16xf32>,
        tpu.vector_store %arg10[%swap3A_1641], %broadcast_in_dim3A_1 {strides = array<i32>} : memref<65536xf32, #tpu.memory_space<vmem>>, vector<16xf32>,
        %mul3A_1643 = arith.constant 256 : i32
        %mul3A_1644 = arith.muli %scan3A_1563, %mul3A_1643 : i32
        %add3A_1645 = arith.constant 208 : i32
        %add3A_1646 = arith.addi %mul3A_1644, %add3A_1645 : i32
        %swap3A_1647 = arith.index_cast %add3A_1646 : i32 to index
        %swap3A_1648 = tpu.vector_load %arg10[%swap3A_1647] {strides = array<i32>} : memref<65536xf32, #tpu.memory_space<vmem>>, vector<16xf32>,
        tpu.vector_store %arg10[%swap3A_1647], %broadcast_in_dim3A_1 {strides = array<i32>} : memref<65536xf32, #tpu.memory_space<vmem>>, vector<16xf32>,
        %mul3A_1649 = arith.constant 256 : i32
        %mul3A_1650 = arith.muli %scan3A_1563, %mul3A_1649 : i32
        %add3A_1651 = arith.constant 224 : i32
        %add3A_1652 = arith.addi %mul3A_1650, %add3A_1651 : i32
        %swap3A_1653 = arith.index_cast %add3A_1652 : i32 to index
        %swap3A_1654 = tpu.vector_load %arg10[%swap3A_1653] {strides = array<i32>} : memref<65536xf32, #tpu.memory_space<vmem>>, vector<16xf32>,
        tpu.vector_store %arg10[%swap3A_1653], %broadcast_in_dim3A_1 {strides = array<i32>} : memref<65536xf32, #tpu.memory_space<vmem>>, vector<16xf32>,
        %mul3A_1655 = arith.constant 256 : i32
        %mul3A_1656 = arith.muli %scan3A_1563, %mul3A_1655 : i32
        %add3A_1657 = arith.constant 240 : i32
        %add3A_1658 = arith.addi %mul3A_1656, %add3A_1657 : i32
        %swap3A_1659 = arith.index_cast %add3A_1658 : i32 to index
        %swap3A_1660 = tpu.vector_load %arg10[%swap3A_1659] {strides = array<i32>} : memref<65536xf32, #tpu.memory_space<vmem>>, vector<16xf32>,
        tpu.vector_store %arg10[%swap3A_1659], %broadcast_in_dim3A_1 {strides = array<i32>} : memref<65536xf32, #tpu.memory_space<vmem>>, vector<16xf32>,
        %scan3A_1661 = arith.constant 0 : i32
        scf.yield %scan3A_1661 : i32
      }
      %scan3A_1562 = arith.constant 256 : i32
    } else {
    }
    %mul3A_1180 = arith.constant 48 : i32
    %mul3A_1181 = arith.muli %add3A, %mul3A_1180 : i32
    %add3A_1182 = arith.constant 16 : i32
    %add3A_1183 = arith.addi %mul3A_1181, %add3A_1182 : i32
    %add3A_1184 = vector.broadcast %add3A_1183 : i32 to vector<16xi32>
    %add3A_1185 = arith.addi %add3A_1184, %iota3A : vector<16xi32>
    %min3A_1186 = arith.constant 1535 : i32
    %min3A_1187 = vector.broadcast %min3A_1186 : i32 to vector<16xi32>
    %min3A_1188 = arith.minsi %add3A_1185, %min3A_1187 : vector<16xi32>
    %jit3A_1189 = arith.constant 384 : i32
    %div3A_1190 = vector.broadcast %jit3A_1189 : i32 to vector<16xi32>
    %div3A_1191 = arith.divsi %min3A_1188, %div3A_1190 : vector<16xi32>
    %sign3A_1192 = arith.constant 0 : i32
    %sign3A_1193 = vector.broadcast %sign3A_1192 : i32 to vector<16xi32>
    %sign3A_1194 = arith.cmpi sgt, %min3A_1188, %sign3A_1193 : vector<16xi32>
    %sign3A_1195 = arith.extui %sign3A_1194 : vector<16xi1> to vector<16xi32>
    %sign3A_1196 = arith.constant 0 : i32
    %sign3A_1197 = vector.broadcast %sign3A_1196 : i32 to vector<16xi32>
    %sign3A_1198 = arith.cmpi slt, %min3A_1188, %sign3A_1197 : vector<16xi32>
    %sign3A_1199 = arith.extui %sign3A_1198 : vector<16xi1> to vector<16xi32>
    %sign3A_1200 = arith.subi %sign3A_1195, %sign3A_1199 : vector<16xi32>
    %sign3A_1201 = arith.constant 0 : i32
    %sign3A_1202 = arith.cmpi sgt, %jit3A_1189, %sign3A_1201 : i32
    %sign3A_1203 = arith.extui %sign3A_1202 : i1 to i32
    %sign3A_1204 = arith.constant 0 : i32
    %sign3A_1205 = arith.cmpi slt, %jit3A_1189, %sign3A_1204 : i32
    %sign3A_1206 = arith.extui %sign3A_1205 : i1 to i32
    %sign3A_1207 = arith.subi %sign3A_1203, %sign3A_1206 : i32
    %ne3A_1208 = vector.broadcast %sign3A_1207 : i32 to vector<16xi32>
    %ne3A_1209 = arith.cmpi ne, %sign3A_1200, %ne3A_1208 : vector<16xi32>
    %rem3A_1210 = vector.broadcast %jit3A_1189 : i32 to vector<16xi32>
    %rem3A_1211 = arith.remsi %min3A_1188, %rem3A_1210 : vector<16xi32>
    %ne3A_1212 = arith.constant 0 : i32
    %ne3A_1213 = vector.broadcast %ne3A_1212 : i32 to vector<16xi32>
    %ne3A_1214 = arith.cmpi ne, %rem3A_1211, %ne3A_1213 : vector<16xi32>
    %and3A_1215 = arith.andi %ne3A_1209, %ne3A_1214 : vector<16xi1>
    %sub3A_1216 = arith.constant 1 : i32
    %sub3A_1217 = vector.broadcast %sub3A_1216 : i32 to vector<16xi32>
    %sub3A_1218 = arith.subi %div3A_1191, %sub3A_1217 : vector<16xi32>
    %select_n3A_1219 = arith.select %and3A_1215, %sub3A_1218, %div3A_1191 : vector<16xi1>, vector<16xi32>
    %jit3A_1220 = arith.constant 384 : i32
    %eq3A_1221 = arith.constant 0 : i32
    %eq3A_1222 = arith.cmpi eq, %jit3A_1220, %eq3A_1221 : i32
    %jit3A_1223 = arith.constant 1 : i32
    %select_n3A_1224 = arith.select %eq3A_1222, %jit3A_1223, %jit3A_1220 : i32
    %rem3A_1225 = vector.broadcast %select_n3A_1224 : i32 to vector<16xi32>
    %rem3A_1226 = arith.remsi %min3A_1188, %rem3A_1225 : vector<16xi32>
    %ne3A_1227 = arith.constant 0 : i32
    %ne3A_1228 = vector.broadcast %ne3A_1227 : i32 to vector<16xi32>
    %ne3A_1229 = arith.cmpi ne, %rem3A_1226, %ne3A_1228 : vector<16xi32>
    %lt3A_1230 = arith.constant 0 : i32
    %lt3A_1231 = vector.broadcast %lt3A_1230 : i32 to vector<16xi32>
    %lt3A_1232 = arith.cmpi slt, %rem3A_1226, %lt3A_1231 : vector<16xi32>
    %lt3A_1233 = arith.constant 0 : i32
    %lt3A_1234 = arith.cmpi slt, %select_n3A_1224, %lt3A_1233 : i32
    %ne3A_1235 = vector.broadcast %lt3A_1234 : i1 to vector<16xi1>
    %ne3A_1236 = vector.broadcast %ne3A_1235 : vector<16xi1> to vector<16xi1>
    %ne3A_1237 = arith.xori %lt3A_1232, %ne3A_1236 : vector<16xi1>
    %and3A_1238 = arith.andi %ne3A_1237, %ne3A_1229 : vector<16xi1>
    %add3A_1239 = vector.broadcast %select_n3A_1224 : i32 to vector<16xi32>
    %add3A_1240 = arith.addi %rem3A_1226, %add3A_1239 : vector<16xi32>
    %select_n3A_1241 = arith.select %and3A_1238, %add3A_1240, %rem3A_1226 : vector<16xi1>, vector<16xi32>
    %lt3A_1242 = arith.constant 8 : i32
    %lt3A_1243 = vector.broadcast %lt3A_1242 : i32 to vector<16xi32>
    %lt3A_1244 = arith.cmpi slt, %iota3A, %lt3A_1243 : vector<16xi32>
    %and3A_1245 = arith.constant 7 : i32
    %and3A_1246 = vector.broadcast %and3A_1245 : i32 to vector<16xi32>
    %and3A_1247 = arith.andi %iota3A, %and3A_1246 : vector<16xi32>
    %gather3A_1248 = tpu.vector_load_idx %arg5[%min3A_1188] : memref<1536xi32, #tpu.memory_space<vmem>>[vector<16xi32>], vector<16xi32>,
    %gather3A_1249 = tpu.vector_load_idx %arg9[%select_n3A_1219] : memref<16xf32, #tpu.memory_space<vmem>>[vector<16xi32>], vector<16xf32>,
    %eq3A_1250 = arith.constant 0.000000e+00 : f32
    %eq3A_1251 = vector.broadcast %eq3A_1250 : f32 to vector<16xf32>
    %eq3A_1252 = arith.cmpf oeq, %gather3A_1249, %eq3A_1251 : vector<16xf32>
    %and3A_1253 = arith.andi %lt3A_1244, %eq3A_1252 : vector<16xi1>
    %mul3A_1254 = arith.constant 8192 : i32
    %mul3A_1255 = vector.broadcast %mul3A_1254 : i32 to vector<16xi32>
    %mul3A_1256 = arith.muli %and3A_1247, %mul3A_1255 : vector<16xi32>
    %add3A_1257 = arith.addi %mul3A_1256, %gather3A_1248 : vector<16xi32>
    tpu.vector_store_idx %arg10[%add3A_1257], %broadcast_in_dim3A_3 masked %and3A_1253 : memref<65536xf32, #tpu.memory_space<vmem>>[vector<16xi32>], vector<16xf32>, vector<16xi1>
    %gt3A_1258 = arith.constant 0.000000e+00 : f32
    %gt3A_1259 = arith.cmpf ogt, %squeeze3A, %gt3A_1258 : f32
    %convert_element_type3A_1260 = arith.extui %gt3A_1259 : i1 to i32
    %cond3A_1261 = arith.constant 0 : i32
    %cond3A_1262 = arith.cmpi ne, %convert_element_type3A_1260, %cond3A_1261 : i32
    scf.if %cond3A_1262 {
      %max3A = arith.constant 1.000000e+00 : f32
      %max3A_1556 = vector.broadcast %max3A : f32 to vector<16xf32>
      %max3A_1557 = arith.maximumf %gather3A_1249, %max3A_1556 : vector<16xf32>
      %div3A_1558 = arith.constant 1.000000e+00 : f32
      %div3A_1559 = vector.broadcast %div3A_1558 : f32 to vector<16xf32>
      %div3A_1560 = arith.divf %div3A_1559, %max3A_1557 : vector<16xf32>
      %scan3A_1561 = arith.constant 0 : i32
      %scan3A_1562 = arith.constant 0 : i32
      %scan3A_1563 = arith.constant 1024 : i32
      %scan3A_1564 = arith.addi %scan3A_1562, %scan3A_1563 : i32
      %scan3A_1565 = arith.constant 1 : i32
      %scan3A_1566 = scf.for %scan3A_1568 = %scan3A_1562 to %scan3A_1564 step %scan3A_1565 iter_args(%scan3A_1569 = %scan3A_1561) -> (i32)  : i32 {
        %mul3A_1570 = arith.constant 384 : i32
        %mul3A_1571 = arith.muli %scan3A_1568, %mul3A_1570 : i32
        "tpu.region"() ({
          %run_scoped3A = tpu.sem_alloc : memref<!tpu.dma_semaphore, #tpu.memory_space<semaphore_mem>>
          %dma_start3A_1632 = tpu.memref_slice %arg3[%mul3A_1571] : memref<393216xi32, #tpu.memory_space<hbm>> -> memref<384xi32, #tpu.memory_space<hbm>>
          %dma_start3A_1633 = tpu.memref_slice %arg3[%mul3A_1571] : memref<393216xi32, #tpu.memory_space<hbm>> -> memref<384xi32, #tpu.memory_space<hbm>>
          tpu.enqueue_dma source(%dma_start3A_1633 : memref<384xi32, #tpu.memory_space<hbm>>) target(%arg11 : memref<384xi32, #tpu.memory_space<vmem>>) target_semaphore(%run_scoped3A : memref<!tpu.dma_semaphore, #tpu.memory_space<semaphore_mem>>)
          %dma_wait3A_1634 = tpu.memref_slice %arg3[%mul3A_1571] : memref<393216xi32, #tpu.memory_space<hbm>> -> memref<384xi32, #tpu.memory_space<hbm>>
          %dma_wait3A_1635 = tpu.memref_slice %arg3[%mul3A_1571] : memref<393216xi32, #tpu.memory_space<hbm>> -> memref<384xi32, #tpu.memory_space<hbm>>
          tpu.wait_dma2 semaphore(%run_scoped3A : memref<!tpu.dma_semaphore, #tpu.memory_space<semaphore_mem>>) src(%dma_wait3A_1635 : memref<384xi32, #tpu.memory_space<hbm>>) dst(%arg11 : memref<384xi32, #tpu.memory_space<vmem>>)
          tpu.yield
        }) : () -> ()
        %jit3A_1572 = arith.constant 64 : i32
        %div3A_1573 = arith.divsi %scan3A_1568, %jit3A_1572 : i32
        %sign3A_1574 = arith.constant 0 : i32
        %sign3A_1575 = arith.cmpi sgt, %scan3A_1568, %sign3A_1574 : i32
        %sign3A_1576 = arith.extui %sign3A_1575 : i1 to i32
        %sign3A_1577 = arith.constant 0 : i32
        %sign3A_1578 = arith.cmpi slt, %scan3A_1568, %sign3A_1577 : i32
        %sign3A_1579 = arith.extui %sign3A_1578 : i1 to i32
        %sign3A_1580 = arith.subi %sign3A_1576, %sign3A_1579 : i32
        %sign3A_1581 = arith.constant 0 : i32
        %sign3A_1582 = arith.cmpi sgt, %jit3A_1572, %sign3A_1581 : i32
        %sign3A_1583 = arith.extui %sign3A_1582 : i1 to i32
        %sign3A_1584 = arith.constant 0 : i32
        %sign3A_1585 = arith.cmpi slt, %jit3A_1572, %sign3A_1584 : i32
        %sign3A_1586 = arith.extui %sign3A_1585 : i1 to i32
        %sign3A_1587 = arith.subi %sign3A_1583, %sign3A_1586 : i32
        %ne3A_1588 = arith.cmpi ne, %sign3A_1580, %sign3A_1587 : i32
        %rem3A_1589 = arith.remsi %scan3A_1568, %jit3A_1572 : i32
        %ne3A_1590 = arith.constant 0 : i32
        %ne3A_1591 = arith.cmpi ne, %rem3A_1589, %ne3A_1590 : i32
        %and3A_1592 = arith.andi %ne3A_1588, %ne3A_1591 : i1
        %sub3A_1593 = arith.constant 1 : i32
        %sub3A_1594 = arith.subi %div3A_1573, %sub3A_1593 : i32
        %select_n3A_1595 = arith.select %and3A_1592, %sub3A_1594, %div3A_1573 : i32
        %mul3A_1596 = arith.constant 256 : i32
        %mul3A_1597 = arith.muli %select_n3A_1595, %mul3A_1596 : i32
        %mul3A_1598 = arith.constant 64 : i32
        %mul3A_1599 = vector.broadcast %mul3A_1598 : i32 to vector<16xi32>
        %mul3A_1600 = arith.muli %select_n3A_1219, %mul3A_1599 : vector<16xi32>
        %add3A_1601 = vector.broadcast %mul3A_1597 : i32 to vector<16xi32>
        %add3A_1602 = arith.addi %add3A_1601, %mul3A_1600 : vector<16xi32>
        %jit3A_1603 = arith.constant 64 : i32
        %eq3A_1604 = arith.constant 0 : i32
        %eq3A_1605 = arith.cmpi eq, %jit3A_1603, %eq3A_1604 : i32
        %jit3A_1606 = arith.constant 1 : i32
        %select_n3A_1607 = arith.select %eq3A_1605, %jit3A_1606, %jit3A_1603 : i32
        %rem3A_1608 = arith.remsi %scan3A_1568, %select_n3A_1607 : i32
        %ne3A_1609 = arith.constant 0 : i32
        %ne3A_1610 = arith.cmpi ne, %rem3A_1608, %ne3A_1609 : i32
        %lt3A_1611 = arith.constant 0 : i32
        %lt3A_1612 = arith.cmpi slt, %rem3A_1608, %lt3A_1611 : i32
        %lt3A_1613 = arith.constant 0 : i32
        %lt3A_1614 = arith.cmpi slt, %select_n3A_1607, %lt3A_1613 : i32
        %ne3A_1615 = arith.xori %lt3A_1612, %lt3A_1614 : i1
        %and3A_1616 = arith.andi %ne3A_1615, %ne3A_1610 : i1
        %add3A_1617 = arith.addi %rem3A_1608, %select_n3A_1607 : i32
        %select_n3A_1618 = arith.select %and3A_1616, %add3A_1617, %rem3A_1608 : i32
        %add3A_1619 = vector.broadcast %select_n3A_1618 : i32 to vector<16xi32>
        %add3A_1620 = arith.addi %add3A_1602, %add3A_1619 : vector<16xi32>
        %gather3A_1621 = tpu.vector_load_idx %arg8[%add3A_1620] : memref<4096xf32, #tpu.memory_space<vmem>>[vector<16xi32>], vector<16xf32>,
        %gather3A_1622 = tpu.vector_load_idx %arg11[%select_n3A_1241] : memref<384xi32, #tpu.memory_space<vmem>>[vector<16xi32>], vector<16xi32>,
        %gt3A_1623 = arith.constant 0.000000e+00 : f32
        %gt3A_1624 = vector.broadcast %gt3A_1623 : f32 to vector<16xf32>
        %gt3A_1625 = arith.cmpf ogt, %gather3A_1621, %gt3A_1624 : vector<16xf32>
        %and3A_1626 = arith.andi %lt3A_1244, %gt3A_1625 : vector<16xi1>
        %mul3A_1627 = arith.constant 8192 : i32
        %mul3A_1628 = vector.broadcast %mul3A_1627 : i32 to vector<16xi32>
        %mul3A_1629 = arith.muli %and3A_1247, %mul3A_1628 : vector<16xi32>
        %add3A_1630 = arith.addi %mul3A_1629, %gather3A_1622 : vector<16xi32>
        tpu.vector_store_idx %arg10[%add3A_1630], %div3A_1560 masked %and3A_1626 {add = true} : memref<65536xf32, #tpu.memory_space<vmem>>[vector<16xi32>], vector<16xf32>, vector<16xi1>
        %scan3A_1631 = arith.constant 0 : i32
        scf.yield %scan3A_1631 : i32
      }
      %scan3A_1567 = arith.constant 1024 : i32
    } else {
    }
    %mul3A_1263 = arith.constant 8192 : i32
    %mul3A_1264 = arith.muli %add3A_1183, %mul3A_1263 : i32
    "tpu.region"() ({
      %run_scoped3A = tpu.sem_alloc : memref<!tpu.dma_semaphore, #tpu.memory_space<semaphore_mem>>
      %dma_start3A_1556 = tpu.memref_slice %arg4[%mul3A_1264] : memref<12582912xf32, #tpu.memory_space<hbm>> -> memref<65536xf32, #tpu.memory_space<hbm>>
      %dma_start3A_1557 = tpu.memref_slice %arg4[%mul3A_1264] : memref<12582912xf32, #tpu.memory_space<hbm>> -> memref<65536xf32, #tpu.memory_space<hbm>>
      tpu.enqueue_dma source(%arg10 : memref<65536xf32, #tpu.memory_space<vmem>>) target(%dma_start3A_1557 : memref<65536xf32, #tpu.memory_space<hbm>>) target_semaphore(%run_scoped3A : memref<!tpu.dma_semaphore, #tpu.memory_space<semaphore_mem>>)
      %dma_wait3A_1558 = tpu.memref_slice %arg4[%mul3A_1264] : memref<12582912xf32, #tpu.memory_space<hbm>> -> memref<65536xf32, #tpu.memory_space<hbm>>
      %dma_wait3A_1559 = tpu.memref_slice %arg4[%mul3A_1264] : memref<12582912xf32, #tpu.memory_space<hbm>> -> memref<65536xf32, #tpu.memory_space<hbm>>
      tpu.wait_dma2 semaphore(%run_scoped3A : memref<!tpu.dma_semaphore, #tpu.memory_space<semaphore_mem>>) src(%arg10 : memref<65536xf32, #tpu.memory_space<vmem>>) dst(%dma_wait3A_1559 : memref<65536xf32, #tpu.memory_space<hbm>>)
      tpu.yield
    }) : () -> ()
    %mul3A_1265 = arith.constant 8192 : i32
    %mul3A_1266 = vector.broadcast %mul3A_1265 : i32 to vector<16xi32>
    %mul3A_1267 = arith.muli %and3A_1247, %mul3A_1266 : vector<16xi32>
    %add3A_1268 = arith.addi %mul3A_1267, %gather3A_1248 : vector<16xi32>
    tpu.vector_store_idx %arg10[%add3A_1268], %broadcast_in_dim3A_1 masked %and3A_1253 : memref<65536xf32, #tpu.memory_space<vmem>>[vector<16xi32>], vector<16xf32>, vector<16xi1>
    %gt3A_1269 = arith.constant 0.000000e+00 : f32
    %gt3A_1270 = arith.cmpf ogt, %squeeze3A, %gt3A_1269 : f32
    %convert_element_type3A_1271 = arith.extui %gt3A_1270 : i1 to i32
    %cond3A_1272 = arith.constant 0 : i32
    %cond3A_1273 = arith.cmpi ne, %convert_element_type3A_1271, %cond3A_1272 : i32
    scf.if %cond3A_1273 {
      %scan3A_1556 = arith.constant 0 : i32
      %scan3A_1557 = arith.constant 0 : i32
      %scan3A_1558 = arith.constant 256 : i32
      %scan3A_1559 = arith.addi %scan3A_1557, %scan3A_1558 : i32
      %scan3A_1560 = arith.constant 1 : i32
      %scan3A_1561 = scf.for %scan3A_1563 = %scan3A_1557 to %scan3A_1559 step %scan3A_1560 iter_args(%scan3A_1564 = %scan3A_1556) -> (i32)  : i32 {
        %mul3A_1565 = arith.constant 256 : i32
        %mul3A_1566 = arith.muli %scan3A_1563, %mul3A_1565 : i32
        %add3A_1567 = arith.constant 0 : i32
        %add3A_1568 = arith.addi %mul3A_1566, %add3A_1567 : i32
        %swap3A_1569 = arith.index_cast %add3A_1568 : i32 to index
        %swap3A_1570 = tpu.vector_load %arg10[%swap3A_1569] {strides = array<i32>} : memref<65536xf32, #tpu.memory_space<vmem>>, vector<16xf32>,
        tpu.vector_store %arg10[%swap3A_1569], %broadcast_in_dim3A_1 {strides = array<i32>} : memref<65536xf32, #tpu.memory_space<vmem>>, vector<16xf32>,
        %mul3A_1571 = arith.constant 256 : i32
        %mul3A_1572 = arith.muli %scan3A_1563, %mul3A_1571 : i32
        %add3A_1573 = arith.constant 16 : i32
        %add3A_1574 = arith.addi %mul3A_1572, %add3A_1573 : i32
        %swap3A_1575 = arith.index_cast %add3A_1574 : i32 to index
        %swap3A_1576 = tpu.vector_load %arg10[%swap3A_1575] {strides = array<i32>} : memref<65536xf32, #tpu.memory_space<vmem>>, vector<16xf32>,
        tpu.vector_store %arg10[%swap3A_1575], %broadcast_in_dim3A_1 {strides = array<i32>} : memref<65536xf32, #tpu.memory_space<vmem>>, vector<16xf32>,
        %mul3A_1577 = arith.constant 256 : i32
        %mul3A_1578 = arith.muli %scan3A_1563, %mul3A_1577 : i32
        %add3A_1579 = arith.constant 32 : i32
        %add3A_1580 = arith.addi %mul3A_1578, %add3A_1579 : i32
        %swap3A_1581 = arith.index_cast %add3A_1580 : i32 to index
        %swap3A_1582 = tpu.vector_load %arg10[%swap3A_1581] {strides = array<i32>} : memref<65536xf32, #tpu.memory_space<vmem>>, vector<16xf32>,
        tpu.vector_store %arg10[%swap3A_1581], %broadcast_in_dim3A_1 {strides = array<i32>} : memref<65536xf32, #tpu.memory_space<vmem>>, vector<16xf32>,
        %mul3A_1583 = arith.constant 256 : i32
        %mul3A_1584 = arith.muli %scan3A_1563, %mul3A_1583 : i32
        %add3A_1585 = arith.constant 48 : i32
        %add3A_1586 = arith.addi %mul3A_1584, %add3A_1585 : i32
        %swap3A_1587 = arith.index_cast %add3A_1586 : i32 to index
        %swap3A_1588 = tpu.vector_load %arg10[%swap3A_1587] {strides = array<i32>} : memref<65536xf32, #tpu.memory_space<vmem>>, vector<16xf32>,
        tpu.vector_store %arg10[%swap3A_1587], %broadcast_in_dim3A_1 {strides = array<i32>} : memref<65536xf32, #tpu.memory_space<vmem>>, vector<16xf32>,
        %mul3A_1589 = arith.constant 256 : i32
        %mul3A_1590 = arith.muli %scan3A_1563, %mul3A_1589 : i32
        %add3A_1591 = arith.constant 64 : i32
        %add3A_1592 = arith.addi %mul3A_1590, %add3A_1591 : i32
        %swap3A_1593 = arith.index_cast %add3A_1592 : i32 to index
        %swap3A_1594 = tpu.vector_load %arg10[%swap3A_1593] {strides = array<i32>} : memref<65536xf32, #tpu.memory_space<vmem>>, vector<16xf32>,
        tpu.vector_store %arg10[%swap3A_1593], %broadcast_in_dim3A_1 {strides = array<i32>} : memref<65536xf32, #tpu.memory_space<vmem>>, vector<16xf32>,
        %mul3A_1595 = arith.constant 256 : i32
        %mul3A_1596 = arith.muli %scan3A_1563, %mul3A_1595 : i32
        %add3A_1597 = arith.constant 80 : i32
        %add3A_1598 = arith.addi %mul3A_1596, %add3A_1597 : i32
        %swap3A_1599 = arith.index_cast %add3A_1598 : i32 to index
        %swap3A_1600 = tpu.vector_load %arg10[%swap3A_1599] {strides = array<i32>} : memref<65536xf32, #tpu.memory_space<vmem>>, vector<16xf32>,
        tpu.vector_store %arg10[%swap3A_1599], %broadcast_in_dim3A_1 {strides = array<i32>} : memref<65536xf32, #tpu.memory_space<vmem>>, vector<16xf32>,
        %mul3A_1601 = arith.constant 256 : i32
        %mul3A_1602 = arith.muli %scan3A_1563, %mul3A_1601 : i32
        %add3A_1603 = arith.constant 96 : i32
        %add3A_1604 = arith.addi %mul3A_1602, %add3A_1603 : i32
        %swap3A_1605 = arith.index_cast %add3A_1604 : i32 to index
        %swap3A_1606 = tpu.vector_load %arg10[%swap3A_1605] {strides = array<i32>} : memref<65536xf32, #tpu.memory_space<vmem>>, vector<16xf32>,
        tpu.vector_store %arg10[%swap3A_1605], %broadcast_in_dim3A_1 {strides = array<i32>} : memref<65536xf32, #tpu.memory_space<vmem>>, vector<16xf32>,
        %mul3A_1607 = arith.constant 256 : i32
        %mul3A_1608 = arith.muli %scan3A_1563, %mul3A_1607 : i32
        %add3A_1609 = arith.constant 112 : i32
        %add3A_1610 = arith.addi %mul3A_1608, %add3A_1609 : i32
        %swap3A_1611 = arith.index_cast %add3A_1610 : i32 to index
        %swap3A_1612 = tpu.vector_load %arg10[%swap3A_1611] {strides = array<i32>} : memref<65536xf32, #tpu.memory_space<vmem>>, vector<16xf32>,
        tpu.vector_store %arg10[%swap3A_1611], %broadcast_in_dim3A_1 {strides = array<i32>} : memref<65536xf32, #tpu.memory_space<vmem>>, vector<16xf32>,
        %mul3A_1613 = arith.constant 256 : i32
        %mul3A_1614 = arith.muli %scan3A_1563, %mul3A_1613 : i32
        %add3A_1615 = arith.constant 128 : i32
        %add3A_1616 = arith.addi %mul3A_1614, %add3A_1615 : i32
        %swap3A_1617 = arith.index_cast %add3A_1616 : i32 to index
        %swap3A_1618 = tpu.vector_load %arg10[%swap3A_1617] {strides = array<i32>} : memref<65536xf32, #tpu.memory_space<vmem>>, vector<16xf32>,
        tpu.vector_store %arg10[%swap3A_1617], %broadcast_in_dim3A_1 {strides = array<i32>} : memref<65536xf32, #tpu.memory_space<vmem>>, vector<16xf32>,
        %mul3A_1619 = arith.constant 256 : i32
        %mul3A_1620 = arith.muli %scan3A_1563, %mul3A_1619 : i32
        %add3A_1621 = arith.constant 144 : i32
        %add3A_1622 = arith.addi %mul3A_1620, %add3A_1621 : i32
        %swap3A_1623 = arith.index_cast %add3A_1622 : i32 to index
        %swap3A_1624 = tpu.vector_load %arg10[%swap3A_1623] {strides = array<i32>} : memref<65536xf32, #tpu.memory_space<vmem>>, vector<16xf32>,
        tpu.vector_store %arg10[%swap3A_1623], %broadcast_in_dim3A_1 {strides = array<i32>} : memref<65536xf32, #tpu.memory_space<vmem>>, vector<16xf32>,
        %mul3A_1625 = arith.constant 256 : i32
        %mul3A_1626 = arith.muli %scan3A_1563, %mul3A_1625 : i32
        %add3A_1627 = arith.constant 160 : i32
        %add3A_1628 = arith.addi %mul3A_1626, %add3A_1627 : i32
        %swap3A_1629 = arith.index_cast %add3A_1628 : i32 to index
        %swap3A_1630 = tpu.vector_load %arg10[%swap3A_1629] {strides = array<i32>} : memref<65536xf32, #tpu.memory_space<vmem>>, vector<16xf32>,
        tpu.vector_store %arg10[%swap3A_1629], %broadcast_in_dim3A_1 {strides = array<i32>} : memref<65536xf32, #tpu.memory_space<vmem>>, vector<16xf32>,
        %mul3A_1631 = arith.constant 256 : i32
        %mul3A_1632 = arith.muli %scan3A_1563, %mul3A_1631 : i32
        %add3A_1633 = arith.constant 176 : i32
        %add3A_1634 = arith.addi %mul3A_1632, %add3A_1633 : i32
        %swap3A_1635 = arith.index_cast %add3A_1634 : i32 to index
        %swap3A_1636 = tpu.vector_load %arg10[%swap3A_1635] {strides = array<i32>} : memref<65536xf32, #tpu.memory_space<vmem>>, vector<16xf32>,
        tpu.vector_store %arg10[%swap3A_1635], %broadcast_in_dim3A_1 {strides = array<i32>} : memref<65536xf32, #tpu.memory_space<vmem>>, vector<16xf32>,
        %mul3A_1637 = arith.constant 256 : i32
        %mul3A_1638 = arith.muli %scan3A_1563, %mul3A_1637 : i32
        %add3A_1639 = arith.constant 192 : i32
        %add3A_1640 = arith.addi %mul3A_1638, %add3A_1639 : i32
        %swap3A_1641 = arith.index_cast %add3A_1640 : i32 to index
        %swap3A_1642 = tpu.vector_load %arg10[%swap3A_1641] {strides = array<i32>} : memref<65536xf32, #tpu.memory_space<vmem>>, vector<16xf32>,
        tpu.vector_store %arg10[%swap3A_1641], %broadcast_in_dim3A_1 {strides = array<i32>} : memref<65536xf32, #tpu.memory_space<vmem>>, vector<16xf32>,
        %mul3A_1643 = arith.constant 256 : i32
        %mul3A_1644 = arith.muli %scan3A_1563, %mul3A_1643 : i32
        %add3A_1645 = arith.constant 208 : i32
        %add3A_1646 = arith.addi %mul3A_1644, %add3A_1645 : i32
        %swap3A_1647 = arith.index_cast %add3A_1646 : i32 to index
        %swap3A_1648 = tpu.vector_load %arg10[%swap3A_1647] {strides = array<i32>} : memref<65536xf32, #tpu.memory_space<vmem>>, vector<16xf32>,
        tpu.vector_store %arg10[%swap3A_1647], %broadcast_in_dim3A_1 {strides = array<i32>} : memref<65536xf32, #tpu.memory_space<vmem>>, vector<16xf32>,
        %mul3A_1649 = arith.constant 256 : i32
        %mul3A_1650 = arith.muli %scan3A_1563, %mul3A_1649 : i32
        %add3A_1651 = arith.constant 224 : i32
        %add3A_1652 = arith.addi %mul3A_1650, %add3A_1651 : i32
        %swap3A_1653 = arith.index_cast %add3A_1652 : i32 to index
        %swap3A_1654 = tpu.vector_load %arg10[%swap3A_1653] {strides = array<i32>} : memref<65536xf32, #tpu.memory_space<vmem>>, vector<16xf32>,
        tpu.vector_store %arg10[%swap3A_1653], %broadcast_in_dim3A_1 {strides = array<i32>} : memref<65536xf32, #tpu.memory_space<vmem>>, vector<16xf32>,
        %mul3A_1655 = arith.constant 256 : i32
        %mul3A_1656 = arith.muli %scan3A_1563, %mul3A_1655 : i32
        %add3A_1657 = arith.constant 240 : i32
        %add3A_1658 = arith.addi %mul3A_1656, %add3A_1657 : i32
        %swap3A_1659 = arith.index_cast %add3A_1658 : i32 to index
        %swap3A_1660 = tpu.vector_load %arg10[%swap3A_1659] {strides = array<i32>} : memref<65536xf32, #tpu.memory_space<vmem>>, vector<16xf32>,
        tpu.vector_store %arg10[%swap3A_1659], %broadcast_in_dim3A_1 {strides = array<i32>} : memref<65536xf32, #tpu.memory_space<vmem>>, vector<16xf32>,
        %scan3A_1661 = arith.constant 0 : i32
        scf.yield %scan3A_1661 : i32
      }
      %scan3A_1562 = arith.constant 256 : i32
    } else {
    }
    %mul3A_1274 = arith.constant 48 : i32
    %mul3A_1275 = arith.muli %add3A, %mul3A_1274 : i32
    %add3A_1276 = arith.constant 24 : i32
    %add3A_1277 = arith.addi %mul3A_1275, %add3A_1276 : i32
    %add3A_1278 = vector.broadcast %add3A_1277 : i32 to vector<16xi32>
    %add3A_1279 = arith.addi %add3A_1278, %iota3A : vector<16xi32>
    %min3A_1280 = arith.constant 1535 : i32
    %min3A_1281 = vector.broadcast %min3A_1280 : i32 to vector<16xi32>
    %min3A_1282 = arith.minsi %add3A_1279, %min3A_1281 : vector<16xi32>
    %jit3A_1283 = arith.constant 384 : i32
    %div3A_1284 = vector.broadcast %jit3A_1283 : i32 to vector<16xi32>
    %div3A_1285 = arith.divsi %min3A_1282, %div3A_1284 : vector<16xi32>
    %sign3A_1286 = arith.constant 0 : i32
    %sign3A_1287 = vector.broadcast %sign3A_1286 : i32 to vector<16xi32>
    %sign3A_1288 = arith.cmpi sgt, %min3A_1282, %sign3A_1287 : vector<16xi32>
    %sign3A_1289 = arith.extui %sign3A_1288 : vector<16xi1> to vector<16xi32>
    %sign3A_1290 = arith.constant 0 : i32
    %sign3A_1291 = vector.broadcast %sign3A_1290 : i32 to vector<16xi32>
    %sign3A_1292 = arith.cmpi slt, %min3A_1282, %sign3A_1291 : vector<16xi32>
    %sign3A_1293 = arith.extui %sign3A_1292 : vector<16xi1> to vector<16xi32>
    %sign3A_1294 = arith.subi %sign3A_1289, %sign3A_1293 : vector<16xi32>
    %sign3A_1295 = arith.constant 0 : i32
    %sign3A_1296 = arith.cmpi sgt, %jit3A_1283, %sign3A_1295 : i32
    %sign3A_1297 = arith.extui %sign3A_1296 : i1 to i32
    %sign3A_1298 = arith.constant 0 : i32
    %sign3A_1299 = arith.cmpi slt, %jit3A_1283, %sign3A_1298 : i32
    %sign3A_1300 = arith.extui %sign3A_1299 : i1 to i32
    %sign3A_1301 = arith.subi %sign3A_1297, %sign3A_1300 : i32
    %ne3A_1302 = vector.broadcast %sign3A_1301 : i32 to vector<16xi32>
    %ne3A_1303 = arith.cmpi ne, %sign3A_1294, %ne3A_1302 : vector<16xi32>
    %rem3A_1304 = vector.broadcast %jit3A_1283 : i32 to vector<16xi32>
    %rem3A_1305 = arith.remsi %min3A_1282, %rem3A_1304 : vector<16xi32>
    %ne3A_1306 = arith.constant 0 : i32
    %ne3A_1307 = vector.broadcast %ne3A_1306 : i32 to vector<16xi32>
    %ne3A_1308 = arith.cmpi ne, %rem3A_1305, %ne3A_1307 : vector<16xi32>
    %and3A_1309 = arith.andi %ne3A_1303, %ne3A_1308 : vector<16xi1>
    %sub3A_1310 = arith.constant 1 : i32
    %sub3A_1311 = vector.broadcast %sub3A_1310 : i32 to vector<16xi32>
    %sub3A_1312 = arith.subi %div3A_1285, %sub3A_1311 : vector<16xi32>
    %select_n3A_1313 = arith.select %and3A_1309, %sub3A_1312, %div3A_1285 : vector<16xi1>, vector<16xi32>
    %jit3A_1314 = arith.constant 384 : i32
    %eq3A_1315 = arith.constant 0 : i32
    %eq3A_1316 = arith.cmpi eq, %jit3A_1314, %eq3A_1315 : i32
    %jit3A_1317 = arith.constant 1 : i32
    %select_n3A_1318 = arith.select %eq3A_1316, %jit3A_1317, %jit3A_1314 : i32
    %rem3A_1319 = vector.broadcast %select_n3A_1318 : i32 to vector<16xi32>
    %rem3A_1320 = arith.remsi %min3A_1282, %rem3A_1319 : vector<16xi32>
    %ne3A_1321 = arith.constant 0 : i32
    %ne3A_1322 = vector.broadcast %ne3A_1321 : i32 to vector<16xi32>
    %ne3A_1323 = arith.cmpi ne, %rem3A_1320, %ne3A_1322 : vector<16xi32>
    %lt3A_1324 = arith.constant 0 : i32
    %lt3A_1325 = vector.broadcast %lt3A_1324 : i32 to vector<16xi32>
    %lt3A_1326 = arith.cmpi slt, %rem3A_1320, %lt3A_1325 : vector<16xi32>
    %lt3A_1327 = arith.constant 0 : i32
    %lt3A_1328 = arith.cmpi slt, %select_n3A_1318, %lt3A_1327 : i32
    %ne3A_1329 = vector.broadcast %lt3A_1328 : i1 to vector<16xi1>
    %ne3A_1330 = vector.broadcast %ne3A_1329 : vector<16xi1> to vector<16xi1>
    %ne3A_1331 = arith.xori %lt3A_1326, %ne3A_1330 : vector<16xi1>
    %and3A_1332 = arith.andi %ne3A_1331, %ne3A_1323 : vector<16xi1>
    %add3A_1333 = vector.broadcast %select_n3A_1318 : i32 to vector<16xi32>
    %add3A_1334 = arith.addi %rem3A_1320, %add3A_1333 : vector<16xi32>
    %select_n3A_1335 = arith.select %and3A_1332, %add3A_1334, %rem3A_1320 : vector<16xi1>, vector<16xi32>
    %lt3A_1336 = arith.constant 8 : i32
    %lt3A_1337 = vector.broadcast %lt3A_1336 : i32 to vector<16xi32>
    %lt3A_1338 = arith.cmpi slt, %iota3A, %lt3A_1337 : vector<16xi32>
    %and3A_1339 = arith.constant 7 : i32
    %and3A_1340 = vector.broadcast %and3A_1339 : i32 to vector<16xi32>
    %and3A_1341 = arith.andi %iota3A, %and3A_1340 : vector<16xi32>
    %gather3A_1342 = tpu.vector_load_idx %arg5[%min3A_1282] : memref<1536xi32, #tpu.memory_space<vmem>>[vector<16xi32>], vector<16xi32>,
    %gather3A_1343 = tpu.vector_load_idx %arg9[%select_n3A_1313] : memref<16xf32, #tpu.memory_space<vmem>>[vector<16xi32>], vector<16xf32>,
    %eq3A_1344 = arith.constant 0.000000e+00 : f32
    %eq3A_1345 = vector.broadcast %eq3A_1344 : f32 to vector<16xf32>
    %eq3A_1346 = arith.cmpf oeq, %gather3A_1343, %eq3A_1345 : vector<16xf32>
    %and3A_1347 = arith.andi %lt3A_1338, %eq3A_1346 : vector<16xi1>
    %mul3A_1348 = arith.constant 8192 : i32
    %mul3A_1349 = vector.broadcast %mul3A_1348 : i32 to vector<16xi32>
    %mul3A_1350 = arith.muli %and3A_1341, %mul3A_1349 : vector<16xi32>
    %add3A_1351 = arith.addi %mul3A_1350, %gather3A_1342 : vector<16xi32>
    tpu.vector_store_idx %arg10[%add3A_1351], %broadcast_in_dim3A_3 masked %and3A_1347 : memref<65536xf32, #tpu.memory_space<vmem>>[vector<16xi32>], vector<16xf32>, vector<16xi1>
    %gt3A_1352 = arith.constant 0.000000e+00 : f32
    %gt3A_1353 = arith.cmpf ogt, %squeeze3A, %gt3A_1352 : f32
    %convert_element_type3A_1354 = arith.extui %gt3A_1353 : i1 to i32
    %cond3A_1355 = arith.constant 0 : i32
    %cond3A_1356 = arith.cmpi ne, %convert_element_type3A_1354, %cond3A_1355 : i32
    scf.if %cond3A_1356 {
      %max3A = arith.constant 1.000000e+00 : f32
      %max3A_1556 = vector.broadcast %max3A : f32 to vector<16xf32>
      %max3A_1557 = arith.maximumf %gather3A_1343, %max3A_1556 : vector<16xf32>
      %div3A_1558 = arith.constant 1.000000e+00 : f32
      %div3A_1559 = vector.broadcast %div3A_1558 : f32 to vector<16xf32>
      %div3A_1560 = arith.divf %div3A_1559, %max3A_1557 : vector<16xf32>
      %scan3A_1561 = arith.constant 0 : i32
      %scan3A_1562 = arith.constant 0 : i32
      %scan3A_1563 = arith.constant 1024 : i32
      %scan3A_1564 = arith.addi %scan3A_1562, %scan3A_1563 : i32
      %scan3A_1565 = arith.constant 1 : i32
      %scan3A_1566 = scf.for %scan3A_1568 = %scan3A_1562 to %scan3A_1564 step %scan3A_1565 iter_args(%scan3A_1569 = %scan3A_1561) -> (i32)  : i32 {
        %mul3A_1570 = arith.constant 384 : i32
        %mul3A_1571 = arith.muli %scan3A_1568, %mul3A_1570 : i32
        "tpu.region"() ({
          %run_scoped3A = tpu.sem_alloc : memref<!tpu.dma_semaphore, #tpu.memory_space<semaphore_mem>>
          %dma_start3A_1632 = tpu.memref_slice %arg3[%mul3A_1571] : memref<393216xi32, #tpu.memory_space<hbm>> -> memref<384xi32, #tpu.memory_space<hbm>>
          %dma_start3A_1633 = tpu.memref_slice %arg3[%mul3A_1571] : memref<393216xi32, #tpu.memory_space<hbm>> -> memref<384xi32, #tpu.memory_space<hbm>>
          tpu.enqueue_dma source(%dma_start3A_1633 : memref<384xi32, #tpu.memory_space<hbm>>) target(%arg11 : memref<384xi32, #tpu.memory_space<vmem>>) target_semaphore(%run_scoped3A : memref<!tpu.dma_semaphore, #tpu.memory_space<semaphore_mem>>)
          %dma_wait3A_1634 = tpu.memref_slice %arg3[%mul3A_1571] : memref<393216xi32, #tpu.memory_space<hbm>> -> memref<384xi32, #tpu.memory_space<hbm>>
          %dma_wait3A_1635 = tpu.memref_slice %arg3[%mul3A_1571] : memref<393216xi32, #tpu.memory_space<hbm>> -> memref<384xi32, #tpu.memory_space<hbm>>
          tpu.wait_dma2 semaphore(%run_scoped3A : memref<!tpu.dma_semaphore, #tpu.memory_space<semaphore_mem>>) src(%dma_wait3A_1635 : memref<384xi32, #tpu.memory_space<hbm>>) dst(%arg11 : memref<384xi32, #tpu.memory_space<vmem>>)
          tpu.yield
        }) : () -> ()
        %jit3A_1572 = arith.constant 64 : i32
        %div3A_1573 = arith.divsi %scan3A_1568, %jit3A_1572 : i32
        %sign3A_1574 = arith.constant 0 : i32
        %sign3A_1575 = arith.cmpi sgt, %scan3A_1568, %sign3A_1574 : i32
        %sign3A_1576 = arith.extui %sign3A_1575 : i1 to i32
        %sign3A_1577 = arith.constant 0 : i32
        %sign3A_1578 = arith.cmpi slt, %scan3A_1568, %sign3A_1577 : i32
        %sign3A_1579 = arith.extui %sign3A_1578 : i1 to i32
        %sign3A_1580 = arith.subi %sign3A_1576, %sign3A_1579 : i32
        %sign3A_1581 = arith.constant 0 : i32
        %sign3A_1582 = arith.cmpi sgt, %jit3A_1572, %sign3A_1581 : i32
        %sign3A_1583 = arith.extui %sign3A_1582 : i1 to i32
        %sign3A_1584 = arith.constant 0 : i32
        %sign3A_1585 = arith.cmpi slt, %jit3A_1572, %sign3A_1584 : i32
        %sign3A_1586 = arith.extui %sign3A_1585 : i1 to i32
        %sign3A_1587 = arith.subi %sign3A_1583, %sign3A_1586 : i32
        %ne3A_1588 = arith.cmpi ne, %sign3A_1580, %sign3A_1587 : i32
        %rem3A_1589 = arith.remsi %scan3A_1568, %jit3A_1572 : i32
        %ne3A_1590 = arith.constant 0 : i32
        %ne3A_1591 = arith.cmpi ne, %rem3A_1589, %ne3A_1590 : i32
        %and3A_1592 = arith.andi %ne3A_1588, %ne3A_1591 : i1
        %sub3A_1593 = arith.constant 1 : i32
        %sub3A_1594 = arith.subi %div3A_1573, %sub3A_1593 : i32
        %select_n3A_1595 = arith.select %and3A_1592, %sub3A_1594, %div3A_1573 : i32
        %mul3A_1596 = arith.constant 256 : i32
        %mul3A_1597 = arith.muli %select_n3A_1595, %mul3A_1596 : i32
        %mul3A_1598 = arith.constant 64 : i32
        %mul3A_1599 = vector.broadcast %mul3A_1598 : i32 to vector<16xi32>
        %mul3A_1600 = arith.muli %select_n3A_1313, %mul3A_1599 : vector<16xi32>
        %add3A_1601 = vector.broadcast %mul3A_1597 : i32 to vector<16xi32>
        %add3A_1602 = arith.addi %add3A_1601, %mul3A_1600 : vector<16xi32>
        %jit3A_1603 = arith.constant 64 : i32
        %eq3A_1604 = arith.constant 0 : i32
        %eq3A_1605 = arith.cmpi eq, %jit3A_1603, %eq3A_1604 : i32
        %jit3A_1606 = arith.constant 1 : i32
        %select_n3A_1607 = arith.select %eq3A_1605, %jit3A_1606, %jit3A_1603 : i32
        %rem3A_1608 = arith.remsi %scan3A_1568, %select_n3A_1607 : i32
        %ne3A_1609 = arith.constant 0 : i32
        %ne3A_1610 = arith.cmpi ne, %rem3A_1608, %ne3A_1609 : i32
        %lt3A_1611 = arith.constant 0 : i32
        %lt3A_1612 = arith.cmpi slt, %rem3A_1608, %lt3A_1611 : i32
        %lt3A_1613 = arith.constant 0 : i32
        %lt3A_1614 = arith.cmpi slt, %select_n3A_1607, %lt3A_1613 : i32
        %ne3A_1615 = arith.xori %lt3A_1612, %lt3A_1614 : i1
        %and3A_1616 = arith.andi %ne3A_1615, %ne3A_1610 : i1
        %add3A_1617 = arith.addi %rem3A_1608, %select_n3A_1607 : i32
        %select_n3A_1618 = arith.select %and3A_1616, %add3A_1617, %rem3A_1608 : i32
        %add3A_1619 = vector.broadcast %select_n3A_1618 : i32 to vector<16xi32>
        %add3A_1620 = arith.addi %add3A_1602, %add3A_1619 : vector<16xi32>
        %gather3A_1621 = tpu.vector_load_idx %arg8[%add3A_1620] : memref<4096xf32, #tpu.memory_space<vmem>>[vector<16xi32>], vector<16xf32>,
        %gather3A_1622 = tpu.vector_load_idx %arg11[%select_n3A_1335] : memref<384xi32, #tpu.memory_space<vmem>>[vector<16xi32>], vector<16xi32>,
        %gt3A_1623 = arith.constant 0.000000e+00 : f32
        %gt3A_1624 = vector.broadcast %gt3A_1623 : f32 to vector<16xf32>
        %gt3A_1625 = arith.cmpf ogt, %gather3A_1621, %gt3A_1624 : vector<16xf32>
        %and3A_1626 = arith.andi %lt3A_1338, %gt3A_1625 : vector<16xi1>
        %mul3A_1627 = arith.constant 8192 : i32
        %mul3A_1628 = vector.broadcast %mul3A_1627 : i32 to vector<16xi32>
        %mul3A_1629 = arith.muli %and3A_1341, %mul3A_1628 : vector<16xi32>
        %add3A_1630 = arith.addi %mul3A_1629, %gather3A_1622 : vector<16xi32>
        tpu.vector_store_idx %arg10[%add3A_1630], %div3A_1560 masked %and3A_1626 {add = true} : memref<65536xf32, #tpu.memory_space<vmem>>[vector<16xi32>], vector<16xf32>, vector<16xi1>
        %scan3A_1631 = arith.constant 0 : i32
        scf.yield %scan3A_1631 : i32
      }
      %scan3A_1567 = arith.constant 1024 : i32
    } else {
    }
    %mul3A_1357 = arith.constant 8192 : i32
    %mul3A_1358 = arith.muli %add3A_1277, %mul3A_1357 : i32
    "tpu.region"() ({
      %run_scoped3A = tpu.sem_alloc : memref<!tpu.dma_semaphore, #tpu.memory_space<semaphore_mem>>
      %dma_start3A_1556 = tpu.memref_slice %arg4[%mul3A_1358] : memref<12582912xf32, #tpu.memory_space<hbm>> -> memref<65536xf32, #tpu.memory_space<hbm>>
      %dma_start3A_1557 = tpu.memref_slice %arg4[%mul3A_1358] : memref<12582912xf32, #tpu.memory_space<hbm>> -> memref<65536xf32, #tpu.memory_space<hbm>>
      tpu.enqueue_dma source(%arg10 : memref<65536xf32, #tpu.memory_space<vmem>>) target(%dma_start3A_1557 : memref<65536xf32, #tpu.memory_space<hbm>>) target_semaphore(%run_scoped3A : memref<!tpu.dma_semaphore, #tpu.memory_space<semaphore_mem>>)
      %dma_wait3A_1558 = tpu.memref_slice %arg4[%mul3A_1358] : memref<12582912xf32, #tpu.memory_space<hbm>> -> memref<65536xf32, #tpu.memory_space<hbm>>
      %dma_wait3A_1559 = tpu.memref_slice %arg4[%mul3A_1358] : memref<12582912xf32, #tpu.memory_space<hbm>> -> memref<65536xf32, #tpu.memory_space<hbm>>
      tpu.wait_dma2 semaphore(%run_scoped3A : memref<!tpu.dma_semaphore, #tpu.memory_space<semaphore_mem>>) src(%arg10 : memref<65536xf32, #tpu.memory_space<vmem>>) dst(%dma_wait3A_1559 : memref<65536xf32, #tpu.memory_space<hbm>>)
      tpu.yield
    }) : () -> ()
    %mul3A_1359 = arith.constant 8192 : i32
    %mul3A_1360 = vector.broadcast %mul3A_1359 : i32 to vector<16xi32>
    %mul3A_1361 = arith.muli %and3A_1341, %mul3A_1360 : vector<16xi32>
    %add3A_1362 = arith.addi %mul3A_1361, %gather3A_1342 : vector<16xi32>
    tpu.vector_store_idx %arg10[%add3A_1362], %broadcast_in_dim3A_1 masked %and3A_1347 : memref<65536xf32, #tpu.memory_space<vmem>>[vector<16xi32>], vector<16xf32>, vector<16xi1>
    %gt3A_1363 = arith.constant 0.000000e+00 : f32
    %gt3A_1364 = arith.cmpf ogt, %squeeze3A, %gt3A_1363 : f32
    %convert_element_type3A_1365 = arith.extui %gt3A_1364 : i1 to i32
    %cond3A_1366 = arith.constant 0 : i32
    %cond3A_1367 = arith.cmpi ne, %convert_element_type3A_1365, %cond3A_1366 : i32
    scf.if %cond3A_1367 {
      %scan3A_1556 = arith.constant 0 : i32
      %scan3A_1557 = arith.constant 0 : i32
      %scan3A_1558 = arith.constant 256 : i32
      %scan3A_1559 = arith.addi %scan3A_1557, %scan3A_1558 : i32
      %scan3A_1560 = arith.constant 1 : i32
      %scan3A_1561 = scf.for %scan3A_1563 = %scan3A_1557 to %scan3A_1559 step %scan3A_1560 iter_args(%scan3A_1564 = %scan3A_1556) -> (i32)  : i32 {
        %mul3A_1565 = arith.constant 256 : i32
        %mul3A_1566 = arith.muli %scan3A_1563, %mul3A_1565 : i32
        %add3A_1567 = arith.constant 0 : i32
        %add3A_1568 = arith.addi %mul3A_1566, %add3A_1567 : i32
        %swap3A_1569 = arith.index_cast %add3A_1568 : i32 to index
        %swap3A_1570 = tpu.vector_load %arg10[%swap3A_1569] {strides = array<i32>} : memref<65536xf32, #tpu.memory_space<vmem>>, vector<16xf32>,
        tpu.vector_store %arg10[%swap3A_1569], %broadcast_in_dim3A_1 {strides = array<i32>} : memref<65536xf32, #tpu.memory_space<vmem>>, vector<16xf32>,
        %mul3A_1571 = arith.constant 256 : i32
        %mul3A_1572 = arith.muli %scan3A_1563, %mul3A_1571 : i32
        %add3A_1573 = arith.constant 16 : i32
        %add3A_1574 = arith.addi %mul3A_1572, %add3A_1573 : i32
        %swap3A_1575 = arith.index_cast %add3A_1574 : i32 to index
        %swap3A_1576 = tpu.vector_load %arg10[%swap3A_1575] {strides = array<i32>} : memref<65536xf32, #tpu.memory_space<vmem>>, vector<16xf32>,
        tpu.vector_store %arg10[%swap3A_1575], %broadcast_in_dim3A_1 {strides = array<i32>} : memref<65536xf32, #tpu.memory_space<vmem>>, vector<16xf32>,
        %mul3A_1577 = arith.constant 256 : i32
        %mul3A_1578 = arith.muli %scan3A_1563, %mul3A_1577 : i32
        %add3A_1579 = arith.constant 32 : i32
        %add3A_1580 = arith.addi %mul3A_1578, %add3A_1579 : i32
        %swap3A_1581 = arith.index_cast %add3A_1580 : i32 to index
        %swap3A_1582 = tpu.vector_load %arg10[%swap3A_1581] {strides = array<i32>} : memref<65536xf32, #tpu.memory_space<vmem>>, vector<16xf32>,
        tpu.vector_store %arg10[%swap3A_1581], %broadcast_in_dim3A_1 {strides = array<i32>} : memref<65536xf32, #tpu.memory_space<vmem>>, vector<16xf32>,
        %mul3A_1583 = arith.constant 256 : i32
        %mul3A_1584 = arith.muli %scan3A_1563, %mul3A_1583 : i32
        %add3A_1585 = arith.constant 48 : i32
        %add3A_1586 = arith.addi %mul3A_1584, %add3A_1585 : i32
        %swap3A_1587 = arith.index_cast %add3A_1586 : i32 to index
        %swap3A_1588 = tpu.vector_load %arg10[%swap3A_1587] {strides = array<i32>} : memref<65536xf32, #tpu.memory_space<vmem>>, vector<16xf32>,
        tpu.vector_store %arg10[%swap3A_1587], %broadcast_in_dim3A_1 {strides = array<i32>} : memref<65536xf32, #tpu.memory_space<vmem>>, vector<16xf32>,
        %mul3A_1589 = arith.constant 256 : i32
        %mul3A_1590 = arith.muli %scan3A_1563, %mul3A_1589 : i32
        %add3A_1591 = arith.constant 64 : i32
        %add3A_1592 = arith.addi %mul3A_1590, %add3A_1591 : i32
        %swap3A_1593 = arith.index_cast %add3A_1592 : i32 to index
        %swap3A_1594 = tpu.vector_load %arg10[%swap3A_1593] {strides = array<i32>} : memref<65536xf32, #tpu.memory_space<vmem>>, vector<16xf32>,
        tpu.vector_store %arg10[%swap3A_1593], %broadcast_in_dim3A_1 {strides = array<i32>} : memref<65536xf32, #tpu.memory_space<vmem>>, vector<16xf32>,
        %mul3A_1595 = arith.constant 256 : i32
        %mul3A_1596 = arith.muli %scan3A_1563, %mul3A_1595 : i32
        %add3A_1597 = arith.constant 80 : i32
        %add3A_1598 = arith.addi %mul3A_1596, %add3A_1597 : i32
        %swap3A_1599 = arith.index_cast %add3A_1598 : i32 to index
        %swap3A_1600 = tpu.vector_load %arg10[%swap3A_1599] {strides = array<i32>} : memref<65536xf32, #tpu.memory_space<vmem>>, vector<16xf32>,
        tpu.vector_store %arg10[%swap3A_1599], %broadcast_in_dim3A_1 {strides = array<i32>} : memref<65536xf32, #tpu.memory_space<vmem>>, vector<16xf32>,
        %mul3A_1601 = arith.constant 256 : i32
        %mul3A_1602 = arith.muli %scan3A_1563, %mul3A_1601 : i32
        %add3A_1603 = arith.constant 96 : i32
        %add3A_1604 = arith.addi %mul3A_1602, %add3A_1603 : i32
        %swap3A_1605 = arith.index_cast %add3A_1604 : i32 to index
        %swap3A_1606 = tpu.vector_load %arg10[%swap3A_1605] {strides = array<i32>} : memref<65536xf32, #tpu.memory_space<vmem>>, vector<16xf32>,
        tpu.vector_store %arg10[%swap3A_1605], %broadcast_in_dim3A_1 {strides = array<i32>} : memref<65536xf32, #tpu.memory_space<vmem>>, vector<16xf32>,
        %mul3A_1607 = arith.constant 256 : i32
        %mul3A_1608 = arith.muli %scan3A_1563, %mul3A_1607 : i32
        %add3A_1609 = arith.constant 112 : i32
        %add3A_1610 = arith.addi %mul3A_1608, %add3A_1609 : i32
        %swap3A_1611 = arith.index_cast %add3A_1610 : i32 to index
        %swap3A_1612 = tpu.vector_load %arg10[%swap3A_1611] {strides = array<i32>} : memref<65536xf32, #tpu.memory_space<vmem>>, vector<16xf32>,
        tpu.vector_store %arg10[%swap3A_1611], %broadcast_in_dim3A_1 {strides = array<i32>} : memref<65536xf32, #tpu.memory_space<vmem>>, vector<16xf32>,
        %mul3A_1613 = arith.constant 256 : i32
        %mul3A_1614 = arith.muli %scan3A_1563, %mul3A_1613 : i32
        %add3A_1615 = arith.constant 128 : i32
        %add3A_1616 = arith.addi %mul3A_1614, %add3A_1615 : i32
        %swap3A_1617 = arith.index_cast %add3A_1616 : i32 to index
        %swap3A_1618 = tpu.vector_load %arg10[%swap3A_1617] {strides = array<i32>} : memref<65536xf32, #tpu.memory_space<vmem>>, vector<16xf32>,
        tpu.vector_store %arg10[%swap3A_1617], %broadcast_in_dim3A_1 {strides = array<i32>} : memref<65536xf32, #tpu.memory_space<vmem>>, vector<16xf32>,
        %mul3A_1619 = arith.constant 256 : i32
        %mul3A_1620 = arith.muli %scan3A_1563, %mul3A_1619 : i32
        %add3A_1621 = arith.constant 144 : i32
        %add3A_1622 = arith.addi %mul3A_1620, %add3A_1621 : i32
        %swap3A_1623 = arith.index_cast %add3A_1622 : i32 to index
        %swap3A_1624 = tpu.vector_load %arg10[%swap3A_1623] {strides = array<i32>} : memref<65536xf32, #tpu.memory_space<vmem>>, vector<16xf32>,
        tpu.vector_store %arg10[%swap3A_1623], %broadcast_in_dim3A_1 {strides = array<i32>} : memref<65536xf32, #tpu.memory_space<vmem>>, vector<16xf32>,
        %mul3A_1625 = arith.constant 256 : i32
        %mul3A_1626 = arith.muli %scan3A_1563, %mul3A_1625 : i32
        %add3A_1627 = arith.constant 160 : i32
        %add3A_1628 = arith.addi %mul3A_1626, %add3A_1627 : i32
        %swap3A_1629 = arith.index_cast %add3A_1628 : i32 to index
        %swap3A_1630 = tpu.vector_load %arg10[%swap3A_1629] {strides = array<i32>} : memref<65536xf32, #tpu.memory_space<vmem>>, vector<16xf32>,
        tpu.vector_store %arg10[%swap3A_1629], %broadcast_in_dim3A_1 {strides = array<i32>} : memref<65536xf32, #tpu.memory_space<vmem>>, vector<16xf32>,
        %mul3A_1631 = arith.constant 256 : i32
        %mul3A_1632 = arith.muli %scan3A_1563, %mul3A_1631 : i32
        %add3A_1633 = arith.constant 176 : i32
        %add3A_1634 = arith.addi %mul3A_1632, %add3A_1633 : i32
        %swap3A_1635 = arith.index_cast %add3A_1634 : i32 to index
        %swap3A_1636 = tpu.vector_load %arg10[%swap3A_1635] {strides = array<i32>} : memref<65536xf32, #tpu.memory_space<vmem>>, vector<16xf32>,
        tpu.vector_store %arg10[%swap3A_1635], %broadcast_in_dim3A_1 {strides = array<i32>} : memref<65536xf32, #tpu.memory_space<vmem>>, vector<16xf32>,
        %mul3A_1637 = arith.constant 256 : i32
        %mul3A_1638 = arith.muli %scan3A_1563, %mul3A_1637 : i32
        %add3A_1639 = arith.constant 192 : i32
        %add3A_1640 = arith.addi %mul3A_1638, %add3A_1639 : i32
        %swap3A_1641 = arith.index_cast %add3A_1640 : i32 to index
        %swap3A_1642 = tpu.vector_load %arg10[%swap3A_1641] {strides = array<i32>} : memref<65536xf32, #tpu.memory_space<vmem>>, vector<16xf32>,
        tpu.vector_store %arg10[%swap3A_1641], %broadcast_in_dim3A_1 {strides = array<i32>} : memref<65536xf32, #tpu.memory_space<vmem>>, vector<16xf32>,
        %mul3A_1643 = arith.constant 256 : i32
        %mul3A_1644 = arith.muli %scan3A_1563, %mul3A_1643 : i32
        %add3A_1645 = arith.constant 208 : i32
        %add3A_1646 = arith.addi %mul3A_1644, %add3A_1645 : i32
        %swap3A_1647 = arith.index_cast %add3A_1646 : i32 to index
        %swap3A_1648 = tpu.vector_load %arg10[%swap3A_1647] {strides = array<i32>} : memref<65536xf32, #tpu.memory_space<vmem>>, vector<16xf32>,
        tpu.vector_store %arg10[%swap3A_1647], %broadcast_in_dim3A_1 {strides = array<i32>} : memref<65536xf32, #tpu.memory_space<vmem>>, vector<16xf32>,
        %mul3A_1649 = arith.constant 256 : i32
        %mul3A_1650 = arith.muli %scan3A_1563, %mul3A_1649 : i32
        %add3A_1651 = arith.constant 224 : i32
        %add3A_1652 = arith.addi %mul3A_1650, %add3A_1651 : i32
        %swap3A_1653 = arith.index_cast %add3A_1652 : i32 to index
        %swap3A_1654 = tpu.vector_load %arg10[%swap3A_1653] {strides = array<i32>} : memref<65536xf32, #tpu.memory_space<vmem>>, vector<16xf32>,
        tpu.vector_store %arg10[%swap3A_1653], %broadcast_in_dim3A_1 {strides = array<i32>} : memref<65536xf32, #tpu.memory_space<vmem>>, vector<16xf32>,
        %mul3A_1655 = arith.constant 256 : i32
        %mul3A_1656 = arith.muli %scan3A_1563, %mul3A_1655 : i32
        %add3A_1657 = arith.constant 240 : i32
        %add3A_1658 = arith.addi %mul3A_1656, %add3A_1657 : i32
        %swap3A_1659 = arith.index_cast %add3A_1658 : i32 to index
        %swap3A_1660 = tpu.vector_load %arg10[%swap3A_1659] {strides = array<i32>} : memref<65536xf32, #tpu.memory_space<vmem>>, vector<16xf32>,
        tpu.vector_store %arg10[%swap3A_1659], %broadcast_in_dim3A_1 {strides = array<i32>} : memref<65536xf32, #tpu.memory_space<vmem>>, vector<16xf32>,
        %scan3A_1661 = arith.constant 0 : i32
        scf.yield %scan3A_1661 : i32
      }
      %scan3A_1562 = arith.constant 256 : i32
    } else {
    }
    %mul3A_1368 = arith.constant 48 : i32
    %mul3A_1369 = arith.muli %add3A, %mul3A_1368 : i32
    %add3A_1370 = arith.constant 32 : i32
    %add3A_1371 = arith.addi %mul3A_1369, %add3A_1370 : i32
    %add3A_1372 = vector.broadcast %add3A_1371 : i32 to vector<16xi32>
    %add3A_1373 = arith.addi %add3A_1372, %iota3A : vector<16xi32>
    %min3A_1374 = arith.constant 1535 : i32
    %min3A_1375 = vector.broadcast %min3A_1374 : i32 to vector<16xi32>
    %min3A_1376 = arith.minsi %add3A_1373, %min3A_1375 : vector<16xi32>
    %jit3A_1377 = arith.constant 384 : i32
    %div3A_1378 = vector.broadcast %jit3A_1377 : i32 to vector<16xi32>
    %div3A_1379 = arith.divsi %min3A_1376, %div3A_1378 : vector<16xi32>
    %sign3A_1380 = arith.constant 0 : i32
    %sign3A_1381 = vector.broadcast %sign3A_1380 : i32 to vector<16xi32>
    %sign3A_1382 = arith.cmpi sgt, %min3A_1376, %sign3A_1381 : vector<16xi32>
    %sign3A_1383 = arith.extui %sign3A_1382 : vector<16xi1> to vector<16xi32>
    %sign3A_1384 = arith.constant 0 : i32
    %sign3A_1385 = vector.broadcast %sign3A_1384 : i32 to vector<16xi32>
    %sign3A_1386 = arith.cmpi slt, %min3A_1376, %sign3A_1385 : vector<16xi32>
    %sign3A_1387 = arith.extui %sign3A_1386 : vector<16xi1> to vector<16xi32>
    %sign3A_1388 = arith.subi %sign3A_1383, %sign3A_1387 : vector<16xi32>
    %sign3A_1389 = arith.constant 0 : i32
    %sign3A_1390 = arith.cmpi sgt, %jit3A_1377, %sign3A_1389 : i32
    %sign3A_1391 = arith.extui %sign3A_1390 : i1 to i32
    %sign3A_1392 = arith.constant 0 : i32
    %sign3A_1393 = arith.cmpi slt, %jit3A_1377, %sign3A_1392 : i32
    %sign3A_1394 = arith.extui %sign3A_1393 : i1 to i32
    %sign3A_1395 = arith.subi %sign3A_1391, %sign3A_1394 : i32
    %ne3A_1396 = vector.broadcast %sign3A_1395 : i32 to vector<16xi32>
    %ne3A_1397 = arith.cmpi ne, %sign3A_1388, %ne3A_1396 : vector<16xi32>
    %rem3A_1398 = vector.broadcast %jit3A_1377 : i32 to vector<16xi32>
    %rem3A_1399 = arith.remsi %min3A_1376, %rem3A_1398 : vector<16xi32>
    %ne3A_1400 = arith.constant 0 : i32
    %ne3A_1401 = vector.broadcast %ne3A_1400 : i32 to vector<16xi32>
    %ne3A_1402 = arith.cmpi ne, %rem3A_1399, %ne3A_1401 : vector<16xi32>
    %and3A_1403 = arith.andi %ne3A_1397, %ne3A_1402 : vector<16xi1>
    %sub3A_1404 = arith.constant 1 : i32
    %sub3A_1405 = vector.broadcast %sub3A_1404 : i32 to vector<16xi32>
    %sub3A_1406 = arith.subi %div3A_1379, %sub3A_1405 : vector<16xi32>
    %select_n3A_1407 = arith.select %and3A_1403, %sub3A_1406, %div3A_1379 : vector<16xi1>, vector<16xi32>
    %jit3A_1408 = arith.constant 384 : i32
    %eq3A_1409 = arith.constant 0 : i32
    %eq3A_1410 = arith.cmpi eq, %jit3A_1408, %eq3A_1409 : i32
    %jit3A_1411 = arith.constant 1 : i32
    %select_n3A_1412 = arith.select %eq3A_1410, %jit3A_1411, %jit3A_1408 : i32
    %rem3A_1413 = vector.broadcast %select_n3A_1412 : i32 to vector<16xi32>
    %rem3A_1414 = arith.remsi %min3A_1376, %rem3A_1413 : vector<16xi32>
    %ne3A_1415 = arith.constant 0 : i32
    %ne3A_1416 = vector.broadcast %ne3A_1415 : i32 to vector<16xi32>
    %ne3A_1417 = arith.cmpi ne, %rem3A_1414, %ne3A_1416 : vector<16xi32>
    %lt3A_1418 = arith.constant 0 : i32
    %lt3A_1419 = vector.broadcast %lt3A_1418 : i32 to vector<16xi32>
    %lt3A_1420 = arith.cmpi slt, %rem3A_1414, %lt3A_1419 : vector<16xi32>
    %lt3A_1421 = arith.constant 0 : i32
    %lt3A_1422 = arith.cmpi slt, %select_n3A_1412, %lt3A_1421 : i32
    %ne3A_1423 = vector.broadcast %lt3A_1422 : i1 to vector<16xi1>
    %ne3A_1424 = vector.broadcast %ne3A_1423 : vector<16xi1> to vector<16xi1>
    %ne3A_1425 = arith.xori %lt3A_1420, %ne3A_1424 : vector<16xi1>
    %and3A_1426 = arith.andi %ne3A_1425, %ne3A_1417 : vector<16xi1>
    %add3A_1427 = vector.broadcast %select_n3A_1412 : i32 to vector<16xi32>
    %add3A_1428 = arith.addi %rem3A_1414, %add3A_1427 : vector<16xi32>
    %select_n3A_1429 = arith.select %and3A_1426, %add3A_1428, %rem3A_1414 : vector<16xi1>, vector<16xi32>
    %lt3A_1430 = arith.constant 8 : i32
    %lt3A_1431 = vector.broadcast %lt3A_1430 : i32 to vector<16xi32>
    %lt3A_1432 = arith.cmpi slt, %iota3A, %lt3A_1431 : vector<16xi32>
    %and3A_1433 = arith.constant 7 : i32
    %and3A_1434 = vector.broadcast %and3A_1433 : i32 to vector<16xi32>
    %and3A_1435 = arith.andi %iota3A, %and3A_1434 : vector<16xi32>
    %gather3A_1436 = tpu.vector_load_idx %arg5[%min3A_1376] : memref<1536xi32, #tpu.memory_space<vmem>>[vector<16xi32>], vector<16xi32>,
    %gather3A_1437 = tpu.vector_load_idx %arg9[%select_n3A_1407] : memref<16xf32, #tpu.memory_space<vmem>>[vector<16xi32>], vector<16xf32>,
    %eq3A_1438 = arith.constant 0.000000e+00 : f32
    %eq3A_1439 = vector.broadcast %eq3A_1438 : f32 to vector<16xf32>
    %eq3A_1440 = arith.cmpf oeq, %gather3A_1437, %eq3A_1439 : vector<16xf32>
    %and3A_1441 = arith.andi %lt3A_1432, %eq3A_1440 : vector<16xi1>
    %mul3A_1442 = arith.constant 8192 : i32
    %mul3A_1443 = vector.broadcast %mul3A_1442 : i32 to vector<16xi32>
    %mul3A_1444 = arith.muli %and3A_1435, %mul3A_1443 : vector<16xi32>
    %add3A_1445 = arith.addi %mul3A_1444, %gather3A_1436 : vector<16xi32>
    tpu.vector_store_idx %arg10[%add3A_1445], %broadcast_in_dim3A_3 masked %and3A_1441 : memref<65536xf32, #tpu.memory_space<vmem>>[vector<16xi32>], vector<16xf32>, vector<16xi1>
    %gt3A_1446 = arith.constant 0.000000e+00 : f32
    %gt3A_1447 = arith.cmpf ogt, %squeeze3A, %gt3A_1446 : f32
    %convert_element_type3A_1448 = arith.extui %gt3A_1447 : i1 to i32
    %cond3A_1449 = arith.constant 0 : i32
    %cond3A_1450 = arith.cmpi ne, %convert_element_type3A_1448, %cond3A_1449 : i32
    scf.if %cond3A_1450 {
      %max3A = arith.constant 1.000000e+00 : f32
      %max3A_1556 = vector.broadcast %max3A : f32 to vector<16xf32>
      %max3A_1557 = arith.maximumf %gather3A_1437, %max3A_1556 : vector<16xf32>
      %div3A_1558 = arith.constant 1.000000e+00 : f32
      %div3A_1559 = vector.broadcast %div3A_1558 : f32 to vector<16xf32>
      %div3A_1560 = arith.divf %div3A_1559, %max3A_1557 : vector<16xf32>
      %scan3A_1561 = arith.constant 0 : i32
      %scan3A_1562 = arith.constant 0 : i32
      %scan3A_1563 = arith.constant 1024 : i32
      %scan3A_1564 = arith.addi %scan3A_1562, %scan3A_1563 : i32
      %scan3A_1565 = arith.constant 1 : i32
      %scan3A_1566 = scf.for %scan3A_1568 = %scan3A_1562 to %scan3A_1564 step %scan3A_1565 iter_args(%scan3A_1569 = %scan3A_1561) -> (i32)  : i32 {
        %mul3A_1570 = arith.constant 384 : i32
        %mul3A_1571 = arith.muli %scan3A_1568, %mul3A_1570 : i32
        "tpu.region"() ({
          %run_scoped3A = tpu.sem_alloc : memref<!tpu.dma_semaphore, #tpu.memory_space<semaphore_mem>>
          %dma_start3A_1632 = tpu.memref_slice %arg3[%mul3A_1571] : memref<393216xi32, #tpu.memory_space<hbm>> -> memref<384xi32, #tpu.memory_space<hbm>>
          %dma_start3A_1633 = tpu.memref_slice %arg3[%mul3A_1571] : memref<393216xi32, #tpu.memory_space<hbm>> -> memref<384xi32, #tpu.memory_space<hbm>>
          tpu.enqueue_dma source(%dma_start3A_1633 : memref<384xi32, #tpu.memory_space<hbm>>) target(%arg11 : memref<384xi32, #tpu.memory_space<vmem>>) target_semaphore(%run_scoped3A : memref<!tpu.dma_semaphore, #tpu.memory_space<semaphore_mem>>)
          %dma_wait3A_1634 = tpu.memref_slice %arg3[%mul3A_1571] : memref<393216xi32, #tpu.memory_space<hbm>> -> memref<384xi32, #tpu.memory_space<hbm>>
          %dma_wait3A_1635 = tpu.memref_slice %arg3[%mul3A_1571] : memref<393216xi32, #tpu.memory_space<hbm>> -> memref<384xi32, #tpu.memory_space<hbm>>
          tpu.wait_dma2 semaphore(%run_scoped3A : memref<!tpu.dma_semaphore, #tpu.memory_space<semaphore_mem>>) src(%dma_wait3A_1635 : memref<384xi32, #tpu.memory_space<hbm>>) dst(%arg11 : memref<384xi32, #tpu.memory_space<vmem>>)
          tpu.yield
        }) : () -> ()
        %jit3A_1572 = arith.constant 64 : i32
        %div3A_1573 = arith.divsi %scan3A_1568, %jit3A_1572 : i32
        %sign3A_1574 = arith.constant 0 : i32
        %sign3A_1575 = arith.cmpi sgt, %scan3A_1568, %sign3A_1574 : i32
        %sign3A_1576 = arith.extui %sign3A_1575 : i1 to i32
        %sign3A_1577 = arith.constant 0 : i32
        %sign3A_1578 = arith.cmpi slt, %scan3A_1568, %sign3A_1577 : i32
        %sign3A_1579 = arith.extui %sign3A_1578 : i1 to i32
        %sign3A_1580 = arith.subi %sign3A_1576, %sign3A_1579 : i32
        %sign3A_1581 = arith.constant 0 : i32
        %sign3A_1582 = arith.cmpi sgt, %jit3A_1572, %sign3A_1581 : i32
        %sign3A_1583 = arith.extui %sign3A_1582 : i1 to i32
        %sign3A_1584 = arith.constant 0 : i32
        %sign3A_1585 = arith.cmpi slt, %jit3A_1572, %sign3A_1584 : i32
        %sign3A_1586 = arith.extui %sign3A_1585 : i1 to i32
        %sign3A_1587 = arith.subi %sign3A_1583, %sign3A_1586 : i32
        %ne3A_1588 = arith.cmpi ne, %sign3A_1580, %sign3A_1587 : i32
        %rem3A_1589 = arith.remsi %scan3A_1568, %jit3A_1572 : i32
        %ne3A_1590 = arith.constant 0 : i32
        %ne3A_1591 = arith.cmpi ne, %rem3A_1589, %ne3A_1590 : i32
        %and3A_1592 = arith.andi %ne3A_1588, %ne3A_1591 : i1
        %sub3A_1593 = arith.constant 1 : i32
        %sub3A_1594 = arith.subi %div3A_1573, %sub3A_1593 : i32
        %select_n3A_1595 = arith.select %and3A_1592, %sub3A_1594, %div3A_1573 : i32
        %mul3A_1596 = arith.constant 256 : i32
        %mul3A_1597 = arith.muli %select_n3A_1595, %mul3A_1596 : i32
        %mul3A_1598 = arith.constant 64 : i32
        %mul3A_1599 = vector.broadcast %mul3A_1598 : i32 to vector<16xi32>
        %mul3A_1600 = arith.muli %select_n3A_1407, %mul3A_1599 : vector<16xi32>
        %add3A_1601 = vector.broadcast %mul3A_1597 : i32 to vector<16xi32>
        %add3A_1602 = arith.addi %add3A_1601, %mul3A_1600 : vector<16xi32>
        %jit3A_1603 = arith.constant 64 : i32
        %eq3A_1604 = arith.constant 0 : i32
        %eq3A_1605 = arith.cmpi eq, %jit3A_1603, %eq3A_1604 : i32
        %jit3A_1606 = arith.constant 1 : i32
        %select_n3A_1607 = arith.select %eq3A_1605, %jit3A_1606, %jit3A_1603 : i32
        %rem3A_1608 = arith.remsi %scan3A_1568, %select_n3A_1607 : i32
        %ne3A_1609 = arith.constant 0 : i32
        %ne3A_1610 = arith.cmpi ne, %rem3A_1608, %ne3A_1609 : i32
        %lt3A_1611 = arith.constant 0 : i32
        %lt3A_1612 = arith.cmpi slt, %rem3A_1608, %lt3A_1611 : i32
        %lt3A_1613 = arith.constant 0 : i32
        %lt3A_1614 = arith.cmpi slt, %select_n3A_1607, %lt3A_1613 : i32
        %ne3A_1615 = arith.xori %lt3A_1612, %lt3A_1614 : i1
        %and3A_1616 = arith.andi %ne3A_1615, %ne3A_1610 : i1
        %add3A_1617 = arith.addi %rem3A_1608, %select_n3A_1607 : i32
        %select_n3A_1618 = arith.select %and3A_1616, %add3A_1617, %rem3A_1608 : i32
        %add3A_1619 = vector.broadcast %select_n3A_1618 : i32 to vector<16xi32>
        %add3A_1620 = arith.addi %add3A_1602, %add3A_1619 : vector<16xi32>
        %gather3A_1621 = tpu.vector_load_idx %arg8[%add3A_1620] : memref<4096xf32, #tpu.memory_space<vmem>>[vector<16xi32>], vector<16xf32>,
        %gather3A_1622 = tpu.vector_load_idx %arg11[%select_n3A_1429] : memref<384xi32, #tpu.memory_space<vmem>>[vector<16xi32>], vector<16xi32>,
        %gt3A_1623 = arith.constant 0.000000e+00 : f32
        %gt3A_1624 = vector.broadcast %gt3A_1623 : f32 to vector<16xf32>
        %gt3A_1625 = arith.cmpf ogt, %gather3A_1621, %gt3A_1624 : vector<16xf32>
        %and3A_1626 = arith.andi %lt3A_1432, %gt3A_1625 : vector<16xi1>
        %mul3A_1627 = arith.constant 8192 : i32
        %mul3A_1628 = vector.broadcast %mul3A_1627 : i32 to vector<16xi32>
        %mul3A_1629 = arith.muli %and3A_1435, %mul3A_1628 : vector<16xi32>
        %add3A_1630 = arith.addi %mul3A_1629, %gather3A_1622 : vector<16xi32>
        tpu.vector_store_idx %arg10[%add3A_1630], %div3A_1560 masked %and3A_1626 {add = true} : memref<65536xf32, #tpu.memory_space<vmem>>[vector<16xi32>], vector<16xf32>, vector<16xi1>
        %scan3A_1631 = arith.constant 0 : i32
        scf.yield %scan3A_1631 : i32
      }
      %scan3A_1567 = arith.constant 1024 : i32
    } else {
    }
    %mul3A_1451 = arith.constant 8192 : i32
    %mul3A_1452 = arith.muli %add3A_1371, %mul3A_1451 : i32
    "tpu.region"() ({
      %run_scoped3A = tpu.sem_alloc : memref<!tpu.dma_semaphore, #tpu.memory_space<semaphore_mem>>
      %dma_start3A_1556 = tpu.memref_slice %arg4[%mul3A_1452] : memref<12582912xf32, #tpu.memory_space<hbm>> -> memref<65536xf32, #tpu.memory_space<hbm>>
      %dma_start3A_1557 = tpu.memref_slice %arg4[%mul3A_1452] : memref<12582912xf32, #tpu.memory_space<hbm>> -> memref<65536xf32, #tpu.memory_space<hbm>>
      tpu.enqueue_dma source(%arg10 : memref<65536xf32, #tpu.memory_space<vmem>>) target(%dma_start3A_1557 : memref<65536xf32, #tpu.memory_space<hbm>>) target_semaphore(%run_scoped3A : memref<!tpu.dma_semaphore, #tpu.memory_space<semaphore_mem>>)
      %dma_wait3A_1558 = tpu.memref_slice %arg4[%mul3A_1452] : memref<12582912xf32, #tpu.memory_space<hbm>> -> memref<65536xf32, #tpu.memory_space<hbm>>
      %dma_wait3A_1559 = tpu.memref_slice %arg4[%mul3A_1452] : memref<12582912xf32, #tpu.memory_space<hbm>> -> memref<65536xf32, #tpu.memory_space<hbm>>
      tpu.wait_dma2 semaphore(%run_scoped3A : memref<!tpu.dma_semaphore, #tpu.memory_space<semaphore_mem>>) src(%arg10 : memref<65536xf32, #tpu.memory_space<vmem>>) dst(%dma_wait3A_1559 : memref<65536xf32, #tpu.memory_space<hbm>>)
      tpu.yield
    }) : () -> ()
    %mul3A_1453 = arith.constant 8192 : i32
    %mul3A_1454 = vector.broadcast %mul3A_1453 : i32 to vector<16xi32>
    %mul3A_1455 = arith.muli %and3A_1435, %mul3A_1454 : vector<16xi32>
    %add3A_1456 = arith.addi %mul3A_1455, %gather3A_1436 : vector<16xi32>
    tpu.vector_store_idx %arg10[%add3A_1456], %broadcast_in_dim3A_1 masked %and3A_1441 : memref<65536xf32, #tpu.memory_space<vmem>>[vector<16xi32>], vector<16xf32>, vector<16xi1>
    %gt3A_1457 = arith.constant 0.000000e+00 : f32
    %gt3A_1458 = arith.cmpf ogt, %squeeze3A, %gt3A_1457 : f32
    %convert_element_type3A_1459 = arith.extui %gt3A_1458 : i1 to i32
    %cond3A_1460 = arith.constant 0 : i32
    %cond3A_1461 = arith.cmpi ne, %convert_element_type3A_1459, %cond3A_1460 : i32
    scf.if %cond3A_1461 {
      %scan3A_1556 = arith.constant 0 : i32
      %scan3A_1557 = arith.constant 0 : i32
      %scan3A_1558 = arith.constant 256 : i32
      %scan3A_1559 = arith.addi %scan3A_1557, %scan3A_1558 : i32
      %scan3A_1560 = arith.constant 1 : i32
      %scan3A_1561 = scf.for %scan3A_1563 = %scan3A_1557 to %scan3A_1559 step %scan3A_1560 iter_args(%scan3A_1564 = %scan3A_1556) -> (i32)  : i32 {
        %mul3A_1565 = arith.constant 256 : i32
        %mul3A_1566 = arith.muli %scan3A_1563, %mul3A_1565 : i32
        %add3A_1567 = arith.constant 0 : i32
        %add3A_1568 = arith.addi %mul3A_1566, %add3A_1567 : i32
        %swap3A_1569 = arith.index_cast %add3A_1568 : i32 to index
        %swap3A_1570 = tpu.vector_load %arg10[%swap3A_1569] {strides = array<i32>} : memref<65536xf32, #tpu.memory_space<vmem>>, vector<16xf32>,
        tpu.vector_store %arg10[%swap3A_1569], %broadcast_in_dim3A_1 {strides = array<i32>} : memref<65536xf32, #tpu.memory_space<vmem>>, vector<16xf32>,
        %mul3A_1571 = arith.constant 256 : i32
        %mul3A_1572 = arith.muli %scan3A_1563, %mul3A_1571 : i32
        %add3A_1573 = arith.constant 16 : i32
        %add3A_1574 = arith.addi %mul3A_1572, %add3A_1573 : i32
        %swap3A_1575 = arith.index_cast %add3A_1574 : i32 to index
        %swap3A_1576 = tpu.vector_load %arg10[%swap3A_1575] {strides = array<i32>} : memref<65536xf32, #tpu.memory_space<vmem>>, vector<16xf32>,
        tpu.vector_store %arg10[%swap3A_1575], %broadcast_in_dim3A_1 {strides = array<i32>} : memref<65536xf32, #tpu.memory_space<vmem>>, vector<16xf32>,
        %mul3A_1577 = arith.constant 256 : i32
        %mul3A_1578 = arith.muli %scan3A_1563, %mul3A_1577 : i32
        %add3A_1579 = arith.constant 32 : i32
        %add3A_1580 = arith.addi %mul3A_1578, %add3A_1579 : i32
        %swap3A_1581 = arith.index_cast %add3A_1580 : i32 to index
        %swap3A_1582 = tpu.vector_load %arg10[%swap3A_1581] {strides = array<i32>} : memref<65536xf32, #tpu.memory_space<vmem>>, vector<16xf32>,
        tpu.vector_store %arg10[%swap3A_1581], %broadcast_in_dim3A_1 {strides = array<i32>} : memref<65536xf32, #tpu.memory_space<vmem>>, vector<16xf32>,
        %mul3A_1583 = arith.constant 256 : i32
        %mul3A_1584 = arith.muli %scan3A_1563, %mul3A_1583 : i32
        %add3A_1585 = arith.constant 48 : i32
        %add3A_1586 = arith.addi %mul3A_1584, %add3A_1585 : i32
        %swap3A_1587 = arith.index_cast %add3A_1586 : i32 to index
        %swap3A_1588 = tpu.vector_load %arg10[%swap3A_1587] {strides = array<i32>} : memref<65536xf32, #tpu.memory_space<vmem>>, vector<16xf32>,
        tpu.vector_store %arg10[%swap3A_1587], %broadcast_in_dim3A_1 {strides = array<i32>} : memref<65536xf32, #tpu.memory_space<vmem>>, vector<16xf32>,
        %mul3A_1589 = arith.constant 256 : i32
        %mul3A_1590 = arith.muli %scan3A_1563, %mul3A_1589 : i32
        %add3A_1591 = arith.constant 64 : i32
        %add3A_1592 = arith.addi %mul3A_1590, %add3A_1591 : i32
        %swap3A_1593 = arith.index_cast %add3A_1592 : i32 to index
        %swap3A_1594 = tpu.vector_load %arg10[%swap3A_1593] {strides = array<i32>} : memref<65536xf32, #tpu.memory_space<vmem>>, vector<16xf32>,
        tpu.vector_store %arg10[%swap3A_1593], %broadcast_in_dim3A_1 {strides = array<i32>} : memref<65536xf32, #tpu.memory_space<vmem>>, vector<16xf32>,
        %mul3A_1595 = arith.constant 256 : i32
        %mul3A_1596 = arith.muli %scan3A_1563, %mul3A_1595 : i32
        %add3A_1597 = arith.constant 80 : i32
        %add3A_1598 = arith.addi %mul3A_1596, %add3A_1597 : i32
        %swap3A_1599 = arith.index_cast %add3A_1598 : i32 to index
        %swap3A_1600 = tpu.vector_load %arg10[%swap3A_1599] {strides = array<i32>} : memref<65536xf32, #tpu.memory_space<vmem>>, vector<16xf32>,
        tpu.vector_store %arg10[%swap3A_1599], %broadcast_in_dim3A_1 {strides = array<i32>} : memref<65536xf32, #tpu.memory_space<vmem>>, vector<16xf32>,
        %mul3A_1601 = arith.constant 256 : i32
        %mul3A_1602 = arith.muli %scan3A_1563, %mul3A_1601 : i32
        %add3A_1603 = arith.constant 96 : i32
        %add3A_1604 = arith.addi %mul3A_1602, %add3A_1603 : i32
        %swap3A_1605 = arith.index_cast %add3A_1604 : i32 to index
        %swap3A_1606 = tpu.vector_load %arg10[%swap3A_1605] {strides = array<i32>} : memref<65536xf32, #tpu.memory_space<vmem>>, vector<16xf32>,
        tpu.vector_store %arg10[%swap3A_1605], %broadcast_in_dim3A_1 {strides = array<i32>} : memref<65536xf32, #tpu.memory_space<vmem>>, vector<16xf32>,
        %mul3A_1607 = arith.constant 256 : i32
        %mul3A_1608 = arith.muli %scan3A_1563, %mul3A_1607 : i32
        %add3A_1609 = arith.constant 112 : i32
        %add3A_1610 = arith.addi %mul3A_1608, %add3A_1609 : i32
        %swap3A_1611 = arith.index_cast %add3A_1610 : i32 to index
        %swap3A_1612 = tpu.vector_load %arg10[%swap3A_1611] {strides = array<i32>} : memref<65536xf32, #tpu.memory_space<vmem>>, vector<16xf32>,
        tpu.vector_store %arg10[%swap3A_1611], %broadcast_in_dim3A_1 {strides = array<i32>} : memref<65536xf32, #tpu.memory_space<vmem>>, vector<16xf32>,
        %mul3A_1613 = arith.constant 256 : i32
        %mul3A_1614 = arith.muli %scan3A_1563, %mul3A_1613 : i32
        %add3A_1615 = arith.constant 128 : i32
        %add3A_1616 = arith.addi %mul3A_1614, %add3A_1615 : i32
        %swap3A_1617 = arith.index_cast %add3A_1616 : i32 to index
        %swap3A_1618 = tpu.vector_load %arg10[%swap3A_1617] {strides = array<i32>} : memref<65536xf32, #tpu.memory_space<vmem>>, vector<16xf32>,
        tpu.vector_store %arg10[%swap3A_1617], %broadcast_in_dim3A_1 {strides = array<i32>} : memref<65536xf32, #tpu.memory_space<vmem>>, vector<16xf32>,
        %mul3A_1619 = arith.constant 256 : i32
        %mul3A_1620 = arith.muli %scan3A_1563, %mul3A_1619 : i32
        %add3A_1621 = arith.constant 144 : i32
        %add3A_1622 = arith.addi %mul3A_1620, %add3A_1621 : i32
        %swap3A_1623 = arith.index_cast %add3A_1622 : i32 to index
        %swap3A_1624 = tpu.vector_load %arg10[%swap3A_1623] {strides = array<i32>} : memref<65536xf32, #tpu.memory_space<vmem>>, vector<16xf32>,
        tpu.vector_store %arg10[%swap3A_1623], %broadcast_in_dim3A_1 {strides = array<i32>} : memref<65536xf32, #tpu.memory_space<vmem>>, vector<16xf32>,
        %mul3A_1625 = arith.constant 256 : i32
        %mul3A_1626 = arith.muli %scan3A_1563, %mul3A_1625 : i32
        %add3A_1627 = arith.constant 160 : i32
        %add3A_1628 = arith.addi %mul3A_1626, %add3A_1627 : i32
        %swap3A_1629 = arith.index_cast %add3A_1628 : i32 to index
        %swap3A_1630 = tpu.vector_load %arg10[%swap3A_1629] {strides = array<i32>} : memref<65536xf32, #tpu.memory_space<vmem>>, vector<16xf32>,
        tpu.vector_store %arg10[%swap3A_1629], %broadcast_in_dim3A_1 {strides = array<i32>} : memref<65536xf32, #tpu.memory_space<vmem>>, vector<16xf32>,
        %mul3A_1631 = arith.constant 256 : i32
        %mul3A_1632 = arith.muli %scan3A_1563, %mul3A_1631 : i32
        %add3A_1633 = arith.constant 176 : i32
        %add3A_1634 = arith.addi %mul3A_1632, %add3A_1633 : i32
        %swap3A_1635 = arith.index_cast %add3A_1634 : i32 to index
        %swap3A_1636 = tpu.vector_load %arg10[%swap3A_1635] {strides = array<i32>} : memref<65536xf32, #tpu.memory_space<vmem>>, vector<16xf32>,
        tpu.vector_store %arg10[%swap3A_1635], %broadcast_in_dim3A_1 {strides = array<i32>} : memref<65536xf32, #tpu.memory_space<vmem>>, vector<16xf32>,
        %mul3A_1637 = arith.constant 256 : i32
        %mul3A_1638 = arith.muli %scan3A_1563, %mul3A_1637 : i32
        %add3A_1639 = arith.constant 192 : i32
        %add3A_1640 = arith.addi %mul3A_1638, %add3A_1639 : i32
        %swap3A_1641 = arith.index_cast %add3A_1640 : i32 to index
        %swap3A_1642 = tpu.vector_load %arg10[%swap3A_1641] {strides = array<i32>} : memref<65536xf32, #tpu.memory_space<vmem>>, vector<16xf32>,
        tpu.vector_store %arg10[%swap3A_1641], %broadcast_in_dim3A_1 {strides = array<i32>} : memref<65536xf32, #tpu.memory_space<vmem>>, vector<16xf32>,
        %mul3A_1643 = arith.constant 256 : i32
        %mul3A_1644 = arith.muli %scan3A_1563, %mul3A_1643 : i32
        %add3A_1645 = arith.constant 208 : i32
        %add3A_1646 = arith.addi %mul3A_1644, %add3A_1645 : i32
        %swap3A_1647 = arith.index_cast %add3A_1646 : i32 to index
        %swap3A_1648 = tpu.vector_load %arg10[%swap3A_1647] {strides = array<i32>} : memref<65536xf32, #tpu.memory_space<vmem>>, vector<16xf32>,
        tpu.vector_store %arg10[%swap3A_1647], %broadcast_in_dim3A_1 {strides = array<i32>} : memref<65536xf32, #tpu.memory_space<vmem>>, vector<16xf32>,
        %mul3A_1649 = arith.constant 256 : i32
        %mul3A_1650 = arith.muli %scan3A_1563, %mul3A_1649 : i32
        %add3A_1651 = arith.constant 224 : i32
        %add3A_1652 = arith.addi %mul3A_1650, %add3A_1651 : i32
        %swap3A_1653 = arith.index_cast %add3A_1652 : i32 to index
        %swap3A_1654 = tpu.vector_load %arg10[%swap3A_1653] {strides = array<i32>} : memref<65536xf32, #tpu.memory_space<vmem>>, vector<16xf32>,
        tpu.vector_store %arg10[%swap3A_1653], %broadcast_in_dim3A_1 {strides = array<i32>} : memref<65536xf32, #tpu.memory_space<vmem>>, vector<16xf32>,
        %mul3A_1655 = arith.constant 256 : i32
        %mul3A_1656 = arith.muli %scan3A_1563, %mul3A_1655 : i32
        %add3A_1657 = arith.constant 240 : i32
        %add3A_1658 = arith.addi %mul3A_1656, %add3A_1657 : i32
        %swap3A_1659 = arith.index_cast %add3A_1658 : i32 to index
        %swap3A_1660 = tpu.vector_load %arg10[%swap3A_1659] {strides = array<i32>} : memref<65536xf32, #tpu.memory_space<vmem>>, vector<16xf32>,
        tpu.vector_store %arg10[%swap3A_1659], %broadcast_in_dim3A_1 {strides = array<i32>} : memref<65536xf32, #tpu.memory_space<vmem>>, vector<16xf32>,
        %scan3A_1661 = arith.constant 0 : i32
        scf.yield %scan3A_1661 : i32
      }
      %scan3A_1562 = arith.constant 256 : i32
    } else {
    }
    %mul3A_1462 = arith.constant 48 : i32
    %mul3A_1463 = arith.muli %add3A, %mul3A_1462 : i32
    %add3A_1464 = arith.constant 40 : i32
    %add3A_1465 = arith.addi %mul3A_1463, %add3A_1464 : i32
    %add3A_1466 = vector.broadcast %add3A_1465 : i32 to vector<16xi32>
    %add3A_1467 = arith.addi %add3A_1466, %iota3A : vector<16xi32>
    %min3A_1468 = arith.constant 1535 : i32
    %min3A_1469 = vector.broadcast %min3A_1468 : i32 to vector<16xi32>
    %min3A_1470 = arith.minsi %add3A_1467, %min3A_1469 : vector<16xi32>
    %jit3A_1471 = arith.constant 384 : i32
    %div3A_1472 = vector.broadcast %jit3A_1471 : i32 to vector<16xi32>
    %div3A_1473 = arith.divsi %min3A_1470, %div3A_1472 : vector<16xi32>
    %sign3A_1474 = arith.constant 0 : i32
    %sign3A_1475 = vector.broadcast %sign3A_1474 : i32 to vector<16xi32>
    %sign3A_1476 = arith.cmpi sgt, %min3A_1470, %sign3A_1475 : vector<16xi32>
    %sign3A_1477 = arith.extui %sign3A_1476 : vector<16xi1> to vector<16xi32>
    %sign3A_1478 = arith.constant 0 : i32
    %sign3A_1479 = vector.broadcast %sign3A_1478 : i32 to vector<16xi32>
    %sign3A_1480 = arith.cmpi slt, %min3A_1470, %sign3A_1479 : vector<16xi32>
    %sign3A_1481 = arith.extui %sign3A_1480 : vector<16xi1> to vector<16xi32>
    %sign3A_1482 = arith.subi %sign3A_1477, %sign3A_1481 : vector<16xi32>
    %sign3A_1483 = arith.constant 0 : i32
    %sign3A_1484 = arith.cmpi sgt, %jit3A_1471, %sign3A_1483 : i32
    %sign3A_1485 = arith.extui %sign3A_1484 : i1 to i32
    %sign3A_1486 = arith.constant 0 : i32
    %sign3A_1487 = arith.cmpi slt, %jit3A_1471, %sign3A_1486 : i32
    %sign3A_1488 = arith.extui %sign3A_1487 : i1 to i32
    %sign3A_1489 = arith.subi %sign3A_1485, %sign3A_1488 : i32
    %ne3A_1490 = vector.broadcast %sign3A_1489 : i32 to vector<16xi32>
    %ne3A_1491 = arith.cmpi ne, %sign3A_1482, %ne3A_1490 : vector<16xi32>
    %rem3A_1492 = vector.broadcast %jit3A_1471 : i32 to vector<16xi32>
    %rem3A_1493 = arith.remsi %min3A_1470, %rem3A_1492 : vector<16xi32>
    %ne3A_1494 = arith.constant 0 : i32
    %ne3A_1495 = vector.broadcast %ne3A_1494 : i32 to vector<16xi32>
    %ne3A_1496 = arith.cmpi ne, %rem3A_1493, %ne3A_1495 : vector<16xi32>
    %and3A_1497 = arith.andi %ne3A_1491, %ne3A_1496 : vector<16xi1>
    %sub3A_1498 = arith.constant 1 : i32
    %sub3A_1499 = vector.broadcast %sub3A_1498 : i32 to vector<16xi32>
    %sub3A_1500 = arith.subi %div3A_1473, %sub3A_1499 : vector<16xi32>
    %select_n3A_1501 = arith.select %and3A_1497, %sub3A_1500, %div3A_1473 : vector<16xi1>, vector<16xi32>
    %jit3A_1502 = arith.constant 384 : i32
    %eq3A_1503 = arith.constant 0 : i32
    %eq3A_1504 = arith.cmpi eq, %jit3A_1502, %eq3A_1503 : i32
    %jit3A_1505 = arith.constant 1 : i32
    %select_n3A_1506 = arith.select %eq3A_1504, %jit3A_1505, %jit3A_1502 : i32
    %rem3A_1507 = vector.broadcast %select_n3A_1506 : i32 to vector<16xi32>
    %rem3A_1508 = arith.remsi %min3A_1470, %rem3A_1507 : vector<16xi32>
    %ne3A_1509 = arith.constant 0 : i32
    %ne3A_1510 = vector.broadcast %ne3A_1509 : i32 to vector<16xi32>
    %ne3A_1511 = arith.cmpi ne, %rem3A_1508, %ne3A_1510 : vector<16xi32>
    %lt3A_1512 = arith.constant 0 : i32
    %lt3A_1513 = vector.broadcast %lt3A_1512 : i32 to vector<16xi32>
    %lt3A_1514 = arith.cmpi slt, %rem3A_1508, %lt3A_1513 : vector<16xi32>
    %lt3A_1515 = arith.constant 0 : i32
    %lt3A_1516 = arith.cmpi slt, %select_n3A_1506, %lt3A_1515 : i32
    %ne3A_1517 = vector.broadcast %lt3A_1516 : i1 to vector<16xi1>
    %ne3A_1518 = vector.broadcast %ne3A_1517 : vector<16xi1> to vector<16xi1>
    %ne3A_1519 = arith.xori %lt3A_1514, %ne3A_1518 : vector<16xi1>
    %and3A_1520 = arith.andi %ne3A_1519, %ne3A_1511 : vector<16xi1>
    %add3A_1521 = vector.broadcast %select_n3A_1506 : i32 to vector<16xi32>
    %add3A_1522 = arith.addi %rem3A_1508, %add3A_1521 : vector<16xi32>
    %select_n3A_1523 = arith.select %and3A_1520, %add3A_1522, %rem3A_1508 : vector<16xi1>, vector<16xi32>
    %lt3A_1524 = arith.constant 8 : i32
    %lt3A_1525 = vector.broadcast %lt3A_1524 : i32 to vector<16xi32>
    %lt3A_1526 = arith.cmpi slt, %iota3A, %lt3A_1525 : vector<16xi32>
    %and3A_1527 = arith.constant 7 : i32
    %and3A_1528 = vector.broadcast %and3A_1527 : i32 to vector<16xi32>
    %and3A_1529 = arith.andi %iota3A, %and3A_1528 : vector<16xi32>
    %gather3A_1530 = tpu.vector_load_idx %arg5[%min3A_1470] : memref<1536xi32, #tpu.memory_space<vmem>>[vector<16xi32>], vector<16xi32>,
    %gather3A_1531 = tpu.vector_load_idx %arg9[%select_n3A_1501] : memref<16xf32, #tpu.memory_space<vmem>>[vector<16xi32>], vector<16xf32>,
    %eq3A_1532 = arith.constant 0.000000e+00 : f32
    %eq3A_1533 = vector.broadcast %eq3A_1532 : f32 to vector<16xf32>
    %eq3A_1534 = arith.cmpf oeq, %gather3A_1531, %eq3A_1533 : vector<16xf32>
    %and3A_1535 = arith.andi %lt3A_1526, %eq3A_1534 : vector<16xi1>
    %mul3A_1536 = arith.constant 8192 : i32
    %mul3A_1537 = vector.broadcast %mul3A_1536 : i32 to vector<16xi32>
    %mul3A_1538 = arith.muli %and3A_1529, %mul3A_1537 : vector<16xi32>
    %add3A_1539 = arith.addi %mul3A_1538, %gather3A_1530 : vector<16xi32>
    tpu.vector_store_idx %arg10[%add3A_1539], %broadcast_in_dim3A_3 masked %and3A_1535 : memref<65536xf32, #tpu.memory_space<vmem>>[vector<16xi32>], vector<16xf32>, vector<16xi1>
    %gt3A_1540 = arith.constant 0.000000e+00 : f32
    %gt3A_1541 = arith.cmpf ogt, %squeeze3A, %gt3A_1540 : f32
    %convert_element_type3A_1542 = arith.extui %gt3A_1541 : i1 to i32
    %cond3A_1543 = arith.constant 0 : i32
    %cond3A_1544 = arith.cmpi ne, %convert_element_type3A_1542, %cond3A_1543 : i32
    scf.if %cond3A_1544 {
      %max3A = arith.constant 1.000000e+00 : f32
      %max3A_1556 = vector.broadcast %max3A : f32 to vector<16xf32>
      %max3A_1557 = arith.maximumf %gather3A_1531, %max3A_1556 : vector<16xf32>
      %div3A_1558 = arith.constant 1.000000e+00 : f32
      %div3A_1559 = vector.broadcast %div3A_1558 : f32 to vector<16xf32>
      %div3A_1560 = arith.divf %div3A_1559, %max3A_1557 : vector<16xf32>
      %scan3A_1561 = arith.constant 0 : i32
      %scan3A_1562 = arith.constant 0 : i32
      %scan3A_1563 = arith.constant 1024 : i32
      %scan3A_1564 = arith.addi %scan3A_1562, %scan3A_1563 : i32
      %scan3A_1565 = arith.constant 1 : i32
      %scan3A_1566 = scf.for %scan3A_1568 = %scan3A_1562 to %scan3A_1564 step %scan3A_1565 iter_args(%scan3A_1569 = %scan3A_1561) -> (i32)  : i32 {
        %mul3A_1570 = arith.constant 384 : i32
        %mul3A_1571 = arith.muli %scan3A_1568, %mul3A_1570 : i32
        "tpu.region"() ({
          %run_scoped3A = tpu.sem_alloc : memref<!tpu.dma_semaphore, #tpu.memory_space<semaphore_mem>>
          %dma_start3A_1632 = tpu.memref_slice %arg3[%mul3A_1571] : memref<393216xi32, #tpu.memory_space<hbm>> -> memref<384xi32, #tpu.memory_space<hbm>>
          %dma_start3A_1633 = tpu.memref_slice %arg3[%mul3A_1571] : memref<393216xi32, #tpu.memory_space<hbm>> -> memref<384xi32, #tpu.memory_space<hbm>>
          tpu.enqueue_dma source(%dma_start3A_1633 : memref<384xi32, #tpu.memory_space<hbm>>) target(%arg11 : memref<384xi32, #tpu.memory_space<vmem>>) target_semaphore(%run_scoped3A : memref<!tpu.dma_semaphore, #tpu.memory_space<semaphore_mem>>)
          %dma_wait3A_1634 = tpu.memref_slice %arg3[%mul3A_1571] : memref<393216xi32, #tpu.memory_space<hbm>> -> memref<384xi32, #tpu.memory_space<hbm>>
          %dma_wait3A_1635 = tpu.memref_slice %arg3[%mul3A_1571] : memref<393216xi32, #tpu.memory_space<hbm>> -> memref<384xi32, #tpu.memory_space<hbm>>
          tpu.wait_dma2 semaphore(%run_scoped3A : memref<!tpu.dma_semaphore, #tpu.memory_space<semaphore_mem>>) src(%dma_wait3A_1635 : memref<384xi32, #tpu.memory_space<hbm>>) dst(%arg11 : memref<384xi32, #tpu.memory_space<vmem>>)
          tpu.yield
        }) : () -> ()
        %jit3A_1572 = arith.constant 64 : i32
        %div3A_1573 = arith.divsi %scan3A_1568, %jit3A_1572 : i32
        %sign3A_1574 = arith.constant 0 : i32
        %sign3A_1575 = arith.cmpi sgt, %scan3A_1568, %sign3A_1574 : i32
        %sign3A_1576 = arith.extui %sign3A_1575 : i1 to i32
        %sign3A_1577 = arith.constant 0 : i32
        %sign3A_1578 = arith.cmpi slt, %scan3A_1568, %sign3A_1577 : i32
        %sign3A_1579 = arith.extui %sign3A_1578 : i1 to i32
        %sign3A_1580 = arith.subi %sign3A_1576, %sign3A_1579 : i32
        %sign3A_1581 = arith.constant 0 : i32
        %sign3A_1582 = arith.cmpi sgt, %jit3A_1572, %sign3A_1581 : i32
        %sign3A_1583 = arith.extui %sign3A_1582 : i1 to i32
        %sign3A_1584 = arith.constant 0 : i32
        %sign3A_1585 = arith.cmpi slt, %jit3A_1572, %sign3A_1584 : i32
        %sign3A_1586 = arith.extui %sign3A_1585 : i1 to i32
        %sign3A_1587 = arith.subi %sign3A_1583, %sign3A_1586 : i32
        %ne3A_1588 = arith.cmpi ne, %sign3A_1580, %sign3A_1587 : i32
        %rem3A_1589 = arith.remsi %scan3A_1568, %jit3A_1572 : i32
        %ne3A_1590 = arith.constant 0 : i32
        %ne3A_1591 = arith.cmpi ne, %rem3A_1589, %ne3A_1590 : i32
        %and3A_1592 = arith.andi %ne3A_1588, %ne3A_1591 : i1
        %sub3A_1593 = arith.constant 1 : i32
        %sub3A_1594 = arith.subi %div3A_1573, %sub3A_1593 : i32
        %select_n3A_1595 = arith.select %and3A_1592, %sub3A_1594, %div3A_1573 : i32
        %mul3A_1596 = arith.constant 256 : i32
        %mul3A_1597 = arith.muli %select_n3A_1595, %mul3A_1596 : i32
        %mul3A_1598 = arith.constant 64 : i32
        %mul3A_1599 = vector.broadcast %mul3A_1598 : i32 to vector<16xi32>
        %mul3A_1600 = arith.muli %select_n3A_1501, %mul3A_1599 : vector<16xi32>
        %add3A_1601 = vector.broadcast %mul3A_1597 : i32 to vector<16xi32>
        %add3A_1602 = arith.addi %add3A_1601, %mul3A_1600 : vector<16xi32>
        %jit3A_1603 = arith.constant 64 : i32
        %eq3A_1604 = arith.constant 0 : i32
        %eq3A_1605 = arith.cmpi eq, %jit3A_1603, %eq3A_1604 : i32
        %jit3A_1606 = arith.constant 1 : i32
        %select_n3A_1607 = arith.select %eq3A_1605, %jit3A_1606, %jit3A_1603 : i32
        %rem3A_1608 = arith.remsi %scan3A_1568, %select_n3A_1607 : i32
        %ne3A_1609 = arith.constant 0 : i32
        %ne3A_1610 = arith.cmpi ne, %rem3A_1608, %ne3A_1609 : i32
        %lt3A_1611 = arith.constant 0 : i32
        %lt3A_1612 = arith.cmpi slt, %rem3A_1608, %lt3A_1611 : i32
        %lt3A_1613 = arith.constant 0 : i32
        %lt3A_1614 = arith.cmpi slt, %select_n3A_1607, %lt3A_1613 : i32
        %ne3A_1615 = arith.xori %lt3A_1612, %lt3A_1614 : i1
        %and3A_1616 = arith.andi %ne3A_1615, %ne3A_1610 : i1
        %add3A_1617 = arith.addi %rem3A_1608, %select_n3A_1607 : i32
        %select_n3A_1618 = arith.select %and3A_1616, %add3A_1617, %rem3A_1608 : i32
        %add3A_1619 = vector.broadcast %select_n3A_1618 : i32 to vector<16xi32>
        %add3A_1620 = arith.addi %add3A_1602, %add3A_1619 : vector<16xi32>
        %gather3A_1621 = tpu.vector_load_idx %arg8[%add3A_1620] : memref<4096xf32, #tpu.memory_space<vmem>>[vector<16xi32>], vector<16xf32>,
        %gather3A_1622 = tpu.vector_load_idx %arg11[%select_n3A_1523] : memref<384xi32, #tpu.memory_space<vmem>>[vector<16xi32>], vector<16xi32>,
        %gt3A_1623 = arith.constant 0.000000e+00 : f32
        %gt3A_1624 = vector.broadcast %gt3A_1623 : f32 to vector<16xf32>
        %gt3A_1625 = arith.cmpf ogt, %gather3A_1621, %gt3A_1624 : vector<16xf32>
        %and3A_1626 = arith.andi %lt3A_1526, %gt3A_1625 : vector<16xi1>
        %mul3A_1627 = arith.constant 8192 : i32
        %mul3A_1628 = vector.broadcast %mul3A_1627 : i32 to vector<16xi32>
        %mul3A_1629 = arith.muli %and3A_1529, %mul3A_1628 : vector<16xi32>
        %add3A_1630 = arith.addi %mul3A_1629, %gather3A_1622 : vector<16xi32>
        tpu.vector_store_idx %arg10[%add3A_1630], %div3A_1560 masked %and3A_1626 {add = true} : memref<65536xf32, #tpu.memory_space<vmem>>[vector<16xi32>], vector<16xf32>, vector<16xi1>
        %scan3A_1631 = arith.constant 0 : i32
        scf.yield %scan3A_1631 : i32
      }
      %scan3A_1567 = arith.constant 1024 : i32
    } else {
    }
    %mul3A_1545 = arith.constant 8192 : i32
    %mul3A_1546 = arith.muli %add3A_1465, %mul3A_1545 : i32
    "tpu.region"() ({
      %run_scoped3A = tpu.sem_alloc : memref<!tpu.dma_semaphore, #tpu.memory_space<semaphore_mem>>
      %dma_start3A_1556 = tpu.memref_slice %arg4[%mul3A_1546] : memref<12582912xf32, #tpu.memory_space<hbm>> -> memref<65536xf32, #tpu.memory_space<hbm>>
      %dma_start3A_1557 = tpu.memref_slice %arg4[%mul3A_1546] : memref<12582912xf32, #tpu.memory_space<hbm>> -> memref<65536xf32, #tpu.memory_space<hbm>>
      tpu.enqueue_dma source(%arg10 : memref<65536xf32, #tpu.memory_space<vmem>>) target(%dma_start3A_1557 : memref<65536xf32, #tpu.memory_space<hbm>>) target_semaphore(%run_scoped3A : memref<!tpu.dma_semaphore, #tpu.memory_space<semaphore_mem>>)
      %dma_wait3A_1558 = tpu.memref_slice %arg4[%mul3A_1546] : memref<12582912xf32, #tpu.memory_space<hbm>> -> memref<65536xf32, #tpu.memory_space<hbm>>
      %dma_wait3A_1559 = tpu.memref_slice %arg4[%mul3A_1546] : memref<12582912xf32, #tpu.memory_space<hbm>> -> memref<65536xf32, #tpu.memory_space<hbm>>
      tpu.wait_dma2 semaphore(%run_scoped3A : memref<!tpu.dma_semaphore, #tpu.memory_space<semaphore_mem>>) src(%arg10 : memref<65536xf32, #tpu.memory_space<vmem>>) dst(%dma_wait3A_1559 : memref<65536xf32, #tpu.memory_space<hbm>>)
      tpu.yield
    }) : () -> ()
    %mul3A_1547 = arith.constant 8192 : i32
    %mul3A_1548 = vector.broadcast %mul3A_1547 : i32 to vector<16xi32>
    %mul3A_1549 = arith.muli %and3A_1529, %mul3A_1548 : vector<16xi32>
    %add3A_1550 = arith.addi %mul3A_1549, %gather3A_1530 : vector<16xi32>
    tpu.vector_store_idx %arg10[%add3A_1550], %broadcast_in_dim3A_1 masked %and3A_1535 : memref<65536xf32, #tpu.memory_space<vmem>>[vector<16xi32>], vector<16xf32>, vector<16xi1>
    %gt3A_1551 = arith.constant 0.000000e+00 : f32
    %gt3A_1552 = arith.cmpf ogt, %squeeze3A, %gt3A_1551 : f32
    %convert_element_type3A_1553 = arith.extui %gt3A_1552 : i1 to i32
    %cond3A_1554 = arith.constant 0 : i32
    %cond3A_1555 = arith.cmpi ne, %convert_element_type3A_1553, %cond3A_1554 : i32
    scf.if %cond3A_1555 {
      %scan3A_1556 = arith.constant 0 : i32
      %scan3A_1557 = arith.constant 0 : i32
      %scan3A_1558 = arith.constant 256 : i32
      %scan3A_1559 = arith.addi %scan3A_1557, %scan3A_1558 : i32
      %scan3A_1560 = arith.constant 1 : i32
      %scan3A_1561 = scf.for %scan3A_1563 = %scan3A_1557 to %scan3A_1559 step %scan3A_1560 iter_args(%scan3A_1564 = %scan3A_1556) -> (i32)  : i32 {
        %mul3A_1565 = arith.constant 256 : i32
        %mul3A_1566 = arith.muli %scan3A_1563, %mul3A_1565 : i32
        %add3A_1567 = arith.constant 0 : i32
        %add3A_1568 = arith.addi %mul3A_1566, %add3A_1567 : i32
        %swap3A_1569 = arith.index_cast %add3A_1568 : i32 to index
        %swap3A_1570 = tpu.vector_load %arg10[%swap3A_1569] {strides = array<i32>} : memref<65536xf32, #tpu.memory_space<vmem>>, vector<16xf32>,
        tpu.vector_store %arg10[%swap3A_1569], %broadcast_in_dim3A_1 {strides = array<i32>} : memref<65536xf32, #tpu.memory_space<vmem>>, vector<16xf32>,
        %mul3A_1571 = arith.constant 256 : i32
        %mul3A_1572 = arith.muli %scan3A_1563, %mul3A_1571 : i32
        %add3A_1573 = arith.constant 16 : i32
        %add3A_1574 = arith.addi %mul3A_1572, %add3A_1573 : i32
        %swap3A_1575 = arith.index_cast %add3A_1574 : i32 to index
        %swap3A_1576 = tpu.vector_load %arg10[%swap3A_1575] {strides = array<i32>} : memref<65536xf32, #tpu.memory_space<vmem>>, vector<16xf32>,
        tpu.vector_store %arg10[%swap3A_1575], %broadcast_in_dim3A_1 {strides = array<i32>} : memref<65536xf32, #tpu.memory_space<vmem>>, vector<16xf32>,
        %mul3A_1577 = arith.constant 256 : i32
        %mul3A_1578 = arith.muli %scan3A_1563, %mul3A_1577 : i32
        %add3A_1579 = arith.constant 32 : i32
        %add3A_1580 = arith.addi %mul3A_1578, %add3A_1579 : i32
        %swap3A_1581 = arith.index_cast %add3A_1580 : i32 to index
        %swap3A_1582 = tpu.vector_load %arg10[%swap3A_1581] {strides = array<i32>} : memref<65536xf32, #tpu.memory_space<vmem>>, vector<16xf32>,
        tpu.vector_store %arg10[%swap3A_1581], %broadcast_in_dim3A_1 {strides = array<i32>} : memref<65536xf32, #tpu.memory_space<vmem>>, vector<16xf32>,
        %mul3A_1583 = arith.constant 256 : i32
        %mul3A_1584 = arith.muli %scan3A_1563, %mul3A_1583 : i32
        %add3A_1585 = arith.constant 48 : i32
        %add3A_1586 = arith.addi %mul3A_1584, %add3A_1585 : i32
        %swap3A_1587 = arith.index_cast %add3A_1586 : i32 to index
        %swap3A_1588 = tpu.vector_load %arg10[%swap3A_1587] {strides = array<i32>} : memref<65536xf32, #tpu.memory_space<vmem>>, vector<16xf32>,
        tpu.vector_store %arg10[%swap3A_1587], %broadcast_in_dim3A_1 {strides = array<i32>} : memref<65536xf32, #tpu.memory_space<vmem>>, vector<16xf32>,
        %mul3A_1589 = arith.constant 256 : i32
        %mul3A_1590 = arith.muli %scan3A_1563, %mul3A_1589 : i32
        %add3A_1591 = arith.constant 64 : i32
        %add3A_1592 = arith.addi %mul3A_1590, %add3A_1591 : i32
        %swap3A_1593 = arith.index_cast %add3A_1592 : i32 to index
        %swap3A_1594 = tpu.vector_load %arg10[%swap3A_1593] {strides = array<i32>} : memref<65536xf32, #tpu.memory_space<vmem>>, vector<16xf32>,
        tpu.vector_store %arg10[%swap3A_1593], %broadcast_in_dim3A_1 {strides = array<i32>} : memref<65536xf32, #tpu.memory_space<vmem>>, vector<16xf32>,
        %mul3A_1595 = arith.constant 256 : i32
        %mul3A_1596 = arith.muli %scan3A_1563, %mul3A_1595 : i32
        %add3A_1597 = arith.constant 80 : i32
        %add3A_1598 = arith.addi %mul3A_1596, %add3A_1597 : i32
        %swap3A_1599 = arith.index_cast %add3A_1598 : i32 to index
        %swap3A_1600 = tpu.vector_load %arg10[%swap3A_1599] {strides = array<i32>} : memref<65536xf32, #tpu.memory_space<vmem>>, vector<16xf32>,
        tpu.vector_store %arg10[%swap3A_1599], %broadcast_in_dim3A_1 {strides = array<i32>} : memref<65536xf32, #tpu.memory_space<vmem>>, vector<16xf32>,
        %mul3A_1601 = arith.constant 256 : i32
        %mul3A_1602 = arith.muli %scan3A_1563, %mul3A_1601 : i32
        %add3A_1603 = arith.constant 96 : i32
        %add3A_1604 = arith.addi %mul3A_1602, %add3A_1603 : i32
        %swap3A_1605 = arith.index_cast %add3A_1604 : i32 to index
        %swap3A_1606 = tpu.vector_load %arg10[%swap3A_1605] {strides = array<i32>} : memref<65536xf32, #tpu.memory_space<vmem>>, vector<16xf32>,
        tpu.vector_store %arg10[%swap3A_1605], %broadcast_in_dim3A_1 {strides = array<i32>} : memref<65536xf32, #tpu.memory_space<vmem>>, vector<16xf32>,
        %mul3A_1607 = arith.constant 256 : i32
        %mul3A_1608 = arith.muli %scan3A_1563, %mul3A_1607 : i32
        %add3A_1609 = arith.constant 112 : i32
        %add3A_1610 = arith.addi %mul3A_1608, %add3A_1609 : i32
        %swap3A_1611 = arith.index_cast %add3A_1610 : i32 to index
        %swap3A_1612 = tpu.vector_load %arg10[%swap3A_1611] {strides = array<i32>} : memref<65536xf32, #tpu.memory_space<vmem>>, vector<16xf32>,
        tpu.vector_store %arg10[%swap3A_1611], %broadcast_in_dim3A_1 {strides = array<i32>} : memref<65536xf32, #tpu.memory_space<vmem>>, vector<16xf32>,
        %mul3A_1613 = arith.constant 256 : i32
        %mul3A_1614 = arith.muli %scan3A_1563, %mul3A_1613 : i32
        %add3A_1615 = arith.constant 128 : i32
        %add3A_1616 = arith.addi %mul3A_1614, %add3A_1615 : i32
        %swap3A_1617 = arith.index_cast %add3A_1616 : i32 to index
        %swap3A_1618 = tpu.vector_load %arg10[%swap3A_1617] {strides = array<i32>} : memref<65536xf32, #tpu.memory_space<vmem>>, vector<16xf32>,
        tpu.vector_store %arg10[%swap3A_1617], %broadcast_in_dim3A_1 {strides = array<i32>} : memref<65536xf32, #tpu.memory_space<vmem>>, vector<16xf32>,
        %mul3A_1619 = arith.constant 256 : i32
        %mul3A_1620 = arith.muli %scan3A_1563, %mul3A_1619 : i32
        %add3A_1621 = arith.constant 144 : i32
        %add3A_1622 = arith.addi %mul3A_1620, %add3A_1621 : i32
        %swap3A_1623 = arith.index_cast %add3A_1622 : i32 to index
        %swap3A_1624 = tpu.vector_load %arg10[%swap3A_1623] {strides = array<i32>} : memref<65536xf32, #tpu.memory_space<vmem>>, vector<16xf32>,
        tpu.vector_store %arg10[%swap3A_1623], %broadcast_in_dim3A_1 {strides = array<i32>} : memref<65536xf32, #tpu.memory_space<vmem>>, vector<16xf32>,
        %mul3A_1625 = arith.constant 256 : i32
        %mul3A_1626 = arith.muli %scan3A_1563, %mul3A_1625 : i32
        %add3A_1627 = arith.constant 160 : i32
        %add3A_1628 = arith.addi %mul3A_1626, %add3A_1627 : i32
        %swap3A_1629 = arith.index_cast %add3A_1628 : i32 to index
        %swap3A_1630 = tpu.vector_load %arg10[%swap3A_1629] {strides = array<i32>} : memref<65536xf32, #tpu.memory_space<vmem>>, vector<16xf32>,
        tpu.vector_store %arg10[%swap3A_1629], %broadcast_in_dim3A_1 {strides = array<i32>} : memref<65536xf32, #tpu.memory_space<vmem>>, vector<16xf32>,
        %mul3A_1631 = arith.constant 256 : i32
        %mul3A_1632 = arith.muli %scan3A_1563, %mul3A_1631 : i32
        %add3A_1633 = arith.constant 176 : i32
        %add3A_1634 = arith.addi %mul3A_1632, %add3A_1633 : i32
        %swap3A_1635 = arith.index_cast %add3A_1634 : i32 to index
        %swap3A_1636 = tpu.vector_load %arg10[%swap3A_1635] {strides = array<i32>} : memref<65536xf32, #tpu.memory_space<vmem>>, vector<16xf32>,
        tpu.vector_store %arg10[%swap3A_1635], %broadcast_in_dim3A_1 {strides = array<i32>} : memref<65536xf32, #tpu.memory_space<vmem>>, vector<16xf32>,
        %mul3A_1637 = arith.constant 256 : i32
        %mul3A_1638 = arith.muli %scan3A_1563, %mul3A_1637 : i32
        %add3A_1639 = arith.constant 192 : i32
        %add3A_1640 = arith.addi %mul3A_1638, %add3A_1639 : i32
        %swap3A_1641 = arith.index_cast %add3A_1640 : i32 to index
        %swap3A_1642 = tpu.vector_load %arg10[%swap3A_1641] {strides = array<i32>} : memref<65536xf32, #tpu.memory_space<vmem>>, vector<16xf32>,
        tpu.vector_store %arg10[%swap3A_1641], %broadcast_in_dim3A_1 {strides = array<i32>} : memref<65536xf32, #tpu.memory_space<vmem>>, vector<16xf32>,
        %mul3A_1643 = arith.constant 256 : i32
        %mul3A_1644 = arith.muli %scan3A_1563, %mul3A_1643 : i32
        %add3A_1645 = arith.constant 208 : i32
        %add3A_1646 = arith.addi %mul3A_1644, %add3A_1645 : i32
        %swap3A_1647 = arith.index_cast %add3A_1646 : i32 to index
        %swap3A_1648 = tpu.vector_load %arg10[%swap3A_1647] {strides = array<i32>} : memref<65536xf32, #tpu.memory_space<vmem>>, vector<16xf32>,
        tpu.vector_store %arg10[%swap3A_1647], %broadcast_in_dim3A_1 {strides = array<i32>} : memref<65536xf32, #tpu.memory_space<vmem>>, vector<16xf32>,
        %mul3A_1649 = arith.constant 256 : i32
        %mul3A_1650 = arith.muli %scan3A_1563, %mul3A_1649 : i32
        %add3A_1651 = arith.constant 224 : i32
        %add3A_1652 = arith.addi %mul3A_1650, %add3A_1651 : i32
        %swap3A_1653 = arith.index_cast %add3A_1652 : i32 to index
        %swap3A_1654 = tpu.vector_load %arg10[%swap3A_1653] {strides = array<i32>} : memref<65536xf32, #tpu.memory_space<vmem>>, vector<16xf32>,
        tpu.vector_store %arg10[%swap3A_1653], %broadcast_in_dim3A_1 {strides = array<i32>} : memref<65536xf32, #tpu.memory_space<vmem>>, vector<16xf32>,
        %mul3A_1655 = arith.constant 256 : i32
        %mul3A_1656 = arith.muli %scan3A_1563, %mul3A_1655 : i32
        %add3A_1657 = arith.constant 240 : i32
        %add3A_1658 = arith.addi %mul3A_1656, %add3A_1657 : i32
        %swap3A_1659 = arith.index_cast %add3A_1658 : i32 to index
        %swap3A_1660 = tpu.vector_load %arg10[%swap3A_1659] {strides = array<i32>} : memref<65536xf32, #tpu.memory_space<vmem>>, vector<16xf32>,
        tpu.vector_store %arg10[%swap3A_1659], %broadcast_in_dim3A_1 {strides = array<i32>} : memref<65536xf32, #tpu.memory_space<vmem>>, vector<16xf32>,
        %scan3A_1661 = arith.constant 0 : i32
        scf.yield %scan3A_1661 : i32
      }
      %scan3A_1562 = arith.constant 256 : i32
    } else {
    }
    return
  }
}

</mosaic_0001>

<sc_bundles>
// kernel: _dfm_call.3.cloned.1.call-start
scs
__scs_entry_jumppad:
0x0: {  	(pc) =	sbr.rel $0x88, $3  }
0x1: {  	(tag) =	ssettag $0x0;
	lr =	simm.s32 $0x1  }
0x2: {  	[smem:$0x3F9F] =	sst lr;
	_ =	strace $0xD0000000  }
0x3: {  	_ = 	snop  }
0x4: {  	_ = 	snop  }
0x5: {  	_ = 	snop  }
0x6: {  	_ = 	snop  }
0x7: {  	_ = 	snop  }
__scs_overlays_trampoline_lowered:
0x8: {  	[smem:$0x3FAE] =	sst s0  }
0x9: {  	[smem:$0x3FAF] =	sst s1  }
0xa: {  	[smem:$0x3FB0] =	sst s2  }
0xb: {  	[smem:$0x3FB1] =	sst s3  }
0xc: {  	[smem:$0x3FB2] =	sst s4  }
0xd: {  	[smem:$0x3FB3] =	sst s5  }
0xe: {  	[smem:$0x3FB4] =	sst s6  }
0xf: {  	[smem:$0x3FB5] =	sst s7  }
0x10: {  	[smem:$0x3FB6] =	sst s8  }
0x11: {  	[smem:$0x3FB7] =	sst s9;
	s0 =	simm.s32 @!p0 $0x0  }
0x12: {  	s1 =	sld [smem:$0x3F9D];
	s0 =	simm.s32 @p0 $0x1  }
0x13: {  	[smem:$0x3FB8] =	sst s0;
	s0 =	simm.s32 @!p1 $0x0  }
0x14: {  	s2 =	sld [smem:$0x3F9C];
	s0 =	simm.s32 @p1 $0x1  }
0x15: {  	[smem:$0x3FB9] =	sst s0;
	s0 =	simm.s32 @!p2 $0x0  }
0x16: {  	s3 =	sld [smem:$0x3FDB];
	s0 =	simm.s32 @p2 $0x1  }
0x17: {  	s4 =	simm.s32 $0x1BF5;
	[smem:$0x3FBB] =	sst s0  }
0x18: {  	s0 =	sld [smem:$0x3F9E];
	_ =	swait.ge [sflag:s4], $0x0  }
0x19: {  	s7 =	sld [smem:$0x3F9F]  }
0x1a: {  	s8 =	sadd.s32 $0xFFFFE003, lr  }
0x1b: {  	s9 =	sadd.s32 $0xFFFFFEF7, lr;
	s5 =	simm.s32 $0xFFFFFFFF;
	p2 =	slt.u32 s8, $0xFFFFF086  }
0x1c: {  	p1 =	slt.u32 s9, $0xF7A;
	s5 =	simm.s32 @!p2 $0x0  }
0x1d: {  	s5 =	simm.s32 @p1 $0x1;
	p0 =	seq.s32 s7, s2  }
0x1e: {  	s7 =	smul.u32 @!p0 $0xF7A, s2;
	p2 =	seq.s32 @!p0 s5, $0x0  }
0x1f: {  	s9 =	smul.u32 $0xF7A, s1;
	s8 =	simm.s32 @!p0 $0x1BF5;
	p2 =	por !p2, p0  }
0x20: {  	[sflag:s8] =	ssyncset.s32 @!p0 $0xFFFFF086;
	s6 =	sadd.s32 @!p0 s3, s7;
	s7 =	simm.s32 @!p0 $0x108  }
0x21: {  	s3 =	sadd.s32 s3, s9;
	s6 =	sadd.s32 @!p0 $0x88, s6;
	s7 =	simm.s32 @p2 $0x1082  }
0x22: {  	[simem:s7], [sflag:s8] =	dma.local @!p0 [hbm:s6], $0xF7A  }
0x23: {  	s9 =	sor.u32 $0xD0000000, s2;
	s6 =	simm.s32 $0x108;
	_ =	swait.ge @!p0 [sflag:s8], $0x0  }
0x24: {  	s3 =	sadd.s32 $0x88, s3;
	s6 =	simm.s32 @!p1 $0x1082;
	[sflag:s4] =	ssyncset.s32 $0xFFFFF086  }
0x25: {  	[simem:s6], [sflag:s4] =	dma.local [hbm:s3], $0xF7A  }
0x26: {  	[smem:$0x3F9F] =	sst s1;
	(tag) =	ssettag s2;
	_ =	strace s9  }
0x27: {  	s1 =	sld [smem:$0x3FAF]  }
0x28: {  	s2 =	sld [smem:$0x3FB0]  }
0x29: {  	s4 =	sld [smem:$0x3FB2]  }
0x2a: {  	p0 =	seq.s32 s5, $0x0;
	s5 =	sld [smem:$0x3FB3]  }
0x2b: {  	s6 =	sld [smem:$0x3FB4]  }
0x2c: {  	s7 =	sld [smem:$0x3FB5]  }
0x2d: {  	s3 =	simm.s32 $0x108;
	s8 =	sld [smem:$0x3FB6]  }
0x2e: {  	s3 =	simm.s32 @!p0 $0x1082;
	s9 =	sld [smem:$0x3FB7]  }
0x2f: {  	lr =	sadd.s32 s0, s3;
	s0 =	sld [smem:$0x3FAE]  }
0x30: {  	s3 =	sld [smem:$0x3FB1]  }
0x31: {  	[smem:$0x3FBA] =	sst s10  }
0x32: {  	s10 =	sld [smem:$0x3FB8];
	_ =	sdelay $0x3  }
0x33: {  	p0 =	seq.s32 s10, $0x1;
	s10 =	sld [smem:$0x3FBA];
	_ =	sdelay $0x3  }
0x34: {  	[smem:$0x3FBA] =	sst s10  }
0x35: {  	s10 =	sld [smem:$0x3FB9];
	_ =	sdelay $0x3  }
0x36: {  	p1 =	seq.s32 s10, $0x1;
	s10 =	sld [smem:$0x3FBA];
	_ =	sdelay $0x3  }
0x37: {  	[smem:$0x3FBA] =	sst s10  }
0x38: {  	s10 =	sld [smem:$0x3FBB]  }
0x39: {  	_ = 	snop;
	(pc) =	sbr.ind lr, $3  }
0x3a: {  	_ = 	snop  }
0x3b: {  	_ = 	snop  }
0x3c: {  	p2 =	seq.s32 s10, $0x1;
	s10 =	sld [smem:$0x3FBA]  }
0x3d: {  	_ =	shalt  }
0x3e: {  	_ =	shalt  }
0x3f: {  	_ =	shalt  }
0x40: {  	_ =	shalt  }
0x41: {  	_ =	shalt  }
0x42: {  	_ =	shalt  }
0x43: {  	_ =	shalt  }
0x44: {  	_ =	shalt  }
0x45: {  	_ =	shalt  }
0x46: {  	_ =	shalt  }
0x47: {  	_ =	shalt  }
0x48: {  	_ =	shalt  }
0x49: {  	_ =	shalt  }
0x4a: {  	_ =	shalt  }
0x4b: {  	_ =	shalt  }
0x4c: {  	_ =	shalt  }
0x4d: {  	_ =	shalt  }
0x4e: {  	_ =	shalt  }
0x4f: {  	_ =	shalt  }
0x50: {  	_ =	shalt  }
0x51: {  	_ =	shalt  }
0x52: {  	_ =	shalt  }
0x53: {  	_ =	shalt  }
0x54: {  	_ =	shalt  }
0x55: {  	_ =	shalt  }
0x56: {  	_ =	shalt  }
0x57: {  	_ =	shalt  }
0x58: {  	_ =	shalt  }
0x59: {  	_ =	shalt  }
0x5a: {  	_ =	shalt  }
0x5b: {  	_ =	shalt  }
0x5c: {  	_ =	shalt  }
0x5d: {  	_ =	shalt  }
0x5e: {  	_ =	shalt  }
0x5f: {  	_ =	shalt  }
0x60: {  	_ =	shalt  }
0x61: {  	_ =	shalt  }
0x62: {  	_ =	shalt  }
0x63: {  	_ =	shalt  }
0x64: {  	_ =	shalt  }
0x65: {  	_ =	shalt  }
0x66: {  	_ =	shalt  }
0x67: {  	_ =	shalt  }
0x68: {  	_ =	shalt  }
0x69: {  	_ =	shalt  }
0x6a: {  	_ =	shalt  }
0x6b: {  	_ =	shalt  }
0x6c: {  	_ =	shalt  }
0x6d: {  	_ =	shalt  }
0x6e: {  	_ =	shalt  }
0x6f: {  	_ =	shalt  }
0x70: {  	_ =	shalt  }
0x71: {  	_ =	shalt  }
0x72: {  	_ =	shalt  }
0x73: {  	_ =	shalt  }
0x74: {  	_ =	shalt  }
0x75: {  	_ =	shalt  }
0x76: {  	_ =	shalt  }
0x77: {  	_ =	shalt  }
0x78: {  	_ =	shalt  }
0x79: {  	_ =	shalt  }
0x7a: {  	_ =	shalt  }
0x7b: {  	_ =	shalt  }
0x7c: {  	_ =	shalt  }
0x7d: {  	_ =	shalt  }
0x7e: {  	_ =	shalt  }
0x7f: {  	_ =	shalt  }
0x80: {  	_ =	shalt  }
0x81: {  	_ =	shalt  }
0x82: {  	_ =	shalt  }
0x83: {  	_ =	shalt  }
0x84: {  	_ =	shalt  }
0x85: {  	_ =	shalt  }
0x86: {  	_ =	shalt  }
0x87: {  	_ =	shalt  }
.Lfunc_end0:
.L_simem_size_0:
called_computation_lowered:
.L_overlay_start_0:
0x88: {  	s2 =	sld [smem:$0x3FD9]  }
0x89: {  	s3 =	sld [smem:$0x3FFE];
	_ =	sdelay $0x1  }
0x8a: {  	s1 =	srdreg.scid  }
0x8b: {  	s0 =	sand.u32 $0x1, s1  }
0x8c: {  	s17 =	sshll.u32 s0, $0xA;
	s2 =	sadd.s32 s3, s2  }
0x8d: {  	s2 =	sadd.s32 s2, s17  }
0x8e: {  	[smem:$0x3FC6] =	sst s2  }
0x8f: {  	_ = 	snop  }
0x90: {  	s2 =	sld [smem:$0x3FD0];
	(tm) =	ssettm $0x1  }
0x91: {  	s18 =	sld [smem:$0x3FFB];
	_ =	sdelay $0x3  }
0x92: {  	_ =	strace s18  }
0x93: {  	s3 =	sld [smem:$0x3FFC];
	_ =	sdelay $0x3  }
0x94: {  	_ =	strace s3  }
0x95: {  	s3 =	sld [smem:$0x3FFD];
	_ =	sdelay $0x3  }
0x96: {  	_ =	strace s3  }
0x97: {  	_ =	strace $0x8FFFFFFF  }
0x98: {  	s19 =	sld [smem:$0x3FDB];
	_ =	sdelay $0x1  }
0x99: {  	s4 =	simm.s32 $_scs_section_size  }
0x9a: {  	s5 =	simm.s32 $_size__tile_overlayer_lowered;
	s6 =	simm.s32 $_tile_overlayer_lowered  }
0x9b: {  	s22 =	simm.s32 $0x1BFF;
	s21 =	sshll.u32 s6, $0x1;
	s3 =	sadd.s32 s4, s19  }
0x9c: {  	s7 =	simm.s32 $0x0;
	s20 =	sshll.u32 s5, $0x1;
	s5 =	sadd.s32 s21, s3  }
0x9d: {  	[timem:s7], [sflag:s22] =	dma.local [hbm:s5], s20  }
0x9e: {  	_ =	swait.ge [sflag:s22], s20  }
0x9f: {  	s4 =	ssub.s32 $0x0, s20;
	[sflag:s22] =	ssyncset.done $0x0  }
0xa0: {  	[sflag:s22] =	ssyncadd.s32 s4;
	_ =	sdelay $0x1  }
0xa1: {  	s23 =	simm.s32 $0x1B8B  }
0xa2: {  	_ =	swait.ge [sflag:s23], $0x1  }
0xa3: {  	[sflag:s23] =	ssyncset.done $0x0  }
0xa4: {  	s25 =	simm.s32 $0x1B8E;
	s24 =	sld [smem:$0x3FFE];
	[sflag:s23] =	ssyncadd.s32 $0xFFFFFFFF  }
0xa5: {  	s26 =	simm.s32 $execute0_lowered;
	[smem:$0x3FD2] =	sst s25  }
0xa6: {  	s5 =	sshll.u32 s26, $0x1;
	_ =	strace $0x80000046;
	[dreg:$0x1] =	wrdreg $0xFFFFFFFF  }
0xa7: {  	s28 =	simm.s32 $_size_execute0_lowered;
	s3 =	sadd.s32 s3, s5;
	[dreg:$0x0] =	wrdreg $0x0  }
0xa8: {  	s5 =	sshll.u32 s28, $0x1;
	[dreg:$0x2] =	wrdreg s3  }
0xa9: {  	[dreg:$0x3] =	wrdreg s5  }
0xaa: {  	[dreg:$0x4] =	wrdreg $0xC0  }
0xab: {  	_ =	task [dreg:s7], $0x5FFFF  }
0xac: {  	[dreg:$0x1] =	wrdreg $0xFFFFFFFF  }
0xad: {  	[dreg:$0x0] =	wrdreg $0x60  }
0xae: {  	[dreg:$0x2] =	wrdreg s24  }
0xaf: {  	[dreg:$0x3] =	wrdreg s2  }
0xb0: {  	[dreg:$0x4] =	wrdreg $0x179000  }
0xb1: {  	[dreg:$0x5] =	wrdreg $0x9  }
0xb2: {  	_ =	task.clear_ibuf [dreg:s7], $0x6FFFF;
	_ =	strace $0x90000046  }
0xb3: {  	s29 =	simm.s32 $0x9;
	_ =	strace $0x80000048  }
0xb4: {  	_ =	swait.ge [sflag:s29], $0x1  }
0xb5: {  	[sflag:s29] =	ssyncadd.s32 $0xFFFFFFFF  }
0xb6: {  	_ =	strace $0x90000048  }
0xb7: {  	_ =	sfence  }
0xb8: {  	s30 =	sld [smem:$0x0];
	_ =	sdelay $0x2  }
0xb9: {  	s31 =	sshll.u32 s1, $0xD;
	s1 =	sshrl.u32 s1, $0x2  }
0xba: {  	s3 =	sand.u32 $0x4000, s31;
	s1 =	sadd.s32 s1, s30  }
0xbb: {  	s0 =	sor.u32 s3, s0;
	s1 =	sshll.u32 s1, $0x11  }
0xbc: {  	s0 =	sor.u32 s1, s0  }
0xbd: {  	s0 =	sadd.s32 $0x8F2B, s0  }
0xbe: {  	[sflag:s0] =	ssyncadd.remote.s32 $0x1  }
0xbf: {  	_ =	sfence.sel $0xFFFF  }
0xc0: {  	[dreg:$0x0] =	wrdreg $0xFFFFFFFF;
	(pc) =	sbr.abs _section_cstart, $3  }
0xc1: {  	[dreg:$0x1] =	wrdreg $0xFFFFFFFF  }
0xc2: {  	_ =	task.clear_ibuf [dreg:s7], $0x2FFFF;
	_ =	strace $0x9FFFFFFF  }
0xc3: {  	(tm) =	ssettm $0x7FFFFFFF  }
tec
execute0_lowered:
.L_overlay_start_1:
0x0: {  	(tag) =	ssettag $0x1  }
0x1: {  	s0 =	srdreg.scid  }
0x2: {  	s7 =	sand.u32 $0x1, s0  }
0x3: {  	s0 =	stileid.u32;
	s1 =	sshll.u32 s7, $0x4  }
0x4: {  	s6 =	sor.u32 s0, s1  }
0x5: {  	s1 =	smul.u32 $0x30, s6;
	_ =	sdelay $0x1  }
0x6: {  	v0 =	vmov s1  }
0x7: {  	v0 =	vbroadcast v0, $0x0  }
0x8: {  	v12 =	vlaneseq.u32  }
0x9: {  	v1 =	vor.u32 v12, v0  }
0xa: {  	vm0 =	vlt.s32 v1, $0x5FF  }
0xb: {  	v4 =	vnsel vm0, $0x5FF, v1  }
0xc: {  	v1 =	vmulhi.u32 $0xAAAAAAAB, v4;
	_ =	sdelay $0x1  }
0xd: {  	s9 =	sor.u32 $0x8, s1;
	v1 =	vshrl.u32 v1, $0x8  }
0xe: {  	v29 =	vimm.f32 $0.0e+00;
	v3 =	vmov s9;
	v2 =	vmul.u32 $0xFFFFFE80, v1  }
0xf: {  	vm5 =	vmmov $0xff;
	vm7 =	vcmask $0x704;
	v3 =	vbroadcast v3, $0x0  }
0x10: {  	vm8 =	vcmask $0xB08;
	vm9 =	vcmask $0xF0C;
	v2 =	vadd.s32 v4, v2  }
0x11: {  	s13 =	sadd.s32 $0x28, s1;
	vm0 =	veq.s32 v0, v12;
	v0 =	vadd.s32 v12, v3;
	vm1 =	vne.s32 v2, $0x0  }
0x12: {  	s10 =	sadd.s32 $0x10, s1;
	v6 =	vmov s13;
	vm0 =	vmand vm0, vm1;
	vm1 =	vlt.s32 v0, $0x5FF  }
0x13: {  	v3 =	vimm.s32 $0x0;
	[tilespmem:$0x1FF30] =	vst v4;
	v4 =	vmov s10;
	v8 =	vnsel vm1, $0x5FF, v0  }
0x14: {  	s11 =	sadd.s32 $0x18, s1;
	v0 =	vbroadcast v4, $0x0;
	v4 =	vsel vm0, $0xFFFFFFFF, v3;
	vm1 =	vmmov $0x1  }
0x15: {  	v5 =	vmulhi.u32 $0xAAAAAAAB, v8;
	v4 =	vadd.s32 v4, v1;
	v1 =	vmov s11  }
0x16: {  	s12 =	sadd.s32 $0x20, s1;
	v0 =	vor.u32 v12, v0;
	v1 =	vbroadcast v1, $0x0;
	v7 =	vshll.u32 v4, $0x6  }
0x17: {  	v10 =	vshrl.u32 v5, $0x8;
	vm0 =	vlt.s32 v0, $0x5FF;
	v5 =	vmov s12  }
0x18: {  	[tilespmem:$0x1FF40] =	vst v4;
	v4 =	vmul.u32 $0xFFFFFE80, v10;
	v11 =	vnsel vm0, $0x5FF, v0;
	v1 =	vadd.s32 v12, v1  }
0x19: {  	v5 =	vbroadcast v5, $0x0;
	[tilespmem:$0x1FF60] =	vst v10;
	v15 =	vshll.u32 v10, $0x6;
	v10 =	vimm.s32 $0xFEDCBA9  }
0x1a: {  	v0 =	vmulhi.u32 $0xAAAAAAAB, v11;
	vm0 =	vlt.s32 v1, $0x5FF;
	v10 =	vunpack.c.l.s4.s8 v10  }
0x1b: {  	[tilespmem:$0x1FF50] =	vst v8;
	v9 =	vadd.s32 v8, v4;
	v8 =	vnsel vm0, $0x5FF, v1;
	v1 =	vbroadcast v6, $0x0  }
0x1c: {  	v4 =	vor.u32 v12, v5;
	v6 =	vshrl.u32 v0, $0x8;
	v0 =	vmulhi.u32 $0xAAAAAAAB, v8  }
0x1d: {  	vm0 =	vlt.s32 v4, $0x5FF;
	v10 =	vunpack.c.0.s8.s32 v10;
	v5 =	vmul.u32 $0xFFFFFE80, v6  }
0x1e: {  	v1 =	vadd.s32 v12, v1;
	v14 =	vnsel vm0, $0x5FF, v4;
	v17 =	vshll.u32 v6, $0x6  }
0x1f: {  	[tilespmem:$0x1FF80] =	vst v6;
	v6 =	vimm.s32 $0x10FEDCBA;
	v13 =	vshrl.u32 v0, $0x8;
	vm0 =	vlt.s32 v1, $0x5FF  }
0x20: {  	v4 =	vmulhi.u32 $0xAAAAAAAB, v14;
	v6 =	vunpack.c.l.s4.s8 v6;
	v0 =	vmul.u32 $0xFFFFFE80, v13  }
0x21: {  	v19 =	vnsel vm0, $0x5FF, v1;
	v16 =	vadd.s32 v11, v5;
	v21 =	vshll.u32 v13, $0x6  }
0x22: {  	s5 =	rddreg [dreg:$0x0];
	[tilespmem:$0x1FF70] =	vst v11;
	v11 =	vimm.s32 $0x87654321;
	vm0 =	vmmov $0xffff;
	v1 =	vmulhi.u32 $0xAAAAAAAB, v19  }
0x23: {  	s14 =	rddreg [dreg:$0x1];
	v5 =	vshrl.u32 v4, $0x8;
	v11 =	vunpack.c.l.s4.s8 v11;
	v6 =	vunpack.c.0.s8.s32 v6  }
0x24: {  	s19 =	simm.s32 $0x6700;
	s20 =	simm.s32 $0x7700;
	s21 =	simm.s32 $0x7780;
	[tilespmem:$0x1FF90] =	vst v8;
	v18 =	vadd.s32 v8, v0;
	v0 =	vmul.u32 $0xFFFFFE80, v5;
	v23 =	vshll.u32 v5, $0x6  }
0x25: {  	s2 =	simm.s32 $0x0;
	s18 =	simm.s32 $0x2;
	s22 =	simm.s32 $0x17780;
	[tilespmem:$0x1FFC0] =	vst v5;
	v5 =	vimm.s32 $0xBA987654;
	v8 =	vimm.s32 $0x98765432;
	v20 =	vshrl.u32 v1, $0x8  }
0x26: {  	s23 =	simm.s32 $0x0;
	[smem:$0x7FF] =	sst s2;
	s4 =	sadd.s32 $0x400, s5;
	v1 =	vimm.s32 $0xFEDCBA98;
	v5 =	vunpack.c.l.s4.s8 v5;
	v4 =	vmul.u32 $0xFFFFFE80, v20  }
0x27: {  	s5 =	sadd.s32 $0x600, s5;
	s7 =	ssub.s32 $0x2, s7;
	s8 =	smul.u32 $0xC00, s0;
	v1 =	vunpack.c.l.s4.s8 v1;
	v22 =	vadd.s32 v14, v0;
	v0 =	vimm.s32 $0x76543210  }
0x28: {  	s16 =	sshll.u32 s0, $0x8;
	s15 =	sshrl.u32 s7, $0x1;
	s17 =	smul.u32 $0xC000, s6;
	v0 =	vunpack.c.l.s4.s8 v0;
	v24 =	vadd.s32 v19, v4;
	v4 =	vimm.s32 $0x3210FEDC  }
0x29: {  	s15 =	ssub.s32 s7, s15;
	s6 =	sadd.s32 s5, s8;
	s1 =	rddreg [dreg:$0x2];
	v8 =	vunpack.c.l.s4.s8 v8;
	v1 =	vunpack.c.0.s8.s32 v1;
	v4 =	vunpack.c.l.s4.s8 v4  }
0x2a: {  	s8 =	sadd.s32 s14, s17;
	s17 =	simm.s32 $0x6600;
	s7 =	sadd.s32 s16, s1;
	v11 =	vunpack.c.0.s8.s32 v11;
	v5 =	vunpack.c.0.s8.s32 v5;
	v0 =	vunpack.c.0.s8.s32 v0  }
.Ltmp0:
0x2b: {  	s9 =	sshll.u32 s9, $0xA;
	s13 =	sshll.u32 s13, $0xA;
	[tilespmem:$0x1FFB0] =	vst v14;
	v8 =	vunpack.c.0.s8.s32 v8;
	v1 =	vand.u32 $0xF, v1;
	v4 =	vunpack.c.0.s8.s32 v4;
	(pc) =	sbr.rel .LBB2_1-.Ltmp0, $4  }
0x2c: {  	s16 =	simm.s32 $0x1;
	s9 =	sadd.s32 s14, s9;
	s10 =	sshll.u32 s10, $0xA;
	[tilespmem:$0x1FFA0] =	vst v13;
	v28 =	vcombine.low v11, v10;
	v30 =	vcombine.low v1, v0;
	v0 =	vimm.s32 $0x0  }
0x2d: {  	s13 =	sadd.s32 s14, s13;
	s10 =	sadd.s32 s14, s10;
	s11 =	sshll.u32 s11, $0xA;
	[tilespmem:$0x1FFD0] =	vst v19;
	v27 =	vcombine.low v8, v6;
	v0 =	vsel vm1, $0xFFFFFFFF, v0;
	v61 =	vcombine.low v5, v4  }
0x2e: {  	s11 =	sadd.s32 s14, s11;
	s12 =	sshll.u32 s12, $0xA;
	_ =	strace $0x80000047;
	v25 =	vshll.u32 v20, $0x6;
	v33 =	vand.u32 $0xF, v28;
	[tilespmem:$0x1FFF0] =	vst v0;
	v0 =	vand.u32 $0x7, v12  }
0x2f: {  	s12 =	sadd.s32 s14, s12;
	s14 =	smax.u32 s15, $0x1;
	s15 =	simm.s32 $0x600;
	[tilespmem:$0x1FFE0] =	vst v20;
	v32 =	vand.u32 $0xF, v27;
	v34 =	vmul.u32 $0x2000, v0;
	v31 =	vand.u32 $0xF, v61  }
.LBB2_50:
0x30: {  	_ = 	snop  }
0x31: {  	[hbm4b:s13+s2] =	stream.linear.scatter [tilespmem:s21], [sflag:$0x2], $0x10000, $0x38;
	[tilespmem:$0x17A00] =	vst v63  }
0x32: {  	_ =	swait.ge [sflag:s18], $0x10000  }
0x33: {  	[sflag:s18] =	ssyncset.done $0x0  }
0x34: {  	[sflag:s18] =	ssyncadd.s32 $0xFFFF0000  }
0x35: {  	[tilespmem:v0+s21+$0x0] =	vst.idx.msk vm10, v29  }
.LBB2_51:
0x36: {  	s23 =	sadd.s32 $0x1, s23  }
0x37: {  	p0 =	sne.s32 s23, s14  }
.Ltmp1:
0x38: {  	_ = 	snop;
	(pc) =	sbr.rel @!p0 .LBB2_52-.Ltmp1, $1  }
0x39: {  	_ =	sdelay $0x3  }
.LBB2_1:
0x3a: {  	[tilespmem:s2], [sflag:$0x1] =	stream.linear.gather [hbm4b:s4+s2], $0x600, $0x38;
	[tilespmem:$0x17A00] =	vst v63  }
0x3b: {  	_ = 	snop  }
0x3c: {  	[tilespmem:s15], [sflag:$0x1] =	stream.linear.gather [hbm4b:s6+s2], $0x6000, $0x38;
	[tilespmem:$0x17A00] =	vst v63  }
0x3d: {  	[tilespmem:$0x6600] =	vst v29  }
0x3e: {  	[tilespmem:$0x6610] =	vst v29  }
0x3f: {  	[tilespmem:$0x6620] =	vst v29  }
0x40: {  	[tilespmem:$0x6630] =	vst v29  }
0x41: {  	[tilespmem:$0x6640] =	vst v29  }
0x42: {  	[tilespmem:$0x6650] =	vst v29  }
0x43: {  	[tilespmem:$0x6660] =	vst v29  }
0x44: {  	[tilespmem:$0x6670] =	vst v29  }
0x45: {  	[tilespmem:$0x6680] =	vst v29  }
0x46: {  	[tilespmem:$0x6690] =	vst v29  }
0x47: {  	[tilespmem:$0x66A0] =	vst v29  }
0x48: {  	[tilespmem:$0x66B0] =	vst v29  }
0x49: {  	[tilespmem:$0x66C0] =	vst v29  }
0x4a: {  	[tilespmem:$0x66D0] =	vst v29  }
0x4b: {  	[tilespmem:$0x66E0] =	vst v29  }
0x4c: {  	s24 =	simm.s32 $0x0;
	s25 =	simm.s32 $0x400;
	[tilespmem:$0x66F0] =	vst v29  }
.LBB2_2:
0x4d: {  	p0 =	sne.s32 s25, $0x3FC00;
	[tilespmem:s24+$0x7870] =	vst v29  }
0x4e: {  	[tilespmem:s24+$0x7780] =	vst v29  }
0x4f: {  	[tilespmem:s24+$0x7790] =	vst v29  }
0x50: {  	[tilespmem:s24+$0x77A0] =	vst v29  }
0x51: {  	[tilespmem:s24+$0x77B0] =	vst v29  }
0x52: {  	[tilespmem:s24+$0x77C0] =	vst v29  }
0x53: {  	[tilespmem:s24+$0x77D0] =	vst v29  }
0x54: {  	[tilespmem:s24+$0x77E0] =	vst v29  }
0x55: {  	[tilespmem:s24+$0x77F0] =	vst v29  }
0x56: {  	[tilespmem:s24+$0x7800] =	vst v29  }
0x57: {  	[tilespmem:s24+$0x7810] =	vst v29  }
.Ltmp2:
0x58: {  	[tilespmem:s24+$0x7820] =	vst v29;
	(pc) =	sbr.rel @p0 .LBB2_2-.Ltmp2, $4  }
0x59: {  	[tilespmem:s24+$0x7830] =	vst v29  }
0x5a: {  	[tilespmem:s24+$0x7840] =	vst v29  }
0x5b: {  	[tilespmem:s24+$0x7850] =	vst v29  }
0x5c: {  	[tilespmem:s24+$0x7860] =	vst v29;
	s24 =	sshra.s32 s25, $0x2;
	s25 =	sadd.s32 $0x400, s25  }
0x5d: {  	[tilespmem:s24+$0x7870] =	vst v29  }
0x5e: {  	[tilespmem:s24+$0x7780] =	vst v29  }
0x5f: {  	[tilespmem:s24+$0x7790] =	vst v29  }
0x60: {  	[tilespmem:s24+$0x77A0] =	vst v29  }
0x61: {  	[tilespmem:s24+$0x77B0] =	vst v29  }
0x62: {  	[tilespmem:s24+$0x77C0] =	vst v29  }
0x63: {  	[tilespmem:s24+$0x77D0] =	vst v29  }
0x64: {  	[tilespmem:s24+$0x77E0] =	vst v29  }
0x65: {  	[tilespmem:s24+$0x77F0] =	vst v29  }
0x66: {  	[tilespmem:s24+$0x7800] =	vst v29  }
0x67: {  	[tilespmem:s24+$0x7810] =	vst v29  }
0x68: {  	[tilespmem:s24+$0x7820] =	vst v29  }
0x69: {  	[tilespmem:s24+$0x7830] =	vst v29  }
0x6a: {  	[tilespmem:s24+$0x7840] =	vst v29  }
0x6b: {  	[tilespmem:s24+$0x7850] =	vst v29  }
0x6c: {  	[tilespmem:s24+$0x7860] =	vst v29  }
0x6d: {  	_ =	swait.ge [sflag:s16], $0x600  }
.Ltmp3:
0x6e: {  	[sflag:s16] =	ssyncset.done $0x0;
	(pc) =	sbr.rel .LBB2_4-.Ltmp3, $4  }
0x6f: {  	[sflag:s16] =	ssyncadd.s32 $0xFFFFFA00  }
0x70: {  	_ =	swait.ge [sflag:s16], $0x6000  }
0x71: {  	s24 =	simm.s32 $0x0;
	[sflag:s16] =	ssyncset.done $0x0  }
0x72: {  	s25 =	simm.s32 $0x0;
	s26 =	simm.s32 $0x0;
	[sflag:s16] =	ssyncadd.s32 $0xFFFFA000  }
.LBB2_8:
0x73: {  	s26 =	sadd.s32 $0x1, s26  }
0x74: {  	p0 =	sne.s32 s26, $0x40  }
.Ltmp4:
0x75: {  	_ = 	snop;
	(pc) =	sbr.rel @!p0 .LBB2_9-.Ltmp4, $2  }
0x76: {  	_ =	sdelay $0x2  }
0x77: {  	s25 =	sadd.s32 $0x180, s25  }
.LBB2_4:
0x78: {  	v1 =	vld [tilespmem:$0x0]  }
0x79: {  	s28 =	smul.u32 $0x180, s26;
	v4 =	vld [tilespmem:$0x180]  }
0x7a: {  	v5 =	vld [tilespmem:$0x300]  }
0x7b: {  	v0 =	vld [tilespmem:s28+$0x600];
	_ =	sdelay $0x2  }
0x7c: {  	v6 =	vld [tilespmem:$0x480]  }
0x7d: {  	vm10 =	veq.s32 v1, $0x3  }
0x7e: {  	vm12 =	veq.s32 v4, $0x3;
	vm13 =	veq.s32 v5, $0x3;
	vm2 =	veq.s32 v0, v1  }
0x7f: {  	vm11 =	veq.s32 v0, v4;
	vm2 =	vmor vm2, vm10;
	vm10 =	veq.s32 v0, v5  }
0x80: {  	vm11 =	vmor vm11, vm12;
	vm10 =	vmor vm10, vm13;
	v1 =	vsel vm2, $0x1, v3  }
0x81: {  	vm2 =	veq.s32 v0, v6;
	v0 =	vsel vm11, $0x2, v3;
	vm11 =	veq.s32 v6, $0x3  }
0x82: {  	v4 =	vsel vm10, $0x4, v3;
	v0 =	vor.u32 v1, v0;
	vm2 =	vmor vm2, vm11  }
0x83: {  	v0 =	vor.u32 v4, v0;
	v1 =	vsel vm2, $0x8, v3  }
0x84: {  	v0 =	vor.u32 v1, v0  }
0x85: {  	v1 =	vperm.xlane v0, v30;
	_ =	sdelay $0x1  }
0x86: {  	v0 =	vand.u32 v1, v0  }
0x87: {  	v1 =	vperm.xlane v0, v61;
	_ =	sdelay $0x1  }
0x88: {  	v0 =	vand.u32 v1, v0  }
0x89: {  	v1 =	vperm.xlane v0, v27;
	_ =	sdelay $0x1  }
0x8a: {  	v0 =	vand.u32 v1, v0  }
0x8b: {  	v1 =	vperm.xlane v0, v28;
	_ =	sdelay $0x1  }
0x8c: {  	v0 =	vand.u32 v1, v0  }
0x8d: {  	(v2sf) =	vpush v0, $0x0;
	_ =	sdelay $0xe  }
0x8e: {  	s31 =	spop (v2sf)  }
0x8f: {  	p0 =	seq.s32 s31, $0x0  }
.Ltmp5:
0x90: {  	_ = 	snop;
	(pc) =	sbr.rel @p0 .LBB2_8-.Ltmp5, $1  }
0x91: {  	_ =	sdelay $0x3  }
0x92: {  	v0 =	vld [tilespmem:s24+$0x0];
	s30 =	sand.u32 $0x1F0, s24  }
0x93: {  	s28 =	sadd.s32 $0x0, s25;
	v5 =	vld [tilespmem:s30+$0x480]  }
0x94: {  	s29 =	sand.u32 $0x70, s24;
	s28 =	sand.u32 $0xFF80, s28;
	v8 =	vld [tilespmem:s30+$0x180]  }
0x95: {  	v10 =	vld [tilespmem:s30+$0x300];
	s28 =	sor.u32 s29, s28  }
0x96: {  	v6 =	vld [tilespmem:s28+$0x600];
	_ =	sdelay $0x2  }
0x97: {  	s29 =	sadd.s32 $0x10, s25;
	s28 =	simm.s32 $0x10;
	vm2 =	veq.s32 v0, $0x3  }
0x98: {  	s29 =	sand.u32 $0xFF80, s29;
	s3 =	sand.u32 $0x70, s28;
	v4 =	vld [tilespmem:s28+$0x0];
	s31 =	sand.u32 $0x1F0, s28;
	vm12 =	veq.s32 v5, $0x3;
	vm14 =	veq.s32 v8, $0x3;
	vm15 =	veq.s32 v10, $0x3  }
0x99: {  	s28 =	sor.u32 s3, s29;
	v1 =	vld [tilespmem:s31+$0x480];
	vm11 =	veq.s32 v6, v0;
	vm10 =	veq.s32 v6, v5;
	vm13 =	veq.s32 v6, v8  }
0x9a: {  	v0 =	vld [tilespmem:s28+$0x600];
	vm10 =	vmor vm10, vm12;
	vm12 =	veq.s32 v6, v10;
	vm2 =	vmor vm11, vm2  }
0x9b: {  	v5 =	vld [tilespmem:s31+$0x180];
	vm14 =	vmor vm13, vm14;
	vm13 =	vmmov vm0;
	vm11 =	vmmov vm0  }
0x9c: {  	s29 =	simm.s32 $0x20;
	s28 =	simm.s32 $0x20;
	v6 =	vld [tilespmem:s31+$0x300];
	vm10 =	vmand vm0, vm10;
	vm15 =	vmor vm12, vm15;
	vm12 =	vmmov vm0  }
.LBB2_6:
0x9d: {  	s30 =	sadd.s32 s28, s25;
	p0 =	sne.s32 s28, $0x170  }
0x9e: {  	vm13 =	vmand vm13, vm2;
	vm11 =	vmand vm11, vm14;
	vm12 =	vmand vm12, vm15;
	v10 =	vmovc v4;
	s31 =	smov.u32 s28;
	s28 =	sadd.s32 $0x10, s28;
	s30 =	sand.u32 $0xFF80, s30  }
.Ltmp6:
0x9f: {  	s3 =	sand.u32 $0x70, s31;
	v4 =	vld [tilespmem:s29+$0x0];
	s31 =	sand.u32 $0x1F0, s31;
	vm2 =	veq.s32 v10, $0x3;
	(pc) =	sbr.rel @p0 .LBB2_6-.Ltmp6, $4  }
0xa0: {  	vm3 =	veq.s32 v1, $0x3;
	s3 =	sor.u32 s3, s30;
	vm14 =	veq.s32 v0, v10;
	vm15 =	veq.s32 v0, v1;
	v1 =	vld [tilespmem:s31+$0x480];
	v8 =	vmovc v0  }
0xa1: {  	v0 =	vld [tilespmem:s3+$0x600];
	vm4 =	veq.s32 v8, v5;
	vm1 =	veq.s32 v5, $0x3;
	vm3 =	vmor vm15, vm3  }
0xa2: {  	v5 =	vld [tilespmem:s31+$0x180];
	vm15 =	veq.s32 v8, v6;
	vm6 =	veq.s32 v6, $0x3;
	vm10 =	vmand vm10, vm3  }
0xa3: {  	s29 =	sadd.s32 $0x10, s29;
	vm2 =	vmor vm14, vm2;
	vm14 =	vmor vm4, vm1;
	v6 =	vld [tilespmem:s31+$0x300];
	vm15 =	vmor vm15, vm6  }
0xa4: {  	_ = 	snop  }
0xa5: {  	vm1 =	vmand vm13, vm2;
	vm2 =	veq.s32 v4, $0x3  }
0xa6: {  	vm4 =	vmand vm11, vm14;
	vm6 =	vmand vm12, vm15;
	vm3 =	veq.s32 v0, v4  }
0xa7: {  	vm11 =	veq.s32 v1, $0x3;
	vm2 =	vmor vm3, vm2;
	vm3 =	veq.s32 v0, v1  }
0xa8: {  	vm12 =	veq.s32 v5, $0x3;
	vm1 =	vmand vm1, vm2;
	vm2 =	veq.s32 v0, v5  }
0xa9: {  	v1 =	vsel vm1, $0x1, v3;
	vm1 =	vmor vm3, vm11;
	vm3 =	veq.s32 v0, v6  }
0xaa: {  	vm11 =	veq.s32 v6, $0x3;
	vm2 =	vmor vm2, vm12;
	v0 =	vperm.xlane v1, v30  }
0xab: {  	vm1 =	vmand vm10, vm1;
	vm3 =	vmor vm3, vm11;
	vm2 =	vmand vm4, vm2  }
0xac: {  	vm3 =	vmand vm6, vm3;
	v4 =	vsel vm2, $0x1, v3;
	v0 =	vand.u32 v1, v0  }
0xad: {  	v8 =	vsel vm1, $0x1, v3;
	v5 =	vperm.xlane v4, v30;
	v1 =	vperm.xlane v0, v31  }
0xae: {  	v6 =	vsel vm3, $0x1, v3;
	v10 =	vperm.xlane v8, v30  }
0xaf: {  	v4 =	vand.u32 v4, v5;
	v0 =	vand.u32 v1, v0;
	v1 =	vperm.xlane v6, v30  }
0xb0: {  	v5 =	vperm.xlane v4, v31  }
0xb1: {  	v11 =	vperm.xlane v0, v32;
	v1 =	vand.u32 v6, v1;
	v6 =	vand.u32 v8, v10  }
0xb2: {  	v4 =	vand.u32 v5, v4;
	v8 =	vperm.xlane v1, v31;
	v10 =	vperm.xlane v6, v31  }
0xb3: {  	v0 =	vand.u32 v11, v0;
	v5 =	vperm.xlane v4, v32  }
0xb4: {  	v11 =	vperm.xlane v0, v33;
	v1 =	vand.u32 v8, v1;
	v6 =	vand.u32 v10, v6  }
0xb5: {  	v8 =	vperm.xlane v1, v32;
	v10 =	vperm.xlane v6, v32  }
0xb6: {  	v4 =	vand.u32 v5, v4;
	v0 =	vand.u32 v11, v0  }
0xb7: {  	v5 =	vperm.xlane v4, v33;
	v1 =	vand.u32 v8, v1;
	v6 =	vand.u32 v10, v6  }
0xb8: {  	v11 =	vand.u32 $0x3, v12;
	v8 =	vperm.xlane v1, v33;
	v10 =	vperm.xlane v6, v33  }
0xb9: {  	vm6 =	vcmask $0x300;
	vm1 =	veq.s32 v0, $0x0;
	v0 =	vmul.u32 $0x40, v11  }
0xba: {  	v4 =	vand.u32 v5, v4;
	v1 =	vand.u32 v8, v1;
	v5 =	vand.u32 v10, v6  }
0xbb: {  	v0 =	vor.u32 s26, v0;
	vm2 =	vne.s32 v1, $0x0;
	vm3 =	vne.s32 v5, $0x0  }
.Ltmp7:
0xbc: {  	vm4 =	vne.s32 v4, $0x0;
	vm2 =	vmand vm2, vm8;
	vm3 =	vmand vm3, vm9;
	(pc) =	sbr.rel .LBB2_8-.Ltmp7, $4  }
0xbd: {  	vm4 =	vmand vm4, vm7;
	v1 =	vsel vm6, $0x3F800000, v29;
	vm2 =	vmor vm3, vm2  }
0xbe: {  	v1 =	vsel vm1, $0x0, v1;
	vm1 =	vmor vm2, vm4  }
0xbf: {  	v1 =	vsel vm1, $0x3F800000, v1  }
0xc0: {  	[tilespmem:v0+s17+$0x0] =	vst.idx.msk $0xf, v1  }
.LBB2_9:
0xc1: {  	[spmem:s7] =	stream.linear.scatter [tilespmem:s17], [sflag:$0x2], $0x100, $0x38;
	[tilespmem:$0x17A00] =	vst v63  }
0xc2: {  	_ =	swait.ge [sflag:s18], $0x100  }
0xc3: {  	[sflag:s18] =	ssyncset.done $0x0  }
0xc4: {  	[sflag:s18] =	ssyncadd.s32 $0xFFFFFF00  }
0xc5: {  	[bflag:$0x0] =	sbarrier.arrive $0xFFFF  }
0xc6: {  	[tilespmem:s19], [sflag:$0x2] =	stream.linear.gather [spmem:s1], $0x1000, $0x38;
	[tilespmem:$0x17A00] =	vst v63  }
0xc7: {  	_ =	swait.ge [sflag:s18], $0x1000  }
0xc8: {  	[sflag:s18] =	ssyncset.done $0x0  }
0xc9: {  	[sflag:s18] =	ssyncadd.s32 $0xFFFFF000  }
0xca: {  	v0 =	vld [tilespmem:$0x6A20];
	_ =	sdelay $0x4  }
0xcb: {  	[tilespmem:$0x1F9A0] =	vst v0;
	v0 =	vld [tilespmem:$0x6A30];
	_ =	sdelay $0x4  }
0xcc: {  	[tilespmem:$0x1F9B0] =	vst v0;
	v0 =	vld [tilespmem:$0x6B00];
	_ =	sdelay $0x4  }
0xcd: {  	[tilespmem:$0x1F9C0] =	vst v0;
	v0 =	vld [tilespmem:$0x6B10];
	_ =	sdelay $0x4  }
0xce: {  	[tilespmem:$0x1F9D0] =	vst v0;
	v0 =	vld [tilespmem:$0x6B20];
	_ =	sdelay $0x4  }
0xcf: {  	[tilespmem:$0x1F9E0] =	vst v0;
	v0 =	vld [tilespmem:$0x6B30];
	_ =	sdelay $0x4  }
0xd0: {  	[tilespmem:$0x1F9F0] =	vst v0;
	v0 =	vld [tilespmem:$0x6C00];
	_ =	sdelay $0x4  }
0xd1: {  	[tilespmem:$0x1FA00] =	vst v0;
	v0 =	vld [tilespmem:$0x6C10];
	_ =	sdelay $0x4  }
0xd2: {  	[tilespmem:$0x1FA10] =	vst v0;
	v0 =	vld [tilespmem:$0x6C20];
	_ =	sdelay $0x4  }
0xd3: {  	[tilespmem:$0x1FA20] =	vst v0;
	v0 =	vld [tilespmem:$0x6C30];
	_ =	sdelay $0x4  }
0xd4: {  	[tilespmem:$0x1FA30] =	vst v0;
	v0 =	vld [tilespmem:$0x6D00];
	_ =	sdelay $0x4  }
0xd5: {  	[tilespmem:$0x1FA40] =	vst v0;
	v0 =	vld [tilespmem:$0x6D10];
	_ =	sdelay $0x4  }
0xd6: {  	[tilespmem:$0x1FA50] =	vst v0;
	v0 =	vld [tilespmem:$0x6D20];
	_ =	sdelay $0x2  }
0xd7: {  	v26 =	vld [tilespmem:$0x6D50];
	_ =	sdelay $0x1  }
0xd8: {  	[tilespmem:$0x1FA60] =	vst v0;
	v0 =	vld [tilespmem:$0x6D30];
	_ =	sdelay $0x2  }
0xd9: {  	[tilespmem:$0x1FA70] =	vst v26;
	v26 =	vld [tilespmem:$0x6D60];
	_ =	sdelay $0x1  }
0xda: {  	[tilespmem:$0x1FA80] =	vst v0;
	v0 =	vld [tilespmem:$0x6E00];
	_ =	sdelay $0x2  }
0xdb: {  	[tilespmem:$0x1FA90] =	vst v26;
	v26 =	vld [tilespmem:$0x6D70];
	_ =	sdelay $0x1  }
0xdc: {  	[tilespmem:$0x1FAA0] =	vst v0;
	v0 =	vld [tilespmem:$0x6E10];
	_ =	sdelay $0x2  }
0xdd: {  	[tilespmem:$0x1FAB0] =	vst v26;
	v26 =	vld [tilespmem:$0x6E40];
	_ =	sdelay $0x1  }
0xde: {  	[tilespmem:$0x1FAC0] =	vst v0;
	v0 =	vld [tilespmem:$0x6E20];
	_ =	sdelay $0x2  }
0xdf: {  	[tilespmem:$0x1FAD0] =	vst v26;
	v26 =	vld [tilespmem:$0x6E50];
	_ =	sdelay $0x1  }
0xe0: {  	[tilespmem:$0x1FAE0] =	vst v0;
	v0 =	vld [tilespmem:$0x6E30];
	_ =	sdelay $0x2  }
0xe1: {  	[tilespmem:$0x1FAF0] =	vst v26;
	v26 =	vld [tilespmem:$0x6E60];
	_ =	sdelay $0x1  }
0xe2: {  	[tilespmem:$0x1FB00] =	vst v0;
	v0 =	vld [tilespmem:$0x6F00];
	_ =	sdelay $0x2  }
0xe3: {  	[tilespmem:$0x1FB10] =	vst v26;
	v26 =	vld [tilespmem:$0x6E70];
	_ =	sdelay $0x1  }
0xe4: {  	[tilespmem:$0x1FB20] =	vst v0;
	v0 =	vld [tilespmem:$0x6F10];
	_ =	sdelay $0x2  }
0xe5: {  	[tilespmem:$0x1FB30] =	vst v26;
	v26 =	vld [tilespmem:$0x6F40];
	_ =	sdelay $0x1  }
0xe6: {  	[tilespmem:$0x1FB40] =	vst v0;
	v0 =	vld [tilespmem:$0x6F20];
	_ =	sdelay $0x2  }
0xe7: {  	[tilespmem:$0x1FB50] =	vst v26;
	v26 =	vld [tilespmem:$0x6F50];
	_ =	sdelay $0x1  }
0xe8: {  	[tilespmem:$0x1FB60] =	vst v0;
	v0 =	vld [tilespmem:$0x6F30];
	_ =	sdelay $0x2  }
0xe9: {  	[tilespmem:$0x1FB70] =	vst v26;
	v26 =	vld [tilespmem:$0x6F60];
	_ =	sdelay $0x1  }
0xea: {  	[tilespmem:$0x1FB80] =	vst v0;
	v0 =	vld [tilespmem:$0x7000];
	_ =	sdelay $0x2  }
0xeb: {  	[tilespmem:$0x1FB90] =	vst v26;
	v26 =	vld [tilespmem:$0x6F70];
	_ =	sdelay $0x1  }
0xec: {  	[tilespmem:$0x1FBA0] =	vst v0;
	v0 =	vld [tilespmem:$0x7010];
	_ =	sdelay $0x2  }
0xed: {  	[tilespmem:$0x1FBB0] =	vst v26;
	v26 =	vld [tilespmem:$0x7040];
	_ =	sdelay $0x1  }
0xee: {  	[tilespmem:$0x1FBC0] =	vst v0;
	v0 =	vld [tilespmem:$0x7020];
	_ =	sdelay $0x2  }
0xef: {  	[tilespmem:$0x1FBD0] =	vst v26;
	v26 =	vld [tilespmem:$0x7050];
	_ =	sdelay $0x1  }
0xf0: {  	[tilespmem:$0x1FBE0] =	vst v0;
	v0 =	vld [tilespmem:$0x7030];
	_ =	sdelay $0x2  }
0xf1: {  	[tilespmem:$0x1FBF0] =	vst v26;
	v26 =	vld [tilespmem:$0x7060];
	_ =	sdelay $0x1  }
0xf2: {  	[tilespmem:$0x1FC00] =	vst v0;
	v0 =	vld [tilespmem:$0x7100];
	_ =	sdelay $0x2  }
0xf3: {  	[tilespmem:$0x1FC10] =	vst v26;
	v26 =	vld [tilespmem:$0x7070];
	_ =	sdelay $0x1  }
0xf4: {  	[tilespmem:$0x1FC20] =	vst v0;
	v0 =	vld [tilespmem:$0x7110];
	_ =	sdelay $0x2  }
0xf5: {  	[tilespmem:$0x1FC30] =	vst v26;
	v26 =	vld [tilespmem:$0x7140];
	_ =	sdelay $0x1  }
0xf6: {  	[tilespmem:$0x1FC40] =	vst v0;
	v0 =	vld [tilespmem:$0x7120];
	_ =	sdelay $0x2  }
0xf7: {  	[tilespmem:$0x1FC50] =	vst v26;
	v26 =	vld [tilespmem:$0x7150];
	_ =	sdelay $0x1  }
0xf8: {  	[tilespmem:$0x1FC60] =	vst v0;
	v0 =	vld [tilespmem:$0x7130];
	_ =	sdelay $0x2  }
0xf9: {  	[tilespmem:$0x1FC70] =	vst v26;
	v26 =	vld [tilespmem:$0x7160];
	_ =	sdelay $0x1  }
0xfa: {  	[tilespmem:$0x1FC80] =	vst v0;
	v0 =	vld [tilespmem:$0x7200];
	_ =	sdelay $0x2  }
0xfb: {  	[tilespmem:$0x1FC90] =	vst v26;
	v26 =	vld [tilespmem:$0x7170];
	_ =	sdelay $0x1  }
0xfc: {  	[tilespmem:$0x1FCA0] =	vst v0;
	v0 =	vld [tilespmem:$0x7210];
	_ =	sdelay $0x2  }
0xfd: {  	[tilespmem:$0x1FCB0] =	vst v26;
	v26 =	vld [tilespmem:$0x7240];
	_ =	sdelay $0x1  }
0xfe: {  	[tilespmem:$0x1FCC0] =	vst v0;
	v0 =	vld [tilespmem:$0x7220];
	_ =	sdelay $0x2  }
0xff: {  	[tilespmem:$0x1FCD0] =	vst v26;
	v26 =	vld [tilespmem:$0x7250];
	_ =	sdelay $0x1  }
0x100: {  	[tilespmem:$0x1FCE0] =	vst v0;
	v0 =	vld [tilespmem:$0x7230];
	_ =	sdelay $0x2  }
0x101: {  	[tilespmem:$0x1FCF0] =	vst v26;
	v26 =	vld [tilespmem:$0x7260];
	_ =	sdelay $0x1  }
0x102: {  	[tilespmem:$0x1FD00] =	vst v0;
	v0 =	vld [tilespmem:$0x7300];
	_ =	sdelay $0x2  }
0x103: {  	[tilespmem:$0x1FD10] =	vst v26;
	v26 =	vld [tilespmem:$0x7270];
	_ =	sdelay $0x1  }
0x104: {  	[tilespmem:$0x1FD20] =	vst v0;
	v0 =	vld [tilespmem:$0x7310];
	_ =	sdelay $0x2  }
0x105: {  	[tilespmem:$0x1FD30] =	vst v26;
	v26 =	vld [tilespmem:$0x7340];
	_ =	sdelay $0x1  }
0x106: {  	[tilespmem:$0x1FD40] =	vst v0;
	v0 =	vld [tilespmem:$0x7320];
	_ =	sdelay $0x2  }
0x107: {  	[tilespmem:$0x1FD50] =	vst v26;
	v26 =	vld [tilespmem:$0x7350];
	_ =	sdelay $0x1  }
0x108: {  	[tilespmem:$0x1FD60] =	vst v0;
	v0 =	vld [tilespmem:$0x7330];
	_ =	sdelay $0x2  }
0x109: {  	[tilespmem:$0x1FD70] =	vst v26;
	v26 =	vld [tilespmem:$0x7360];
	_ =	sdelay $0x1  }
0x10a: {  	[tilespmem:$0x1FD80] =	vst v0;
	v0 =	vld [tilespmem:$0x7400];
	_ =	sdelay $0x2  }
0x10b: {  	[tilespmem:$0x1FD90] =	vst v26;
	v26 =	vld [tilespmem:$0x7370];
	_ =	sdelay $0x1  }
0x10c: {  	[tilespmem:$0x1FDA0] =	vst v0;
	v0 =	vld [tilespmem:$0x7410];
	_ =	sdelay $0x2  }
0x10d: {  	[tilespmem:$0x1FDB0] =	vst v26;
	v26 =	vld [tilespmem:$0x7440];
	_ =	sdelay $0x1  }
0x10e: {  	[tilespmem:$0x1FDC0] =	vst v0;
	v0 =	vld [tilespmem:$0x7420];
	_ =	sdelay $0x2  }
0x10f: {  	[tilespmem:$0x1FDD0] =	vst v26;
	v26 =	vld [tilespmem:$0x7450];
	_ =	sdelay $0x1  }
0x110: {  	[tilespmem:$0x1FDE0] =	vst v0;
	v0 =	vld [tilespmem:$0x7430];
	_ =	sdelay $0x2  }
0x111: {  	[tilespmem:$0x1FDF0] =	vst v26;
	v26 =	vld [tilespmem:$0x7460];
	_ =	sdelay $0x1  }
0x112: {  	[tilespmem:$0x1FE00] =	vst v0;
	v0 =	vld [tilespmem:$0x7500];
	_ =	sdelay $0x2  }
0x113: {  	[tilespmem:$0x1FE10] =	vst v26;
	v26 =	vld [tilespmem:$0x7470];
	_ =	sdelay $0x1  }
0x114: {  	[tilespmem:$0x1FE20] =	vst v0;
	v0 =	vld [tilespmem:$0x7510];
	_ =	sdelay $0x2  }
0x115: {  	[tilespmem:$0x1FE30] =	vst v26;
	v26 =	vld [tilespmem:$0x7540];
	_ =	sdelay $0x1  }
0x116: {  	[tilespmem:$0x1FE40] =	vst v0;
	v0 =	vld [tilespmem:$0x7520];
	_ =	sdelay $0x2  }
0x117: {  	[tilespmem:$0x1FE50] =	vst v26;
	v26 =	vld [tilespmem:$0x7550];
	_ =	sdelay $0x1  }
0x118: {  	[tilespmem:$0x1FE60] =	vst v0;
	v0 =	vld [tilespmem:$0x7530]  }
0x119: {  	v35 =	vld [tilespmem:$0x6700]  }
0x11a: {  	v36 =	vld [tilespmem:$0x6710]  }
0x11b: {  	[tilespmem:$0x1FE70] =	vst v26;
	v26 =	vld [tilespmem:$0x7560]  }
0x11c: {  	v38 =	vld [tilespmem:$0x6720]  }
0x11d: {  	[tilespmem:$0x1FE80] =	vst v0;
	v0 =	vld [tilespmem:$0x7600]  }
0x11e: {  	v40 =	vld [tilespmem:$0x6730]  }
0x11f: {  	v42 =	vld [tilespmem:$0x6800]  }
0x120: {  	[tilespmem:$0x1FE90] =	vst v26;
	v26 =	vld [tilespmem:$0x7570]  }
0x121: {  	v44 =	vld [tilespmem:$0x6810]  }
0x122: {  	[tilespmem:$0x1FEA0] =	vst v0;
	v0 =	vld [tilespmem:$0x7610]  }
0x123: {  	v46 =	vld [tilespmem:$0x6820]  }
0x124: {  	v48 =	vld [tilespmem:$0x6830]  }
0x125: {  	[tilespmem:$0x1FEB0] =	vst v26;
	v26 =	vld [tilespmem:$0x7640]  }
0x126: {  	v50 =	vld [tilespmem:$0x6900]  }
0x127: {  	[tilespmem:$0x1FEC0] =	vst v0;
	v0 =	vld [tilespmem:$0x7620]  }
0x128: {  	v52 =	vld [tilespmem:$0x6910]  }
0x129: {  	v1 =	vld [tilespmem:$0x6750]  }
0x12a: {  	[tilespmem:$0x1FED0] =	vst v26;
	v26 =	vld [tilespmem:$0x7650]  }
0x12b: {  	v4 =	vld [tilespmem:$0x6760]  }
0x12c: {  	[tilespmem:$0x1FEE0] =	vst v0;
	v0 =	vld [tilespmem:$0x7630]  }
0x12d: {  	v5 =	vld [tilespmem:$0x6770]  }
0x12e: {  	v6 =	vld [tilespmem:$0x6840]  }
0x12f: {  	[tilespmem:$0x1FEF0] =	vst v26;
	v26 =	vld [tilespmem:$0x7660]  }
0x130: {  	v8 =	vld [tilespmem:$0x6850]  }
0x131: {  	[tilespmem:$0x1FF00] =	vst v0;
	v0 =	vld [tilespmem:$0x6740]  }
0x132: {  	v10 =	vld [tilespmem:$0x6860]  }
0x133: {  	v11 =	vld [tilespmem:$0x6870]  }
0x134: {  	v35 =	vadd.f32 $0.0e+00, v35;
	[tilespmem:$0x1FF10] =	vst v26;
	v26 =	vld [tilespmem:$0x7670]  }
0x135: {  	v12 =	vld [tilespmem:$0x6940]  }
0x136: {  	v35 =	vadd.f32 v36, v35;
	v36 =	vld [tilespmem:$0x67C0];
	v0 =	vadd.f32 $0.0e+00, v0  }
0x137: {  	v13 =	vld [tilespmem:$0x6950]  }
0x138: {  	v0 =	vadd.f32 v1, v0;
	v1 =	vld [tilespmem:$0x67D0]  }
0x139: {  	[tilespmem:$0x1FF20] =	vst v26;
	v26 =	vld [tilespmem:$0x6780]  }
0x13a: {  	v0 =	vadd.f32 v4, v0;
	v4 =	vld [tilespmem:$0x67E0]  }
0x13b: {  	v63 =	vld [tilespmem:$0x6790];
	v35 =	vadd.f32 v38, v35;
	v36 =	vadd.f32 $0.0e+00, v36  }
0x13c: {  	v0 =	vadd.f32 v5, v0;
	v5 =	vld [tilespmem:$0x67F0]  }
0x13d: {  	v62 =	vld [tilespmem:$0x67A0];
	v35 =	vadd.f32 v40, v35;
	v1 =	vadd.f32 v1, v36  }
0x13e: {  	v26 =	vadd.f32 $0.0e+00, v26;
	v0 =	vadd.f32 v6, v0;
	v6 =	vld [tilespmem:$0x68C0]  }
0x13f: {  	v38 =	vld [tilespmem:$0x67B0];
	v35 =	vadd.f32 v42, v35;
	v1 =	vadd.f32 v4, v1  }
0x140: {  	v26 =	vadd.f32 v63, v26;
	v0 =	vadd.f32 v8, v0;
	v8 =	vld [tilespmem:$0x68D0]  }
0x141: {  	v40 =	vld [tilespmem:$0x6880];
	v35 =	vadd.f32 v44, v35;
	v1 =	vadd.f32 v5, v1  }
0x142: {  	v26 =	vadd.f32 v62, v26;
	v0 =	vadd.f32 v10, v0;
	v10 =	vld [tilespmem:$0x68E0]  }
0x143: {  	v35 =	vadd.f32 v46, v35;
	v63 =	vld [tilespmem:$0x6890];
	v1 =	vadd.f32 v6, v1  }
0x144: {  	v26 =	vadd.f32 v38, v26;
	v0 =	vadd.f32 v11, v0;
	v11 =	vld [tilespmem:$0x68F0]  }
0x145: {  	v35 =	vadd.f32 v48, v35;
	v4 =	vld [tilespmem:$0x68A0];
	v1 =	vadd.f32 v8, v1  }
0x146: {  	v26 =	vadd.f32 v40, v26;
	v0 =	vadd.f32 v12, v0;
	v12 =	vld [tilespmem:$0x69C0]  }
0x147: {  	v54 =	vld [tilespmem:$0x6920];
	v35 =	vadd.f32 v50, v35;
	v1 =	vadd.f32 v10, v1  }
0x148: {  	v26 =	vadd.f32 v63, v26;
	v0 =	vadd.f32 v13, v0;
	v13 =	vld [tilespmem:$0x69D0]  }
0x149: {  	v56 =	vld [tilespmem:$0x6930];
	v1 =	vadd.f32 v11, v1  }
0x14a: {  	v4 =	vadd.f32 v4, v26;
	v26 =	vadd.f32 v52, v35;
	v11 =	vld [tilespmem:$0x69E0]  }
0x14b: {  	v58 =	vld [tilespmem:$0x6A00];
	v1 =	vadd.f32 v12, v1  }
0x14c: {  	v10 =	vadd.f32 v54, v26;
	v12 =	vld [tilespmem:$0x69F0]  }
0x14d: {  	v60 =	vld [tilespmem:$0x6A10];
	v1 =	vadd.f32 v13, v1  }
0x14e: {  	v10 =	vadd.f32 v56, v10  }
0x14f: {  	v1 =	vadd.f32 v11, v1;
	v11 =	vld [tilespmem:$0x1F9A0]  }
0x150: {  	v10 =	vadd.f32 v58, v10  }
0x151: {  	v1 =	vadd.f32 v12, v1;
	v12 =	vld [tilespmem:$0x1F9B0]  }
0x152: {  	v10 =	vadd.f32 v60, v10;
	v13 =	vld [tilespmem:$0x6AC0];
	_ =	sdelay $0x1  }
0x153: {  	v10 =	vadd.f32 v11, v10;
	v11 =	vld [tilespmem:$0x6AD0];
	_ =	sdelay $0x1  }
0x154: {  	v10 =	vadd.f32 v12, v10;
	v12 =	vld [tilespmem:$0x6AE0]  }
0x155: {  	v1 =	vadd.f32 v13, v1;
	v13 =	vld [tilespmem:$0x1F9C0]  }
0x156: {  	v14 =	vld [tilespmem:$0x6960]  }
0x157: {  	v1 =	vadd.f32 v11, v1;
	v11 =	vld [tilespmem:$0x1F9D0]  }
0x158: {  	v19 =	vld [tilespmem:$0x6970]  }
0x159: {  	v1 =	vadd.f32 v12, v1;
	v12 =	vld [tilespmem:$0x1F9E0]  }
0x15a: {  	v10 =	vadd.f32 v13, v10;
	v13 =	vld [tilespmem:$0x6AF0]  }
0x15b: {  	v20 =	vld [tilespmem:$0x6A40]  }
0x15c: {  	v10 =	vadd.f32 v11, v10;
	v11 =	vld [tilespmem:$0x6BC0]  }
0x15d: {  	v37 =	vld [tilespmem:$0x6A50]  }
0x15e: {  	v10 =	vadd.f32 v12, v10;
	v12 =	vld [tilespmem:$0x6BD0]  }
0x15f: {  	v1 =	vadd.f32 v13, v1;
	v13 =	vld [tilespmem:$0x1F9F0]  }
0x160: {  	v39 =	vld [tilespmem:$0x6A60]  }
0x161: {  	v0 =	vadd.f32 v14, v0;
	v1 =	vadd.f32 v11, v1;
	v11 =	vld [tilespmem:$0x1FA00]  }
0x162: {  	v41 =	vld [tilespmem:$0x6A70]  }
0x163: {  	v0 =	vadd.f32 v19, v0;
	v1 =	vadd.f32 v12, v1;
	v12 =	vld [tilespmem:$0x1FA10]  }
0x164: {  	v10 =	vadd.f32 v13, v10;
	v13 =	vld [tilespmem:$0x6BE0]  }
0x165: {  	v43 =	vld [tilespmem:$0x6B40];
	v0 =	vadd.f32 v20, v0  }
0x166: {  	v10 =	vadd.f32 v11, v10;
	v11 =	vld [tilespmem:$0x6BF0]  }
0x167: {  	v45 =	vld [tilespmem:$0x6B50];
	v0 =	vadd.f32 v37, v0  }
0x168: {  	v10 =	vadd.f32 v12, v10;
	v12 =	vld [tilespmem:$0x6CC0]  }
0x169: {  	v0 =	vadd.f32 v39, v0;
	v1 =	vadd.f32 v13, v1;
	v13 =	vld [tilespmem:$0x1FA20]  }
0x16a: {  	v47 =	vld [tilespmem:$0x6B60]  }
0x16b: {  	v0 =	vadd.f32 v41, v0;
	v1 =	vadd.f32 v11, v1;
	v11 =	vld [tilespmem:$0x1FA30]  }
0x16c: {  	v49 =	vld [tilespmem:$0x6B70]  }
0x16d: {  	v0 =	vadd.f32 v43, v0;
	v1 =	vadd.f32 v12, v1;
	v12 =	vld [tilespmem:$0x1FA40]  }
0x16e: {  	v10 =	vadd.f32 v13, v10;
	v13 =	vld [tilespmem:$0x6CD0]  }
0x16f: {  	v51 =	vld [tilespmem:$0x6C40];
	v0 =	vadd.f32 v45, v0  }
0x170: {  	v10 =	vadd.f32 v11, v10;
	v11 =	vld [tilespmem:$0x6CE0]  }
0x171: {  	v53 =	vld [tilespmem:$0x6C50];
	v0 =	vadd.f32 v47, v0  }
0x172: {  	v10 =	vadd.f32 v12, v10;
	v12 =	vld [tilespmem:$0x6CF0]  }
0x173: {  	v0 =	vadd.f32 v49, v0;
	v1 =	vadd.f32 v13, v1;
	v13 =	vld [tilespmem:$0x1FA50]  }
0x174: {  	v55 =	vld [tilespmem:$0x6C60]  }
0x175: {  	v0 =	vadd.f32 v51, v0;
	v1 =	vadd.f32 v11, v1;
	v11 =	vld [tilespmem:$0x1FA60]  }
0x176: {  	v57 =	vld [tilespmem:$0x6C70]  }
0x177: {  	v0 =	vadd.f32 v53, v0;
	v1 =	vadd.f32 v12, v1;
	v12 =	vld [tilespmem:$0x1FA80]  }
0x178: {  	v59 =	vld [tilespmem:$0x6D40];
	v10 =	vadd.f32 v13, v10  }
0x179: {  	v0 =	vadd.f32 v55, v0;
	v13 =	vld [tilespmem:$0x6DC0]  }
0x17a: {  	v10 =	vadd.f32 v11, v10;
	v11 =	vld [tilespmem:$0x1FA70]  }
0x17b: {  	v0 =	vadd.f32 v57, v0  }
0x17c: {  	v10 =	vadd.f32 v12, v10;
	v12 =	vld [tilespmem:$0x1FA90]  }
0x17d: {  	v0 =	vadd.f32 v59, v0  }
0x17e: {  	v1 =	vadd.f32 v13, v1;
	v13 =	vld [tilespmem:$0x1FAA0]  }
0x17f: {  	v0 =	vadd.f32 v11, v0;
	v11 =	vld [tilespmem:$0x6DD0];
	_ =	sdelay $0x1  }
0x180: {  	v0 =	vadd.f32 v12, v0;
	v12 =	vld [tilespmem:$0x6DE0];
	_ =	sdelay $0x1  }
0x181: {  	v10 =	vadd.f32 v13, v10;
	v13 =	vld [tilespmem:$0x1FAB0]  }
0x182: {  	v1 =	vadd.f32 v11, v1;
	v11 =	vld [tilespmem:$0x1FAC0];
	_ =	sdelay $0x1  }
0x183: {  	v1 =	vadd.f32 v12, v1;
	v12 =	vld [tilespmem:$0x1FAE0];
	_ =	sdelay $0x1  }
0x184: {  	v0 =	vadd.f32 v13, v0;
	v13 =	vld [tilespmem:$0x6DF0]  }
0x185: {  	v10 =	vadd.f32 v11, v10;
	v11 =	vld [tilespmem:$0x1FAD0];
	_ =	sdelay $0x1  }
0x186: {  	v10 =	vadd.f32 v12, v10;
	v12 =	vld [tilespmem:$0x1FAF0];
	_ =	sdelay $0x1  }
0x187: {  	v1 =	vadd.f32 v13, v1;
	v13 =	vld [tilespmem:$0x1FB00]  }
0x188: {  	v0 =	vadd.f32 v11, v0;
	v11 =	vld [tilespmem:$0x6EC0];
	_ =	sdelay $0x1  }
0x189: {  	v0 =	vadd.f32 v12, v0;
	v12 =	vld [tilespmem:$0x6ED0];
	_ =	sdelay $0x1  }
0x18a: {  	v10 =	vadd.f32 v13, v10;
	v13 =	vld [tilespmem:$0x1FB10]  }
0x18b: {  	v1 =	vadd.f32 v11, v1;
	v11 =	vld [tilespmem:$0x1FB20];
	_ =	sdelay $0x1  }
0x18c: {  	v1 =	vadd.f32 v12, v1;
	v12 =	vld [tilespmem:$0x1FB40];
	_ =	sdelay $0x1  }
0x18d: {  	v0 =	vadd.f32 v13, v0;
	v13 =	vld [tilespmem:$0x6EE0]  }
0x18e: {  	v10 =	vadd.f32 v11, v10;
	v11 =	vld [tilespmem:$0x1FB30];
	_ =	sdelay $0x1  }
0x18f: {  	v10 =	vadd.f32 v12, v10;
	v12 =	vld [tilespmem:$0x1FB50];
	_ =	sdelay $0x1  }
0x190: {  	v1 =	vadd.f32 v13, v1;
	v13 =	vld [tilespmem:$0x1FB60]  }
0x191: {  	v0 =	vadd.f32 v11, v0;
	v11 =	vld [tilespmem:$0x6EF0];
	_ =	sdelay $0x1  }
0x192: {  	v0 =	vadd.f32 v12, v0;
	v12 =	vld [tilespmem:$0x6FC0];
	_ =	sdelay $0x1  }
0x193: {  	v10 =	vadd.f32 v13, v10;
	v13 =	vld [tilespmem:$0x1FB70]  }
0x194: {  	v1 =	vadd.f32 v11, v1;
	v11 =	vld [tilespmem:$0x1FB80];
	_ =	sdelay $0x1  }
0x195: {  	v1 =	vadd.f32 v12, v1;
	v12 =	vld [tilespmem:$0x1FBA0];
	_ =	sdelay $0x1  }
0x196: {  	v0 =	vadd.f32 v13, v0;
	v13 =	vld [tilespmem:$0x6FD0]  }
0x197: {  	v10 =	vadd.f32 v11, v10;
	v11 =	vld [tilespmem:$0x1FB90];
	_ =	sdelay $0x1  }
0x198: {  	v10 =	vadd.f32 v12, v10;
	v12 =	vld [tilespmem:$0x1FBB0]  }
0x199: {  	v5 =	vld [tilespmem:$0x68B0]  }
0x19a: {  	v1 =	vadd.f32 v13, v1;
	v13 =	vld [tilespmem:$0x1FBC0]  }
0x19b: {  	v0 =	vadd.f32 v11, v0;
	v11 =	vld [tilespmem:$0x6FE0]  }
0x19c: {  	v6 =	vld [tilespmem:$0x6980]  }
0x19d: {  	v0 =	vadd.f32 v12, v0;
	v12 =	vld [tilespmem:$0x6FF0]  }
0x19e: {  	v8 =	vld [tilespmem:$0x6990]  }
0x19f: {  	v10 =	vadd.f32 v13, v10;
	v13 =	vld [tilespmem:$0x1FBD0]  }
0x1a0: {  	v1 =	vadd.f32 v11, v1;
	v11 =	vld [tilespmem:$0x1FBE0]  }
0x1a1: {  	v4 =	vadd.f32 v5, v4;
	v5 =	vld [tilespmem:$0x69A0]  }
0x1a2: {  	v1 =	vadd.f32 v12, v1;
	v12 =	vld [tilespmem:$0x1FC00]  }
0x1a3: {  	v4 =	vadd.f32 v6, v4;
	v6 =	vld [tilespmem:$0x69B0]  }
0x1a4: {  	v0 =	vadd.f32 v13, v0;
	v13 =	vld [tilespmem:$0x70C0]  }
0x1a5: {  	v10 =	vadd.f32 v11, v10;
	v11 =	vld [tilespmem:$0x1FBF0]  }
0x1a6: {  	v4 =	vadd.f32 v8, v4;
	v8 =	vld [tilespmem:$0x6A80]  }
0x1a7: {  	v10 =	vadd.f32 v12, v10;
	v12 =	vld [tilespmem:$0x1FC10]  }
0x1a8: {  	v4 =	vadd.f32 v5, v4;
	v5 =	vld [tilespmem:$0x6A90]  }
0x1a9: {  	v1 =	vadd.f32 v13, v1;
	v13 =	vld [tilespmem:$0x1FC20]  }
0x1aa: {  	v0 =	vadd.f32 v11, v0;
	v11 =	vld [tilespmem:$0x70D0]  }
0x1ab: {  	v4 =	vadd.f32 v6, v4;
	v6 =	vld [tilespmem:$0x6AA0]  }
0x1ac: {  	v0 =	vadd.f32 v12, v0;
	v12 =	vld [tilespmem:$0x70E0]  }
0x1ad: {  	v4 =	vadd.f32 v8, v4;
	v8 =	vld [tilespmem:$0x6AB0]  }
0x1ae: {  	v10 =	vadd.f32 v13, v10;
	v13 =	vld [tilespmem:$0x1FC30]  }
0x1af: {  	v1 =	vadd.f32 v11, v1;
	v11 =	vld [tilespmem:$0x1FC40]  }
0x1b0: {  	v4 =	vadd.f32 v5, v4;
	v5 =	vld [tilespmem:$0x6B80]  }
0x1b1: {  	v1 =	vadd.f32 v12, v1;
	v12 =	vld [tilespmem:$0x1FC60]  }
0x1b2: {  	v4 =	vadd.f32 v6, v4;
	v6 =	vld [tilespmem:$0x6B90]  }
0x1b3: {  	v0 =	vadd.f32 v13, v0;
	v13 =	vld [tilespmem:$0x70F0]  }
0x1b4: {  	v10 =	vadd.f32 v11, v10;
	v11 =	vld [tilespmem:$0x1FC50]  }
0x1b5: {  	v4 =	vadd.f32 v8, v4;
	v8 =	vld [tilespmem:$0x6BA0]  }
0x1b6: {  	v10 =	vadd.f32 v12, v10;
	v12 =	vld [tilespmem:$0x1FC70]  }
0x1b7: {  	v4 =	vadd.f32 v5, v4;
	v5 =	vld [tilespmem:$0x6BB0]  }
0x1b8: {  	v1 =	vadd.f32 v13, v1;
	v13 =	vld [tilespmem:$0x1FC80]  }
0x1b9: {  	v0 =	vadd.f32 v11, v0;
	v11 =	vld [tilespmem:$0x71C0]  }
0x1ba: {  	v4 =	vadd.f32 v6, v4;
	v6 =	vld [tilespmem:$0x6C80]  }
0x1bb: {  	v0 =	vadd.f32 v12, v0;
	v12 =	vld [tilespmem:$0x71D0]  }
0x1bc: {  	v4 =	vadd.f32 v8, v4;
	v8 =	vld [tilespmem:$0x6C90]  }
0x1bd: {  	v10 =	vadd.f32 v13, v10;
	v13 =	vld [tilespmem:$0x1FC90]  }
0x1be: {  	v1 =	vadd.f32 v11, v1;
	v11 =	vld [tilespmem:$0x1FCA0]  }
0x1bf: {  	v4 =	vadd.f32 v5, v4;
	v5 =	vld [tilespmem:$0x6CA0]  }
0x1c0: {  	v1 =	vadd.f32 v12, v1;
	v12 =	vld [tilespmem:$0x1FCC0]  }
0x1c1: {  	v4 =	vadd.f32 v6, v4;
	v6 =	vld [tilespmem:$0x6CB0]  }
0x1c2: {  	v0 =	vadd.f32 v13, v0;
	v13 =	vld [tilespmem:$0x71E0]  }
0x1c3: {  	v10 =	vadd.f32 v11, v10;
	v11 =	vld [tilespmem:$0x1FCB0]  }
0x1c4: {  	v4 =	vadd.f32 v8, v4;
	v8 =	vld [tilespmem:$0x6D80]  }
0x1c5: {  	v10 =	vadd.f32 v12, v10;
	v12 =	vld [tilespmem:$0x1FCD0]  }
0x1c6: {  	v4 =	vadd.f32 v5, v4;
	v5 =	vld [tilespmem:$0x6D90]  }
0x1c7: {  	v1 =	vadd.f32 v13, v1;
	v13 =	vld [tilespmem:$0x1FCE0]  }
0x1c8: {  	v0 =	vadd.f32 v11, v0;
	v11 =	vld [tilespmem:$0x71F0]  }
0x1c9: {  	v4 =	vadd.f32 v6, v4;
	v6 =	vld [tilespmem:$0x6DA0]  }
0x1ca: {  	v0 =	vadd.f32 v12, v0;
	v12 =	vld [tilespmem:$0x72C0]  }
0x1cb: {  	v4 =	vadd.f32 v8, v4;
	v8 =	vld [tilespmem:$0x6DB0]  }
0x1cc: {  	v10 =	vadd.f32 v13, v10;
	v13 =	vld [tilespmem:$0x1FCF0]  }
0x1cd: {  	v1 =	vadd.f32 v11, v1;
	v11 =	vld [tilespmem:$0x1FD00]  }
0x1ce: {  	v4 =	vadd.f32 v5, v4;
	v5 =	vld [tilespmem:$0x6E80]  }
0x1cf: {  	v1 =	vadd.f32 v12, v1;
	v12 =	vld [tilespmem:$0x1FD20]  }
0x1d0: {  	v4 =	vadd.f32 v6, v4;
	v6 =	vld [tilespmem:$0x6E90]  }
0x1d1: {  	v0 =	vadd.f32 v13, v0;
	v13 =	vld [tilespmem:$0x72D0]  }
0x1d2: {  	v10 =	vadd.f32 v11, v10;
	v11 =	vld [tilespmem:$0x1FD10]  }
0x1d3: {  	v4 =	vadd.f32 v8, v4;
	v8 =	vld [tilespmem:$0x6EA0]  }
0x1d4: {  	v10 =	vadd.f32 v12, v10;
	v12 =	vld [tilespmem:$0x1FD30]  }
0x1d5: {  	v4 =	vadd.f32 v5, v4;
	v5 =	vld [tilespmem:$0x6EB0]  }
0x1d6: {  	v1 =	vadd.f32 v13, v1;
	v13 =	vld [tilespmem:$0x1FD40]  }
0x1d7: {  	v0 =	vadd.f32 v11, v0;
	v11 =	vld [tilespmem:$0x72E0]  }
0x1d8: {  	v4 =	vadd.f32 v6, v4;
	v6 =	vld [tilespmem:$0x6F80]  }
0x1d9: {  	v0 =	vadd.f32 v12, v0;
	v12 =	vld [tilespmem:$0x72F0]  }
0x1da: {  	v4 =	vadd.f32 v8, v4;
	v8 =	vld [tilespmem:$0x6F90]  }
0x1db: {  	v10 =	vadd.f32 v13, v10;
	v13 =	vld [tilespmem:$0x1FD50]  }
0x1dc: {  	v1 =	vadd.f32 v11, v1;
	v11 =	vld [tilespmem:$0x1FD60]  }
0x1dd: {  	v4 =	vadd.f32 v5, v4;
	v5 =	vld [tilespmem:$0x6FA0]  }
0x1de: {  	v1 =	vadd.f32 v12, v1;
	v12 =	vld [tilespmem:$0x1FD80]  }
0x1df: {  	v4 =	vadd.f32 v6, v4;
	v6 =	vld [tilespmem:$0x6FB0]  }
0x1e0: {  	v0 =	vadd.f32 v13, v0;
	v13 =	vld [tilespmem:$0x73C0]  }
0x1e1: {  	v10 =	vadd.f32 v11, v10;
	v11 =	vld [tilespmem:$0x1FD70]  }
0x1e2: {  	v4 =	vadd.f32 v8, v4;
	v8 =	vld [tilespmem:$0x7080]  }
0x1e3: {  	v10 =	vadd.f32 v12, v10;
	v12 =	vld [tilespmem:$0x1FD90]  }
0x1e4: {  	v4 =	vadd.f32 v5, v4;
	v5 =	vld [tilespmem:$0x7090]  }
0x1e5: {  	v1 =	vadd.f32 v13, v1;
	v13 =	vld [tilespmem:$0x1FDA0]  }
0x1e6: {  	v0 =	vadd.f32 v11, v0;
	v11 =	vld [tilespmem:$0x73D0]  }
0x1e7: {  	v4 =	vadd.f32 v6, v4;
	v6 =	vld [tilespmem:$0x70A0]  }
0x1e8: {  	v0 =	vadd.f32 v12, v0;
	v12 =	vld [tilespmem:$0x73E0]  }
0x1e9: {  	v4 =	vadd.f32 v8, v4;
	v8 =	vld [tilespmem:$0x70B0]  }
0x1ea: {  	v10 =	vadd.f32 v13, v10;
	v13 =	vld [tilespmem:$0x1FDB0]  }
0x1eb: {  	v1 =	vadd.f32 v11, v1;
	v11 =	vld [tilespmem:$0x1FDC0]  }
0x1ec: {  	v4 =	vadd.f32 v5, v4;
	v5 =	vld [tilespmem:$0x7180]  }
0x1ed: {  	v1 =	vadd.f32 v12, v1;
	v12 =	vld [tilespmem:$0x1FDE0]  }
0x1ee: {  	v4 =	vadd.f32 v6, v4;
	v6 =	vld [tilespmem:$0x7190]  }
0x1ef: {  	v0 =	vadd.f32 v13, v0;
	v13 =	vld [tilespmem:$0x73F0]  }
0x1f0: {  	v10 =	vadd.f32 v11, v10;
	v11 =	vld [tilespmem:$0x1FDD0]  }
0x1f1: {  	v4 =	vadd.f32 v8, v4;
	v8 =	vld [tilespmem:$0x71A0]  }
0x1f2: {  	v10 =	vadd.f32 v12, v10;
	v12 =	vld [tilespmem:$0x1FDF0]  }
0x1f3: {  	v4 =	vadd.f32 v5, v4;
	v5 =	vld [tilespmem:$0x71B0]  }
0x1f4: {  	v1 =	vadd.f32 v13, v1;
	v13 =	vld [tilespmem:$0x1FE00]  }
0x1f5: {  	v0 =	vadd.f32 v11, v0;
	v11 =	vld [tilespmem:$0x74C0]  }
0x1f6: {  	v4 =	vadd.f32 v6, v4;
	v6 =	vld [tilespmem:$0x7280]  }
0x1f7: {  	v0 =	vadd.f32 v12, v0;
	v12 =	vld [tilespmem:$0x74D0]  }
0x1f8: {  	v4 =	vadd.f32 v8, v4;
	v8 =	vld [tilespmem:$0x7290]  }
0x1f9: {  	v10 =	vadd.f32 v13, v10;
	v13 =	vld [tilespmem:$0x1FE10]  }
0x1fa: {  	v1 =	vadd.f32 v11, v1;
	v11 =	vld [tilespmem:$0x1FE20]  }
0x1fb: {  	v4 =	vadd.f32 v5, v4;
	v5 =	vld [tilespmem:$0x72A0]  }
0x1fc: {  	v1 =	vadd.f32 v12, v1;
	v12 =	vld [tilespmem:$0x1FE40]  }
0x1fd: {  	v4 =	vadd.f32 v6, v4;
	v6 =	vld [tilespmem:$0x72B0]  }
0x1fe: {  	v0 =	vadd.f32 v13, v0;
	v13 =	vld [tilespmem:$0x74E0]  }
0x1ff: {  	v10 =	vadd.f32 v11, v10;
	v11 =	vld [tilespmem:$0x1FE30]  }
0x200: {  	v4 =	vadd.f32 v8, v4;
	v8 =	vld [tilespmem:$0x7380]  }
0x201: {  	v10 =	vadd.f32 v12, v10;
	v12 =	vld [tilespmem:$0x1FE50]  }
0x202: {  	v4 =	vadd.f32 v5, v4;
	v5 =	vld [tilespmem:$0x7390]  }
0x203: {  	v1 =	vadd.f32 v13, v1;
	v13 =	vld [tilespmem:$0x1FE60]  }
0x204: {  	v0 =	vadd.f32 v11, v0;
	v11 =	vld [tilespmem:$0x74F0]  }
0x205: {  	v4 =	vadd.f32 v6, v4;
	v6 =	vld [tilespmem:$0x73A0]  }
0x206: {  	v0 =	vadd.f32 v12, v0;
	v12 =	vld [tilespmem:$0x75C0]  }
0x207: {  	v4 =	vadd.f32 v8, v4;
	v8 =	vld [tilespmem:$0x73B0]  }
0x208: {  	v10 =	vadd.f32 v13, v10;
	v13 =	vld [tilespmem:$0x1FE70]  }
0x209: {  	v1 =	vadd.f32 v11, v1;
	v11 =	vld [tilespmem:$0x1FE80]  }
0x20a: {  	v4 =	vadd.f32 v5, v4;
	v5 =	vld [tilespmem:$0x7480]  }
0x20b: {  	v1 =	vadd.f32 v12, v1;
	v12 =	vld [tilespmem:$0x1FEA0]  }
0x20c: {  	v4 =	vadd.f32 v6, v4;
	v6 =	vld [tilespmem:$0x7490]  }
0x20d: {  	v0 =	vadd.f32 v13, v0;
	v13 =	vld [tilespmem:$0x75D0]  }
0x20e: {  	v10 =	vadd.f32 v11, v10;
	v11 =	vld [tilespmem:$0x1FE90]  }
0x20f: {  	v4 =	vadd.f32 v8, v4;
	v8 =	vld [tilespmem:$0x74A0]  }
0x210: {  	v10 =	vadd.f32 v12, v10;
	v12 =	vld [tilespmem:$0x1FEB0]  }
0x211: {  	v4 =	vadd.f32 v5, v4;
	v5 =	vld [tilespmem:$0x74B0]  }
0x212: {  	v1 =	vadd.f32 v13, v1;
	v13 =	vld [tilespmem:$0x1FEC0]  }
0x213: {  	v0 =	vadd.f32 v11, v0;
	v11 =	vld [tilespmem:$0x75E0]  }
0x214: {  	v4 =	vadd.f32 v6, v4;
	v6 =	vld [tilespmem:$0x7580]  }
0x215: {  	v0 =	vadd.f32 v12, v0;
	v12 =	vld [tilespmem:$0x75F0]  }
0x216: {  	v4 =	vadd.f32 v8, v4;
	v8 =	vld [tilespmem:$0x7590]  }
0x217: {  	v10 =	vadd.f32 v13, v10;
	v13 =	vld [tilespmem:$0x1FED0]  }
0x218: {  	v1 =	vadd.f32 v11, v1;
	v11 =	vld [tilespmem:$0x1FEE0]  }
0x219: {  	v4 =	vadd.f32 v5, v4;
	v5 =	vld [tilespmem:$0x75A0]  }
0x21a: {  	v1 =	vadd.f32 v12, v1;
	v12 =	vld [tilespmem:$0x1FF00]  }
0x21b: {  	v4 =	vadd.f32 v6, v4;
	v6 =	vld [tilespmem:$0x75B0]  }
0x21c: {  	v0 =	vadd.f32 v13, v0;
	v13 =	vld [tilespmem:$0x76C0]  }
0x21d: {  	v10 =	vadd.f32 v11, v10;
	v11 =	vld [tilespmem:$0x1FEF0]  }
0x21e: {  	v4 =	vadd.f32 v8, v4;
	v8 =	vld [tilespmem:$0x7680]  }
0x21f: {  	v10 =	vadd.f32 v12, v10;
	v12 =	vld [tilespmem:$0x1FF10]  }
0x220: {  	v4 =	vadd.f32 v5, v4;
	v5 =	vld [tilespmem:$0x7690]  }
0x221: {  	v1 =	vadd.f32 v13, v1;
	v13 =	vld [tilespmem:$0x1FF20]  }
0x222: {  	v4 =	vadd.f32 v6, v4;
	v0 =	vadd.f32 v11, v0;
	v11 =	vld [tilespmem:$0x76D0]  }
0x223: {  	v6 =	vld [tilespmem:$0x76A0]  }
0x224: {  	v4 =	vadd.f32 v8, v4;
	v0 =	vadd.f32 v12, v0;
	v12 =	vld [tilespmem:$0x76E0]  }
0x225: {  	v8 =	vld [tilespmem:$0x76B0]  }
0x226: {  	v4 =	vadd.f32 v5, v4;
	v0 =	vadd.f32 v13, v0;
	v13 =	vld [tilespmem:$0x76F0]  }
0x227: {  	v5 =	vperm.xlane v10, v30;
	v1 =	vadd.f32 v11, v1  }
0x228: {  	v4 =	vadd.f32 v6, v4  }
0x229: {  	v5 =	vadd.f32 v5, v10;
	v6 =	vperm.xlane v0, v30;
	v1 =	vadd.f32 v12, v1  }
0x22a: {  	v4 =	vadd.f32 v8, v4  }
0x22b: {  	v0 =	vadd.f32 v6, v0;
	v6 =	vperm.xlane v5, v31;
	v1 =	vadd.f32 v13, v1  }
0x22c: {  	v8 =	vperm.xlane v4, v30  }
0x22d: {  	v10 =	vperm.xlane v0, v31;
	v5 =	vadd.f32 v6, v5;
	v6 =	vperm.xlane v1, v30  }
0x22e: {  	v4 =	vadd.f32 v8, v4  }
0x22f: {  	v0 =	vadd.f32 v10, v0;
	v8 =	vperm.xlane v5, v32;
	v1 =	vadd.f32 v6, v1;
	_ =	sdelay $0x1  }
0x230: {  	v6 =	vperm.xlane v0, v32;
	v5 =	vadd.f32 v8, v5;
	v8 =	vperm.xlane v1, v31;
	_ =	sdelay $0x1  }
0x231: {  	v0 =	vadd.f32 v6, v0;
	v6 =	vperm.xlane v5, v33;
	v1 =	vadd.f32 v8, v1;
	_ =	sdelay $0x1  }
0x232: {  	v5 =	vadd.f32 v6, v5;
	v6 =	vperm.xlane v1, v32;
	_ =	sdelay $0x1  }
0x233: {  	v10 =	vperm.xlane v4, v31;
	v1 =	vadd.f32 v6, v1;
	_ =	sdelay $0x1  }
0x234: {  	v4 =	vadd.f32 v10, v4;
	v6 =	vperm.xlane v1, v33;
	_ =	sdelay $0x1  }
0x235: {  	v10 =	vperm.xlane v4, v32;
	v1 =	vadd.f32 v6, v1;
	v6 =	vld [tilespmem:$0x1FFF0];
	_ =	sdelay $0x1  }
0x236: {  	v8 =	vperm.xlane v0, v33;
	v4 =	vadd.f32 v10, v4;
	_ =	sdelay $0x1  }
0x237: {  	v0 =	vadd.f32 v8, v0;
	v8 =	vperm.xlane v4, v33  }
0x238: {  	(v2sf) =	vpush v5, $0x0;
	vm1 =	vnez.u8 v6  }
0x239: {  	v4 =	vadd.f32 v8, v4;
	v5 =	vnsel vm1, $0x0, v5;
	vm1 =	vcmask $0x310  }
0x23a: {  	(v2sf) =	vpush v0, $0x0;
	v0 =	vsel vm1, v5, v0;
	vm1 =	vcmask $0x710  }
0x23b: {  	v0 =	vsel vm1, v0, v4;
	vm1 =	vcmask $0xB10  }
0x23c: {  	v0 =	vsel vm1, v0, v1  }
0x23d: {  	[tilespmem:$0x7700] =	vst v0;
	v0 =	vld [tilespmem:$0x1FF40];
	_ =	sdelay $0x1  }
0x23e: {  	(v2sf) =	vpush v4, $0x0;
	_ =	sdelay $0x1  }
0x23f: {  	(v2sf) =	vpush v1, $0x0;
	_ =	sdelay $0x3  }
0x240: {  	v1 =	vld.idx.msk [tilespmem:v0+s20+$0x0], $0xffff  }
0x241: {  	v0 =	vld [tilespmem:$0x1FF30];
	_ =	sdelay $0x3  }
0x242: {  	s3 =	spop (v2sf)  }
0x243: {  	s3 =	sadd.f32 $0.0e+00, s3  }
0x244: {  	s24 =	spop (v2sf)  }
0x245: {  	s3 =	sadd.f32 s24, s3  }
0x246: {  	s30 =	spop (v2sf);
	v0 =	vld.idx.msk [tilespmem:v0+s2+$0x0], $0xffff  }
0x247: {  	s3 =	sadd.f32 s30, s3  }
0x248: {  	s31 =	spop (v2sf)  }
0x249: {  	s3 =	sadd.f32 s31, s3;
	vm1 =	veq.f32 v1, $0.0e+00  }
0x24a: {  	vm10 =	vmand vm1, vm5  }
0x24b: {  	p0 =	sgt.f32 s3, $0.0e+00;
	v0 =	vadd.s32 v34, v0  }
.Ltmp8:
0x24c: {  	_ = 	snop;
	(pc) =	sbr.rel @!p0 .LBB2_15-.Ltmp8, $3  }
0x24d: {  	_ =	sdelay $0x1  }
0x24e: {  	v6 =	vimm.f32 $1.000000000e+00  }
0x24f: {  	[tilespmem:v0+s21+$0x0] =	vst.idx.msk vm10, v6  }
0x250: {  	v1 =	vmax.f32 v1, $1.000000000e+00  }
0x251: {  	(erf) = vrcp.f32 v1;
	_ =	sdelay $0x4  }
0x252: {  	s3 =	simm.s32 $0x0  }
0x253: {  	s24 =	sand.u32 $0x3F, s3;
	s3 =	sand.u32 $0xF00, s3  }
0x254: {  	s3 =	sor.u32 s24, s3  }
0x255: {  	v4 =	vadd.s32 s3, v7  }
0x256: {  	[tilespmem:s22], [sflag:$0x2] =	stream.linear.gather [hbm4b:s5+s2], $0x180, $0x38;
	v1 =	vpop (erf);
	[tilespmem:$0x17A00] =	vst v63  }
0x257: {  	_ =	swait.ge [sflag:s18], $0x180  }
0x258: {  	[sflag:s18] =	ssyncset.done $0x0  }
0x259: {  	[sflag:s18] =	ssyncadd.s32 $0xFFFFFE80  }
0x25a: {  	v4 =	vld.idx.msk [tilespmem:v4+s19+$0x0], $0xffff;
	_ =	sdelay $0x1  }
0x25b: {  	v5 =	vld.idx.msk [tilespmem:v2+s22+$0x0], $0xffff;
	_ =	sdelay $0x2  }
0x25c: {  	vm1 =	vgt.f32 v4, $0.0e+00  }
0x25d: {  	vm11 =	vmand vm1, vm5  }
0x25e: {  	v4 =	vadd.s32 v34, v5  }
0x25f: {  	s31 =	simm.s32 $0x1;
	s24 =	simm.s32 $0x4  }
0x260: {  	s3 =	sand.u32 $0x3F, s31;
	s26 =	sand.u32 $0xF00, s24  }
0x261: {  	s25 =	simm.s32 $0x2;
	s28 =	sor.u32 s3, s26;
	s26 =	smov.u32 s5  }
.LBB2_11:
0x262: {  	p1 =	sne.s32 s25, $0x3FF  }
0x263: {  	v5 =	vadd.s32 s28, v7;
	[tilespmem:v4+s21+$0x0] =	vst.idx.add.f32.msk vm11, v1;
	s26 =	sadd.s32 $0x30, s26;
	s3 =	smov.u32 s25;
	s25 =	sadd.s32 $0x1, s25  }
0x264: {  	[tilespmem:s22], [sflag:$0x2] =	stream.linear.gather [hbm4b:s26+s2], $0x180, $0x38;
	[tilespmem:$0x17A00] =	vst v63  }
0x265: {  	_ =	swait.ge [sflag:s18], $0x180  }
0x266: {  	[sflag:s18] =	ssyncset.done $0x0  }
0x267: {  	[sflag:s18] =	ssyncadd.s32 $0xFFFFFE80  }
0x268: {  	v4 =	vld.idx.msk [tilespmem:v5+s19+$0x0], $0xffff  }
0x269: {  	v5 =	vld.idx.msk [tilespmem:v2+s22+$0x0], $0xffff;
	_ =	sdelay $0x4  }
0x26a: {  	vm1 =	vgt.f32 v4, $0.0e+00  }
0x26b: {  	vm11 =	vmand vm1, vm5  }
.Ltmp9:
0x26c: {  	v4 =	vadd.s32 v34, v5;
	(pc) =	sbr.rel @p1 .LBB2_11-.Ltmp9, $4  }
0x26d: {  	_ = 	snop  }
0x26e: {  	s24 =	sadd.s32 $0x4, s24  }
0x26f: {  	s3 =	sand.u32 $0x3F, s3;
	s28 =	sand.u32 $0xF00, s24  }
0x270: {  	s28 =	sor.u32 s3, s28  }
0x271: {  	_ =	sdelay $0x4  }
0x272: {  	v5 =	vadd.s32 s28, v7;
	[tilespmem:v4+s21+$0x0] =	vst.idx.add.f32.msk vm11, v1;
	s3 =	sadd.s32 $0x30, s26  }
0x273: {  	[tilespmem:s22], [sflag:$0x2] =	stream.linear.gather [hbm4b:s3+s2], $0x180, $0x38;
	[tilespmem:$0x17A00] =	vst v63  }
0x274: {  	_ =	swait.ge [sflag:s18], $0x180  }
0x275: {  	[sflag:s18] =	ssyncset.done $0x0  }
0x276: {  	[sflag:s18] =	ssyncadd.s32 $0xFFFFFE80  }
0x277: {  	v4 =	vld.idx.msk [tilespmem:v5+s19+$0x0], $0xffff;
	_ =	sdelay $0x1  }
0x278: {  	v5 =	vld.idx.msk [tilespmem:v2+s22+$0x0], $0xffff;
	_ =	sdelay $0x2  }
0x279: {  	vm1 =	vgt.f32 v4, $0.0e+00  }
0x27a: {  	vm1 =	vmand vm1, vm5  }
0x27b: {  	v4 =	vadd.s32 v34, v5;
	_ =	sdelay $0x4  }
0x27c: {  	s31 =	simm.s32 $0x0;
	[tilespmem:v4+s21+$0x0] =	vst.idx.add.f32.msk vm1, v1  }
0x27d: {  	[hbm4b:s8+s31] =	stream.linear.scatter [tilespmem:s21], [sflag:$0x2], $0x10000, $0x38;
	[tilespmem:$0x17A00] =	vst v63  }
0x27e: {  	_ =	swait.ge [sflag:s18], $0x10000  }
0x27f: {  	[sflag:s18] =	ssyncset.done $0x0  }
0x280: {  	[sflag:s18] =	ssyncadd.s32 $0xFFFF0000  }
0x281: {  	s24 =	simm.s32 $0x0;
	s25 =	simm.s32 $0x400;
	v12 =	vlaneseq.u32;
	[tilespmem:v0+s21+$0x0] =	vst.idx.msk vm10, v29  }
.LBB2_13:
0x282: {  	p1 =	seq.s32 s25, $0x3FC00;
	[tilespmem:s24+$0x7870] =	vst v29  }
0x283: {  	[tilespmem:s24+$0x7780] =	vst v29  }
0x284: {  	[tilespmem:s24+$0x7790] =	vst v29  }
0x285: {  	[tilespmem:s24+$0x77A0] =	vst v29  }
0x286: {  	[tilespmem:s24+$0x77B0] =	vst v29  }
0x287: {  	[tilespmem:s24+$0x77C0] =	vst v29  }
0x288: {  	[tilespmem:s24+$0x77D0] =	vst v29  }
0x289: {  	[tilespmem:s24+$0x77E0] =	vst v29  }
0x28a: {  	[tilespmem:s24+$0x77F0] =	vst v29  }
0x28b: {  	[tilespmem:s24+$0x7800] =	vst v29  }
0x28c: {  	[tilespmem:s24+$0x7810] =	vst v29  }
.Ltmp10:
0x28d: {  	[tilespmem:s24+$0x7820] =	vst v29;
	(pc) =	sbr.rel @!p1 .LBB2_13-.Ltmp10, $4  }
0x28e: {  	[tilespmem:s24+$0x7830] =	vst v29  }
0x28f: {  	[tilespmem:s24+$0x7840] =	vst v29  }
0x290: {  	[tilespmem:s24+$0x7850] =	vst v29  }
0x291: {  	[tilespmem:s24+$0x7860] =	vst v29;
	s24 =	sshra.s32 s25, $0x2;
	s25 =	sadd.s32 $0x400, s25  }
0x292: {  	[tilespmem:s24+$0x7870] =	vst v29  }
0x293: {  	[tilespmem:s24+$0x7780] =	vst v29  }
0x294: {  	[tilespmem:s24+$0x7790] =	vst v29  }
0x295: {  	[tilespmem:s24+$0x77A0] =	vst v29  }
0x296: {  	[tilespmem:s24+$0x77B0] =	vst v29  }
0x297: {  	[tilespmem:s24+$0x77C0] =	vst v29  }
0x298: {  	[tilespmem:s24+$0x77D0] =	vst v29  }
0x299: {  	[tilespmem:s24+$0x77E0] =	vst v29  }
0x29a: {  	[tilespmem:s24+$0x77F0] =	vst v29  }
0x29b: {  	[tilespmem:s24+$0x7800] =	vst v29  }
0x29c: {  	[tilespmem:s24+$0x7810] =	vst v29  }
.Ltmp11:
0x29d: {  	[tilespmem:s24+$0x7820] =	vst v29;
	(pc) =	sbr.rel .LBB2_16-.Ltmp11, $4  }
0x29e: {  	[tilespmem:s24+$0x7830] =	vst v29  }
0x29f: {  	[tilespmem:s24+$0x7840] =	vst v29  }
0x2a0: {  	[tilespmem:s24+$0x7850] =	vst v29  }
0x2a1: {  	[tilespmem:s24+$0x7860] =	vst v29  }
.LBB2_15:
0x2a2: {  	_ = 	snop  }
0x2a3: {  	[hbm4b:s8+s2] =	stream.linear.scatter [tilespmem:s21], [sflag:$0x2], $0x10000, $0x38;
	[tilespmem:$0x17A00] =	vst v63  }
0x2a4: {  	_ =	swait.ge [sflag:s18], $0x10000  }
0x2a5: {  	[sflag:s18] =	ssyncset.done $0x0  }
0x2a6: {  	[sflag:s18] =	ssyncadd.s32 $0xFFFF0000  }
0x2a7: {  	v12 =	vlaneseq.u32;
	[tilespmem:v0+s21+$0x0] =	vst.idx.msk vm10, v29  }
.LBB2_16:
0x2a8: {  	v0 =	vld [tilespmem:$0x1FF60];
	_ =	sdelay $0x7  }
0x2a9: {  	v1 =	vld.idx.msk [tilespmem:v0+s20+$0x0], $0xffff  }
0x2aa: {  	v0 =	vld [tilespmem:$0x1FF50];
	_ =	sdelay $0x7  }
0x2ab: {  	v0 =	vld.idx.msk [tilespmem:v0+s2+$0x0], $0xffff;
	_ =	sdelay $0x2  }
0x2ac: {  	vm1 =	veq.f32 v1, $0.0e+00  }
0x2ad: {  	vm10 =	vmand vm1, vm5  }
0x2ae: {  	v0 =	vadd.s32 v34, v0  }
.Ltmp12:
0x2af: {  	_ = 	snop;
	(pc) =	sbr.rel @!p0 .LBB2_22-.Ltmp12, $2  }
0x2b0: {  	_ =	sdelay $0x2  }
0x2b1: {  	[tilespmem:v0+s21+$0x0] =	vst.idx.msk vm10, v6  }
0x2b2: {  	v1 =	vmax.f32 v1, $1.000000000e+00  }
0x2b3: {  	(erf) = vrcp.f32 v1;
	_ =	sdelay $0x4  }
0x2b4: {  	s3 =	simm.s32 $0x0  }
0x2b5: {  	s24 =	sand.u32 $0x3F, s3;
	s3 =	sand.u32 $0xF00, s3  }
0x2b6: {  	s3 =	sor.u32 s24, s3  }
0x2b7: {  	v4 =	vadd.s32 s3, v15  }
0x2b8: {  	[tilespmem:s22], [sflag:$0x2] =	stream.linear.gather [hbm4b:s5+s2], $0x180, $0x38;
	v1 =	vpop (erf);
	[tilespmem:$0x17A00] =	vst v63  }
0x2b9: {  	_ =	swait.ge [sflag:s18], $0x180  }
0x2ba: {  	[sflag:s18] =	ssyncset.done $0x0  }
0x2bb: {  	[sflag:s18] =	ssyncadd.s32 $0xFFFFFE80  }
0x2bc: {  	v4 =	vld.idx.msk [tilespmem:v4+s19+$0x0], $0xffff;
	_ =	sdelay $0x1  }
0x2bd: {  	v5 =	vld.idx.msk [tilespmem:v9+s22+$0x0], $0xffff;
	_ =	sdelay $0x2  }
0x2be: {  	vm1 =	vgt.f32 v4, $0.0e+00  }
0x2bf: {  	vm11 =	vmand vm1, vm5  }
0x2c0: {  	v4 =	vadd.s32 v34, v5  }
0x2c1: {  	s31 =	simm.s32 $0x1;
	s24 =	simm.s32 $0x4  }
0x2c2: {  	s3 =	sand.u32 $0x3F, s31;
	s26 =	sand.u32 $0xF00, s24  }
0x2c3: {  	s25 =	simm.s32 $0x2;
	s28 =	sor.u32 s3, s26;
	s26 =	smov.u32 s5  }
.LBB2_18:
0x2c4: {  	p1 =	sne.s32 s25, $0x3FF  }
0x2c5: {  	v5 =	vadd.s32 s28, v15;
	[tilespmem:v4+s21+$0x0] =	vst.idx.add.f32.msk vm11, v1;
	s26 =	sadd.s32 $0x30, s26;
	s3 =	smov.u32 s25;
	s25 =	sadd.s32 $0x1, s25  }
0x2c6: {  	[tilespmem:s22], [sflag:$0x2] =	stream.linear.gather [hbm4b:s26+s2], $0x180, $0x38;
	[tilespmem:$0x17A00] =	vst v63  }
0x2c7: {  	_ =	swait.ge [sflag:s18], $0x180  }
0x2c8: {  	[sflag:s18] =	ssyncset.done $0x0  }
0x2c9: {  	[sflag:s18] =	ssyncadd.s32 $0xFFFFFE80  }
0x2ca: {  	v4 =	vld.idx.msk [tilespmem:v5+s19+$0x0], $0xffff  }
0x2cb: {  	v5 =	vld.idx.msk [tilespmem:v9+s22+$0x0], $0xffff;
	_ =	sdelay $0x4  }
0x2cc: {  	vm1 =	vgt.f32 v4, $0.0e+00  }
0x2cd: {  	vm11 =	vmand vm1, vm5  }
.Ltmp13:
0x2ce: {  	v4 =	vadd.s32 v34, v5;
	(pc) =	sbr.rel @p1 .LBB2_18-.Ltmp13, $4  }
0x2cf: {  	_ = 	snop  }
0x2d0: {  	s24 =	sadd.s32 $0x4, s24  }
0x2d1: {  	s3 =	sand.u32 $0x3F, s3;
	s28 =	sand.u32 $0xF00, s24  }
0x2d2: {  	s28 =	sor.u32 s3, s28  }
0x2d3: {  	_ =	sdelay $0x4  }
0x2d4: {  	v5 =	vadd.s32 s28, v15;
	[tilespmem:v4+s21+$0x0] =	vst.idx.add.f32.msk vm11, v1;
	s3 =	sadd.s32 $0x30, s26  }
0x2d5: {  	[tilespmem:s22], [sflag:$0x2] =	stream.linear.gather [hbm4b:s3+s2], $0x180, $0x38;
	[tilespmem:$0x17A00] =	vst v63  }
0x2d6: {  	_ =	swait.ge [sflag:s18], $0x180  }
0x2d7: {  	[sflag:s18] =	ssyncset.done $0x0  }
0x2d8: {  	[sflag:s18] =	ssyncadd.s32 $0xFFFFFE80  }
0x2d9: {  	v4 =	vld.idx.msk [tilespmem:v5+s19+$0x0], $0xffff;
	_ =	sdelay $0x1  }
0x2da: {  	v5 =	vld.idx.msk [tilespmem:v9+s22+$0x0], $0xffff;
	_ =	sdelay $0x2  }
0x2db: {  	vm1 =	vgt.f32 v4, $0.0e+00  }
0x2dc: {  	vm1 =	vmand vm1, vm5  }
0x2dd: {  	v4 =	vadd.s32 v34, v5;
	_ =	sdelay $0x4  }
0x2de: {  	s31 =	simm.s32 $0x0;
	[tilespmem:v4+s21+$0x0] =	vst.idx.add.f32.msk vm1, v1  }
0x2df: {  	[hbm4b:s9+s31] =	stream.linear.scatter [tilespmem:s21], [sflag:$0x2], $0x10000, $0x38;
	[tilespmem:$0x17A00] =	vst v63  }
0x2e0: {  	_ =	swait.ge [sflag:s18], $0x10000  }
0x2e1: {  	[sflag:s18] =	ssyncset.done $0x0  }
0x2e2: {  	[sflag:s18] =	ssyncadd.s32 $0xFFFF0000  }
0x2e3: {  	s24 =	simm.s32 $0x0;
	s25 =	simm.s32 $0x400;
	[tilespmem:v0+s21+$0x0] =	vst.idx.msk vm10, v29  }
.LBB2_20:
0x2e4: {  	p1 =	seq.s32 s25, $0x3FC00;
	[tilespmem:s24+$0x7870] =	vst v29  }
0x2e5: {  	[tilespmem:s24+$0x7780] =	vst v29  }
0x2e6: {  	[tilespmem:s24+$0x7790] =	vst v29  }
0x2e7: {  	[tilespmem:s24+$0x77A0] =	vst v29  }
0x2e8: {  	[tilespmem:s24+$0x77B0] =	vst v29  }
0x2e9: {  	[tilespmem:s24+$0x77C0] =	vst v29  }
0x2ea: {  	[tilespmem:s24+$0x77D0] =	vst v29  }
0x2eb: {  	[tilespmem:s24+$0x77E0] =	vst v29  }
0x2ec: {  	[tilespmem:s24+$0x77F0] =	vst v29  }
0x2ed: {  	[tilespmem:s24+$0x7800] =	vst v29  }
0x2ee: {  	[tilespmem:s24+$0x7810] =	vst v29  }
.Ltmp14:
0x2ef: {  	[tilespmem:s24+$0x7820] =	vst v29;
	(pc) =	sbr.rel @!p1 .LBB2_20-.Ltmp14, $4  }
0x2f0: {  	[tilespmem:s24+$0x7830] =	vst v29  }
0x2f1: {  	[tilespmem:s24+$0x7840] =	vst v29  }
0x2f2: {  	[tilespmem:s24+$0x7850] =	vst v29  }
0x2f3: {  	[tilespmem:s24+$0x7860] =	vst v29;
	s24 =	sshra.s32 s25, $0x2;
	s25 =	sadd.s32 $0x400, s25  }
0x2f4: {  	[tilespmem:s24+$0x7870] =	vst v29  }
0x2f5: {  	[tilespmem:s24+$0x7780] =	vst v29  }
0x2f6: {  	[tilespmem:s24+$0x7790] =	vst v29  }
0x2f7: {  	[tilespmem:s24+$0x77A0] =	vst v29  }
0x2f8: {  	[tilespmem:s24+$0x77B0] =	vst v29  }
0x2f9: {  	[tilespmem:s24+$0x77C0] =	vst v29  }
0x2fa: {  	[tilespmem:s24+$0x77D0] =	vst v29  }
0x2fb: {  	[tilespmem:s24+$0x77E0] =	vst v29  }
0x2fc: {  	[tilespmem:s24+$0x77F0] =	vst v29  }
0x2fd: {  	[tilespmem:s24+$0x7800] =	vst v29  }
0x2fe: {  	[tilespmem:s24+$0x7810] =	vst v29  }
.Ltmp15:
0x2ff: {  	[tilespmem:s24+$0x7820] =	vst v29;
	(pc) =	sbr.rel .LBB2_23-.Ltmp15, $4  }
0x300: {  	[tilespmem:s24+$0x7830] =	vst v29  }
0x301: {  	[tilespmem:s24+$0x7840] =	vst v29  }
0x302: {  	[tilespmem:s24+$0x7850] =	vst v29  }
0x303: {  	[tilespmem:s24+$0x7860] =	vst v29  }
.LBB2_22:
0x304: {  	_ = 	snop  }
0x305: {  	[hbm4b:s9+s2] =	stream.linear.scatter [tilespmem:s21], [sflag:$0x2], $0x10000, $0x38;
	[tilespmem:$0x17A00] =	vst v63  }
0x306: {  	_ =	swait.ge [sflag:s18], $0x10000  }
0x307: {  	[sflag:s18] =	ssyncset.done $0x0  }
0x308: {  	[sflag:s18] =	ssyncadd.s32 $0xFFFF0000  }
0x309: {  	[tilespmem:v0+s21+$0x0] =	vst.idx.msk vm10, v29  }
.LBB2_23:
0x30a: {  	v0 =	vld [tilespmem:$0x1FF80];
	_ =	sdelay $0x7  }
0x30b: {  	v1 =	vld.idx.msk [tilespmem:v0+s20+$0x0], $0xffff  }
0x30c: {  	v0 =	vld [tilespmem:$0x1FF70];
	_ =	sdelay $0x7  }
0x30d: {  	v0 =	vld.idx.msk [tilespmem:v0+s2+$0x0], $0xffff;
	_ =	sdelay $0x2  }
0x30e: {  	vm1 =	veq.f32 v1, $0.0e+00  }
0x30f: {  	vm10 =	vmand vm1, vm5  }
0x310: {  	v0 =	vadd.s32 v34, v0  }
.Ltmp16:
0x311: {  	_ = 	snop;
	(pc) =	sbr.rel @!p0 .LBB2_29-.Ltmp16, $2  }
0x312: {  	_ =	sdelay $0x2  }
0x313: {  	[tilespmem:v0+s21+$0x0] =	vst.idx.msk vm10, v6  }
0x314: {  	v1 =	vmax.f32 v1, $1.000000000e+00  }
0x315: {  	(erf) = vrcp.f32 v1;
	_ =	sdelay $0x4  }
0x316: {  	s3 =	simm.s32 $0x0  }
0x317: {  	s24 =	sand.u32 $0x3F, s3;
	s3 =	sand.u32 $0xF00, s3  }
0x318: {  	s3 =	sor.u32 s24, s3  }
0x319: {  	v4 =	vadd.s32 s3, v17  }
0x31a: {  	[tilespmem:s22], [sflag:$0x2] =	stream.linear.gather [hbm4b:s5+s2], $0x180, $0x38;
	v1 =	vpop (erf);
	[tilespmem:$0x17A00] =	vst v63  }
0x31b: {  	_ =	swait.ge [sflag:s18], $0x180  }
0x31c: {  	[sflag:s18] =	ssyncset.done $0x0  }
0x31d: {  	[sflag:s18] =	ssyncadd.s32 $0xFFFFFE80  }
0x31e: {  	v4 =	vld.idx.msk [tilespmem:v4+s19+$0x0], $0xffff;
	_ =	sdelay $0x1  }
0x31f: {  	v5 =	vld.idx.msk [tilespmem:v16+s22+$0x0], $0xffff;
	_ =	sdelay $0x2  }
0x320: {  	vm1 =	vgt.f32 v4, $0.0e+00  }
0x321: {  	vm11 =	vmand vm1, vm5  }
0x322: {  	v4 =	vadd.s32 v34, v5  }
0x323: {  	s31 =	simm.s32 $0x1;
	s24 =	simm.s32 $0x4  }
0x324: {  	s3 =	sand.u32 $0x3F, s31;
	s26 =	sand.u32 $0xF00, s24  }
0x325: {  	s25 =	simm.s32 $0x2;
	s28 =	sor.u32 s3, s26;
	s26 =	smov.u32 s5  }
.LBB2_25:
0x326: {  	p1 =	sne.s32 s25, $0x3FF  }
0x327: {  	v5 =	vadd.s32 s28, v17;
	[tilespmem:v4+s21+$0x0] =	vst.idx.add.f32.msk vm11, v1;
	s26 =	sadd.s32 $0x30, s26;
	s3 =	smov.u32 s25;
	s25 =	sadd.s32 $0x1, s25  }
0x328: {  	[tilespmem:s22], [sflag:$0x2] =	stream.linear.gather [hbm4b:s26+s2], $0x180, $0x38;
	[tilespmem:$0x17A00] =	vst v63  }
0x329: {  	_ =	swait.ge [sflag:s18], $0x180  }
0x32a: {  	[sflag:s18] =	ssyncset.done $0x0  }
0x32b: {  	[sflag:s18] =	ssyncadd.s32 $0xFFFFFE80  }
0x32c: {  	v4 =	vld.idx.msk [tilespmem:v5+s19+$0x0], $0xffff  }
0x32d: {  	v5 =	vld.idx.msk [tilespmem:v16+s22+$0x0], $0xffff;
	_ =	sdelay $0x4  }
0x32e: {  	vm1 =	vgt.f32 v4, $0.0e+00  }
0x32f: {  	vm11 =	vmand vm1, vm5  }
.Ltmp17:
0x330: {  	v4 =	vadd.s32 v34, v5;
	(pc) =	sbr.rel @p1 .LBB2_25-.Ltmp17, $4  }
0x331: {  	_ = 	snop  }
0x332: {  	s24 =	sadd.s32 $0x4, s24  }
0x333: {  	s3 =	sand.u32 $0x3F, s3;
	s28 =	sand.u32 $0xF00, s24  }
0x334: {  	s28 =	sor.u32 s3, s28  }
0x335: {  	_ =	sdelay $0x4  }
0x336: {  	v5 =	vadd.s32 s28, v17;
	[tilespmem:v4+s21+$0x0] =	vst.idx.add.f32.msk vm11, v1;
	s3 =	sadd.s32 $0x30, s26  }
0x337: {  	[tilespmem:s22], [sflag:$0x2] =	stream.linear.gather [hbm4b:s3+s2], $0x180, $0x38;
	[tilespmem:$0x17A00] =	vst v63  }
0x338: {  	_ =	swait.ge [sflag:s18], $0x180  }
0x339: {  	[sflag:s18] =	ssyncset.done $0x0  }
0x33a: {  	[sflag:s18] =	ssyncadd.s32 $0xFFFFFE80  }
0x33b: {  	v4 =	vld.idx.msk [tilespmem:v5+s19+$0x0], $0xffff;
	_ =	sdelay $0x1  }
0x33c: {  	v5 =	vld.idx.msk [tilespmem:v16+s22+$0x0], $0xffff;
	_ =	sdelay $0x2  }
0x33d: {  	vm1 =	vgt.f32 v4, $0.0e+00  }
0x33e: {  	vm1 =	vmand vm1, vm5  }
0x33f: {  	v4 =	vadd.s32 v34, v5;
	_ =	sdelay $0x4  }
0x340: {  	s31 =	simm.s32 $0x0;
	[tilespmem:v4+s21+$0x0] =	vst.idx.add.f32.msk vm1, v1  }
0x341: {  	[hbm4b:s10+s31] =	stream.linear.scatter [tilespmem:s21], [sflag:$0x2], $0x10000, $0x38;
	[tilespmem:$0x17A00] =	vst v63  }
0x342: {  	_ =	swait.ge [sflag:s18], $0x10000  }
0x343: {  	[sflag:s18] =	ssyncset.done $0x0  }
0x344: {  	[sflag:s18] =	ssyncadd.s32 $0xFFFF0000  }
0x345: {  	s24 =	simm.s32 $0x0;
	s25 =	simm.s32 $0x400;
	[tilespmem:v0+s21+$0x0] =	vst.idx.msk vm10, v29  }
.LBB2_27:
0x346: {  	p1 =	seq.s32 s25, $0x3FC00;
	[tilespmem:s24+$0x7870] =	vst v29  }
0x347: {  	[tilespmem:s24+$0x7780] =	vst v29  }
0x348: {  	[tilespmem:s24+$0x7790] =	vst v29  }
0x349: {  	[tilespmem:s24+$0x77A0] =	vst v29  }
0x34a: {  	[tilespmem:s24+$0x77B0] =	vst v29  }
0x34b: {  	[tilespmem:s24+$0x77C0] =	vst v29  }
0x34c: {  	[tilespmem:s24+$0x77D0] =	vst v29  }
0x34d: {  	[tilespmem:s24+$0x77E0] =	vst v29  }
0x34e: {  	[tilespmem:s24+$0x77F0] =	vst v29  }
0x34f: {  	[tilespmem:s24+$0x7800] =	vst v29  }
0x350: {  	[tilespmem:s24+$0x7810] =	vst v29  }
.Ltmp18:
0x351: {  	[tilespmem:s24+$0x7820] =	vst v29;
	(pc) =	sbr.rel @!p1 .LBB2_27-.Ltmp18, $4  }
0x352: {  	[tilespmem:s24+$0x7830] =	vst v29  }
0x353: {  	[tilespmem:s24+$0x7840] =	vst v29  }
0x354: {  	[tilespmem:s24+$0x7850] =	vst v29  }
0x355: {  	[tilespmem:s24+$0x7860] =	vst v29;
	s24 =	sshra.s32 s25, $0x2;
	s25 =	sadd.s32 $0x400, s25  }
0x356: {  	[tilespmem:s24+$0x7870] =	vst v29  }
0x357: {  	[tilespmem:s24+$0x7780] =	vst v29  }
0x358: {  	[tilespmem:s24+$0x7790] =	vst v29  }
0x359: {  	[tilespmem:s24+$0x77A0] =	vst v29  }
0x35a: {  	[tilespmem:s24+$0x77B0] =	vst v29  }
0x35b: {  	[tilespmem:s24+$0x77C0] =	vst v29  }
0x35c: {  	[tilespmem:s24+$0x77D0] =	vst v29  }
0x35d: {  	[tilespmem:s24+$0x77E0] =	vst v29  }
0x35e: {  	[tilespmem:s24+$0x77F0] =	vst v29  }
0x35f: {  	[tilespmem:s24+$0x7800] =	vst v29  }
0x360: {  	[tilespmem:s24+$0x7810] =	vst v29  }
.Ltmp19:
0x361: {  	[tilespmem:s24+$0x7820] =	vst v29;
	(pc) =	sbr.rel .LBB2_30-.Ltmp19, $4  }
0x362: {  	[tilespmem:s24+$0x7830] =	vst v29  }
0x363: {  	[tilespmem:s24+$0x7840] =	vst v29  }
0x364: {  	[tilespmem:s24+$0x7850] =	vst v29  }
0x365: {  	[tilespmem:s24+$0x7860] =	vst v29  }
.LBB2_29:
0x366: {  	_ = 	snop  }
0x367: {  	[hbm4b:s10+s2] =	stream.linear.scatter [tilespmem:s21], [sflag:$0x2], $0x10000, $0x38;
	[tilespmem:$0x17A00] =	vst v63  }
0x368: {  	_ =	swait.ge [sflag:s18], $0x10000  }
0x369: {  	[sflag:s18] =	ssyncset.done $0x0  }
0x36a: {  	[sflag:s18] =	ssyncadd.s32 $0xFFFF0000  }
0x36b: {  	[tilespmem:v0+s21+$0x0] =	vst.idx.msk vm10, v29  }
.LBB2_30:
0x36c: {  	v0 =	vld [tilespmem:$0x1FFA0];
	_ =	sdelay $0x7  }
0x36d: {  	v1 =	vld.idx.msk [tilespmem:v0+s20+$0x0], $0xffff  }
0x36e: {  	v0 =	vld [tilespmem:$0x1FF90];
	_ =	sdelay $0x7  }
0x36f: {  	v0 =	vld.idx.msk [tilespmem:v0+s2+$0x0], $0xffff;
	_ =	sdelay $0x2  }
0x370: {  	vm1 =	veq.f32 v1, $0.0e+00  }
0x371: {  	vm10 =	vmand vm1, vm5  }
0x372: {  	v0 =	vadd.s32 v34, v0  }
.Ltmp20:
0x373: {  	_ = 	snop;
	(pc) =	sbr.rel @!p0 .LBB2_36-.Ltmp20, $2  }
0x374: {  	_ =	sdelay $0x2  }
0x375: {  	[tilespmem:v0+s21+$0x0] =	vst.idx.msk vm10, v6  }
0x376: {  	v1 =	vmax.f32 v1, $1.000000000e+00  }
0x377: {  	(erf) = vrcp.f32 v1;
	_ =	sdelay $0x4  }
0x378: {  	s3 =	simm.s32 $0x0  }
0x379: {  	s24 =	sand.u32 $0x3F, s3;
	s3 =	sand.u32 $0xF00, s3  }
0x37a: {  	s3 =	sor.u32 s24, s3  }
0x37b: {  	v4 =	vadd.s32 s3, v21  }
0x37c: {  	[tilespmem:s22], [sflag:$0x2] =	stream.linear.gather [hbm4b:s5+s2], $0x180, $0x38;
	v1 =	vpop (erf);
	[tilespmem:$0x17A00] =	vst v63  }
0x37d: {  	_ =	swait.ge [sflag:s18], $0x180  }
0x37e: {  	[sflag:s18] =	ssyncset.done $0x0  }
0x37f: {  	[sflag:s18] =	ssyncadd.s32 $0xFFFFFE80  }
0x380: {  	v4 =	vld.idx.msk [tilespmem:v4+s19+$0x0], $0xffff;
	_ =	sdelay $0x1  }
0x381: {  	v5 =	vld.idx.msk [tilespmem:v18+s22+$0x0], $0xffff;
	_ =	sdelay $0x2  }
0x382: {  	vm1 =	vgt.f32 v4, $0.0e+00  }
0x383: {  	vm11 =	vmand vm1, vm5  }
0x384: {  	v4 =	vadd.s32 v34, v5  }
0x385: {  	s31 =	simm.s32 $0x1;
	s24 =	simm.s32 $0x4  }
0x386: {  	s3 =	sand.u32 $0x3F, s31;
	s26 =	sand.u32 $0xF00, s24  }
0x387: {  	s25 =	simm.s32 $0x2;
	s28 =	sor.u32 s3, s26;
	s26 =	smov.u32 s5  }
.LBB2_32:
0x388: {  	p1 =	sne.s32 s25, $0x3FF  }
0x389: {  	v5 =	vadd.s32 s28, v21;
	[tilespmem:v4+s21+$0x0] =	vst.idx.add.f32.msk vm11, v1;
	s26 =	sadd.s32 $0x30, s26;
	s3 =	smov.u32 s25;
	s25 =	sadd.s32 $0x1, s25  }
0x38a: {  	[tilespmem:s22], [sflag:$0x2] =	stream.linear.gather [hbm4b:s26+s2], $0x180, $0x38;
	[tilespmem:$0x17A00] =	vst v63  }
0x38b: {  	_ =	swait.ge [sflag:s18], $0x180  }
0x38c: {  	[sflag:s18] =	ssyncset.done $0x0  }
0x38d: {  	[sflag:s18] =	ssyncadd.s32 $0xFFFFFE80  }
0x38e: {  	v4 =	vld.idx.msk [tilespmem:v5+s19+$0x0], $0xffff  }
0x38f: {  	v5 =	vld.idx.msk [tilespmem:v18+s22+$0x0], $0xffff;
	_ =	sdelay $0x4  }
0x390: {  	vm1 =	vgt.f32 v4, $0.0e+00  }
0x391: {  	vm11 =	vmand vm1, vm5  }
.Ltmp21:
0x392: {  	v4 =	vadd.s32 v34, v5;
	(pc) =	sbr.rel @p1 .LBB2_32-.Ltmp21, $4  }
0x393: {  	_ = 	snop  }
0x394: {  	s24 =	sadd.s32 $0x4, s24  }
0x395: {  	s3 =	sand.u32 $0x3F, s3;
	s28 =	sand.u32 $0xF00, s24  }
0x396: {  	s28 =	sor.u32 s3, s28  }
0x397: {  	_ =	sdelay $0x4  }
0x398: {  	v5 =	vadd.s32 s28, v21;
	[tilespmem:v4+s21+$0x0] =	vst.idx.add.f32.msk vm11, v1;
	s3 =	sadd.s32 $0x30, s26  }
0x399: {  	[tilespmem:s22], [sflag:$0x2] =	stream.linear.gather [hbm4b:s3+s2], $0x180, $0x38;
	[tilespmem:$0x17A00] =	vst v63  }
0x39a: {  	_ =	swait.ge [sflag:s18], $0x180  }
0x39b: {  	[sflag:s18] =	ssyncset.done $0x0  }
0x39c: {  	[sflag:s18] =	ssyncadd.s32 $0xFFFFFE80  }
0x39d: {  	v4 =	vld.idx.msk [tilespmem:v5+s19+$0x0], $0xffff;
	_ =	sdelay $0x1  }
0x39e: {  	v5 =	vld.idx.msk [tilespmem:v18+s22+$0x0], $0xffff;
	_ =	sdelay $0x2  }
0x39f: {  	vm1 =	vgt.f32 v4, $0.0e+00  }
0x3a0: {  	vm1 =	vmand vm1, vm5  }
0x3a1: {  	v4 =	vadd.s32 v34, v5;
	_ =	sdelay $0x4  }
0x3a2: {  	s31 =	simm.s32 $0x0;
	[tilespmem:v4+s21+$0x0] =	vst.idx.add.f32.msk vm1, v1  }
0x3a3: {  	[hbm4b:s11+s31] =	stream.linear.scatter [tilespmem:s21], [sflag:$0x2], $0x10000, $0x38;
	[tilespmem:$0x17A00] =	vst v63  }
0x3a4: {  	_ =	swait.ge [sflag:s18], $0x10000  }
0x3a5: {  	[sflag:s18] =	ssyncset.done $0x0  }
0x3a6: {  	[sflag:s18] =	ssyncadd.s32 $0xFFFF0000  }
0x3a7: {  	s24 =	simm.s32 $0x0;
	s25 =	simm.s32 $0x400;
	[tilespmem:v0+s21+$0x0] =	vst.idx.msk vm10, v29  }
.LBB2_34:
0x3a8: {  	p1 =	seq.s32 s25, $0x3FC00;
	[tilespmem:s24+$0x7870] =	vst v29  }
0x3a9: {  	[tilespmem:s24+$0x7780] =	vst v29  }
0x3aa: {  	[tilespmem:s24+$0x7790] =	vst v29  }
0x3ab: {  	[tilespmem:s24+$0x77A0] =	vst v29  }
0x3ac: {  	[tilespmem:s24+$0x77B0] =	vst v29  }
0x3ad: {  	[tilespmem:s24+$0x77C0] =	vst v29  }
0x3ae: {  	[tilespmem:s24+$0x77D0] =	vst v29  }
0x3af: {  	[tilespmem:s24+$0x77E0] =	vst v29  }
0x3b0: {  	[tilespmem:s24+$0x77F0] =	vst v29  }
0x3b1: {  	[tilespmem:s24+$0x7800] =	vst v29  }
0x3b2: {  	[tilespmem:s24+$0x7810] =	vst v29  }
.Ltmp22:
0x3b3: {  	[tilespmem:s24+$0x7820] =	vst v29;
	(pc) =	sbr.rel @!p1 .LBB2_34-.Ltmp22, $4  }
0x3b4: {  	[tilespmem:s24+$0x7830] =	vst v29  }
0x3b5: {  	[tilespmem:s24+$0x7840] =	vst v29  }
0x3b6: {  	[tilespmem:s24+$0x7850] =	vst v29  }
0x3b7: {  	[tilespmem:s24+$0x7860] =	vst v29;
	s24 =	sshra.s32 s25, $0x2;
	s25 =	sadd.s32 $0x400, s25  }
0x3b8: {  	[tilespmem:s24+$0x7870] =	vst v29  }
0x3b9: {  	[tilespmem:s24+$0x7780] =	vst v29  }
0x3ba: {  	[tilespmem:s24+$0x7790] =	vst v29  }
0x3bb: {  	[tilespmem:s24+$0x77A0] =	vst v29  }
0x3bc: {  	[tilespmem:s24+$0x77B0] =	vst v29  }
0x3bd: {  	[tilespmem:s24+$0x77C0] =	vst v29  }
0x3be: {  	[tilespmem:s24+$0x77D0] =	vst v29  }
0x3bf: {  	[tilespmem:s24+$0x77E0] =	vst v29  }
0x3c0: {  	[tilespmem:s24+$0x77F0] =	vst v29  }
0x3c1: {  	[tilespmem:s24+$0x7800] =	vst v29  }
0x3c2: {  	[tilespmem:s24+$0x7810] =	vst v29  }
.Ltmp23:
0x3c3: {  	[tilespmem:s24+$0x7820] =	vst v29;
	(pc) =	sbr.rel .LBB2_37-.Ltmp23, $4  }
0x3c4: {  	[tilespmem:s24+$0x7830] =	vst v29  }
0x3c5: {  	[tilespmem:s24+$0x7840] =	vst v29  }
0x3c6: {  	[tilespmem:s24+$0x7850] =	vst v29  }
0x3c7: {  	[tilespmem:s24+$0x7860] =	vst v29  }
.LBB2_36:
0x3c8: {  	_ = 	snop  }
0x3c9: {  	[hbm4b:s11+s2] =	stream.linear.scatter [tilespmem:s21], [sflag:$0x2], $0x10000, $0x38;
	[tilespmem:$0x17A00] =	vst v63  }
0x3ca: {  	_ =	swait.ge [sflag:s18], $0x10000  }
0x3cb: {  	[sflag:s18] =	ssyncset.done $0x0  }
0x3cc: {  	[sflag:s18] =	ssyncadd.s32 $0xFFFF0000  }
0x3cd: {  	[tilespmem:v0+s21+$0x0] =	vst.idx.msk vm10, v29  }
.LBB2_37:
0x3ce: {  	v0 =	vld [tilespmem:$0x1FFC0];
	_ =	sdelay $0x7  }
0x3cf: {  	v1 =	vld.idx.msk [tilespmem:v0+s20+$0x0], $0xffff  }
0x3d0: {  	v0 =	vld [tilespmem:$0x1FFB0];
	_ =	sdelay $0x7  }
0x3d1: {  	v0 =	vld.idx.msk [tilespmem:v0+s2+$0x0], $0xffff;
	_ =	sdelay $0x2  }
0x3d2: {  	vm1 =	veq.f32 v1, $0.0e+00  }
0x3d3: {  	vm10 =	vmand vm1, vm5  }
0x3d4: {  	v0 =	vadd.s32 v34, v0  }
.Ltmp24:
0x3d5: {  	_ = 	snop;
	(pc) =	sbr.rel @!p0 .LBB2_43-.Ltmp24, $2  }
0x3d6: {  	_ =	sdelay $0x2  }
0x3d7: {  	[tilespmem:v0+s21+$0x0] =	vst.idx.msk vm10, v6  }
0x3d8: {  	v1 =	vmax.f32 v1, $1.000000000e+00  }
0x3d9: {  	(erf) = vrcp.f32 v1;
	_ =	sdelay $0x4  }
0x3da: {  	s3 =	simm.s32 $0x0  }
0x3db: {  	s24 =	sand.u32 $0x3F, s3;
	s3 =	sand.u32 $0xF00, s3  }
0x3dc: {  	s3 =	sor.u32 s24, s3  }
0x3dd: {  	v4 =	vadd.s32 s3, v23  }
0x3de: {  	[tilespmem:s22], [sflag:$0x2] =	stream.linear.gather [hbm4b:s5+s2], $0x180, $0x38;
	v1 =	vpop (erf);
	[tilespmem:$0x17A00] =	vst v63  }
0x3df: {  	_ =	swait.ge [sflag:s18], $0x180  }
0x3e0: {  	[sflag:s18] =	ssyncset.done $0x0  }
0x3e1: {  	[sflag:s18] =	ssyncadd.s32 $0xFFFFFE80  }
0x3e2: {  	v4 =	vld.idx.msk [tilespmem:v4+s19+$0x0], $0xffff;
	_ =	sdelay $0x1  }
0x3e3: {  	v5 =	vld.idx.msk [tilespmem:v22+s22+$0x0], $0xffff;
	_ =	sdelay $0x2  }
0x3e4: {  	vm1 =	vgt.f32 v4, $0.0e+00  }
0x3e5: {  	vm11 =	vmand vm1, vm5  }
0x3e6: {  	v4 =	vadd.s32 v34, v5  }
0x3e7: {  	s31 =	simm.s32 $0x1;
	s24 =	simm.s32 $0x4  }
0x3e8: {  	s3 =	sand.u32 $0x3F, s31;
	s26 =	sand.u32 $0xF00, s24  }
0x3e9: {  	s25 =	simm.s32 $0x2;
	s28 =	sor.u32 s3, s26;
	s26 =	smov.u32 s5  }
.LBB2_39:
0x3ea: {  	p1 =	sne.s32 s25, $0x3FF  }
0x3eb: {  	v5 =	vadd.s32 s28, v23;
	[tilespmem:v4+s21+$0x0] =	vst.idx.add.f32.msk vm11, v1;
	s26 =	sadd.s32 $0x30, s26;
	s3 =	smov.u32 s25;
	s25 =	sadd.s32 $0x1, s25  }
0x3ec: {  	[tilespmem:s22], [sflag:$0x2] =	stream.linear.gather [hbm4b:s26+s2], $0x180, $0x38;
	[tilespmem:$0x17A00] =	vst v63  }
0x3ed: {  	_ =	swait.ge [sflag:s18], $0x180  }
0x3ee: {  	[sflag:s18] =	ssyncset.done $0x0  }
0x3ef: {  	[sflag:s18] =	ssyncadd.s32 $0xFFFFFE80  }
0x3f0: {  	v4 =	vld.idx.msk [tilespmem:v5+s19+$0x0], $0xffff  }
0x3f1: {  	v5 =	vld.idx.msk [tilespmem:v22+s22+$0x0], $0xffff;
	_ =	sdelay $0x4  }
0x3f2: {  	vm1 =	vgt.f32 v4, $0.0e+00  }
0x3f3: {  	vm11 =	vmand vm1, vm5  }
.Ltmp25:
0x3f4: {  	v4 =	vadd.s32 v34, v5;
	(pc) =	sbr.rel @p1 .LBB2_39-.Ltmp25, $4  }
0x3f5: {  	_ = 	snop  }
0x3f6: {  	s24 =	sadd.s32 $0x4, s24  }
0x3f7: {  	s3 =	sand.u32 $0x3F, s3;
	s28 =	sand.u32 $0xF00, s24  }
0x3f8: {  	s28 =	sor.u32 s3, s28  }
0x3f9: {  	_ =	sdelay $0x4  }
0x3fa: {  	v5 =	vadd.s32 s28, v23;
	[tilespmem:v4+s21+$0x0] =	vst.idx.add.f32.msk vm11, v1;
	s3 =	sadd.s32 $0x30, s26  }
0x3fb: {  	[tilespmem:s22], [sflag:$0x2] =	stream.linear.gather [hbm4b:s3+s2], $0x180, $0x38;
	[tilespmem:$0x17A00] =	vst v63  }
0x3fc: {  	_ =	swait.ge [sflag:s18], $0x180  }
0x3fd: {  	[sflag:s18] =	ssyncset.done $0x0  }
0x3fe: {  	[sflag:s18] =	ssyncadd.s32 $0xFFFFFE80  }
0x3ff: {  	v4 =	vld.idx.msk [tilespmem:v5+s19+$0x0], $0xffff;
	_ =	sdelay $0x1  }
0x400: {  	v5 =	vld.idx.msk [tilespmem:v22+s22+$0x0], $0xffff;
	_ =	sdelay $0x2  }
0x401: {  	vm1 =	vgt.f32 v4, $0.0e+00  }
0x402: {  	vm1 =	vmand vm1, vm5  }
0x403: {  	v4 =	vadd.s32 v34, v5;
	_ =	sdelay $0x4  }
0x404: {  	s31 =	simm.s32 $0x0;
	[tilespmem:v4+s21+$0x0] =	vst.idx.add.f32.msk vm1, v1  }
0x405: {  	[hbm4b:s12+s31] =	stream.linear.scatter [tilespmem:s21], [sflag:$0x2], $0x10000, $0x38;
	[tilespmem:$0x17A00] =	vst v63  }
0x406: {  	_ =	swait.ge [sflag:s18], $0x10000  }
0x407: {  	[sflag:s18] =	ssyncset.done $0x0  }
0x408: {  	[sflag:s18] =	ssyncadd.s32 $0xFFFF0000  }
0x409: {  	s24 =	simm.s32 $0x0;
	s25 =	simm.s32 $0x400;
	[tilespmem:v0+s21+$0x0] =	vst.idx.msk vm10, v29  }
.LBB2_41:
0x40a: {  	p1 =	seq.s32 s25, $0x3FC00;
	[tilespmem:s24+$0x7870] =	vst v29  }
0x40b: {  	[tilespmem:s24+$0x7780] =	vst v29  }
0x40c: {  	[tilespmem:s24+$0x7790] =	vst v29  }
0x40d: {  	[tilespmem:s24+$0x77A0] =	vst v29  }
0x40e: {  	[tilespmem:s24+$0x77B0] =	vst v29  }
0x40f: {  	[tilespmem:s24+$0x77C0] =	vst v29  }
0x410: {  	[tilespmem:s24+$0x77D0] =	vst v29  }
0x411: {  	[tilespmem:s24+$0x77E0] =	vst v29  }
0x412: {  	[tilespmem:s24+$0x77F0] =	vst v29  }
0x413: {  	[tilespmem:s24+$0x7800] =	vst v29  }
0x414: {  	[tilespmem:s24+$0x7810] =	vst v29  }
.Ltmp26:
0x415: {  	[tilespmem:s24+$0x7820] =	vst v29;
	(pc) =	sbr.rel @!p1 .LBB2_41-.Ltmp26, $4  }
0x416: {  	[tilespmem:s24+$0x7830] =	vst v29  }
0x417: {  	[tilespmem:s24+$0x7840] =	vst v29  }
0x418: {  	[tilespmem:s24+$0x7850] =	vst v29  }
0x419: {  	[tilespmem:s24+$0x7860] =	vst v29;
	s24 =	sshra.s32 s25, $0x2;
	s25 =	sadd.s32 $0x400, s25  }
0x41a: {  	[tilespmem:s24+$0x7870] =	vst v29  }
0x41b: {  	[tilespmem:s24+$0x7780] =	vst v29  }
0x41c: {  	[tilespmem:s24+$0x7790] =	vst v29  }
0x41d: {  	[tilespmem:s24+$0x77A0] =	vst v29  }
0x41e: {  	[tilespmem:s24+$0x77B0] =	vst v29  }
0x41f: {  	[tilespmem:s24+$0x77C0] =	vst v29  }
0x420: {  	[tilespmem:s24+$0x77D0] =	vst v29  }
0x421: {  	[tilespmem:s24+$0x77E0] =	vst v29  }
0x422: {  	[tilespmem:s24+$0x77F0] =	vst v29  }
0x423: {  	[tilespmem:s24+$0x7800] =	vst v29  }
0x424: {  	[tilespmem:s24+$0x7810] =	vst v29  }
.Ltmp27:
0x425: {  	[tilespmem:s24+$0x7820] =	vst v29;
	(pc) =	sbr.rel .LBB2_44-.Ltmp27, $4  }
0x426: {  	[tilespmem:s24+$0x7830] =	vst v29  }
0x427: {  	[tilespmem:s24+$0x7840] =	vst v29  }
0x428: {  	[tilespmem:s24+$0x7850] =	vst v29  }
0x429: {  	[tilespmem:s24+$0x7860] =	vst v29  }
.LBB2_43:
0x42a: {  	_ = 	snop  }
0x42b: {  	[hbm4b:s12+s2] =	stream.linear.scatter [tilespmem:s21], [sflag:$0x2], $0x10000, $0x38;
	[tilespmem:$0x17A00] =	vst v63  }
0x42c: {  	_ =	swait.ge [sflag:s18], $0x10000  }
0x42d: {  	[sflag:s18] =	ssyncset.done $0x0  }
0x42e: {  	[sflag:s18] =	ssyncadd.s32 $0xFFFF0000  }
0x42f: {  	[tilespmem:v0+s21+$0x0] =	vst.idx.msk vm10, v29  }
.LBB2_44:
0x430: {  	v0 =	vld [tilespmem:$0x1FFE0];
	_ =	sdelay $0x7  }
0x431: {  	v1 =	vld.idx.msk [tilespmem:v0+s20+$0x0], $0xffff  }
0x432: {  	v0 =	vld [tilespmem:$0x1FFD0];
	_ =	sdelay $0x7  }
0x433: {  	v0 =	vld.idx.msk [tilespmem:v0+s2+$0x0], $0xffff;
	_ =	sdelay $0x2  }
0x434: {  	vm1 =	veq.f32 v1, $0.0e+00  }
0x435: {  	vm10 =	vmand vm1, vm5  }
0x436: {  	v0 =	vadd.s32 v34, v0  }
.Ltmp28:
0x437: {  	_ = 	snop;
	(pc) =	sbr.rel @!p0 .LBB2_50-.Ltmp28, $2  }
0x438: {  	_ =	sdelay $0x2  }
0x439: {  	[tilespmem:v0+s21+$0x0] =	vst.idx.msk vm10, v6  }
0x43a: {  	v1 =	vmax.f32 v1, $1.000000000e+00  }
0x43b: {  	(erf) = vrcp.f32 v1;
	_ =	sdelay $0x4  }
0x43c: {  	s3 =	simm.s32 $0x0  }
0x43d: {  	s24 =	sand.u32 $0x3F, s3;
	s3 =	sand.u32 $0xF00, s3  }
0x43e: {  	s3 =	sor.u32 s24, s3  }
0x43f: {  	v4 =	vadd.s32 s3, v25  }
0x440: {  	[tilespmem:s22], [sflag:$0x2] =	stream.linear.gather [hbm4b:s5+s2], $0x180, $0x38;
	v1 =	vpop (erf);
	[tilespmem:$0x17A00] =	vst v63  }
0x441: {  	_ =	swait.ge [sflag:s18], $0x180  }
0x442: {  	[sflag:s18] =	ssyncset.done $0x0  }
0x443: {  	[sflag:s18] =	ssyncadd.s32 $0xFFFFFE80  }
0x444: {  	v4 =	vld.idx.msk [tilespmem:v4+s19+$0x0], $0xffff;
	_ =	sdelay $0x1  }
0x445: {  	v5 =	vld.idx.msk [tilespmem:v24+s22+$0x0], $0xffff;
	_ =	sdelay $0x2  }
0x446: {  	vm1 =	vgt.f32 v4, $0.0e+00  }
0x447: {  	vm11 =	vmand vm1, vm5  }
0x448: {  	v4 =	vadd.s32 v34, v5  }
0x449: {  	s31 =	simm.s32 $0x1;
	s24 =	simm.s32 $0x4  }
0x44a: {  	s3 =	sand.u32 $0x3F, s31;
	s26 =	sand.u32 $0xF00, s24  }
0x44b: {  	s25 =	simm.s32 $0x2;
	s28 =	sor.u32 s3, s26;
	s26 =	smov.u32 s5  }
.LBB2_46:
0x44c: {  	p0 =	sne.s32 s25, $0x3FF  }
0x44d: {  	v5 =	vadd.s32 s28, v25;
	[tilespmem:v4+s21+$0x0] =	vst.idx.add.f32.msk vm11, v1;
	s26 =	sadd.s32 $0x30, s26;
	s3 =	smov.u32 s25;
	s25 =	sadd.s32 $0x1, s25  }
0x44e: {  	[tilespmem:s22], [sflag:$0x2] =	stream.linear.gather [hbm4b:s26+s2], $0x180, $0x38;
	[tilespmem:$0x17A00] =	vst v63  }
0x44f: {  	_ =	swait.ge [sflag:s18], $0x180  }
0x450: {  	[sflag:s18] =	ssyncset.done $0x0  }
0x451: {  	[sflag:s18] =	ssyncadd.s32 $0xFFFFFE80  }
0x452: {  	v4 =	vld.idx.msk [tilespmem:v5+s19+$0x0], $0xffff  }
0x453: {  	v5 =	vld.idx.msk [tilespmem:v24+s22+$0x0], $0xffff;
	_ =	sdelay $0x4  }
0x454: {  	vm1 =	vgt.f32 v4, $0.0e+00  }
0x455: {  	vm11 =	vmand vm1, vm5  }
.Ltmp29:
0x456: {  	v4 =	vadd.s32 v34, v5;
	(pc) =	sbr.rel @p0 .LBB2_46-.Ltmp29, $4  }
0x457: {  	_ = 	snop  }
0x458: {  	s24 =	sadd.s32 $0x4, s24  }
0x459: {  	s3 =	sand.u32 $0x3F, s3;
	s28 =	sand.u32 $0xF00, s24  }
0x45a: {  	s28 =	sor.u32 s3, s28  }
0x45b: {  	_ =	sdelay $0x4  }
0x45c: {  	v5 =	vadd.s32 s28, v25;
	[tilespmem:v4+s21+$0x0] =	vst.idx.add.f32.msk vm11, v1;
	s3 =	sadd.s32 $0x30, s26  }
0x45d: {  	[tilespmem:s22], [sflag:$0x2] =	stream.linear.gather [hbm4b:s3+s2], $0x180, $0x38;
	[tilespmem:$0x17A00] =	vst v63  }
0x45e: {  	_ =	swait.ge [sflag:s18], $0x180  }
0x45f: {  	[sflag:s18] =	ssyncset.done $0x0  }
0x460: {  	[sflag:s18] =	ssyncadd.s32 $0xFFFFFE80  }
0x461: {  	v4 =	vld.idx.msk [tilespmem:v5+s19+$0x0], $0xffff;
	_ =	sdelay $0x1  }
0x462: {  	v5 =	vld.idx.msk [tilespmem:v24+s22+$0x0], $0xffff;
	_ =	sdelay $0x2  }
0x463: {  	vm1 =	vgt.f32 v4, $0.0e+00  }
0x464: {  	vm1 =	vmand vm1, vm5  }
0x465: {  	v4 =	vadd.s32 v34, v5;
	_ =	sdelay $0x4  }
0x466: {  	s31 =	simm.s32 $0x0;
	[tilespmem:v4+s21+$0x0] =	vst.idx.add.f32.msk vm1, v1  }
0x467: {  	[hbm4b:s13+s31] =	stream.linear.scatter [tilespmem:s21], [sflag:$0x2], $0x10000, $0x38;
	[tilespmem:$0x17A00] =	vst v63  }
0x468: {  	_ =	swait.ge [sflag:s18], $0x10000  }
0x469: {  	[sflag:s18] =	ssyncset.done $0x0  }
0x46a: {  	[sflag:s18] =	ssyncadd.s32 $0xFFFF0000  }
0x46b: {  	s24 =	simm.s32 $0x0;
	s25 =	simm.s32 $0x400;
	[tilespmem:v0+s21+$0x0] =	vst.idx.msk vm10, v29  }
.LBB2_48:
0x46c: {  	p0 =	seq.s32 s25, $0x3FC00;
	[tilespmem:s24+$0x7870] =	vst v29  }
0x46d: {  	[tilespmem:s24+$0x7780] =	vst v29  }
0x46e: {  	[tilespmem:s24+$0x7790] =	vst v29  }
0x46f: {  	[tilespmem:s24+$0x77A0] =	vst v29  }
0x470: {  	[tilespmem:s24+$0x77B0] =	vst v29  }
0x471: {  	[tilespmem:s24+$0x77C0] =	vst v29  }
0x472: {  	[tilespmem:s24+$0x77D0] =	vst v29  }
0x473: {  	[tilespmem:s24+$0x77E0] =	vst v29  }
0x474: {  	[tilespmem:s24+$0x77F0] =	vst v29  }
0x475: {  	[tilespmem:s24+$0x7800] =	vst v29  }
0x476: {  	[tilespmem:s24+$0x7810] =	vst v29  }
.Ltmp30:
0x477: {  	[tilespmem:s24+$0x7820] =	vst v29;
	(pc) =	sbr.rel @!p0 .LBB2_48-.Ltmp30, $4  }
0x478: {  	[tilespmem:s24+$0x7830] =	vst v29  }
0x479: {  	[tilespmem:s24+$0x7840] =	vst v29  }
0x47a: {  	[tilespmem:s24+$0x7850] =	vst v29  }
0x47b: {  	[tilespmem:s24+$0x7860] =	vst v29;
	s24 =	sshra.s32 s25, $0x2;
	s25 =	sadd.s32 $0x400, s25  }
0x47c: {  	[tilespmem:s24+$0x7870] =	vst v29  }
0x47d: {  	[tilespmem:s24+$0x7780] =	vst v29  }
0x47e: {  	[tilespmem:s24+$0x7790] =	vst v29  }
0x47f: {  	[tilespmem:s24+$0x77A0] =	vst v29  }
0x480: {  	[tilespmem:s24+$0x77B0] =	vst v29  }
0x481: {  	[tilespmem:s24+$0x77C0] =	vst v29  }
0x482: {  	[tilespmem:s24+$0x77D0] =	vst v29  }
0x483: {  	[tilespmem:s24+$0x77E0] =	vst v29  }
0x484: {  	[tilespmem:s24+$0x77F0] =	vst v29  }
0x485: {  	[tilespmem:s24+$0x7800] =	vst v29  }
0x486: {  	[tilespmem:s24+$0x7810] =	vst v29  }
.Ltmp31:
0x487: {  	[tilespmem:s24+$0x7820] =	vst v29;
	(pc) =	sbr.rel .LBB2_51-.Ltmp31, $4  }
0x488: {  	[tilespmem:s24+$0x7830] =	vst v29  }
0x489: {  	[tilespmem:s24+$0x7840] =	vst v29  }
0x48a: {  	[tilespmem:s24+$0x7850] =	vst v29  }
0x48b: {  	[tilespmem:s24+$0x7860] =	vst v29  }
.LBB2_52:
0x48c: {  	_ =	sfence.sel $0x180000  }
0x48d: {  	[bflag:$0x0] =	sbarrier.arrive $0xFFFF  }
0x48e: {  	_ =	strace $0x90000047  }
0x48f: {  	[bflag:$0x2] =	sbarrier.arrive $0xFFFF  }
0x490: {  	p0 =	sne.s32 s0, $0x0;
	s0 =	rddreg [dreg:$0x3]  }
0x491: {  	s0 =	sadd.s32 @!p0 $0x100000, s0  }
0x492: {  	[sflag:s0] =	ssyncadd.tile.s32 @!p0 $0x1;
	_ =	shalt  }
.Lfunc_end2:
_tile_overlayer_lowered:
.L_overlay_start_2:
0x493: {  	(tag) =	ssettag $0x2  }
0x494: {  	s0 =	rddreg [dreg:$0x0];
	s2 =	stileid.u32  }
0x495: {  	s1 =	rddreg [dreg:$0x1];
	p0 =	sne.s32 s2, $0x0  }
0x496: {  	s3 =	rddreg [dreg:$0x2];
	[bflag:$0x3] =	sbarrier.arrive $0xFFFF;
	s2 =	simm.s32 @!p0 $0x1C02  }
0x497: {  	[timem:s3], [sflag:s2] =	dma.local @!p0 [hbm:s0], s1  }
0x498: {  	s0 =	simm.s32 @!p0 $0x2  }
0x499: {  	_ =	swait.ge @!p0 [sflag:s0], s1  }
0x49a: {  	s1 =	ssub.s32 @!p0 $0x0, s1;
	[sflag:s0] =	ssyncset.done @!p0 $0x0  }
0x49b: {  	[sflag:s0] =	ssyncadd.s32 @!p0 s1  }
0x49c: {  	[bflag:$0x3] =	sbarrier.arrive $0xFFFF  }
0x49d: {  	_ =	shalt  }

</sc_bundles>
